<compile_context>
chip_gen: v7x
topology: tpu7x:2x2x1
jax: 0.10.2.dev20260603
libtpu: 0.0.44.dev20260713+nightly
codegen_flags: <defaults>
</compile_context>

<pallas_src>
import functools

import jax
import jax.numpy as jnp
from jax import lax
from jax.experimental import pallas as pl
from jax.experimental.pallas import tpu as pltpu
from jax.experimental.pallas import tpu_sc as plsc

B = 32
L = 2160
HID = 768
NOUT = L // 9
C = 8
NCHUNK = NOUT // C
LANES = 16
NC = 2
SCALE = float(768.0 ** 0.5)

_mesh = plsc.VectorSubcoreMesh(core_axis_name="c", subcore_axis_name="s")


@functools.partial(
    pl.kernel,
    mesh=_mesh,
    out_type=[
        jax.ShapeDtypeStruct((B, NOUT, HID), jnp.float32),
        jax.ShapeDtypeStruct((B, NOUT), jnp.int32),
    ],
    scratch_types=[
        pltpu.VMEM((L,), jnp.int32),
        pltpu.VMEM((9 * C, HID), jnp.float32),
        pltpu.VMEM((3 * C, HID), jnp.float32),
        pltpu.VMEM((C, HID), jnp.float32),
        pltpu.VMEM((NOUT,), jnp.int32),
        pltpu.VMEM((L,), jnp.int32),
        pltpu.VMEM((L,), jnp.int32),
        pltpu.VMEM_SHARED((L // 3, HID), jnp.float32),
        pltpu.SemaphoreType.DMA,
        pltpu.SemaphoreType.DMA,
    ],
)
def _enc(src_hbm, w_hbm, pos_hbm, h_hbm, m_hbm,
         srow, wbuf, pbuf, obuf, mbuf, gidx, tbuf, shared_pos, sem_w, sem_p):
    sid = lax.axis_index("s")
    b = sid * NC + lax.axis_index("c")
    pltpu.sync_copy(src_hbm.at[pl.ds(b * L, L)], srow)

    @pl.when(sid < 15)
    def _stage():
        for g in range(2):
            k0 = 48 * sid + 24 * g
            pltpu.sync_copy(pos_hbm.at[pl.ds(3 * k0, 9 * C)], wbuf)
            for r in range(3 * C):
                def pcol(vi, c2):
                    sl = pl.ds(vi * LANES, LANES)
                    pbuf[r, sl] = (
                        (wbuf[3 * r, sl] + wbuf[3 * r + 1, sl]
                         + wbuf[3 * r + 2, sl]) * (1.0 / SCALE))
                    return c2
                lax.fori_loop(0, HID // LANES, pcol, 0)
            pltpu.sync_copy(pbuf, shared_pos.at[pl.ds(k0, 3 * C)])
    plsc.subcore_barrier()

    def fill(q, carry):
        off = q // (NOUT // LANES)
        base = 9 * LANES * q - (L - 1) * off + b * L
        gidx[pl.ds(LANES * q, LANES)] = lax.iota(jnp.int32, LANES) * 9 + base
        return carry

    lax.fori_loop(0, L // LANES, fill, 0)
    pltpu.async_copy(src_hbm.at[gidx], tbuf, sem_w).wait()

    for mblk in range(NOUT // LANES):
        def gsum(t):
            s = None
            for u in range(3):
                v = tbuf[pl.ds((3 * t + u) * NOUT + LANES * mblk, LANES)]
                s = v if s is None else s + v
            return s.astype(jnp.float32)

        mval = jnp.maximum(jnp.maximum(gsum(0), gsum(1)), gsum(2))
        mbuf[pl.ds(LANES * mblk, LANES)] = (
            jnp.where(mval != 0.0, 1, 0).astype(jnp.int32))
    pltpu.sync_copy(mbuf, m_hbm.at[b])

    def chunk(i, carry):
        idx = srow.at[pl.ds(9 * C * i, 9 * C)]
        cp_w = pltpu.async_copy(w_hbm.at[idx], wbuf, sem_w)
        cp_p = pltpu.async_copy(shared_pos.at[pl.ds(3 * C * i, 3 * C)], pbuf, sem_p)
        cp_w.wait()
        cp_p.wait()
        for r in range(C):
            def col(vi, c2):
                sl = pl.ds(vi * LANES, LANES)
                best = None
                for t in range(3):
                    k = 9 * r + 3 * t
                    cand = (wbuf[k, sl] + wbuf[k + 1, sl] + wbuf[k + 2, sl]
                            + pbuf[3 * r + t, sl])
                    best = cand if best is None else jnp.maximum(best, cand)
                obuf[r, sl] = best * (SCALE / 3.0)
                return c2
            lax.fori_loop(0, HID // LANES, col, 0)
        pltpu.sync_copy(obuf, h_hbm.at[b, pl.ds(C * i, C)])
        return carry

    lax.fori_loop(0, NCHUNK, chunk, 0)


def kernel(src, W_emb, pos_emb):
    h, m = _enc(src.reshape(-1), W_emb, pos_emb)
    return h, (m != 0)[:, None, None, :]

# --- scband reference (transcript-rebuilt; emitter-appended) ---
"""Pipeline reference for scband-encoder-3401614098615 (READ-ONLY COPY).

The authoritative reference and input builder live on the scoring server;
editing this copy changes nothing except your own understanding.
"""

import jax, jax.numpy as jnp
import numpy as np

B = 32
L = 2160
HID = 768
VOCAB = 100000
MAXLEN = 2200
PAD = 0


def _avgpool3_last(x):
    # AvgPool1d(kernel_size=3, stride=3, ceil_mode=False) over last dim
    n = x.shape[-1] // 3
    return x[..., : n * 3].reshape(x.shape[:-1] + (n, 3)).mean(axis=-1)


def _maxpool3_last(x):
    n = x.shape[-1] // 3
    return x[..., : n * 3].reshape(x.shape[:-1] + (n, 3)).max(axis=-1)


def setup_inputs(seed: int = 0) -> dict:
    key = jax.random.key(seed)
    k1, k2, k3 = jax.random.split(key, 3)
    src = jax.random.randint(k1, (B, L), 0, VOCAB, dtype=jnp.int32)
    # nn.Embedding weight overwritten with uniform_(-1, 1) (padding row included)
    W_emb = jax.random.uniform(k2, (VOCAB, HID), minval=-1.0, maxval=1.0, dtype=jnp.float32)
    # nn.Embedding default init: N(0, 1)
    pos_emb = jax.random.normal(k3, (MAXLEN, HID), dtype=jnp.float32)
    return {"src": src, "W_emb": W_emb, "pos_emb": pos_emb}


def reference(src, W_emb, pos_emb):
    # src2 path: float cast -> avgpool(k=3) -> maxpool(k=3) over sequence dim
    src2 = src.astype(jnp.float32)
    src2 = _avgpool3_last(src2)          # [B, L//3]
    src2 = _maxpool3_last(src2)          # [B, L//9]
    src_mask = (src2 != PAD)[:, None, None, :]  # [B, 1, 1, L//9] bool

    # embedding lookup path
    x = jnp.take(W_emb, src, axis=0)     # [B, L, HID] gather
    scale = jnp.sqrt(jnp.asarray(HID, dtype=jnp.float32))
    pos = jnp.arange(L, dtype=jnp.int32)
    h = x * scale + jnp.take(pos_emb, pos, axis=0)[None, :, :]
    # dropout in eval mode == identity

    # transpose to [B, HID, L], pool over L, transpose back
    h = h.transpose(0, 2, 1)
    h = _avgpool3_last(h)                # [B, HID, L//3]
    h = _maxpool3_last(h)                # [B, HID, L//9]
    h = h.transpose(0, 2, 1)             # [B, L//9, HID]
    return (h, src_mask)

if __name__ == "__main__":
    import jax
    _d = setup_inputs()
    print(jax.jit(kernel)(*tuple(_d.values())))

</pallas_src>

<mosaic_0001>
#map = affine_map<(d0, d1) -> (0)>
#map1 = affine_map<(d0, d1) -> (0, 0)>
#map2 = affine_map<(d0, d1) -> (0, 0, 0)>
module attributes {stable_mosaic.version = 14 : i64} {
  func.func @_enc(%arg0: i32, %arg1: i32, %arg2: memref<69120xi32, #tpu.memory_space<hbm>>, %arg3: memref<100000x768xf32, #tpu.memory_space<hbm>>, %arg4: memref<2200x768xf32, #tpu.memory_space<hbm>>, %arg5: memref<32x240x768xf32, #tpu.memory_space<hbm>>, %arg6: memref<32x240xi32, #tpu.memory_space<hbm>>, %arg7: memref<2160xi32, #tpu.memory_space<vmem>>, %arg8: memref<72x768xf32, #tpu.memory_space<vmem>>, %arg9: memref<24x768xf32, #tpu.memory_space<vmem>>, %arg10: memref<8x768xf32, #tpu.memory_space<vmem>>, %arg11: memref<240xi32, #tpu.memory_space<vmem>>, %arg12: memref<2160xi32, #tpu.memory_space<vmem>>, %arg13: memref<2160xi32, #tpu.memory_space<vmem>>, %arg14: memref<720x768xf32, #tpu.memory_space<vmem_shared>>, %arg15: memref<!tpu.dma_semaphore, #tpu.memory_space<semaphore_mem>>, %arg16: memref<!tpu.dma_semaphore, #tpu.memory_space<semaphore_mem>>) attributes {dimension_semantics = [#tpu.dimension_semantics<core_parallel>, #tpu.dimension_semantics<subcore_parallel>], iteration_bounds = array<i64: 2, 16>, scalar_prefetch = 0 : i64, scratch_operands = 10 : i64, tpu.core_type = #tpu.core_type<sc_vector_subcore>, window_params = [{transform_indices = #map}, {transform_indices = #map1}, {transform_indices = #map1}, {transform_indices = #map2}, {transform_indices = #map1}]} {
    %mul3A = arith.constant 2 : i32
    %mul3A_0 = arith.muli %arg1, %mul3A : i32
    %add3A = arith.addi %mul3A_0, %arg0 : i32
    %mul3A_1 = arith.constant 2160 : i32
    %mul3A_2 = arith.muli %add3A, %mul3A_1 : i32
    "tpu.region"() ({
      %run_scoped3A = tpu.sem_alloc : memref<!tpu.dma_semaphore, #tpu.memory_space<semaphore_mem>>
      %dma_start3A_761 = tpu.memref_slice %arg2[%mul3A_2] : memref<69120xi32, #tpu.memory_space<hbm>> -> memref<2160xi32, #tpu.memory_space<hbm>>
      %dma_start3A_762 = tpu.memref_slice %arg2[%mul3A_2] : memref<69120xi32, #tpu.memory_space<hbm>> -> memref<2160xi32, #tpu.memory_space<hbm>>
      tpu.enqueue_dma source(%dma_start3A_762 : memref<2160xi32, #tpu.memory_space<hbm>>) target(%arg7 : memref<2160xi32, #tpu.memory_space<vmem>>) target_semaphore(%run_scoped3A : memref<!tpu.dma_semaphore, #tpu.memory_space<semaphore_mem>>)
      %dma_wait3A_763 = tpu.memref_slice %arg2[%mul3A_2] : memref<69120xi32, #tpu.memory_space<hbm>> -> memref<2160xi32, #tpu.memory_space<hbm>>
      %dma_wait3A_764 = tpu.memref_slice %arg2[%mul3A_2] : memref<69120xi32, #tpu.memory_space<hbm>> -> memref<2160xi32, #tpu.memory_space<hbm>>
      tpu.wait_dma2 semaphore(%run_scoped3A : memref<!tpu.dma_semaphore, #tpu.memory_space<semaphore_mem>>) src(%dma_wait3A_764 : memref<2160xi32, #tpu.memory_space<hbm>>) dst(%arg7 : memref<2160xi32, #tpu.memory_space<vmem>>)
      tpu.yield
    }) : () -> ()
    %lt3A = arith.constant 15 : i32
    %lt3A_3 = arith.cmpi slt, %arg1, %lt3A : i32
    %convert_element_type3A = arith.extui %lt3A_3 : i1 to i32
    %cond3A = arith.constant 0 : i32
    %cond3A_4 = arith.cmpi ne, %convert_element_type3A, %cond3A : i32
    scf.if %cond3A_4 {
      %mul3A_761 = arith.constant 48 : i32
      %mul3A_762 = arith.muli %mul3A_761, %arg1 : i32
      %add3A_763 = arith.constant 0 : i32
      %add3A_764 = arith.addi %mul3A_762, %add3A_763 : i32
      %mul3A_765 = arith.constant 3 : i32
      %mul3A_766 = arith.muli %mul3A_765, %add3A_764 : i32
      "tpu.region"() ({
        %run_scoped3A = tpu.sem_alloc : memref<!tpu.dma_semaphore, #tpu.memory_space<semaphore_mem>>
        %dma_start3A_1061 = arith.constant 0 : i32
        %dma_start3A_1062 = tpu.memref_slice %arg4[%mul3A_766, %dma_start3A_1061] : memref<2200x768xf32, #tpu.memory_space<hbm>> -> memref<72x768xf32, #tpu.memory_space<hbm>>
        %dma_start3A_1063 = arith.constant 0 : i32
        %dma_start3A_1064 = tpu.memref_slice %arg4[%mul3A_766, %dma_start3A_1063] : memref<2200x768xf32, #tpu.memory_space<hbm>> -> memref<72x768xf32, #tpu.memory_space<hbm>>
        tpu.enqueue_dma source(%dma_start3A_1064 : memref<72x768xf32, #tpu.memory_space<hbm>>) target(%arg8 : memref<72x768xf32, #tpu.memory_space<vmem>>) target_semaphore(%run_scoped3A : memref<!tpu.dma_semaphore, #tpu.memory_space<semaphore_mem>>)
        %dma_wait3A_1065 = arith.constant 0 : i32
        %dma_wait3A_1066 = tpu.memref_slice %arg4[%mul3A_766, %dma_wait3A_1065] : memref<2200x768xf32, #tpu.memory_space<hbm>> -> memref<72x768xf32, #tpu.memory_space<hbm>>
        %dma_wait3A_1067 = arith.constant 0 : i32
        %dma_wait3A_1068 = tpu.memref_slice %arg4[%mul3A_766, %dma_wait3A_1067] : memref<2200x768xf32, #tpu.memory_space<hbm>> -> memref<72x768xf32, #tpu.memory_space<hbm>>
        tpu.wait_dma2 semaphore(%run_scoped3A : memref<!tpu.dma_semaphore, #tpu.memory_space<semaphore_mem>>) src(%dma_wait3A_1068 : memref<72x768xf32, #tpu.memory_space<hbm>>) dst(%arg8 : memref<72x768xf32, #tpu.memory_space<vmem>>)
        tpu.yield
      }) : () -> ()
      %scan3A_767 = arith.constant 0 : i32
      %scan3A_768 = arith.constant 0 : i32
      %scan3A_769 = arith.constant 48 : i32
      %scan3A_770 = arith.addi %scan3A_768, %scan3A_769 : i32
      %scan3A_771 = arith.constant 1 : i32
      scf.for %scan3A_1061 = %scan3A_768 to %scan3A_770 step %scan3A_771  : i32 {
        %mul3A_1062 = arith.constant 16 : i32
        %mul3A_1063 = arith.muli %scan3A_1061, %mul3A_1062 : i32
        %get3A_1064 = arith.constant 0 : i32
        %get3A_1065 = arith.index_cast %get3A_1064 : i32 to index
        %get3A_1066 = arith.index_cast %mul3A_1063 : i32 to index
        %get3A_1067 = tpu.vector_load %arg8[%get3A_1065, %get3A_1066] {strides = array<i32>} : memref<72x768xf32, #tpu.memory_space<vmem>>, vector<1x16xf32>,
        %get3A_1068 = vector.shape_cast %get3A_1067 : vector<1x16xf32> to vector<16xf32>
        %get3A_1069 = arith.constant 1 : i32
        %get3A_1070 = arith.index_cast %get3A_1069 : i32 to index
        %get3A_1071 = arith.index_cast %mul3A_1063 : i32 to index
        %get3A_1072 = tpu.vector_load %arg8[%get3A_1070, %get3A_1071] {strides = array<i32>} : memref<72x768xf32, #tpu.memory_space<vmem>>, vector<1x16xf32>,
        %get3A_1073 = vector.shape_cast %get3A_1072 : vector<1x16xf32> to vector<16xf32>
        %add3A_1074 = arith.addf %get3A_1068, %get3A_1073 : vector<16xf32>
        %get3A_1075 = arith.constant 2 : i32
        %get3A_1076 = arith.index_cast %get3A_1075 : i32 to index
        %get3A_1077 = arith.index_cast %mul3A_1063 : i32 to index
        %get3A_1078 = tpu.vector_load %arg8[%get3A_1076, %get3A_1077] {strides = array<i32>} : memref<72x768xf32, #tpu.memory_space<vmem>>, vector<1x16xf32>,
        %get3A_1079 = vector.shape_cast %get3A_1078 : vector<1x16xf32> to vector<16xf32>
        %add3A_1080 = arith.addf %add3A_1074, %get3A_1079 : vector<16xf32>
        %mul3A_1081 = arith.constant 0.0360843912 : f32
        %mul3A_1082 = vector.broadcast %mul3A_1081 : f32 to vector<16xf32>
        %mul3A_1083 = arith.mulf %add3A_1080, %mul3A_1082 : vector<16xf32>
        %swap3A_1084 = arith.constant 0 : i32
        %swap3A_1085 = arith.index_cast %swap3A_1084 : i32 to index
        %swap3A_1086 = arith.index_cast %mul3A_1063 : i32 to index
        %swap3A_1087 = tpu.vector_load %arg9[%swap3A_1085, %swap3A_1086] {strides = array<i32>} : memref<24x768xf32, #tpu.memory_space<vmem>>, vector<1x16xf32>,
        %swap3A_1088 = vector.shape_cast %swap3A_1087 : vector<1x16xf32> to vector<16xf32>
        %swap3A_1089 = vector.shape_cast %mul3A_1083 : vector<16xf32> to vector<1x16xf32>
        tpu.vector_store %arg9[%swap3A_1085, %swap3A_1086], %swap3A_1089 {strides = array<i32>} : memref<24x768xf32, #tpu.memory_space<vmem>>, vector<1x16xf32>,
      }
      %scan3A_772 = arith.constant 48 : i32
      %scan3A_773 = arith.constant 0 : i32
      %scan3A_774 = arith.constant 0 : i32
      %scan3A_775 = arith.constant 48 : i32
      %scan3A_776 = arith.addi %scan3A_774, %scan3A_775 : i32
      %scan3A_777 = arith.constant 1 : i32
      scf.for %scan3A_1061 = %scan3A_774 to %scan3A_776 step %scan3A_777  : i32 {
        %mul3A_1062 = arith.constant 16 : i32
        %mul3A_1063 = arith.muli %scan3A_1061, %mul3A_1062 : i32
        %get3A_1064 = arith.constant 3 : i32
        %get3A_1065 = arith.index_cast %get3A_1064 : i32 to index
        %get3A_1066 = arith.index_cast %mul3A_1063 : i32 to index
        %get3A_1067 = tpu.vector_load %arg8[%get3A_1065, %get3A_1066] {strides = array<i32>} : memref<72x768xf32, #tpu.memory_space<vmem>>, vector<1x16xf32>,
        %get3A_1068 = vector.shape_cast %get3A_1067 : vector<1x16xf32> to vector<16xf32>
        %get3A_1069 = arith.constant 4 : i32
        %get3A_1070 = arith.index_cast %get3A_1069 : i32 to index
        %get3A_1071 = arith.index_cast %mul3A_1063 : i32 to index
        %get3A_1072 = tpu.vector_load %arg8[%get3A_1070, %get3A_1071] {strides = array<i32>} : memref<72x768xf32, #tpu.memory_space<vmem>>, vector<1x16xf32>,
        %get3A_1073 = vector.shape_cast %get3A_1072 : vector<1x16xf32> to vector<16xf32>
        %add3A_1074 = arith.addf %get3A_1068, %get3A_1073 : vector<16xf32>
        %get3A_1075 = arith.constant 5 : i32
        %get3A_1076 = arith.index_cast %get3A_1075 : i32 to index
        %get3A_1077 = arith.index_cast %mul3A_1063 : i32 to index
        %get3A_1078 = tpu.vector_load %arg8[%get3A_1076, %get3A_1077] {strides = array<i32>} : memref<72x768xf32, #tpu.memory_space<vmem>>, vector<1x16xf32>,
        %get3A_1079 = vector.shape_cast %get3A_1078 : vector<1x16xf32> to vector<16xf32>
        %add3A_1080 = arith.addf %add3A_1074, %get3A_1079 : vector<16xf32>
        %mul3A_1081 = arith.constant 0.0360843912 : f32
        %mul3A_1082 = vector.broadcast %mul3A_1081 : f32 to vector<16xf32>
        %mul3A_1083 = arith.mulf %add3A_1080, %mul3A_1082 : vector<16xf32>
        %swap3A_1084 = arith.constant 1 : i32
        %swap3A_1085 = arith.index_cast %swap3A_1084 : i32 to index
        %swap3A_1086 = arith.index_cast %mul3A_1063 : i32 to index
        %swap3A_1087 = tpu.vector_load %arg9[%swap3A_1085, %swap3A_1086] {strides = array<i32>} : memref<24x768xf32, #tpu.memory_space<vmem>>, vector<1x16xf32>,
        %swap3A_1088 = vector.shape_cast %swap3A_1087 : vector<1x16xf32> to vector<16xf32>
        %swap3A_1089 = vector.shape_cast %mul3A_1083 : vector<16xf32> to vector<1x16xf32>
        tpu.vector_store %arg9[%swap3A_1085, %swap3A_1086], %swap3A_1089 {strides = array<i32>} : memref<24x768xf32, #tpu.memory_space<vmem>>, vector<1x16xf32>,
      }
      %scan3A_778 = arith.constant 48 : i32
      %scan3A_779 = arith.constant 0 : i32
      %scan3A_780 = arith.constant 0 : i32
      %scan3A_781 = arith.constant 48 : i32
      %scan3A_782 = arith.addi %scan3A_780, %scan3A_781 : i32
      %scan3A_783 = arith.constant 1 : i32
      scf.for %scan3A_1061 = %scan3A_780 to %scan3A_782 step %scan3A_783  : i32 {
        %mul3A_1062 = arith.constant 16 : i32
        %mul3A_1063 = arith.muli %scan3A_1061, %mul3A_1062 : i32
        %get3A_1064 = arith.constant 6 : i32
        %get3A_1065 = arith.index_cast %get3A_1064 : i32 to index
        %get3A_1066 = arith.index_cast %mul3A_1063 : i32 to index
        %get3A_1067 = tpu.vector_load %arg8[%get3A_1065, %get3A_1066] {strides = array<i32>} : memref<72x768xf32, #tpu.memory_space<vmem>>, vector<1x16xf32>,
        %get3A_1068 = vector.shape_cast %get3A_1067 : vector<1x16xf32> to vector<16xf32>
        %get3A_1069 = arith.constant 7 : i32
        %get3A_1070 = arith.index_cast %get3A_1069 : i32 to index
        %get3A_1071 = arith.index_cast %mul3A_1063 : i32 to index
        %get3A_1072 = tpu.vector_load %arg8[%get3A_1070, %get3A_1071] {strides = array<i32>} : memref<72x768xf32, #tpu.memory_space<vmem>>, vector<1x16xf32>,
        %get3A_1073 = vector.shape_cast %get3A_1072 : vector<1x16xf32> to vector<16xf32>
        %add3A_1074 = arith.addf %get3A_1068, %get3A_1073 : vector<16xf32>
        %get3A_1075 = arith.constant 8 : i32
        %get3A_1076 = arith.index_cast %get3A_1075 : i32 to index
        %get3A_1077 = arith.index_cast %mul3A_1063 : i32 to index
        %get3A_1078 = tpu.vector_load %arg8[%get3A_1076, %get3A_1077] {strides = array<i32>} : memref<72x768xf32, #tpu.memory_space<vmem>>, vector<1x16xf32>,
        %get3A_1079 = vector.shape_cast %get3A_1078 : vector<1x16xf32> to vector<16xf32>
        %add3A_1080 = arith.addf %add3A_1074, %get3A_1079 : vector<16xf32>
        %mul3A_1081 = arith.constant 0.0360843912 : f32
        %mul3A_1082 = vector.broadcast %mul3A_1081 : f32 to vector<16xf32>
        %mul3A_1083 = arith.mulf %add3A_1080, %mul3A_1082 : vector<16xf32>
        %swap3A_1084 = arith.constant 2 : i32
        %swap3A_1085 = arith.index_cast %swap3A_1084 : i32 to index
        %swap3A_1086 = arith.index_cast %mul3A_1063 : i32 to index
        %swap3A_1087 = tpu.vector_load %arg9[%swap3A_1085, %swap3A_1086] {strides = array<i32>} : memref<24x768xf32, #tpu.memory_space<vmem>>, vector<1x16xf32>,
        %swap3A_1088 = vector.shape_cast %swap3A_1087 : vector<1x16xf32> to vector<16xf32>
        %swap3A_1089 = vector.shape_cast %mul3A_1083 : vector<16xf32> to vector<1x16xf32>
        tpu.vector_store %arg9[%swap3A_1085, %swap3A_1086], %swap3A_1089 {strides = array<i32>} : memref<24x768xf32, #tpu.memory_space<vmem>>, vector<1x16xf32>,
      }
      %scan3A_784 = arith.constant 48 : i32
      %scan3A_785 = arith.constant 0 : i32
      %scan3A_786 = arith.constant 0 : i32
      %scan3A_787 = arith.constant 48 : i32
      %scan3A_788 = arith.addi %scan3A_786, %scan3A_787 : i32
      %scan3A_789 = arith.constant 1 : i32
      scf.for %scan3A_1061 = %scan3A_786 to %scan3A_788 step %scan3A_789  : i32 {
        %mul3A_1062 = arith.constant 16 : i32
        %mul3A_1063 = arith.muli %scan3A_1061, %mul3A_1062 : i32
        %get3A_1064 = arith.constant 9 : i32
        %get3A_1065 = arith.index_cast %get3A_1064 : i32 to index
        %get3A_1066 = arith.index_cast %mul3A_1063 : i32 to index
        %get3A_1067 = tpu.vector_load %arg8[%get3A_1065, %get3A_1066] {strides = array<i32>} : memref<72x768xf32, #tpu.memory_space<vmem>>, vector<1x16xf32>,
        %get3A_1068 = vector.shape_cast %get3A_1067 : vector<1x16xf32> to vector<16xf32>
        %get3A_1069 = arith.constant 10 : i32
        %get3A_1070 = arith.index_cast %get3A_1069 : i32 to index
        %get3A_1071 = arith.index_cast %mul3A_1063 : i32 to index
        %get3A_1072 = tpu.vector_load %arg8[%get3A_1070, %get3A_1071] {strides = array<i32>} : memref<72x768xf32, #tpu.memory_space<vmem>>, vector<1x16xf32>,
        %get3A_1073 = vector.shape_cast %get3A_1072 : vector<1x16xf32> to vector<16xf32>
        %add3A_1074 = arith.addf %get3A_1068, %get3A_1073 : vector<16xf32>
        %get3A_1075 = arith.constant 11 : i32
        %get3A_1076 = arith.index_cast %get3A_1075 : i32 to index
        %get3A_1077 = arith.index_cast %mul3A_1063 : i32 to index
        %get3A_1078 = tpu.vector_load %arg8[%get3A_1076, %get3A_1077] {strides = array<i32>} : memref<72x768xf32, #tpu.memory_space<vmem>>, vector<1x16xf32>,
        %get3A_1079 = vector.shape_cast %get3A_1078 : vector<1x16xf32> to vector<16xf32>
        %add3A_1080 = arith.addf %add3A_1074, %get3A_1079 : vector<16xf32>
        %mul3A_1081 = arith.constant 0.0360843912 : f32
        %mul3A_1082 = vector.broadcast %mul3A_1081 : f32 to vector<16xf32>
        %mul3A_1083 = arith.mulf %add3A_1080, %mul3A_1082 : vector<16xf32>
        %swap3A_1084 = arith.constant 3 : i32
        %swap3A_1085 = arith.index_cast %swap3A_1084 : i32 to index
        %swap3A_1086 = arith.index_cast %mul3A_1063 : i32 to index
        %swap3A_1087 = tpu.vector_load %arg9[%swap3A_1085, %swap3A_1086] {strides = array<i32>} : memref<24x768xf32, #tpu.memory_space<vmem>>, vector<1x16xf32>,
        %swap3A_1088 = vector.shape_cast %swap3A_1087 : vector<1x16xf32> to vector<16xf32>
        %swap3A_1089 = vector.shape_cast %mul3A_1083 : vector<16xf32> to vector<1x16xf32>
        tpu.vector_store %arg9[%swap3A_1085, %swap3A_1086], %swap3A_1089 {strides = array<i32>} : memref<24x768xf32, #tpu.memory_space<vmem>>, vector<1x16xf32>,
      }
      %scan3A_790 = arith.constant 48 : i32
      %scan3A_791 = arith.constant 0 : i32
      %scan3A_792 = arith.constant 0 : i32
      %scan3A_793 = arith.constant 48 : i32
      %scan3A_794 = arith.addi %scan3A_792, %scan3A_793 : i32
      %scan3A_795 = arith.constant 1 : i32
      scf.for %scan3A_1061 = %scan3A_792 to %scan3A_794 step %scan3A_795  : i32 {
        %mul3A_1062 = arith.constant 16 : i32
        %mul3A_1063 = arith.muli %scan3A_1061, %mul3A_1062 : i32
        %get3A_1064 = arith.constant 12 : i32
        %get3A_1065 = arith.index_cast %get3A_1064 : i32 to index
        %get3A_1066 = arith.index_cast %mul3A_1063 : i32 to index
        %get3A_1067 = tpu.vector_load %arg8[%get3A_1065, %get3A_1066] {strides = array<i32>} : memref<72x768xf32, #tpu.memory_space<vmem>>, vector<1x16xf32>,
        %get3A_1068 = vector.shape_cast %get3A_1067 : vector<1x16xf32> to vector<16xf32>
        %get3A_1069 = arith.constant 13 : i32
        %get3A_1070 = arith.index_cast %get3A_1069 : i32 to index
        %get3A_1071 = arith.index_cast %mul3A_1063 : i32 to index
        %get3A_1072 = tpu.vector_load %arg8[%get3A_1070, %get3A_1071] {strides = array<i32>} : memref<72x768xf32, #tpu.memory_space<vmem>>, vector<1x16xf32>,
        %get3A_1073 = vector.shape_cast %get3A_1072 : vector<1x16xf32> to vector<16xf32>
        %add3A_1074 = arith.addf %get3A_1068, %get3A_1073 : vector<16xf32>
        %get3A_1075 = arith.constant 14 : i32
        %get3A_1076 = arith.index_cast %get3A_1075 : i32 to index
        %get3A_1077 = arith.index_cast %mul3A_1063 : i32 to index
        %get3A_1078 = tpu.vector_load %arg8[%get3A_1076, %get3A_1077] {strides = array<i32>} : memref<72x768xf32, #tpu.memory_space<vmem>>, vector<1x16xf32>,
        %get3A_1079 = vector.shape_cast %get3A_1078 : vector<1x16xf32> to vector<16xf32>
        %add3A_1080 = arith.addf %add3A_1074, %get3A_1079 : vector<16xf32>
        %mul3A_1081 = arith.constant 0.0360843912 : f32
        %mul3A_1082 = vector.broadcast %mul3A_1081 : f32 to vector<16xf32>
        %mul3A_1083 = arith.mulf %add3A_1080, %mul3A_1082 : vector<16xf32>
        %swap3A_1084 = arith.constant 4 : i32
        %swap3A_1085 = arith.index_cast %swap3A_1084 : i32 to index
        %swap3A_1086 = arith.index_cast %mul3A_1063 : i32 to index
        %swap3A_1087 = tpu.vector_load %arg9[%swap3A_1085, %swap3A_1086] {strides = array<i32>} : memref<24x768xf32, #tpu.memory_space<vmem>>, vector<1x16xf32>,
        %swap3A_1088 = vector.shape_cast %swap3A_1087 : vector<1x16xf32> to vector<16xf32>
        %swap3A_1089 = vector.shape_cast %mul3A_1083 : vector<16xf32> to vector<1x16xf32>
        tpu.vector_store %arg9[%swap3A_1085, %swap3A_1086], %swap3A_1089 {strides = array<i32>} : memref<24x768xf32, #tpu.memory_space<vmem>>, vector<1x16xf32>,
      }
      %scan3A_796 = arith.constant 48 : i32
      %scan3A_797 = arith.constant 0 : i32
      %scan3A_798 = arith.constant 0 : i32
      %scan3A_799 = arith.constant 48 : i32
      %scan3A_800 = arith.addi %scan3A_798, %scan3A_799 : i32
      %scan3A_801 = arith.constant 1 : i32
      scf.for %scan3A_1061 = %scan3A_798 to %scan3A_800 step %scan3A_801  : i32 {
        %mul3A_1062 = arith.constant 16 : i32
        %mul3A_1063 = arith.muli %scan3A_1061, %mul3A_1062 : i32
        %get3A_1064 = arith.constant 15 : i32
        %get3A_1065 = arith.index_cast %get3A_1064 : i32 to index
        %get3A_1066 = arith.index_cast %mul3A_1063 : i32 to index
        %get3A_1067 = tpu.vector_load %arg8[%get3A_1065, %get3A_1066] {strides = array<i32>} : memref<72x768xf32, #tpu.memory_space<vmem>>, vector<1x16xf32>,
        %get3A_1068 = vector.shape_cast %get3A_1067 : vector<1x16xf32> to vector<16xf32>
        %get3A_1069 = arith.constant 16 : i32
        %get3A_1070 = arith.index_cast %get3A_1069 : i32 to index
        %get3A_1071 = arith.index_cast %mul3A_1063 : i32 to index
        %get3A_1072 = tpu.vector_load %arg8[%get3A_1070, %get3A_1071] {strides = array<i32>} : memref<72x768xf32, #tpu.memory_space<vmem>>, vector<1x16xf32>,
        %get3A_1073 = vector.shape_cast %get3A_1072 : vector<1x16xf32> to vector<16xf32>
        %add3A_1074 = arith.addf %get3A_1068, %get3A_1073 : vector<16xf32>
        %get3A_1075 = arith.constant 17 : i32
        %get3A_1076 = arith.index_cast %get3A_1075 : i32 to index
        %get3A_1077 = arith.index_cast %mul3A_1063 : i32 to index
        %get3A_1078 = tpu.vector_load %arg8[%get3A_1076, %get3A_1077] {strides = array<i32>} : memref<72x768xf32, #tpu.memory_space<vmem>>, vector<1x16xf32>,
        %get3A_1079 = vector.shape_cast %get3A_1078 : vector<1x16xf32> to vector<16xf32>
        %add3A_1080 = arith.addf %add3A_1074, %get3A_1079 : vector<16xf32>
        %mul3A_1081 = arith.constant 0.0360843912 : f32
        %mul3A_1082 = vector.broadcast %mul3A_1081 : f32 to vector<16xf32>
        %mul3A_1083 = arith.mulf %add3A_1080, %mul3A_1082 : vector<16xf32>
        %swap3A_1084 = arith.constant 5 : i32
        %swap3A_1085 = arith.index_cast %swap3A_1084 : i32 to index
        %swap3A_1086 = arith.index_cast %mul3A_1063 : i32 to index
        %swap3A_1087 = tpu.vector_load %arg9[%swap3A_1085, %swap3A_1086] {strides = array<i32>} : memref<24x768xf32, #tpu.memory_space<vmem>>, vector<1x16xf32>,
        %swap3A_1088 = vector.shape_cast %swap3A_1087 : vector<1x16xf32> to vector<16xf32>
        %swap3A_1089 = vector.shape_cast %mul3A_1083 : vector<16xf32> to vector<1x16xf32>
        tpu.vector_store %arg9[%swap3A_1085, %swap3A_1086], %swap3A_1089 {strides = array<i32>} : memref<24x768xf32, #tpu.memory_space<vmem>>, vector<1x16xf32>,
      }
      %scan3A_802 = arith.constant 48 : i32
      %scan3A_803 = arith.constant 0 : i32
      %scan3A_804 = arith.constant 0 : i32
      %scan3A_805 = arith.constant 48 : i32
      %scan3A_806 = arith.addi %scan3A_804, %scan3A_805 : i32
      %scan3A_807 = arith.constant 1 : i32
      scf.for %scan3A_1061 = %scan3A_804 to %scan3A_806 step %scan3A_807  : i32 {
        %mul3A_1062 = arith.constant 16 : i32
        %mul3A_1063 = arith.muli %scan3A_1061, %mul3A_1062 : i32
        %get3A_1064 = arith.constant 18 : i32
        %get3A_1065 = arith.index_cast %get3A_1064 : i32 to index
        %get3A_1066 = arith.index_cast %mul3A_1063 : i32 to index
        %get3A_1067 = tpu.vector_load %arg8[%get3A_1065, %get3A_1066] {strides = array<i32>} : memref<72x768xf32, #tpu.memory_space<vmem>>, vector<1x16xf32>,
        %get3A_1068 = vector.shape_cast %get3A_1067 : vector<1x16xf32> to vector<16xf32>
        %get3A_1069 = arith.constant 19 : i32
        %get3A_1070 = arith.index_cast %get3A_1069 : i32 to index
        %get3A_1071 = arith.index_cast %mul3A_1063 : i32 to index
        %get3A_1072 = tpu.vector_load %arg8[%get3A_1070, %get3A_1071] {strides = array<i32>} : memref<72x768xf32, #tpu.memory_space<vmem>>, vector<1x16xf32>,
        %get3A_1073 = vector.shape_cast %get3A_1072 : vector<1x16xf32> to vector<16xf32>
        %add3A_1074 = arith.addf %get3A_1068, %get3A_1073 : vector<16xf32>
        %get3A_1075 = arith.constant 20 : i32
        %get3A_1076 = arith.index_cast %get3A_1075 : i32 to index
        %get3A_1077 = arith.index_cast %mul3A_1063 : i32 to index
        %get3A_1078 = tpu.vector_load %arg8[%get3A_1076, %get3A_1077] {strides = array<i32>} : memref<72x768xf32, #tpu.memory_space<vmem>>, vector<1x16xf32>,
        %get3A_1079 = vector.shape_cast %get3A_1078 : vector<1x16xf32> to vector<16xf32>
        %add3A_1080 = arith.addf %add3A_1074, %get3A_1079 : vector<16xf32>
        %mul3A_1081 = arith.constant 0.0360843912 : f32
        %mul3A_1082 = vector.broadcast %mul3A_1081 : f32 to vector<16xf32>
        %mul3A_1083 = arith.mulf %add3A_1080, %mul3A_1082 : vector<16xf32>
        %swap3A_1084 = arith.constant 6 : i32
        %swap3A_1085 = arith.index_cast %swap3A_1084 : i32 to index
        %swap3A_1086 = arith.index_cast %mul3A_1063 : i32 to index
        %swap3A_1087 = tpu.vector_load %arg9[%swap3A_1085, %swap3A_1086] {strides = array<i32>} : memref<24x768xf32, #tpu.memory_space<vmem>>, vector<1x16xf32>,
        %swap3A_1088 = vector.shape_cast %swap3A_1087 : vector<1x16xf32> to vector<16xf32>
        %swap3A_1089 = vector.shape_cast %mul3A_1083 : vector<16xf32> to vector<1x16xf32>
        tpu.vector_store %arg9[%swap3A_1085, %swap3A_1086], %swap3A_1089 {strides = array<i32>} : memref<24x768xf32, #tpu.memory_space<vmem>>, vector<1x16xf32>,
      }
      %scan3A_808 = arith.constant 48 : i32
      %scan3A_809 = arith.constant 0 : i32
      %scan3A_810 = arith.constant 0 : i32
      %scan3A_811 = arith.constant 48 : i32
      %scan3A_812 = arith.addi %scan3A_810, %scan3A_811 : i32
      %scan3A_813 = arith.constant 1 : i32
      scf.for %scan3A_1061 = %scan3A_810 to %scan3A_812 step %scan3A_813  : i32 {
        %mul3A_1062 = arith.constant 16 : i32
        %mul3A_1063 = arith.muli %scan3A_1061, %mul3A_1062 : i32
        %get3A_1064 = arith.constant 21 : i32
        %get3A_1065 = arith.index_cast %get3A_1064 : i32 to index
        %get3A_1066 = arith.index_cast %mul3A_1063 : i32 to index
        %get3A_1067 = tpu.vector_load %arg8[%get3A_1065, %get3A_1066] {strides = array<i32>} : memref<72x768xf32, #tpu.memory_space<vmem>>, vector<1x16xf32>,
        %get3A_1068 = vector.shape_cast %get3A_1067 : vector<1x16xf32> to vector<16xf32>
        %get3A_1069 = arith.constant 22 : i32
        %get3A_1070 = arith.index_cast %get3A_1069 : i32 to index
        %get3A_1071 = arith.index_cast %mul3A_1063 : i32 to index
        %get3A_1072 = tpu.vector_load %arg8[%get3A_1070, %get3A_1071] {strides = array<i32>} : memref<72x768xf32, #tpu.memory_space<vmem>>, vector<1x16xf32>,
        %get3A_1073 = vector.shape_cast %get3A_1072 : vector<1x16xf32> to vector<16xf32>
        %add3A_1074 = arith.addf %get3A_1068, %get3A_1073 : vector<16xf32>
        %get3A_1075 = arith.constant 23 : i32
        %get3A_1076 = arith.index_cast %get3A_1075 : i32 to index
        %get3A_1077 = arith.index_cast %mul3A_1063 : i32 to index
        %get3A_1078 = tpu.vector_load %arg8[%get3A_1076, %get3A_1077] {strides = array<i32>} : memref<72x768xf32, #tpu.memory_space<vmem>>, vector<1x16xf32>,
        %get3A_1079 = vector.shape_cast %get3A_1078 : vector<1x16xf32> to vector<16xf32>
        %add3A_1080 = arith.addf %add3A_1074, %get3A_1079 : vector<16xf32>
        %mul3A_1081 = arith.constant 0.0360843912 : f32
        %mul3A_1082 = vector.broadcast %mul3A_1081 : f32 to vector<16xf32>
        %mul3A_1083 = arith.mulf %add3A_1080, %mul3A_1082 : vector<16xf32>
        %swap3A_1084 = arith.constant 7 : i32
        %swap3A_1085 = arith.index_cast %swap3A_1084 : i32 to index
        %swap3A_1086 = arith.index_cast %mul3A_1063 : i32 to index
        %swap3A_1087 = tpu.vector_load %arg9[%swap3A_1085, %swap3A_1086] {strides = array<i32>} : memref<24x768xf32, #tpu.memory_space<vmem>>, vector<1x16xf32>,
        %swap3A_1088 = vector.shape_cast %swap3A_1087 : vector<1x16xf32> to vector<16xf32>
        %swap3A_1089 = vector.shape_cast %mul3A_1083 : vector<16xf32> to vector<1x16xf32>
        tpu.vector_store %arg9[%swap3A_1085, %swap3A_1086], %swap3A_1089 {strides = array<i32>} : memref<24x768xf32, #tpu.memory_space<vmem>>, vector<1x16xf32>,
      }
      %scan3A_814 = arith.constant 48 : i32
      %scan3A_815 = arith.constant 0 : i32
      %scan3A_816 = arith.constant 0 : i32
      %scan3A_817 = arith.constant 48 : i32
      %scan3A_818 = arith.addi %scan3A_816, %scan3A_817 : i32
      %scan3A_819 = arith.constant 1 : i32
      scf.for %scan3A_1061 = %scan3A_816 to %scan3A_818 step %scan3A_819  : i32 {
        %mul3A_1062 = arith.constant 16 : i32
        %mul3A_1063 = arith.muli %scan3A_1061, %mul3A_1062 : i32
        %get3A_1064 = arith.constant 24 : i32
        %get3A_1065 = arith.index_cast %get3A_1064 : i32 to index
        %get3A_1066 = arith.index_cast %mul3A_1063 : i32 to index
        %get3A_1067 = tpu.vector_load %arg8[%get3A_1065, %get3A_1066] {strides = array<i32>} : memref<72x768xf32, #tpu.memory_space<vmem>>, vector<1x16xf32>,
        %get3A_1068 = vector.shape_cast %get3A_1067 : vector<1x16xf32> to vector<16xf32>
        %get3A_1069 = arith.constant 25 : i32
        %get3A_1070 = arith.index_cast %get3A_1069 : i32 to index
        %get3A_1071 = arith.index_cast %mul3A_1063 : i32 to index
        %get3A_1072 = tpu.vector_load %arg8[%get3A_1070, %get3A_1071] {strides = array<i32>} : memref<72x768xf32, #tpu.memory_space<vmem>>, vector<1x16xf32>,
        %get3A_1073 = vector.shape_cast %get3A_1072 : vector<1x16xf32> to vector<16xf32>
        %add3A_1074 = arith.addf %get3A_1068, %get3A_1073 : vector<16xf32>
        %get3A_1075 = arith.constant 26 : i32
        %get3A_1076 = arith.index_cast %get3A_1075 : i32 to index
        %get3A_1077 = arith.index_cast %mul3A_1063 : i32 to index
        %get3A_1078 = tpu.vector_load %arg8[%get3A_1076, %get3A_1077] {strides = array<i32>} : memref<72x768xf32, #tpu.memory_space<vmem>>, vector<1x16xf32>,
        %get3A_1079 = vector.shape_cast %get3A_1078 : vector<1x16xf32> to vector<16xf32>
        %add3A_1080 = arith.addf %add3A_1074, %get3A_1079 : vector<16xf32>
        %mul3A_1081 = arith.constant 0.0360843912 : f32
        %mul3A_1082 = vector.broadcast %mul3A_1081 : f32 to vector<16xf32>
        %mul3A_1083 = arith.mulf %add3A_1080, %mul3A_1082 : vector<16xf32>
        %swap3A_1084 = arith.constant 8 : i32
        %swap3A_1085 = arith.index_cast %swap3A_1084 : i32 to index
        %swap3A_1086 = arith.index_cast %mul3A_1063 : i32 to index
        %swap3A_1087 = tpu.vector_load %arg9[%swap3A_1085, %swap3A_1086] {strides = array<i32>} : memref<24x768xf32, #tpu.memory_space<vmem>>, vector<1x16xf32>,
        %swap3A_1088 = vector.shape_cast %swap3A_1087 : vector<1x16xf32> to vector<16xf32>
        %swap3A_1089 = vector.shape_cast %mul3A_1083 : vector<16xf32> to vector<1x16xf32>
        tpu.vector_store %arg9[%swap3A_1085, %swap3A_1086], %swap3A_1089 {strides = array<i32>} : memref<24x768xf32, #tpu.memory_space<vmem>>, vector<1x16xf32>,
      }
      %scan3A_820 = arith.constant 48 : i32
      %scan3A_821 = arith.constant 0 : i32
      %scan3A_822 = arith.constant 0 : i32
      %scan3A_823 = arith.constant 48 : i32
      %scan3A_824 = arith.addi %scan3A_822, %scan3A_823 : i32
      %scan3A_825 = arith.constant 1 : i32
      scf.for %scan3A_1061 = %scan3A_822 to %scan3A_824 step %scan3A_825  : i32 {
        %mul3A_1062 = arith.constant 16 : i32
        %mul3A_1063 = arith.muli %scan3A_1061, %mul3A_1062 : i32
        %get3A_1064 = arith.constant 27 : i32
        %get3A_1065 = arith.index_cast %get3A_1064 : i32 to index
        %get3A_1066 = arith.index_cast %mul3A_1063 : i32 to index
        %get3A_1067 = tpu.vector_load %arg8[%get3A_1065, %get3A_1066] {strides = array<i32>} : memref<72x768xf32, #tpu.memory_space<vmem>>, vector<1x16xf32>,
        %get3A_1068 = vector.shape_cast %get3A_1067 : vector<1x16xf32> to vector<16xf32>
        %get3A_1069 = arith.constant 28 : i32
        %get3A_1070 = arith.index_cast %get3A_1069 : i32 to index
        %get3A_1071 = arith.index_cast %mul3A_1063 : i32 to index
        %get3A_1072 = tpu.vector_load %arg8[%get3A_1070, %get3A_1071] {strides = array<i32>} : memref<72x768xf32, #tpu.memory_space<vmem>>, vector<1x16xf32>,
        %get3A_1073 = vector.shape_cast %get3A_1072 : vector<1x16xf32> to vector<16xf32>
        %add3A_1074 = arith.addf %get3A_1068, %get3A_1073 : vector<16xf32>
        %get3A_1075 = arith.constant 29 : i32
        %get3A_1076 = arith.index_cast %get3A_1075 : i32 to index
        %get3A_1077 = arith.index_cast %mul3A_1063 : i32 to index
        %get3A_1078 = tpu.vector_load %arg8[%get3A_1076, %get3A_1077] {strides = array<i32>} : memref<72x768xf32, #tpu.memory_space<vmem>>, vector<1x16xf32>,
        %get3A_1079 = vector.shape_cast %get3A_1078 : vector<1x16xf32> to vector<16xf32>
        %add3A_1080 = arith.addf %add3A_1074, %get3A_1079 : vector<16xf32>
        %mul3A_1081 = arith.constant 0.0360843912 : f32
        %mul3A_1082 = vector.broadcast %mul3A_1081 : f32 to vector<16xf32>
        %mul3A_1083 = arith.mulf %add3A_1080, %mul3A_1082 : vector<16xf32>
        %swap3A_1084 = arith.constant 9 : i32
        %swap3A_1085 = arith.index_cast %swap3A_1084 : i32 to index
        %swap3A_1086 = arith.index_cast %mul3A_1063 : i32 to index
        %swap3A_1087 = tpu.vector_load %arg9[%swap3A_1085, %swap3A_1086] {strides = array<i32>} : memref<24x768xf32, #tpu.memory_space<vmem>>, vector<1x16xf32>,
        %swap3A_1088 = vector.shape_cast %swap3A_1087 : vector<1x16xf32> to vector<16xf32>
        %swap3A_1089 = vector.shape_cast %mul3A_1083 : vector<16xf32> to vector<1x16xf32>
        tpu.vector_store %arg9[%swap3A_1085, %swap3A_1086], %swap3A_1089 {strides = array<i32>} : memref<24x768xf32, #tpu.memory_space<vmem>>, vector<1x16xf32>,
      }
      %scan3A_826 = arith.constant 48 : i32
      %scan3A_827 = arith.constant 0 : i32
      %scan3A_828 = arith.constant 0 : i32
      %scan3A_829 = arith.constant 48 : i32
      %scan3A_830 = arith.addi %scan3A_828, %scan3A_829 : i32
      %scan3A_831 = arith.constant 1 : i32
      scf.for %scan3A_1061 = %scan3A_828 to %scan3A_830 step %scan3A_831  : i32 {
        %mul3A_1062 = arith.constant 16 : i32
        %mul3A_1063 = arith.muli %scan3A_1061, %mul3A_1062 : i32
        %get3A_1064 = arith.constant 30 : i32
        %get3A_1065 = arith.index_cast %get3A_1064 : i32 to index
        %get3A_1066 = arith.index_cast %mul3A_1063 : i32 to index
        %get3A_1067 = tpu.vector_load %arg8[%get3A_1065, %get3A_1066] {strides = array<i32>} : memref<72x768xf32, #tpu.memory_space<vmem>>, vector<1x16xf32>,
        %get3A_1068 = vector.shape_cast %get3A_1067 : vector<1x16xf32> to vector<16xf32>
        %get3A_1069 = arith.constant 31 : i32
        %get3A_1070 = arith.index_cast %get3A_1069 : i32 to index
        %get3A_1071 = arith.index_cast %mul3A_1063 : i32 to index
        %get3A_1072 = tpu.vector_load %arg8[%get3A_1070, %get3A_1071] {strides = array<i32>} : memref<72x768xf32, #tpu.memory_space<vmem>>, vector<1x16xf32>,
        %get3A_1073 = vector.shape_cast %get3A_1072 : vector<1x16xf32> to vector<16xf32>
        %add3A_1074 = arith.addf %get3A_1068, %get3A_1073 : vector<16xf32>
        %get3A_1075 = arith.constant 32 : i32
        %get3A_1076 = arith.index_cast %get3A_1075 : i32 to index
        %get3A_1077 = arith.index_cast %mul3A_1063 : i32 to index
        %get3A_1078 = tpu.vector_load %arg8[%get3A_1076, %get3A_1077] {strides = array<i32>} : memref<72x768xf32, #tpu.memory_space<vmem>>, vector<1x16xf32>,
        %get3A_1079 = vector.shape_cast %get3A_1078 : vector<1x16xf32> to vector<16xf32>
        %add3A_1080 = arith.addf %add3A_1074, %get3A_1079 : vector<16xf32>
        %mul3A_1081 = arith.constant 0.0360843912 : f32
        %mul3A_1082 = vector.broadcast %mul3A_1081 : f32 to vector<16xf32>
        %mul3A_1083 = arith.mulf %add3A_1080, %mul3A_1082 : vector<16xf32>
        %swap3A_1084 = arith.constant 10 : i32
        %swap3A_1085 = arith.index_cast %swap3A_1084 : i32 to index
        %swap3A_1086 = arith.index_cast %mul3A_1063 : i32 to index
        %swap3A_1087 = tpu.vector_load %arg9[%swap3A_1085, %swap3A_1086] {strides = array<i32>} : memref<24x768xf32, #tpu.memory_space<vmem>>, vector<1x16xf32>,
        %swap3A_1088 = vector.shape_cast %swap3A_1087 : vector<1x16xf32> to vector<16xf32>
        %swap3A_1089 = vector.shape_cast %mul3A_1083 : vector<16xf32> to vector<1x16xf32>
        tpu.vector_store %arg9[%swap3A_1085, %swap3A_1086], %swap3A_1089 {strides = array<i32>} : memref<24x768xf32, #tpu.memory_space<vmem>>, vector<1x16xf32>,
      }
      %scan3A_832 = arith.constant 48 : i32
      %scan3A_833 = arith.constant 0 : i32
      %scan3A_834 = arith.constant 0 : i32
      %scan3A_835 = arith.constant 48 : i32
      %scan3A_836 = arith.addi %scan3A_834, %scan3A_835 : i32
      %scan3A_837 = arith.constant 1 : i32
      scf.for %scan3A_1061 = %scan3A_834 to %scan3A_836 step %scan3A_837  : i32 {
        %mul3A_1062 = arith.constant 16 : i32
        %mul3A_1063 = arith.muli %scan3A_1061, %mul3A_1062 : i32
        %get3A_1064 = arith.constant 33 : i32
        %get3A_1065 = arith.index_cast %get3A_1064 : i32 to index
        %get3A_1066 = arith.index_cast %mul3A_1063 : i32 to index
        %get3A_1067 = tpu.vector_load %arg8[%get3A_1065, %get3A_1066] {strides = array<i32>} : memref<72x768xf32, #tpu.memory_space<vmem>>, vector<1x16xf32>,
        %get3A_1068 = vector.shape_cast %get3A_1067 : vector<1x16xf32> to vector<16xf32>
        %get3A_1069 = arith.constant 34 : i32
        %get3A_1070 = arith.index_cast %get3A_1069 : i32 to index
        %get3A_1071 = arith.index_cast %mul3A_1063 : i32 to index
        %get3A_1072 = tpu.vector_load %arg8[%get3A_1070, %get3A_1071] {strides = array<i32>} : memref<72x768xf32, #tpu.memory_space<vmem>>, vector<1x16xf32>,
        %get3A_1073 = vector.shape_cast %get3A_1072 : vector<1x16xf32> to vector<16xf32>
        %add3A_1074 = arith.addf %get3A_1068, %get3A_1073 : vector<16xf32>
        %get3A_1075 = arith.constant 35 : i32
        %get3A_1076 = arith.index_cast %get3A_1075 : i32 to index
        %get3A_1077 = arith.index_cast %mul3A_1063 : i32 to index
        %get3A_1078 = tpu.vector_load %arg8[%get3A_1076, %get3A_1077] {strides = array<i32>} : memref<72x768xf32, #tpu.memory_space<vmem>>, vector<1x16xf32>,
        %get3A_1079 = vector.shape_cast %get3A_1078 : vector<1x16xf32> to vector<16xf32>
        %add3A_1080 = arith.addf %add3A_1074, %get3A_1079 : vector<16xf32>
        %mul3A_1081 = arith.constant 0.0360843912 : f32
        %mul3A_1082 = vector.broadcast %mul3A_1081 : f32 to vector<16xf32>
        %mul3A_1083 = arith.mulf %add3A_1080, %mul3A_1082 : vector<16xf32>
        %swap3A_1084 = arith.constant 11 : i32
        %swap3A_1085 = arith.index_cast %swap3A_1084 : i32 to index
        %swap3A_1086 = arith.index_cast %mul3A_1063 : i32 to index
        %swap3A_1087 = tpu.vector_load %arg9[%swap3A_1085, %swap3A_1086] {strides = array<i32>} : memref<24x768xf32, #tpu.memory_space<vmem>>, vector<1x16xf32>,
        %swap3A_1088 = vector.shape_cast %swap3A_1087 : vector<1x16xf32> to vector<16xf32>
        %swap3A_1089 = vector.shape_cast %mul3A_1083 : vector<16xf32> to vector<1x16xf32>
        tpu.vector_store %arg9[%swap3A_1085, %swap3A_1086], %swap3A_1089 {strides = array<i32>} : memref<24x768xf32, #tpu.memory_space<vmem>>, vector<1x16xf32>,
      }
      %scan3A_838 = arith.constant 48 : i32
      %scan3A_839 = arith.constant 0 : i32
      %scan3A_840 = arith.constant 0 : i32
      %scan3A_841 = arith.constant 48 : i32
      %scan3A_842 = arith.addi %scan3A_840, %scan3A_841 : i32
      %scan3A_843 = arith.constant 1 : i32
      scf.for %scan3A_1061 = %scan3A_840 to %scan3A_842 step %scan3A_843  : i32 {
        %mul3A_1062 = arith.constant 16 : i32
        %mul3A_1063 = arith.muli %scan3A_1061, %mul3A_1062 : i32
        %get3A_1064 = arith.constant 36 : i32
        %get3A_1065 = arith.index_cast %get3A_1064 : i32 to index
        %get3A_1066 = arith.index_cast %mul3A_1063 : i32 to index
        %get3A_1067 = tpu.vector_load %arg8[%get3A_1065, %get3A_1066] {strides = array<i32>} : memref<72x768xf32, #tpu.memory_space<vmem>>, vector<1x16xf32>,
        %get3A_1068 = vector.shape_cast %get3A_1067 : vector<1x16xf32> to vector<16xf32>
        %get3A_1069 = arith.constant 37 : i32
        %get3A_1070 = arith.index_cast %get3A_1069 : i32 to index
        %get3A_1071 = arith.index_cast %mul3A_1063 : i32 to index
        %get3A_1072 = tpu.vector_load %arg8[%get3A_1070, %get3A_1071] {strides = array<i32>} : memref<72x768xf32, #tpu.memory_space<vmem>>, vector<1x16xf32>,
        %get3A_1073 = vector.shape_cast %get3A_1072 : vector<1x16xf32> to vector<16xf32>
        %add3A_1074 = arith.addf %get3A_1068, %get3A_1073 : vector<16xf32>
        %get3A_1075 = arith.constant 38 : i32
        %get3A_1076 = arith.index_cast %get3A_1075 : i32 to index
        %get3A_1077 = arith.index_cast %mul3A_1063 : i32 to index
        %get3A_1078 = tpu.vector_load %arg8[%get3A_1076, %get3A_1077] {strides = array<i32>} : memref<72x768xf32, #tpu.memory_space<vmem>>, vector<1x16xf32>,
        %get3A_1079 = vector.shape_cast %get3A_1078 : vector<1x16xf32> to vector<16xf32>
        %add3A_1080 = arith.addf %add3A_1074, %get3A_1079 : vector<16xf32>
        %mul3A_1081 = arith.constant 0.0360843912 : f32
        %mul3A_1082 = vector.broadcast %mul3A_1081 : f32 to vector<16xf32>
        %mul3A_1083 = arith.mulf %add3A_1080, %mul3A_1082 : vector<16xf32>
        %swap3A_1084 = arith.constant 12 : i32
        %swap3A_1085 = arith.index_cast %swap3A_1084 : i32 to index
        %swap3A_1086 = arith.index_cast %mul3A_1063 : i32 to index
        %swap3A_1087 = tpu.vector_load %arg9[%swap3A_1085, %swap3A_1086] {strides = array<i32>} : memref<24x768xf32, #tpu.memory_space<vmem>>, vector<1x16xf32>,
        %swap3A_1088 = vector.shape_cast %swap3A_1087 : vector<1x16xf32> to vector<16xf32>
        %swap3A_1089 = vector.shape_cast %mul3A_1083 : vector<16xf32> to vector<1x16xf32>
        tpu.vector_store %arg9[%swap3A_1085, %swap3A_1086], %swap3A_1089 {strides = array<i32>} : memref<24x768xf32, #tpu.memory_space<vmem>>, vector<1x16xf32>,
      }
      %scan3A_844 = arith.constant 48 : i32
      %scan3A_845 = arith.constant 0 : i32
      %scan3A_846 = arith.constant 0 : i32
      %scan3A_847 = arith.constant 48 : i32
      %scan3A_848 = arith.addi %scan3A_846, %scan3A_847 : i32
      %scan3A_849 = arith.constant 1 : i32
      scf.for %scan3A_1061 = %scan3A_846 to %scan3A_848 step %scan3A_849  : i32 {
        %mul3A_1062 = arith.constant 16 : i32
        %mul3A_1063 = arith.muli %scan3A_1061, %mul3A_1062 : i32
        %get3A_1064 = arith.constant 39 : i32
        %get3A_1065 = arith.index_cast %get3A_1064 : i32 to index
        %get3A_1066 = arith.index_cast %mul3A_1063 : i32 to index
        %get3A_1067 = tpu.vector_load %arg8[%get3A_1065, %get3A_1066] {strides = array<i32>} : memref<72x768xf32, #tpu.memory_space<vmem>>, vector<1x16xf32>,
        %get3A_1068 = vector.shape_cast %get3A_1067 : vector<1x16xf32> to vector<16xf32>
        %get3A_1069 = arith.constant 40 : i32
        %get3A_1070 = arith.index_cast %get3A_1069 : i32 to index
        %get3A_1071 = arith.index_cast %mul3A_1063 : i32 to index
        %get3A_1072 = tpu.vector_load %arg8[%get3A_1070, %get3A_1071] {strides = array<i32>} : memref<72x768xf32, #tpu.memory_space<vmem>>, vector<1x16xf32>,
        %get3A_1073 = vector.shape_cast %get3A_1072 : vector<1x16xf32> to vector<16xf32>
        %add3A_1074 = arith.addf %get3A_1068, %get3A_1073 : vector<16xf32>
        %get3A_1075 = arith.constant 41 : i32
        %get3A_1076 = arith.index_cast %get3A_1075 : i32 to index
        %get3A_1077 = arith.index_cast %mul3A_1063 : i32 to index
        %get3A_1078 = tpu.vector_load %arg8[%get3A_1076, %get3A_1077] {strides = array<i32>} : memref<72x768xf32, #tpu.memory_space<vmem>>, vector<1x16xf32>,
        %get3A_1079 = vector.shape_cast %get3A_1078 : vector<1x16xf32> to vector<16xf32>
        %add3A_1080 = arith.addf %add3A_1074, %get3A_1079 : vector<16xf32>
        %mul3A_1081 = arith.constant 0.0360843912 : f32
        %mul3A_1082 = vector.broadcast %mul3A_1081 : f32 to vector<16xf32>
        %mul3A_1083 = arith.mulf %add3A_1080, %mul3A_1082 : vector<16xf32>
        %swap3A_1084 = arith.constant 13 : i32
        %swap3A_1085 = arith.index_cast %swap3A_1084 : i32 to index
        %swap3A_1086 = arith.index_cast %mul3A_1063 : i32 to index
        %swap3A_1087 = tpu.vector_load %arg9[%swap3A_1085, %swap3A_1086] {strides = array<i32>} : memref<24x768xf32, #tpu.memory_space<vmem>>, vector<1x16xf32>,
        %swap3A_1088 = vector.shape_cast %swap3A_1087 : vector<1x16xf32> to vector<16xf32>
        %swap3A_1089 = vector.shape_cast %mul3A_1083 : vector<16xf32> to vector<1x16xf32>
        tpu.vector_store %arg9[%swap3A_1085, %swap3A_1086], %swap3A_1089 {strides = array<i32>} : memref<24x768xf32, #tpu.memory_space<vmem>>, vector<1x16xf32>,
      }
      %scan3A_850 = arith.constant 48 : i32
      %scan3A_851 = arith.constant 0 : i32
      %scan3A_852 = arith.constant 0 : i32
      %scan3A_853 = arith.constant 48 : i32
      %scan3A_854 = arith.addi %scan3A_852, %scan3A_853 : i32
      %scan3A_855 = arith.constant 1 : i32
      scf.for %scan3A_1061 = %scan3A_852 to %scan3A_854 step %scan3A_855  : i32 {
        %mul3A_1062 = arith.constant 16 : i32
        %mul3A_1063 = arith.muli %scan3A_1061, %mul3A_1062 : i32
        %get3A_1064 = arith.constant 42 : i32
        %get3A_1065 = arith.index_cast %get3A_1064 : i32 to index
        %get3A_1066 = arith.index_cast %mul3A_1063 : i32 to index
        %get3A_1067 = tpu.vector_load %arg8[%get3A_1065, %get3A_1066] {strides = array<i32>} : memref<72x768xf32, #tpu.memory_space<vmem>>, vector<1x16xf32>,
        %get3A_1068 = vector.shape_cast %get3A_1067 : vector<1x16xf32> to vector<16xf32>
        %get3A_1069 = arith.constant 43 : i32
        %get3A_1070 = arith.index_cast %get3A_1069 : i32 to index
        %get3A_1071 = arith.index_cast %mul3A_1063 : i32 to index
        %get3A_1072 = tpu.vector_load %arg8[%get3A_1070, %get3A_1071] {strides = array<i32>} : memref<72x768xf32, #tpu.memory_space<vmem>>, vector<1x16xf32>,
        %get3A_1073 = vector.shape_cast %get3A_1072 : vector<1x16xf32> to vector<16xf32>
        %add3A_1074 = arith.addf %get3A_1068, %get3A_1073 : vector<16xf32>
        %get3A_1075 = arith.constant 44 : i32
        %get3A_1076 = arith.index_cast %get3A_1075 : i32 to index
        %get3A_1077 = arith.index_cast %mul3A_1063 : i32 to index
        %get3A_1078 = tpu.vector_load %arg8[%get3A_1076, %get3A_1077] {strides = array<i32>} : memref<72x768xf32, #tpu.memory_space<vmem>>, vector<1x16xf32>,
        %get3A_1079 = vector.shape_cast %get3A_1078 : vector<1x16xf32> to vector<16xf32>
        %add3A_1080 = arith.addf %add3A_1074, %get3A_1079 : vector<16xf32>
        %mul3A_1081 = arith.constant 0.0360843912 : f32
        %mul3A_1082 = vector.broadcast %mul3A_1081 : f32 to vector<16xf32>
        %mul3A_1083 = arith.mulf %add3A_1080, %mul3A_1082 : vector<16xf32>
        %swap3A_1084 = arith.constant 14 : i32
        %swap3A_1085 = arith.index_cast %swap3A_1084 : i32 to index
        %swap3A_1086 = arith.index_cast %mul3A_1063 : i32 to index
        %swap3A_1087 = tpu.vector_load %arg9[%swap3A_1085, %swap3A_1086] {strides = array<i32>} : memref<24x768xf32, #tpu.memory_space<vmem>>, vector<1x16xf32>,
        %swap3A_1088 = vector.shape_cast %swap3A_1087 : vector<1x16xf32> to vector<16xf32>
        %swap3A_1089 = vector.shape_cast %mul3A_1083 : vector<16xf32> to vector<1x16xf32>
        tpu.vector_store %arg9[%swap3A_1085, %swap3A_1086], %swap3A_1089 {strides = array<i32>} : memref<24x768xf32, #tpu.memory_space<vmem>>, vector<1x16xf32>,
      }
      %scan3A_856 = arith.constant 48 : i32
      %scan3A_857 = arith.constant 0 : i32
      %scan3A_858 = arith.constant 0 : i32
      %scan3A_859 = arith.constant 48 : i32
      %scan3A_860 = arith.addi %scan3A_858, %scan3A_859 : i32
      %scan3A_861 = arith.constant 1 : i32
      scf.for %scan3A_1061 = %scan3A_858 to %scan3A_860 step %scan3A_861  : i32 {
        %mul3A_1062 = arith.constant 16 : i32
        %mul3A_1063 = arith.muli %scan3A_1061, %mul3A_1062 : i32
        %get3A_1064 = arith.constant 45 : i32
        %get3A_1065 = arith.index_cast %get3A_1064 : i32 to index
        %get3A_1066 = arith.index_cast %mul3A_1063 : i32 to index
        %get3A_1067 = tpu.vector_load %arg8[%get3A_1065, %get3A_1066] {strides = array<i32>} : memref<72x768xf32, #tpu.memory_space<vmem>>, vector<1x16xf32>,
        %get3A_1068 = vector.shape_cast %get3A_1067 : vector<1x16xf32> to vector<16xf32>
        %get3A_1069 = arith.constant 46 : i32
        %get3A_1070 = arith.index_cast %get3A_1069 : i32 to index
        %get3A_1071 = arith.index_cast %mul3A_1063 : i32 to index
        %get3A_1072 = tpu.vector_load %arg8[%get3A_1070, %get3A_1071] {strides = array<i32>} : memref<72x768xf32, #tpu.memory_space<vmem>>, vector<1x16xf32>,
        %get3A_1073 = vector.shape_cast %get3A_1072 : vector<1x16xf32> to vector<16xf32>
        %add3A_1074 = arith.addf %get3A_1068, %get3A_1073 : vector<16xf32>
        %get3A_1075 = arith.constant 47 : i32
        %get3A_1076 = arith.index_cast %get3A_1075 : i32 to index
        %get3A_1077 = arith.index_cast %mul3A_1063 : i32 to index
        %get3A_1078 = tpu.vector_load %arg8[%get3A_1076, %get3A_1077] {strides = array<i32>} : memref<72x768xf32, #tpu.memory_space<vmem>>, vector<1x16xf32>,
        %get3A_1079 = vector.shape_cast %get3A_1078 : vector<1x16xf32> to vector<16xf32>
        %add3A_1080 = arith.addf %add3A_1074, %get3A_1079 : vector<16xf32>
        %mul3A_1081 = arith.constant 0.0360843912 : f32
        %mul3A_1082 = vector.broadcast %mul3A_1081 : f32 to vector<16xf32>
        %mul3A_1083 = arith.mulf %add3A_1080, %mul3A_1082 : vector<16xf32>
        %swap3A_1084 = arith.constant 15 : i32
        %swap3A_1085 = arith.index_cast %swap3A_1084 : i32 to index
        %swap3A_1086 = arith.index_cast %mul3A_1063 : i32 to index
        %swap3A_1087 = tpu.vector_load %arg9[%swap3A_1085, %swap3A_1086] {strides = array<i32>} : memref<24x768xf32, #tpu.memory_space<vmem>>, vector<1x16xf32>,
        %swap3A_1088 = vector.shape_cast %swap3A_1087 : vector<1x16xf32> to vector<16xf32>
        %swap3A_1089 = vector.shape_cast %mul3A_1083 : vector<16xf32> to vector<1x16xf32>
        tpu.vector_store %arg9[%swap3A_1085, %swap3A_1086], %swap3A_1089 {strides = array<i32>} : memref<24x768xf32, #tpu.memory_space<vmem>>, vector<1x16xf32>,
      }
      %scan3A_862 = arith.constant 48 : i32
      %scan3A_863 = arith.constant 0 : i32
      %scan3A_864 = arith.constant 0 : i32
      %scan3A_865 = arith.constant 48 : i32
      %scan3A_866 = arith.addi %scan3A_864, %scan3A_865 : i32
      %scan3A_867 = arith.constant 1 : i32
      scf.for %scan3A_1061 = %scan3A_864 to %scan3A_866 step %scan3A_867  : i32 {
        %mul3A_1062 = arith.constant 16 : i32
        %mul3A_1063 = arith.muli %scan3A_1061, %mul3A_1062 : i32
        %get3A_1064 = arith.constant 48 : i32
        %get3A_1065 = arith.index_cast %get3A_1064 : i32 to index
        %get3A_1066 = arith.index_cast %mul3A_1063 : i32 to index
        %get3A_1067 = tpu.vector_load %arg8[%get3A_1065, %get3A_1066] {strides = array<i32>} : memref<72x768xf32, #tpu.memory_space<vmem>>, vector<1x16xf32>,
        %get3A_1068 = vector.shape_cast %get3A_1067 : vector<1x16xf32> to vector<16xf32>
        %get3A_1069 = arith.constant 49 : i32
        %get3A_1070 = arith.index_cast %get3A_1069 : i32 to index
        %get3A_1071 = arith.index_cast %mul3A_1063 : i32 to index
        %get3A_1072 = tpu.vector_load %arg8[%get3A_1070, %get3A_1071] {strides = array<i32>} : memref<72x768xf32, #tpu.memory_space<vmem>>, vector<1x16xf32>,
        %get3A_1073 = vector.shape_cast %get3A_1072 : vector<1x16xf32> to vector<16xf32>
        %add3A_1074 = arith.addf %get3A_1068, %get3A_1073 : vector<16xf32>
        %get3A_1075 = arith.constant 50 : i32
        %get3A_1076 = arith.index_cast %get3A_1075 : i32 to index
        %get3A_1077 = arith.index_cast %mul3A_1063 : i32 to index
        %get3A_1078 = tpu.vector_load %arg8[%get3A_1076, %get3A_1077] {strides = array<i32>} : memref<72x768xf32, #tpu.memory_space<vmem>>, vector<1x16xf32>,
        %get3A_1079 = vector.shape_cast %get3A_1078 : vector<1x16xf32> to vector<16xf32>
        %add3A_1080 = arith.addf %add3A_1074, %get3A_1079 : vector<16xf32>
        %mul3A_1081 = arith.constant 0.0360843912 : f32
        %mul3A_1082 = vector.broadcast %mul3A_1081 : f32 to vector<16xf32>
        %mul3A_1083 = arith.mulf %add3A_1080, %mul3A_1082 : vector<16xf32>
        %swap3A_1084 = arith.constant 16 : i32
        %swap3A_1085 = arith.index_cast %swap3A_1084 : i32 to index
        %swap3A_1086 = arith.index_cast %mul3A_1063 : i32 to index
        %swap3A_1087 = tpu.vector_load %arg9[%swap3A_1085, %swap3A_1086] {strides = array<i32>} : memref<24x768xf32, #tpu.memory_space<vmem>>, vector<1x16xf32>,
        %swap3A_1088 = vector.shape_cast %swap3A_1087 : vector<1x16xf32> to vector<16xf32>
        %swap3A_1089 = vector.shape_cast %mul3A_1083 : vector<16xf32> to vector<1x16xf32>
        tpu.vector_store %arg9[%swap3A_1085, %swap3A_1086], %swap3A_1089 {strides = array<i32>} : memref<24x768xf32, #tpu.memory_space<vmem>>, vector<1x16xf32>,
      }
      %scan3A_868 = arith.constant 48 : i32
      %scan3A_869 = arith.constant 0 : i32
      %scan3A_870 = arith.constant 0 : i32
      %scan3A_871 = arith.constant 48 : i32
      %scan3A_872 = arith.addi %scan3A_870, %scan3A_871 : i32
      %scan3A_873 = arith.constant 1 : i32
      scf.for %scan3A_1061 = %scan3A_870 to %scan3A_872 step %scan3A_873  : i32 {
        %mul3A_1062 = arith.constant 16 : i32
        %mul3A_1063 = arith.muli %scan3A_1061, %mul3A_1062 : i32
        %get3A_1064 = arith.constant 51 : i32
        %get3A_1065 = arith.index_cast %get3A_1064 : i32 to index
        %get3A_1066 = arith.index_cast %mul3A_1063 : i32 to index
        %get3A_1067 = tpu.vector_load %arg8[%get3A_1065, %get3A_1066] {strides = array<i32>} : memref<72x768xf32, #tpu.memory_space<vmem>>, vector<1x16xf32>,
        %get3A_1068 = vector.shape_cast %get3A_1067 : vector<1x16xf32> to vector<16xf32>
        %get3A_1069 = arith.constant 52 : i32
        %get3A_1070 = arith.index_cast %get3A_1069 : i32 to index
        %get3A_1071 = arith.index_cast %mul3A_1063 : i32 to index
        %get3A_1072 = tpu.vector_load %arg8[%get3A_1070, %get3A_1071] {strides = array<i32>} : memref<72x768xf32, #tpu.memory_space<vmem>>, vector<1x16xf32>,
        %get3A_1073 = vector.shape_cast %get3A_1072 : vector<1x16xf32> to vector<16xf32>
        %add3A_1074 = arith.addf %get3A_1068, %get3A_1073 : vector<16xf32>
        %get3A_1075 = arith.constant 53 : i32
        %get3A_1076 = arith.index_cast %get3A_1075 : i32 to index
        %get3A_1077 = arith.index_cast %mul3A_1063 : i32 to index
        %get3A_1078 = tpu.vector_load %arg8[%get3A_1076, %get3A_1077] {strides = array<i32>} : memref<72x768xf32, #tpu.memory_space<vmem>>, vector<1x16xf32>,
        %get3A_1079 = vector.shape_cast %get3A_1078 : vector<1x16xf32> to vector<16xf32>
        %add3A_1080 = arith.addf %add3A_1074, %get3A_1079 : vector<16xf32>
        %mul3A_1081 = arith.constant 0.0360843912 : f32
        %mul3A_1082 = vector.broadcast %mul3A_1081 : f32 to vector<16xf32>
        %mul3A_1083 = arith.mulf %add3A_1080, %mul3A_1082 : vector<16xf32>
        %swap3A_1084 = arith.constant 17 : i32
        %swap3A_1085 = arith.index_cast %swap3A_1084 : i32 to index
        %swap3A_1086 = arith.index_cast %mul3A_1063 : i32 to index
        %swap3A_1087 = tpu.vector_load %arg9[%swap3A_1085, %swap3A_1086] {strides = array<i32>} : memref<24x768xf32, #tpu.memory_space<vmem>>, vector<1x16xf32>,
        %swap3A_1088 = vector.shape_cast %swap3A_1087 : vector<1x16xf32> to vector<16xf32>
        %swap3A_1089 = vector.shape_cast %mul3A_1083 : vector<16xf32> to vector<1x16xf32>
        tpu.vector_store %arg9[%swap3A_1085, %swap3A_1086], %swap3A_1089 {strides = array<i32>} : memref<24x768xf32, #tpu.memory_space<vmem>>, vector<1x16xf32>,
      }
      %scan3A_874 = arith.constant 48 : i32
      %scan3A_875 = arith.constant 0 : i32
      %scan3A_876 = arith.constant 0 : i32
      %scan3A_877 = arith.constant 48 : i32
      %scan3A_878 = arith.addi %scan3A_876, %scan3A_877 : i32
      %scan3A_879 = arith.constant 1 : i32
      scf.for %scan3A_1061 = %scan3A_876 to %scan3A_878 step %scan3A_879  : i32 {
        %mul3A_1062 = arith.constant 16 : i32
        %mul3A_1063 = arith.muli %scan3A_1061, %mul3A_1062 : i32
        %get3A_1064 = arith.constant 54 : i32
        %get3A_1065 = arith.index_cast %get3A_1064 : i32 to index
        %get3A_1066 = arith.index_cast %mul3A_1063 : i32 to index
        %get3A_1067 = tpu.vector_load %arg8[%get3A_1065, %get3A_1066] {strides = array<i32>} : memref<72x768xf32, #tpu.memory_space<vmem>>, vector<1x16xf32>,
        %get3A_1068 = vector.shape_cast %get3A_1067 : vector<1x16xf32> to vector<16xf32>
        %get3A_1069 = arith.constant 55 : i32
        %get3A_1070 = arith.index_cast %get3A_1069 : i32 to index
        %get3A_1071 = arith.index_cast %mul3A_1063 : i32 to index
        %get3A_1072 = tpu.vector_load %arg8[%get3A_1070, %get3A_1071] {strides = array<i32>} : memref<72x768xf32, #tpu.memory_space<vmem>>, vector<1x16xf32>,
        %get3A_1073 = vector.shape_cast %get3A_1072 : vector<1x16xf32> to vector<16xf32>
        %add3A_1074 = arith.addf %get3A_1068, %get3A_1073 : vector<16xf32>
        %get3A_1075 = arith.constant 56 : i32
        %get3A_1076 = arith.index_cast %get3A_1075 : i32 to index
        %get3A_1077 = arith.index_cast %mul3A_1063 : i32 to index
        %get3A_1078 = tpu.vector_load %arg8[%get3A_1076, %get3A_1077] {strides = array<i32>} : memref<72x768xf32, #tpu.memory_space<vmem>>, vector<1x16xf32>,
        %get3A_1079 = vector.shape_cast %get3A_1078 : vector<1x16xf32> to vector<16xf32>
        %add3A_1080 = arith.addf %add3A_1074, %get3A_1079 : vector<16xf32>
        %mul3A_1081 = arith.constant 0.0360843912 : f32
        %mul3A_1082 = vector.broadcast %mul3A_1081 : f32 to vector<16xf32>
        %mul3A_1083 = arith.mulf %add3A_1080, %mul3A_1082 : vector<16xf32>
        %swap3A_1084 = arith.constant 18 : i32
        %swap3A_1085 = arith.index_cast %swap3A_1084 : i32 to index
        %swap3A_1086 = arith.index_cast %mul3A_1063 : i32 to index
        %swap3A_1087 = tpu.vector_load %arg9[%swap3A_1085, %swap3A_1086] {strides = array<i32>} : memref<24x768xf32, #tpu.memory_space<vmem>>, vector<1x16xf32>,
        %swap3A_1088 = vector.shape_cast %swap3A_1087 : vector<1x16xf32> to vector<16xf32>
        %swap3A_1089 = vector.shape_cast %mul3A_1083 : vector<16xf32> to vector<1x16xf32>
        tpu.vector_store %arg9[%swap3A_1085, %swap3A_1086], %swap3A_1089 {strides = array<i32>} : memref<24x768xf32, #tpu.memory_space<vmem>>, vector<1x16xf32>,
      }
      %scan3A_880 = arith.constant 48 : i32
      %scan3A_881 = arith.constant 0 : i32
      %scan3A_882 = arith.constant 0 : i32
      %scan3A_883 = arith.constant 48 : i32
      %scan3A_884 = arith.addi %scan3A_882, %scan3A_883 : i32
      %scan3A_885 = arith.constant 1 : i32
      scf.for %scan3A_1061 = %scan3A_882 to %scan3A_884 step %scan3A_885  : i32 {
        %mul3A_1062 = arith.constant 16 : i32
        %mul3A_1063 = arith.muli %scan3A_1061, %mul3A_1062 : i32
        %get3A_1064 = arith.constant 57 : i32
        %get3A_1065 = arith.index_cast %get3A_1064 : i32 to index
        %get3A_1066 = arith.index_cast %mul3A_1063 : i32 to index
        %get3A_1067 = tpu.vector_load %arg8[%get3A_1065, %get3A_1066] {strides = array<i32>} : memref<72x768xf32, #tpu.memory_space<vmem>>, vector<1x16xf32>,
        %get3A_1068 = vector.shape_cast %get3A_1067 : vector<1x16xf32> to vector<16xf32>
        %get3A_1069 = arith.constant 58 : i32
        %get3A_1070 = arith.index_cast %get3A_1069 : i32 to index
        %get3A_1071 = arith.index_cast %mul3A_1063 : i32 to index
        %get3A_1072 = tpu.vector_load %arg8[%get3A_1070, %get3A_1071] {strides = array<i32>} : memref<72x768xf32, #tpu.memory_space<vmem>>, vector<1x16xf32>,
        %get3A_1073 = vector.shape_cast %get3A_1072 : vector<1x16xf32> to vector<16xf32>
        %add3A_1074 = arith.addf %get3A_1068, %get3A_1073 : vector<16xf32>
        %get3A_1075 = arith.constant 59 : i32
        %get3A_1076 = arith.index_cast %get3A_1075 : i32 to index
        %get3A_1077 = arith.index_cast %mul3A_1063 : i32 to index
        %get3A_1078 = tpu.vector_load %arg8[%get3A_1076, %get3A_1077] {strides = array<i32>} : memref<72x768xf32, #tpu.memory_space<vmem>>, vector<1x16xf32>,
        %get3A_1079 = vector.shape_cast %get3A_1078 : vector<1x16xf32> to vector<16xf32>
        %add3A_1080 = arith.addf %add3A_1074, %get3A_1079 : vector<16xf32>
        %mul3A_1081 = arith.constant 0.0360843912 : f32
        %mul3A_1082 = vector.broadcast %mul3A_1081 : f32 to vector<16xf32>
        %mul3A_1083 = arith.mulf %add3A_1080, %mul3A_1082 : vector<16xf32>
        %swap3A_1084 = arith.constant 19 : i32
        %swap3A_1085 = arith.index_cast %swap3A_1084 : i32 to index
        %swap3A_1086 = arith.index_cast %mul3A_1063 : i32 to index
        %swap3A_1087 = tpu.vector_load %arg9[%swap3A_1085, %swap3A_1086] {strides = array<i32>} : memref<24x768xf32, #tpu.memory_space<vmem>>, vector<1x16xf32>,
        %swap3A_1088 = vector.shape_cast %swap3A_1087 : vector<1x16xf32> to vector<16xf32>
        %swap3A_1089 = vector.shape_cast %mul3A_1083 : vector<16xf32> to vector<1x16xf32>
        tpu.vector_store %arg9[%swap3A_1085, %swap3A_1086], %swap3A_1089 {strides = array<i32>} : memref<24x768xf32, #tpu.memory_space<vmem>>, vector<1x16xf32>,
      }
      %scan3A_886 = arith.constant 48 : i32
      %scan3A_887 = arith.constant 0 : i32
      %scan3A_888 = arith.constant 0 : i32
      %scan3A_889 = arith.constant 48 : i32
      %scan3A_890 = arith.addi %scan3A_888, %scan3A_889 : i32
      %scan3A_891 = arith.constant 1 : i32
      scf.for %scan3A_1061 = %scan3A_888 to %scan3A_890 step %scan3A_891  : i32 {
        %mul3A_1062 = arith.constant 16 : i32
        %mul3A_1063 = arith.muli %scan3A_1061, %mul3A_1062 : i32
        %get3A_1064 = arith.constant 60 : i32
        %get3A_1065 = arith.index_cast %get3A_1064 : i32 to index
        %get3A_1066 = arith.index_cast %mul3A_1063 : i32 to index
        %get3A_1067 = tpu.vector_load %arg8[%get3A_1065, %get3A_1066] {strides = array<i32>} : memref<72x768xf32, #tpu.memory_space<vmem>>, vector<1x16xf32>,
        %get3A_1068 = vector.shape_cast %get3A_1067 : vector<1x16xf32> to vector<16xf32>
        %get3A_1069 = arith.constant 61 : i32
        %get3A_1070 = arith.index_cast %get3A_1069 : i32 to index
        %get3A_1071 = arith.index_cast %mul3A_1063 : i32 to index
        %get3A_1072 = tpu.vector_load %arg8[%get3A_1070, %get3A_1071] {strides = array<i32>} : memref<72x768xf32, #tpu.memory_space<vmem>>, vector<1x16xf32>,
        %get3A_1073 = vector.shape_cast %get3A_1072 : vector<1x16xf32> to vector<16xf32>
        %add3A_1074 = arith.addf %get3A_1068, %get3A_1073 : vector<16xf32>
        %get3A_1075 = arith.constant 62 : i32
        %get3A_1076 = arith.index_cast %get3A_1075 : i32 to index
        %get3A_1077 = arith.index_cast %mul3A_1063 : i32 to index
        %get3A_1078 = tpu.vector_load %arg8[%get3A_1076, %get3A_1077] {strides = array<i32>} : memref<72x768xf32, #tpu.memory_space<vmem>>, vector<1x16xf32>,
        %get3A_1079 = vector.shape_cast %get3A_1078 : vector<1x16xf32> to vector<16xf32>
        %add3A_1080 = arith.addf %add3A_1074, %get3A_1079 : vector<16xf32>
        %mul3A_1081 = arith.constant 0.0360843912 : f32
        %mul3A_1082 = vector.broadcast %mul3A_1081 : f32 to vector<16xf32>
        %mul3A_1083 = arith.mulf %add3A_1080, %mul3A_1082 : vector<16xf32>
        %swap3A_1084 = arith.constant 20 : i32
        %swap3A_1085 = arith.index_cast %swap3A_1084 : i32 to index
        %swap3A_1086 = arith.index_cast %mul3A_1063 : i32 to index
        %swap3A_1087 = tpu.vector_load %arg9[%swap3A_1085, %swap3A_1086] {strides = array<i32>} : memref<24x768xf32, #tpu.memory_space<vmem>>, vector<1x16xf32>,
        %swap3A_1088 = vector.shape_cast %swap3A_1087 : vector<1x16xf32> to vector<16xf32>
        %swap3A_1089 = vector.shape_cast %mul3A_1083 : vector<16xf32> to vector<1x16xf32>
        tpu.vector_store %arg9[%swap3A_1085, %swap3A_1086], %swap3A_1089 {strides = array<i32>} : memref<24x768xf32, #tpu.memory_space<vmem>>, vector<1x16xf32>,
      }
      %scan3A_892 = arith.constant 48 : i32
      %scan3A_893 = arith.constant 0 : i32
      %scan3A_894 = arith.constant 0 : i32
      %scan3A_895 = arith.constant 48 : i32
      %scan3A_896 = arith.addi %scan3A_894, %scan3A_895 : i32
      %scan3A_897 = arith.constant 1 : i32
      scf.for %scan3A_1061 = %scan3A_894 to %scan3A_896 step %scan3A_897  : i32 {
        %mul3A_1062 = arith.constant 16 : i32
        %mul3A_1063 = arith.muli %scan3A_1061, %mul3A_1062 : i32
        %get3A_1064 = arith.constant 63 : i32
        %get3A_1065 = arith.index_cast %get3A_1064 : i32 to index
        %get3A_1066 = arith.index_cast %mul3A_1063 : i32 to index
        %get3A_1067 = tpu.vector_load %arg8[%get3A_1065, %get3A_1066] {strides = array<i32>} : memref<72x768xf32, #tpu.memory_space<vmem>>, vector<1x16xf32>,
        %get3A_1068 = vector.shape_cast %get3A_1067 : vector<1x16xf32> to vector<16xf32>
        %get3A_1069 = arith.constant 64 : i32
        %get3A_1070 = arith.index_cast %get3A_1069 : i32 to index
        %get3A_1071 = arith.index_cast %mul3A_1063 : i32 to index
        %get3A_1072 = tpu.vector_load %arg8[%get3A_1070, %get3A_1071] {strides = array<i32>} : memref<72x768xf32, #tpu.memory_space<vmem>>, vector<1x16xf32>,
        %get3A_1073 = vector.shape_cast %get3A_1072 : vector<1x16xf32> to vector<16xf32>
        %add3A_1074 = arith.addf %get3A_1068, %get3A_1073 : vector<16xf32>
        %get3A_1075 = arith.constant 65 : i32
        %get3A_1076 = arith.index_cast %get3A_1075 : i32 to index
        %get3A_1077 = arith.index_cast %mul3A_1063 : i32 to index
        %get3A_1078 = tpu.vector_load %arg8[%get3A_1076, %get3A_1077] {strides = array<i32>} : memref<72x768xf32, #tpu.memory_space<vmem>>, vector<1x16xf32>,
        %get3A_1079 = vector.shape_cast %get3A_1078 : vector<1x16xf32> to vector<16xf32>
        %add3A_1080 = arith.addf %add3A_1074, %get3A_1079 : vector<16xf32>
        %mul3A_1081 = arith.constant 0.0360843912 : f32
        %mul3A_1082 = vector.broadcast %mul3A_1081 : f32 to vector<16xf32>
        %mul3A_1083 = arith.mulf %add3A_1080, %mul3A_1082 : vector<16xf32>
        %swap3A_1084 = arith.constant 21 : i32
        %swap3A_1085 = arith.index_cast %swap3A_1084 : i32 to index
        %swap3A_1086 = arith.index_cast %mul3A_1063 : i32 to index
        %swap3A_1087 = tpu.vector_load %arg9[%swap3A_1085, %swap3A_1086] {strides = array<i32>} : memref<24x768xf32, #tpu.memory_space<vmem>>, vector<1x16xf32>,
        %swap3A_1088 = vector.shape_cast %swap3A_1087 : vector<1x16xf32> to vector<16xf32>
        %swap3A_1089 = vector.shape_cast %mul3A_1083 : vector<16xf32> to vector<1x16xf32>
        tpu.vector_store %arg9[%swap3A_1085, %swap3A_1086], %swap3A_1089 {strides = array<i32>} : memref<24x768xf32, #tpu.memory_space<vmem>>, vector<1x16xf32>,
      }
      %scan3A_898 = arith.constant 48 : i32
      %scan3A_899 = arith.constant 0 : i32
      %scan3A_900 = arith.constant 0 : i32
      %scan3A_901 = arith.constant 48 : i32
      %scan3A_902 = arith.addi %scan3A_900, %scan3A_901 : i32
      %scan3A_903 = arith.constant 1 : i32
      scf.for %scan3A_1061 = %scan3A_900 to %scan3A_902 step %scan3A_903  : i32 {
        %mul3A_1062 = arith.constant 16 : i32
        %mul3A_1063 = arith.muli %scan3A_1061, %mul3A_1062 : i32
        %get3A_1064 = arith.constant 66 : i32
        %get3A_1065 = arith.index_cast %get3A_1064 : i32 to index
        %get3A_1066 = arith.index_cast %mul3A_1063 : i32 to index
        %get3A_1067 = tpu.vector_load %arg8[%get3A_1065, %get3A_1066] {strides = array<i32>} : memref<72x768xf32, #tpu.memory_space<vmem>>, vector<1x16xf32>,
        %get3A_1068 = vector.shape_cast %get3A_1067 : vector<1x16xf32> to vector<16xf32>
        %get3A_1069 = arith.constant 67 : i32
        %get3A_1070 = arith.index_cast %get3A_1069 : i32 to index
        %get3A_1071 = arith.index_cast %mul3A_1063 : i32 to index
        %get3A_1072 = tpu.vector_load %arg8[%get3A_1070, %get3A_1071] {strides = array<i32>} : memref<72x768xf32, #tpu.memory_space<vmem>>, vector<1x16xf32>,
        %get3A_1073 = vector.shape_cast %get3A_1072 : vector<1x16xf32> to vector<16xf32>
        %add3A_1074 = arith.addf %get3A_1068, %get3A_1073 : vector<16xf32>
        %get3A_1075 = arith.constant 68 : i32
        %get3A_1076 = arith.index_cast %get3A_1075 : i32 to index
        %get3A_1077 = arith.index_cast %mul3A_1063 : i32 to index
        %get3A_1078 = tpu.vector_load %arg8[%get3A_1076, %get3A_1077] {strides = array<i32>} : memref<72x768xf32, #tpu.memory_space<vmem>>, vector<1x16xf32>,
        %get3A_1079 = vector.shape_cast %get3A_1078 : vector<1x16xf32> to vector<16xf32>
        %add3A_1080 = arith.addf %add3A_1074, %get3A_1079 : vector<16xf32>
        %mul3A_1081 = arith.constant 0.0360843912 : f32
        %mul3A_1082 = vector.broadcast %mul3A_1081 : f32 to vector<16xf32>
        %mul3A_1083 = arith.mulf %add3A_1080, %mul3A_1082 : vector<16xf32>
        %swap3A_1084 = arith.constant 22 : i32
        %swap3A_1085 = arith.index_cast %swap3A_1084 : i32 to index
        %swap3A_1086 = arith.index_cast %mul3A_1063 : i32 to index
        %swap3A_1087 = tpu.vector_load %arg9[%swap3A_1085, %swap3A_1086] {strides = array<i32>} : memref<24x768xf32, #tpu.memory_space<vmem>>, vector<1x16xf32>,
        %swap3A_1088 = vector.shape_cast %swap3A_1087 : vector<1x16xf32> to vector<16xf32>
        %swap3A_1089 = vector.shape_cast %mul3A_1083 : vector<16xf32> to vector<1x16xf32>
        tpu.vector_store %arg9[%swap3A_1085, %swap3A_1086], %swap3A_1089 {strides = array<i32>} : memref<24x768xf32, #tpu.memory_space<vmem>>, vector<1x16xf32>,
      }
      %scan3A_904 = arith.constant 48 : i32
      %scan3A_905 = arith.constant 0 : i32
      %scan3A_906 = arith.constant 0 : i32
      %scan3A_907 = arith.constant 48 : i32
      %scan3A_908 = arith.addi %scan3A_906, %scan3A_907 : i32
      %scan3A_909 = arith.constant 1 : i32
      scf.for %scan3A_1061 = %scan3A_906 to %scan3A_908 step %scan3A_909  : i32 {
        %mul3A_1062 = arith.constant 16 : i32
        %mul3A_1063 = arith.muli %scan3A_1061, %mul3A_1062 : i32
        %get3A_1064 = arith.constant 69 : i32
        %get3A_1065 = arith.index_cast %get3A_1064 : i32 to index
        %get3A_1066 = arith.index_cast %mul3A_1063 : i32 to index
        %get3A_1067 = tpu.vector_load %arg8[%get3A_1065, %get3A_1066] {strides = array<i32>} : memref<72x768xf32, #tpu.memory_space<vmem>>, vector<1x16xf32>,
        %get3A_1068 = vector.shape_cast %get3A_1067 : vector<1x16xf32> to vector<16xf32>
        %get3A_1069 = arith.constant 70 : i32
        %get3A_1070 = arith.index_cast %get3A_1069 : i32 to index
        %get3A_1071 = arith.index_cast %mul3A_1063 : i32 to index
        %get3A_1072 = tpu.vector_load %arg8[%get3A_1070, %get3A_1071] {strides = array<i32>} : memref<72x768xf32, #tpu.memory_space<vmem>>, vector<1x16xf32>,
        %get3A_1073 = vector.shape_cast %get3A_1072 : vector<1x16xf32> to vector<16xf32>
        %add3A_1074 = arith.addf %get3A_1068, %get3A_1073 : vector<16xf32>
        %get3A_1075 = arith.constant 71 : i32
        %get3A_1076 = arith.index_cast %get3A_1075 : i32 to index
        %get3A_1077 = arith.index_cast %mul3A_1063 : i32 to index
        %get3A_1078 = tpu.vector_load %arg8[%get3A_1076, %get3A_1077] {strides = array<i32>} : memref<72x768xf32, #tpu.memory_space<vmem>>, vector<1x16xf32>,
        %get3A_1079 = vector.shape_cast %get3A_1078 : vector<1x16xf32> to vector<16xf32>
        %add3A_1080 = arith.addf %add3A_1074, %get3A_1079 : vector<16xf32>
        %mul3A_1081 = arith.constant 0.0360843912 : f32
        %mul3A_1082 = vector.broadcast %mul3A_1081 : f32 to vector<16xf32>
        %mul3A_1083 = arith.mulf %add3A_1080, %mul3A_1082 : vector<16xf32>
        %swap3A_1084 = arith.constant 23 : i32
        %swap3A_1085 = arith.index_cast %swap3A_1084 : i32 to index
        %swap3A_1086 = arith.index_cast %mul3A_1063 : i32 to index
        %swap3A_1087 = tpu.vector_load %arg9[%swap3A_1085, %swap3A_1086] {strides = array<i32>} : memref<24x768xf32, #tpu.memory_space<vmem>>, vector<1x16xf32>,
        %swap3A_1088 = vector.shape_cast %swap3A_1087 : vector<1x16xf32> to vector<16xf32>
        %swap3A_1089 = vector.shape_cast %mul3A_1083 : vector<16xf32> to vector<1x16xf32>
        tpu.vector_store %arg9[%swap3A_1085, %swap3A_1086], %swap3A_1089 {strides = array<i32>} : memref<24x768xf32, #tpu.memory_space<vmem>>, vector<1x16xf32>,
      }
      %scan3A_910 = arith.constant 48 : i32
      "tpu.region"() ({
        %run_scoped3A = tpu.sem_alloc : memref<!tpu.dma_semaphore, #tpu.memory_space<semaphore_mem>>
        %dma_start3A_1061 = arith.constant 0 : i32
        %dma_start3A_1062 = tpu.memref_slice %arg14[%add3A_764, %dma_start3A_1061] : memref<720x768xf32, #tpu.memory_space<vmem_shared>> -> memref<24x768xf32, #tpu.memory_space<vmem_shared>>
        %dma_start3A_1063 = arith.constant 0 : i32
        %dma_start3A_1064 = tpu.memref_slice %arg14[%add3A_764, %dma_start3A_1063] : memref<720x768xf32, #tpu.memory_space<vmem_shared>> -> memref<24x768xf32, #tpu.memory_space<vmem_shared>>
        tpu.enqueue_dma source(%arg9 : memref<24x768xf32, #tpu.memory_space<vmem>>) target(%dma_start3A_1064 : memref<24x768xf32, #tpu.memory_space<vmem_shared>>) target_semaphore(%run_scoped3A : memref<!tpu.dma_semaphore, #tpu.memory_space<semaphore_mem>>)
        %dma_wait3A_1065 = arith.constant 0 : i32
        %dma_wait3A_1066 = tpu.memref_slice %arg14[%add3A_764, %dma_wait3A_1065] : memref<720x768xf32, #tpu.memory_space<vmem_shared>> -> memref<24x768xf32, #tpu.memory_space<vmem_shared>>
        %dma_wait3A_1067 = arith.constant 0 : i32
        %dma_wait3A_1068 = tpu.memref_slice %arg14[%add3A_764, %dma_wait3A_1067] : memref<720x768xf32, #tpu.memory_space<vmem_shared>> -> memref<24x768xf32, #tpu.memory_space<vmem_shared>>
        tpu.wait_dma2 semaphore(%run_scoped3A : memref<!tpu.dma_semaphore, #tpu.memory_space<semaphore_mem>>) src(%arg9 : memref<24x768xf32, #tpu.memory_space<vmem>>) dst(%dma_wait3A_1068 : memref<24x768xf32, #tpu.memory_space<vmem_shared>>)
        tpu.yield
      }) : () -> ()
      %mul3A_911 = arith.constant 48 : i32
      %mul3A_912 = arith.muli %mul3A_911, %arg1 : i32
      %add3A_913 = arith.constant 24 : i32
      %add3A_914 = arith.addi %mul3A_912, %add3A_913 : i32
      %mul3A_915 = arith.constant 3 : i32
      %mul3A_916 = arith.muli %mul3A_915, %add3A_914 : i32
      "tpu.region"() ({
        %run_scoped3A = tpu.sem_alloc : memref<!tpu.dma_semaphore, #tpu.memory_space<semaphore_mem>>
        %dma_start3A_1061 = arith.constant 0 : i32
        %dma_start3A_1062 = tpu.memref_slice %arg4[%mul3A_916, %dma_start3A_1061] : memref<2200x768xf32, #tpu.memory_space<hbm>> -> memref<72x768xf32, #tpu.memory_space<hbm>>
        %dma_start3A_1063 = arith.constant 0 : i32
        %dma_start3A_1064 = tpu.memref_slice %arg4[%mul3A_916, %dma_start3A_1063] : memref<2200x768xf32, #tpu.memory_space<hbm>> -> memref<72x768xf32, #tpu.memory_space<hbm>>
        tpu.enqueue_dma source(%dma_start3A_1064 : memref<72x768xf32, #tpu.memory_space<hbm>>) target(%arg8 : memref<72x768xf32, #tpu.memory_space<vmem>>) target_semaphore(%run_scoped3A : memref<!tpu.dma_semaphore, #tpu.memory_space<semaphore_mem>>)
        %dma_wait3A_1065 = arith.constant 0 : i32
        %dma_wait3A_1066 = tpu.memref_slice %arg4[%mul3A_916, %dma_wait3A_1065] : memref<2200x768xf32, #tpu.memory_space<hbm>> -> memref<72x768xf32, #tpu.memory_space<hbm>>
        %dma_wait3A_1067 = arith.constant 0 : i32
        %dma_wait3A_1068 = tpu.memref_slice %arg4[%mul3A_916, %dma_wait3A_1067] : memref<2200x768xf32, #tpu.memory_space<hbm>> -> memref<72x768xf32, #tpu.memory_space<hbm>>
        tpu.wait_dma2 semaphore(%run_scoped3A : memref<!tpu.dma_semaphore, #tpu.memory_space<semaphore_mem>>) src(%dma_wait3A_1068 : memref<72x768xf32, #tpu.memory_space<hbm>>) dst(%arg8 : memref<72x768xf32, #tpu.memory_space<vmem>>)
        tpu.yield
      }) : () -> ()
      %scan3A_917 = arith.constant 0 : i32
      %scan3A_918 = arith.constant 0 : i32
      %scan3A_919 = arith.constant 48 : i32
      %scan3A_920 = arith.addi %scan3A_918, %scan3A_919 : i32
      %scan3A_921 = arith.constant 1 : i32
      scf.for %scan3A_1061 = %scan3A_918 to %scan3A_920 step %scan3A_921  : i32 {
        %mul3A_1062 = arith.constant 16 : i32
        %mul3A_1063 = arith.muli %scan3A_1061, %mul3A_1062 : i32
        %get3A_1064 = arith.constant 0 : i32
        %get3A_1065 = arith.index_cast %get3A_1064 : i32 to index
        %get3A_1066 = arith.index_cast %mul3A_1063 : i32 to index
        %get3A_1067 = tpu.vector_load %arg8[%get3A_1065, %get3A_1066] {strides = array<i32>} : memref<72x768xf32, #tpu.memory_space<vmem>>, vector<1x16xf32>,
        %get3A_1068 = vector.shape_cast %get3A_1067 : vector<1x16xf32> to vector<16xf32>
        %get3A_1069 = arith.constant 1 : i32
        %get3A_1070 = arith.index_cast %get3A_1069 : i32 to index
        %get3A_1071 = arith.index_cast %mul3A_1063 : i32 to index
        %get3A_1072 = tpu.vector_load %arg8[%get3A_1070, %get3A_1071] {strides = array<i32>} : memref<72x768xf32, #tpu.memory_space<vmem>>, vector<1x16xf32>,
        %get3A_1073 = vector.shape_cast %get3A_1072 : vector<1x16xf32> to vector<16xf32>
        %add3A_1074 = arith.addf %get3A_1068, %get3A_1073 : vector<16xf32>
        %get3A_1075 = arith.constant 2 : i32
        %get3A_1076 = arith.index_cast %get3A_1075 : i32 to index
        %get3A_1077 = arith.index_cast %mul3A_1063 : i32 to index
        %get3A_1078 = tpu.vector_load %arg8[%get3A_1076, %get3A_1077] {strides = array<i32>} : memref<72x768xf32, #tpu.memory_space<vmem>>, vector<1x16xf32>,
        %get3A_1079 = vector.shape_cast %get3A_1078 : vector<1x16xf32> to vector<16xf32>
        %add3A_1080 = arith.addf %add3A_1074, %get3A_1079 : vector<16xf32>
        %mul3A_1081 = arith.constant 0.0360843912 : f32
        %mul3A_1082 = vector.broadcast %mul3A_1081 : f32 to vector<16xf32>
        %mul3A_1083 = arith.mulf %add3A_1080, %mul3A_1082 : vector<16xf32>
        %swap3A_1084 = arith.constant 0 : i32
        %swap3A_1085 = arith.index_cast %swap3A_1084 : i32 to index
        %swap3A_1086 = arith.index_cast %mul3A_1063 : i32 to index
        %swap3A_1087 = tpu.vector_load %arg9[%swap3A_1085, %swap3A_1086] {strides = array<i32>} : memref<24x768xf32, #tpu.memory_space<vmem>>, vector<1x16xf32>,
        %swap3A_1088 = vector.shape_cast %swap3A_1087 : vector<1x16xf32> to vector<16xf32>
        %swap3A_1089 = vector.shape_cast %mul3A_1083 : vector<16xf32> to vector<1x16xf32>
        tpu.vector_store %arg9[%swap3A_1085, %swap3A_1086], %swap3A_1089 {strides = array<i32>} : memref<24x768xf32, #tpu.memory_space<vmem>>, vector<1x16xf32>,
      }
      %scan3A_922 = arith.constant 48 : i32
      %scan3A_923 = arith.constant 0 : i32
      %scan3A_924 = arith.constant 0 : i32
      %scan3A_925 = arith.constant 48 : i32
      %scan3A_926 = arith.addi %scan3A_924, %scan3A_925 : i32
      %scan3A_927 = arith.constant 1 : i32
      scf.for %scan3A_1061 = %scan3A_924 to %scan3A_926 step %scan3A_927  : i32 {
        %mul3A_1062 = arith.constant 16 : i32
        %mul3A_1063 = arith.muli %scan3A_1061, %mul3A_1062 : i32
        %get3A_1064 = arith.constant 3 : i32
        %get3A_1065 = arith.index_cast %get3A_1064 : i32 to index
        %get3A_1066 = arith.index_cast %mul3A_1063 : i32 to index
        %get3A_1067 = tpu.vector_load %arg8[%get3A_1065, %get3A_1066] {strides = array<i32>} : memref<72x768xf32, #tpu.memory_space<vmem>>, vector<1x16xf32>,
        %get3A_1068 = vector.shape_cast %get3A_1067 : vector<1x16xf32> to vector<16xf32>
        %get3A_1069 = arith.constant 4 : i32
        %get3A_1070 = arith.index_cast %get3A_1069 : i32 to index
        %get3A_1071 = arith.index_cast %mul3A_1063 : i32 to index
        %get3A_1072 = tpu.vector_load %arg8[%get3A_1070, %get3A_1071] {strides = array<i32>} : memref<72x768xf32, #tpu.memory_space<vmem>>, vector<1x16xf32>,
        %get3A_1073 = vector.shape_cast %get3A_1072 : vector<1x16xf32> to vector<16xf32>
        %add3A_1074 = arith.addf %get3A_1068, %get3A_1073 : vector<16xf32>
        %get3A_1075 = arith.constant 5 : i32
        %get3A_1076 = arith.index_cast %get3A_1075 : i32 to index
        %get3A_1077 = arith.index_cast %mul3A_1063 : i32 to index
        %get3A_1078 = tpu.vector_load %arg8[%get3A_1076, %get3A_1077] {strides = array<i32>} : memref<72x768xf32, #tpu.memory_space<vmem>>, vector<1x16xf32>,
        %get3A_1079 = vector.shape_cast %get3A_1078 : vector<1x16xf32> to vector<16xf32>
        %add3A_1080 = arith.addf %add3A_1074, %get3A_1079 : vector<16xf32>
        %mul3A_1081 = arith.constant 0.0360843912 : f32
        %mul3A_1082 = vector.broadcast %mul3A_1081 : f32 to vector<16xf32>
        %mul3A_1083 = arith.mulf %add3A_1080, %mul3A_1082 : vector<16xf32>
        %swap3A_1084 = arith.constant 1 : i32
        %swap3A_1085 = arith.index_cast %swap3A_1084 : i32 to index
        %swap3A_1086 = arith.index_cast %mul3A_1063 : i32 to index
        %swap3A_1087 = tpu.vector_load %arg9[%swap3A_1085, %swap3A_1086] {strides = array<i32>} : memref<24x768xf32, #tpu.memory_space<vmem>>, vector<1x16xf32>,
        %swap3A_1088 = vector.shape_cast %swap3A_1087 : vector<1x16xf32> to vector<16xf32>
        %swap3A_1089 = vector.shape_cast %mul3A_1083 : vector<16xf32> to vector<1x16xf32>
        tpu.vector_store %arg9[%swap3A_1085, %swap3A_1086], %swap3A_1089 {strides = array<i32>} : memref<24x768xf32, #tpu.memory_space<vmem>>, vector<1x16xf32>,
      }
      %scan3A_928 = arith.constant 48 : i32
      %scan3A_929 = arith.constant 0 : i32
      %scan3A_930 = arith.constant 0 : i32
      %scan3A_931 = arith.constant 48 : i32
      %scan3A_932 = arith.addi %scan3A_930, %scan3A_931 : i32
      %scan3A_933 = arith.constant 1 : i32
      scf.for %scan3A_1061 = %scan3A_930 to %scan3A_932 step %scan3A_933  : i32 {
        %mul3A_1062 = arith.constant 16 : i32
        %mul3A_1063 = arith.muli %scan3A_1061, %mul3A_1062 : i32
        %get3A_1064 = arith.constant 6 : i32
        %get3A_1065 = arith.index_cast %get3A_1064 : i32 to index
        %get3A_1066 = arith.index_cast %mul3A_1063 : i32 to index
        %get3A_1067 = tpu.vector_load %arg8[%get3A_1065, %get3A_1066] {strides = array<i32>} : memref<72x768xf32, #tpu.memory_space<vmem>>, vector<1x16xf32>,
        %get3A_1068 = vector.shape_cast %get3A_1067 : vector<1x16xf32> to vector<16xf32>
        %get3A_1069 = arith.constant 7 : i32
        %get3A_1070 = arith.index_cast %get3A_1069 : i32 to index
        %get3A_1071 = arith.index_cast %mul3A_1063 : i32 to index
        %get3A_1072 = tpu.vector_load %arg8[%get3A_1070, %get3A_1071] {strides = array<i32>} : memref<72x768xf32, #tpu.memory_space<vmem>>, vector<1x16xf32>,
        %get3A_1073 = vector.shape_cast %get3A_1072 : vector<1x16xf32> to vector<16xf32>
        %add3A_1074 = arith.addf %get3A_1068, %get3A_1073 : vector<16xf32>
        %get3A_1075 = arith.constant 8 : i32
        %get3A_1076 = arith.index_cast %get3A_1075 : i32 to index
        %get3A_1077 = arith.index_cast %mul3A_1063 : i32 to index
        %get3A_1078 = tpu.vector_load %arg8[%get3A_1076, %get3A_1077] {strides = array<i32>} : memref<72x768xf32, #tpu.memory_space<vmem>>, vector<1x16xf32>,
        %get3A_1079 = vector.shape_cast %get3A_1078 : vector<1x16xf32> to vector<16xf32>
        %add3A_1080 = arith.addf %add3A_1074, %get3A_1079 : vector<16xf32>
        %mul3A_1081 = arith.constant 0.0360843912 : f32
        %mul3A_1082 = vector.broadcast %mul3A_1081 : f32 to vector<16xf32>
        %mul3A_1083 = arith.mulf %add3A_1080, %mul3A_1082 : vector<16xf32>
        %swap3A_1084 = arith.constant 2 : i32
        %swap3A_1085 = arith.index_cast %swap3A_1084 : i32 to index
        %swap3A_1086 = arith.index_cast %mul3A_1063 : i32 to index
        %swap3A_1087 = tpu.vector_load %arg9[%swap3A_1085, %swap3A_1086] {strides = array<i32>} : memref<24x768xf32, #tpu.memory_space<vmem>>, vector<1x16xf32>,
        %swap3A_1088 = vector.shape_cast %swap3A_1087 : vector<1x16xf32> to vector<16xf32>
        %swap3A_1089 = vector.shape_cast %mul3A_1083 : vector<16xf32> to vector<1x16xf32>
        tpu.vector_store %arg9[%swap3A_1085, %swap3A_1086], %swap3A_1089 {strides = array<i32>} : memref<24x768xf32, #tpu.memory_space<vmem>>, vector<1x16xf32>,
      }
      %scan3A_934 = arith.constant 48 : i32
      %scan3A_935 = arith.constant 0 : i32
      %scan3A_936 = arith.constant 0 : i32
      %scan3A_937 = arith.constant 48 : i32
      %scan3A_938 = arith.addi %scan3A_936, %scan3A_937 : i32
      %scan3A_939 = arith.constant 1 : i32
      scf.for %scan3A_1061 = %scan3A_936 to %scan3A_938 step %scan3A_939  : i32 {
        %mul3A_1062 = arith.constant 16 : i32
        %mul3A_1063 = arith.muli %scan3A_1061, %mul3A_1062 : i32
        %get3A_1064 = arith.constant 9 : i32
        %get3A_1065 = arith.index_cast %get3A_1064 : i32 to index
        %get3A_1066 = arith.index_cast %mul3A_1063 : i32 to index
        %get3A_1067 = tpu.vector_load %arg8[%get3A_1065, %get3A_1066] {strides = array<i32>} : memref<72x768xf32, #tpu.memory_space<vmem>>, vector<1x16xf32>,
        %get3A_1068 = vector.shape_cast %get3A_1067 : vector<1x16xf32> to vector<16xf32>
        %get3A_1069 = arith.constant 10 : i32
        %get3A_1070 = arith.index_cast %get3A_1069 : i32 to index
        %get3A_1071 = arith.index_cast %mul3A_1063 : i32 to index
        %get3A_1072 = tpu.vector_load %arg8[%get3A_1070, %get3A_1071] {strides = array<i32>} : memref<72x768xf32, #tpu.memory_space<vmem>>, vector<1x16xf32>,
        %get3A_1073 = vector.shape_cast %get3A_1072 : vector<1x16xf32> to vector<16xf32>
        %add3A_1074 = arith.addf %get3A_1068, %get3A_1073 : vector<16xf32>
        %get3A_1075 = arith.constant 11 : i32
        %get3A_1076 = arith.index_cast %get3A_1075 : i32 to index
        %get3A_1077 = arith.index_cast %mul3A_1063 : i32 to index
        %get3A_1078 = tpu.vector_load %arg8[%get3A_1076, %get3A_1077] {strides = array<i32>} : memref<72x768xf32, #tpu.memory_space<vmem>>, vector<1x16xf32>,
        %get3A_1079 = vector.shape_cast %get3A_1078 : vector<1x16xf32> to vector<16xf32>
        %add3A_1080 = arith.addf %add3A_1074, %get3A_1079 : vector<16xf32>
        %mul3A_1081 = arith.constant 0.0360843912 : f32
        %mul3A_1082 = vector.broadcast %mul3A_1081 : f32 to vector<16xf32>
        %mul3A_1083 = arith.mulf %add3A_1080, %mul3A_1082 : vector<16xf32>
        %swap3A_1084 = arith.constant 3 : i32
        %swap3A_1085 = arith.index_cast %swap3A_1084 : i32 to index
        %swap3A_1086 = arith.index_cast %mul3A_1063 : i32 to index
        %swap3A_1087 = tpu.vector_load %arg9[%swap3A_1085, %swap3A_1086] {strides = array<i32>} : memref<24x768xf32, #tpu.memory_space<vmem>>, vector<1x16xf32>,
        %swap3A_1088 = vector.shape_cast %swap3A_1087 : vector<1x16xf32> to vector<16xf32>
        %swap3A_1089 = vector.shape_cast %mul3A_1083 : vector<16xf32> to vector<1x16xf32>
        tpu.vector_store %arg9[%swap3A_1085, %swap3A_1086], %swap3A_1089 {strides = array<i32>} : memref<24x768xf32, #tpu.memory_space<vmem>>, vector<1x16xf32>,
      }
      %scan3A_940 = arith.constant 48 : i32
      %scan3A_941 = arith.constant 0 : i32
      %scan3A_942 = arith.constant 0 : i32
      %scan3A_943 = arith.constant 48 : i32
      %scan3A_944 = arith.addi %scan3A_942, %scan3A_943 : i32
      %scan3A_945 = arith.constant 1 : i32
      scf.for %scan3A_1061 = %scan3A_942 to %scan3A_944 step %scan3A_945  : i32 {
        %mul3A_1062 = arith.constant 16 : i32
        %mul3A_1063 = arith.muli %scan3A_1061, %mul3A_1062 : i32
        %get3A_1064 = arith.constant 12 : i32
        %get3A_1065 = arith.index_cast %get3A_1064 : i32 to index
        %get3A_1066 = arith.index_cast %mul3A_1063 : i32 to index
        %get3A_1067 = tpu.vector_load %arg8[%get3A_1065, %get3A_1066] {strides = array<i32>} : memref<72x768xf32, #tpu.memory_space<vmem>>, vector<1x16xf32>,
        %get3A_1068 = vector.shape_cast %get3A_1067 : vector<1x16xf32> to vector<16xf32>
        %get3A_1069 = arith.constant 13 : i32
        %get3A_1070 = arith.index_cast %get3A_1069 : i32 to index
        %get3A_1071 = arith.index_cast %mul3A_1063 : i32 to index
        %get3A_1072 = tpu.vector_load %arg8[%get3A_1070, %get3A_1071] {strides = array<i32>} : memref<72x768xf32, #tpu.memory_space<vmem>>, vector<1x16xf32>,
        %get3A_1073 = vector.shape_cast %get3A_1072 : vector<1x16xf32> to vector<16xf32>
        %add3A_1074 = arith.addf %get3A_1068, %get3A_1073 : vector<16xf32>
        %get3A_1075 = arith.constant 14 : i32
        %get3A_1076 = arith.index_cast %get3A_1075 : i32 to index
        %get3A_1077 = arith.index_cast %mul3A_1063 : i32 to index
        %get3A_1078 = tpu.vector_load %arg8[%get3A_1076, %get3A_1077] {strides = array<i32>} : memref<72x768xf32, #tpu.memory_space<vmem>>, vector<1x16xf32>,
        %get3A_1079 = vector.shape_cast %get3A_1078 : vector<1x16xf32> to vector<16xf32>
        %add3A_1080 = arith.addf %add3A_1074, %get3A_1079 : vector<16xf32>
        %mul3A_1081 = arith.constant 0.0360843912 : f32
        %mul3A_1082 = vector.broadcast %mul3A_1081 : f32 to vector<16xf32>
        %mul3A_1083 = arith.mulf %add3A_1080, %mul3A_1082 : vector<16xf32>
        %swap3A_1084 = arith.constant 4 : i32
        %swap3A_1085 = arith.index_cast %swap3A_1084 : i32 to index
        %swap3A_1086 = arith.index_cast %mul3A_1063 : i32 to index
        %swap3A_1087 = tpu.vector_load %arg9[%swap3A_1085, %swap3A_1086] {strides = array<i32>} : memref<24x768xf32, #tpu.memory_space<vmem>>, vector<1x16xf32>,
        %swap3A_1088 = vector.shape_cast %swap3A_1087 : vector<1x16xf32> to vector<16xf32>
        %swap3A_1089 = vector.shape_cast %mul3A_1083 : vector<16xf32> to vector<1x16xf32>
        tpu.vector_store %arg9[%swap3A_1085, %swap3A_1086], %swap3A_1089 {strides = array<i32>} : memref<24x768xf32, #tpu.memory_space<vmem>>, vector<1x16xf32>,
      }
      %scan3A_946 = arith.constant 48 : i32
      %scan3A_947 = arith.constant 0 : i32
      %scan3A_948 = arith.constant 0 : i32
      %scan3A_949 = arith.constant 48 : i32
      %scan3A_950 = arith.addi %scan3A_948, %scan3A_949 : i32
      %scan3A_951 = arith.constant 1 : i32
      scf.for %scan3A_1061 = %scan3A_948 to %scan3A_950 step %scan3A_951  : i32 {
        %mul3A_1062 = arith.constant 16 : i32
        %mul3A_1063 = arith.muli %scan3A_1061, %mul3A_1062 : i32
        %get3A_1064 = arith.constant 15 : i32
        %get3A_1065 = arith.index_cast %get3A_1064 : i32 to index
        %get3A_1066 = arith.index_cast %mul3A_1063 : i32 to index
        %get3A_1067 = tpu.vector_load %arg8[%get3A_1065, %get3A_1066] {strides = array<i32>} : memref<72x768xf32, #tpu.memory_space<vmem>>, vector<1x16xf32>,
        %get3A_1068 = vector.shape_cast %get3A_1067 : vector<1x16xf32> to vector<16xf32>
        %get3A_1069 = arith.constant 16 : i32
        %get3A_1070 = arith.index_cast %get3A_1069 : i32 to index
        %get3A_1071 = arith.index_cast %mul3A_1063 : i32 to index
        %get3A_1072 = tpu.vector_load %arg8[%get3A_1070, %get3A_1071] {strides = array<i32>} : memref<72x768xf32, #tpu.memory_space<vmem>>, vector<1x16xf32>,
        %get3A_1073 = vector.shape_cast %get3A_1072 : vector<1x16xf32> to vector<16xf32>
        %add3A_1074 = arith.addf %get3A_1068, %get3A_1073 : vector<16xf32>
        %get3A_1075 = arith.constant 17 : i32
        %get3A_1076 = arith.index_cast %get3A_1075 : i32 to index
        %get3A_1077 = arith.index_cast %mul3A_1063 : i32 to index
        %get3A_1078 = tpu.vector_load %arg8[%get3A_1076, %get3A_1077] {strides = array<i32>} : memref<72x768xf32, #tpu.memory_space<vmem>>, vector<1x16xf32>,
        %get3A_1079 = vector.shape_cast %get3A_1078 : vector<1x16xf32> to vector<16xf32>
        %add3A_1080 = arith.addf %add3A_1074, %get3A_1079 : vector<16xf32>
        %mul3A_1081 = arith.constant 0.0360843912 : f32
        %mul3A_1082 = vector.broadcast %mul3A_1081 : f32 to vector<16xf32>
        %mul3A_1083 = arith.mulf %add3A_1080, %mul3A_1082 : vector<16xf32>
        %swap3A_1084 = arith.constant 5 : i32
        %swap3A_1085 = arith.index_cast %swap3A_1084 : i32 to index
        %swap3A_1086 = arith.index_cast %mul3A_1063 : i32 to index
        %swap3A_1087 = tpu.vector_load %arg9[%swap3A_1085, %swap3A_1086] {strides = array<i32>} : memref<24x768xf32, #tpu.memory_space<vmem>>, vector<1x16xf32>,
        %swap3A_1088 = vector.shape_cast %swap3A_1087 : vector<1x16xf32> to vector<16xf32>
        %swap3A_1089 = vector.shape_cast %mul3A_1083 : vector<16xf32> to vector<1x16xf32>
        tpu.vector_store %arg9[%swap3A_1085, %swap3A_1086], %swap3A_1089 {strides = array<i32>} : memref<24x768xf32, #tpu.memory_space<vmem>>, vector<1x16xf32>,
      }
      %scan3A_952 = arith.constant 48 : i32
      %scan3A_953 = arith.constant 0 : i32
      %scan3A_954 = arith.constant 0 : i32
      %scan3A_955 = arith.constant 48 : i32
      %scan3A_956 = arith.addi %scan3A_954, %scan3A_955 : i32
      %scan3A_957 = arith.constant 1 : i32
      scf.for %scan3A_1061 = %scan3A_954 to %scan3A_956 step %scan3A_957  : i32 {
        %mul3A_1062 = arith.constant 16 : i32
        %mul3A_1063 = arith.muli %scan3A_1061, %mul3A_1062 : i32
        %get3A_1064 = arith.constant 18 : i32
        %get3A_1065 = arith.index_cast %get3A_1064 : i32 to index
        %get3A_1066 = arith.index_cast %mul3A_1063 : i32 to index
        %get3A_1067 = tpu.vector_load %arg8[%get3A_1065, %get3A_1066] {strides = array<i32>} : memref<72x768xf32, #tpu.memory_space<vmem>>, vector<1x16xf32>,
        %get3A_1068 = vector.shape_cast %get3A_1067 : vector<1x16xf32> to vector<16xf32>
        %get3A_1069 = arith.constant 19 : i32
        %get3A_1070 = arith.index_cast %get3A_1069 : i32 to index
        %get3A_1071 = arith.index_cast %mul3A_1063 : i32 to index
        %get3A_1072 = tpu.vector_load %arg8[%get3A_1070, %get3A_1071] {strides = array<i32>} : memref<72x768xf32, #tpu.memory_space<vmem>>, vector<1x16xf32>,
        %get3A_1073 = vector.shape_cast %get3A_1072 : vector<1x16xf32> to vector<16xf32>
        %add3A_1074 = arith.addf %get3A_1068, %get3A_1073 : vector<16xf32>
        %get3A_1075 = arith.constant 20 : i32
        %get3A_1076 = arith.index_cast %get3A_1075 : i32 to index
        %get3A_1077 = arith.index_cast %mul3A_1063 : i32 to index
        %get3A_1078 = tpu.vector_load %arg8[%get3A_1076, %get3A_1077] {strides = array<i32>} : memref<72x768xf32, #tpu.memory_space<vmem>>, vector<1x16xf32>,
        %get3A_1079 = vector.shape_cast %get3A_1078 : vector<1x16xf32> to vector<16xf32>
        %add3A_1080 = arith.addf %add3A_1074, %get3A_1079 : vector<16xf32>
        %mul3A_1081 = arith.constant 0.0360843912 : f32
        %mul3A_1082 = vector.broadcast %mul3A_1081 : f32 to vector<16xf32>
        %mul3A_1083 = arith.mulf %add3A_1080, %mul3A_1082 : vector<16xf32>
        %swap3A_1084 = arith.constant 6 : i32
        %swap3A_1085 = arith.index_cast %swap3A_1084 : i32 to index
        %swap3A_1086 = arith.index_cast %mul3A_1063 : i32 to index
        %swap3A_1087 = tpu.vector_load %arg9[%swap3A_1085, %swap3A_1086] {strides = array<i32>} : memref<24x768xf32, #tpu.memory_space<vmem>>, vector<1x16xf32>,
        %swap3A_1088 = vector.shape_cast %swap3A_1087 : vector<1x16xf32> to vector<16xf32>
        %swap3A_1089 = vector.shape_cast %mul3A_1083 : vector<16xf32> to vector<1x16xf32>
        tpu.vector_store %arg9[%swap3A_1085, %swap3A_1086], %swap3A_1089 {strides = array<i32>} : memref<24x768xf32, #tpu.memory_space<vmem>>, vector<1x16xf32>,
      }
      %scan3A_958 = arith.constant 48 : i32
      %scan3A_959 = arith.constant 0 : i32
      %scan3A_960 = arith.constant 0 : i32
      %scan3A_961 = arith.constant 48 : i32
      %scan3A_962 = arith.addi %scan3A_960, %scan3A_961 : i32
      %scan3A_963 = arith.constant 1 : i32
      scf.for %scan3A_1061 = %scan3A_960 to %scan3A_962 step %scan3A_963  : i32 {
        %mul3A_1062 = arith.constant 16 : i32
        %mul3A_1063 = arith.muli %scan3A_1061, %mul3A_1062 : i32
        %get3A_1064 = arith.constant 21 : i32
        %get3A_1065 = arith.index_cast %get3A_1064 : i32 to index
        %get3A_1066 = arith.index_cast %mul3A_1063 : i32 to index
        %get3A_1067 = tpu.vector_load %arg8[%get3A_1065, %get3A_1066] {strides = array<i32>} : memref<72x768xf32, #tpu.memory_space<vmem>>, vector<1x16xf32>,
        %get3A_1068 = vector.shape_cast %get3A_1067 : vector<1x16xf32> to vector<16xf32>
        %get3A_1069 = arith.constant 22 : i32
        %get3A_1070 = arith.index_cast %get3A_1069 : i32 to index
        %get3A_1071 = arith.index_cast %mul3A_1063 : i32 to index
        %get3A_1072 = tpu.vector_load %arg8[%get3A_1070, %get3A_1071] {strides = array<i32>} : memref<72x768xf32, #tpu.memory_space<vmem>>, vector<1x16xf32>,
        %get3A_1073 = vector.shape_cast %get3A_1072 : vector<1x16xf32> to vector<16xf32>
        %add3A_1074 = arith.addf %get3A_1068, %get3A_1073 : vector<16xf32>
        %get3A_1075 = arith.constant 23 : i32
        %get3A_1076 = arith.index_cast %get3A_1075 : i32 to index
        %get3A_1077 = arith.index_cast %mul3A_1063 : i32 to index
        %get3A_1078 = tpu.vector_load %arg8[%get3A_1076, %get3A_1077] {strides = array<i32>} : memref<72x768xf32, #tpu.memory_space<vmem>>, vector<1x16xf32>,
        %get3A_1079 = vector.shape_cast %get3A_1078 : vector<1x16xf32> to vector<16xf32>
        %add3A_1080 = arith.addf %add3A_1074, %get3A_1079 : vector<16xf32>
        %mul3A_1081 = arith.constant 0.0360843912 : f32
        %mul3A_1082 = vector.broadcast %mul3A_1081 : f32 to vector<16xf32>
        %mul3A_1083 = arith.mulf %add3A_1080, %mul3A_1082 : vector<16xf32>
        %swap3A_1084 = arith.constant 7 : i32
        %swap3A_1085 = arith.index_cast %swap3A_1084 : i32 to index
        %swap3A_1086 = arith.index_cast %mul3A_1063 : i32 to index
        %swap3A_1087 = tpu.vector_load %arg9[%swap3A_1085, %swap3A_1086] {strides = array<i32>} : memref<24x768xf32, #tpu.memory_space<vmem>>, vector<1x16xf32>,
        %swap3A_1088 = vector.shape_cast %swap3A_1087 : vector<1x16xf32> to vector<16xf32>
        %swap3A_1089 = vector.shape_cast %mul3A_1083 : vector<16xf32> to vector<1x16xf32>
        tpu.vector_store %arg9[%swap3A_1085, %swap3A_1086], %swap3A_1089 {strides = array<i32>} : memref<24x768xf32, #tpu.memory_space<vmem>>, vector<1x16xf32>,
      }
      %scan3A_964 = arith.constant 48 : i32
      %scan3A_965 = arith.constant 0 : i32
      %scan3A_966 = arith.constant 0 : i32
      %scan3A_967 = arith.constant 48 : i32
      %scan3A_968 = arith.addi %scan3A_966, %scan3A_967 : i32
      %scan3A_969 = arith.constant 1 : i32
      scf.for %scan3A_1061 = %scan3A_966 to %scan3A_968 step %scan3A_969  : i32 {
        %mul3A_1062 = arith.constant 16 : i32
        %mul3A_1063 = arith.muli %scan3A_1061, %mul3A_1062 : i32
        %get3A_1064 = arith.constant 24 : i32
        %get3A_1065 = arith.index_cast %get3A_1064 : i32 to index
        %get3A_1066 = arith.index_cast %mul3A_1063 : i32 to index
        %get3A_1067 = tpu.vector_load %arg8[%get3A_1065, %get3A_1066] {strides = array<i32>} : memref<72x768xf32, #tpu.memory_space<vmem>>, vector<1x16xf32>,
        %get3A_1068 = vector.shape_cast %get3A_1067 : vector<1x16xf32> to vector<16xf32>
        %get3A_1069 = arith.constant 25 : i32
        %get3A_1070 = arith.index_cast %get3A_1069 : i32 to index
        %get3A_1071 = arith.index_cast %mul3A_1063 : i32 to index
        %get3A_1072 = tpu.vector_load %arg8[%get3A_1070, %get3A_1071] {strides = array<i32>} : memref<72x768xf32, #tpu.memory_space<vmem>>, vector<1x16xf32>,
        %get3A_1073 = vector.shape_cast %get3A_1072 : vector<1x16xf32> to vector<16xf32>
        %add3A_1074 = arith.addf %get3A_1068, %get3A_1073 : vector<16xf32>
        %get3A_1075 = arith.constant 26 : i32
        %get3A_1076 = arith.index_cast %get3A_1075 : i32 to index
        %get3A_1077 = arith.index_cast %mul3A_1063 : i32 to index
        %get3A_1078 = tpu.vector_load %arg8[%get3A_1076, %get3A_1077] {strides = array<i32>} : memref<72x768xf32, #tpu.memory_space<vmem>>, vector<1x16xf32>,
        %get3A_1079 = vector.shape_cast %get3A_1078 : vector<1x16xf32> to vector<16xf32>
        %add3A_1080 = arith.addf %add3A_1074, %get3A_1079 : vector<16xf32>
        %mul3A_1081 = arith.constant 0.0360843912 : f32
        %mul3A_1082 = vector.broadcast %mul3A_1081 : f32 to vector<16xf32>
        %mul3A_1083 = arith.mulf %add3A_1080, %mul3A_1082 : vector<16xf32>
        %swap3A_1084 = arith.constant 8 : i32
        %swap3A_1085 = arith.index_cast %swap3A_1084 : i32 to index
        %swap3A_1086 = arith.index_cast %mul3A_1063 : i32 to index
        %swap3A_1087 = tpu.vector_load %arg9[%swap3A_1085, %swap3A_1086] {strides = array<i32>} : memref<24x768xf32, #tpu.memory_space<vmem>>, vector<1x16xf32>,
        %swap3A_1088 = vector.shape_cast %swap3A_1087 : vector<1x16xf32> to vector<16xf32>
        %swap3A_1089 = vector.shape_cast %mul3A_1083 : vector<16xf32> to vector<1x16xf32>
        tpu.vector_store %arg9[%swap3A_1085, %swap3A_1086], %swap3A_1089 {strides = array<i32>} : memref<24x768xf32, #tpu.memory_space<vmem>>, vector<1x16xf32>,
      }
      %scan3A_970 = arith.constant 48 : i32
      %scan3A_971 = arith.constant 0 : i32
      %scan3A_972 = arith.constant 0 : i32
      %scan3A_973 = arith.constant 48 : i32
      %scan3A_974 = arith.addi %scan3A_972, %scan3A_973 : i32
      %scan3A_975 = arith.constant 1 : i32
      scf.for %scan3A_1061 = %scan3A_972 to %scan3A_974 step %scan3A_975  : i32 {
        %mul3A_1062 = arith.constant 16 : i32
        %mul3A_1063 = arith.muli %scan3A_1061, %mul3A_1062 : i32
        %get3A_1064 = arith.constant 27 : i32
        %get3A_1065 = arith.index_cast %get3A_1064 : i32 to index
        %get3A_1066 = arith.index_cast %mul3A_1063 : i32 to index
        %get3A_1067 = tpu.vector_load %arg8[%get3A_1065, %get3A_1066] {strides = array<i32>} : memref<72x768xf32, #tpu.memory_space<vmem>>, vector<1x16xf32>,
        %get3A_1068 = vector.shape_cast %get3A_1067 : vector<1x16xf32> to vector<16xf32>
        %get3A_1069 = arith.constant 28 : i32
        %get3A_1070 = arith.index_cast %get3A_1069 : i32 to index
        %get3A_1071 = arith.index_cast %mul3A_1063 : i32 to index
        %get3A_1072 = tpu.vector_load %arg8[%get3A_1070, %get3A_1071] {strides = array<i32>} : memref<72x768xf32, #tpu.memory_space<vmem>>, vector<1x16xf32>,
        %get3A_1073 = vector.shape_cast %get3A_1072 : vector<1x16xf32> to vector<16xf32>
        %add3A_1074 = arith.addf %get3A_1068, %get3A_1073 : vector<16xf32>
        %get3A_1075 = arith.constant 29 : i32
        %get3A_1076 = arith.index_cast %get3A_1075 : i32 to index
        %get3A_1077 = arith.index_cast %mul3A_1063 : i32 to index
        %get3A_1078 = tpu.vector_load %arg8[%get3A_1076, %get3A_1077] {strides = array<i32>} : memref<72x768xf32, #tpu.memory_space<vmem>>, vector<1x16xf32>,
        %get3A_1079 = vector.shape_cast %get3A_1078 : vector<1x16xf32> to vector<16xf32>
        %add3A_1080 = arith.addf %add3A_1074, %get3A_1079 : vector<16xf32>
        %mul3A_1081 = arith.constant 0.0360843912 : f32
        %mul3A_1082 = vector.broadcast %mul3A_1081 : f32 to vector<16xf32>
        %mul3A_1083 = arith.mulf %add3A_1080, %mul3A_1082 : vector<16xf32>
        %swap3A_1084 = arith.constant 9 : i32
        %swap3A_1085 = arith.index_cast %swap3A_1084 : i32 to index
        %swap3A_1086 = arith.index_cast %mul3A_1063 : i32 to index
        %swap3A_1087 = tpu.vector_load %arg9[%swap3A_1085, %swap3A_1086] {strides = array<i32>} : memref<24x768xf32, #tpu.memory_space<vmem>>, vector<1x16xf32>,
        %swap3A_1088 = vector.shape_cast %swap3A_1087 : vector<1x16xf32> to vector<16xf32>
        %swap3A_1089 = vector.shape_cast %mul3A_1083 : vector<16xf32> to vector<1x16xf32>
        tpu.vector_store %arg9[%swap3A_1085, %swap3A_1086], %swap3A_1089 {strides = array<i32>} : memref<24x768xf32, #tpu.memory_space<vmem>>, vector<1x16xf32>,
      }
      %scan3A_976 = arith.constant 48 : i32
      %scan3A_977 = arith.constant 0 : i32
      %scan3A_978 = arith.constant 0 : i32
      %scan3A_979 = arith.constant 48 : i32
      %scan3A_980 = arith.addi %scan3A_978, %scan3A_979 : i32
      %scan3A_981 = arith.constant 1 : i32
      scf.for %scan3A_1061 = %scan3A_978 to %scan3A_980 step %scan3A_981  : i32 {
        %mul3A_1062 = arith.constant 16 : i32
        %mul3A_1063 = arith.muli %scan3A_1061, %mul3A_1062 : i32
        %get3A_1064 = arith.constant 30 : i32
        %get3A_1065 = arith.index_cast %get3A_1064 : i32 to index
        %get3A_1066 = arith.index_cast %mul3A_1063 : i32 to index
        %get3A_1067 = tpu.vector_load %arg8[%get3A_1065, %get3A_1066] {strides = array<i32>} : memref<72x768xf32, #tpu.memory_space<vmem>>, vector<1x16xf32>,
        %get3A_1068 = vector.shape_cast %get3A_1067 : vector<1x16xf32> to vector<16xf32>
        %get3A_1069 = arith.constant 31 : i32
        %get3A_1070 = arith.index_cast %get3A_1069 : i32 to index
        %get3A_1071 = arith.index_cast %mul3A_1063 : i32 to index
        %get3A_1072 = tpu.vector_load %arg8[%get3A_1070, %get3A_1071] {strides = array<i32>} : memref<72x768xf32, #tpu.memory_space<vmem>>, vector<1x16xf32>,
        %get3A_1073 = vector.shape_cast %get3A_1072 : vector<1x16xf32> to vector<16xf32>
        %add3A_1074 = arith.addf %get3A_1068, %get3A_1073 : vector<16xf32>
        %get3A_1075 = arith.constant 32 : i32
        %get3A_1076 = arith.index_cast %get3A_1075 : i32 to index
        %get3A_1077 = arith.index_cast %mul3A_1063 : i32 to index
        %get3A_1078 = tpu.vector_load %arg8[%get3A_1076, %get3A_1077] {strides = array<i32>} : memref<72x768xf32, #tpu.memory_space<vmem>>, vector<1x16xf32>,
        %get3A_1079 = vector.shape_cast %get3A_1078 : vector<1x16xf32> to vector<16xf32>
        %add3A_1080 = arith.addf %add3A_1074, %get3A_1079 : vector<16xf32>
        %mul3A_1081 = arith.constant 0.0360843912 : f32
        %mul3A_1082 = vector.broadcast %mul3A_1081 : f32 to vector<16xf32>
        %mul3A_1083 = arith.mulf %add3A_1080, %mul3A_1082 : vector<16xf32>
        %swap3A_1084 = arith.constant 10 : i32
        %swap3A_1085 = arith.index_cast %swap3A_1084 : i32 to index
        %swap3A_1086 = arith.index_cast %mul3A_1063 : i32 to index
        %swap3A_1087 = tpu.vector_load %arg9[%swap3A_1085, %swap3A_1086] {strides = array<i32>} : memref<24x768xf32, #tpu.memory_space<vmem>>, vector<1x16xf32>,
        %swap3A_1088 = vector.shape_cast %swap3A_1087 : vector<1x16xf32> to vector<16xf32>
        %swap3A_1089 = vector.shape_cast %mul3A_1083 : vector<16xf32> to vector<1x16xf32>
        tpu.vector_store %arg9[%swap3A_1085, %swap3A_1086], %swap3A_1089 {strides = array<i32>} : memref<24x768xf32, #tpu.memory_space<vmem>>, vector<1x16xf32>,
      }
      %scan3A_982 = arith.constant 48 : i32
      %scan3A_983 = arith.constant 0 : i32
      %scan3A_984 = arith.constant 0 : i32
      %scan3A_985 = arith.constant 48 : i32
      %scan3A_986 = arith.addi %scan3A_984, %scan3A_985 : i32
      %scan3A_987 = arith.constant 1 : i32
      scf.for %scan3A_1061 = %scan3A_984 to %scan3A_986 step %scan3A_987  : i32 {
        %mul3A_1062 = arith.constant 16 : i32
        %mul3A_1063 = arith.muli %scan3A_1061, %mul3A_1062 : i32
        %get3A_1064 = arith.constant 33 : i32
        %get3A_1065 = arith.index_cast %get3A_1064 : i32 to index
        %get3A_1066 = arith.index_cast %mul3A_1063 : i32 to index
        %get3A_1067 = tpu.vector_load %arg8[%get3A_1065, %get3A_1066] {strides = array<i32>} : memref<72x768xf32, #tpu.memory_space<vmem>>, vector<1x16xf32>,
        %get3A_1068 = vector.shape_cast %get3A_1067 : vector<1x16xf32> to vector<16xf32>
        %get3A_1069 = arith.constant 34 : i32
        %get3A_1070 = arith.index_cast %get3A_1069 : i32 to index
        %get3A_1071 = arith.index_cast %mul3A_1063 : i32 to index
        %get3A_1072 = tpu.vector_load %arg8[%get3A_1070, %get3A_1071] {strides = array<i32>} : memref<72x768xf32, #tpu.memory_space<vmem>>, vector<1x16xf32>,
        %get3A_1073 = vector.shape_cast %get3A_1072 : vector<1x16xf32> to vector<16xf32>
        %add3A_1074 = arith.addf %get3A_1068, %get3A_1073 : vector<16xf32>
        %get3A_1075 = arith.constant 35 : i32
        %get3A_1076 = arith.index_cast %get3A_1075 : i32 to index
        %get3A_1077 = arith.index_cast %mul3A_1063 : i32 to index
        %get3A_1078 = tpu.vector_load %arg8[%get3A_1076, %get3A_1077] {strides = array<i32>} : memref<72x768xf32, #tpu.memory_space<vmem>>, vector<1x16xf32>,
        %get3A_1079 = vector.shape_cast %get3A_1078 : vector<1x16xf32> to vector<16xf32>
        %add3A_1080 = arith.addf %add3A_1074, %get3A_1079 : vector<16xf32>
        %mul3A_1081 = arith.constant 0.0360843912 : f32
        %mul3A_1082 = vector.broadcast %mul3A_1081 : f32 to vector<16xf32>
        %mul3A_1083 = arith.mulf %add3A_1080, %mul3A_1082 : vector<16xf32>
        %swap3A_1084 = arith.constant 11 : i32
        %swap3A_1085 = arith.index_cast %swap3A_1084 : i32 to index
        %swap3A_1086 = arith.index_cast %mul3A_1063 : i32 to index
        %swap3A_1087 = tpu.vector_load %arg9[%swap3A_1085, %swap3A_1086] {strides = array<i32>} : memref<24x768xf32, #tpu.memory_space<vmem>>, vector<1x16xf32>,
        %swap3A_1088 = vector.shape_cast %swap3A_1087 : vector<1x16xf32> to vector<16xf32>
        %swap3A_1089 = vector.shape_cast %mul3A_1083 : vector<16xf32> to vector<1x16xf32>
        tpu.vector_store %arg9[%swap3A_1085, %swap3A_1086], %swap3A_1089 {strides = array<i32>} : memref<24x768xf32, #tpu.memory_space<vmem>>, vector<1x16xf32>,
      }
      %scan3A_988 = arith.constant 48 : i32
      %scan3A_989 = arith.constant 0 : i32
      %scan3A_990 = arith.constant 0 : i32
      %scan3A_991 = arith.constant 48 : i32
      %scan3A_992 = arith.addi %scan3A_990, %scan3A_991 : i32
      %scan3A_993 = arith.constant 1 : i32
      scf.for %scan3A_1061 = %scan3A_990 to %scan3A_992 step %scan3A_993  : i32 {
        %mul3A_1062 = arith.constant 16 : i32
        %mul3A_1063 = arith.muli %scan3A_1061, %mul3A_1062 : i32
        %get3A_1064 = arith.constant 36 : i32
        %get3A_1065 = arith.index_cast %get3A_1064 : i32 to index
        %get3A_1066 = arith.index_cast %mul3A_1063 : i32 to index
        %get3A_1067 = tpu.vector_load %arg8[%get3A_1065, %get3A_1066] {strides = array<i32>} : memref<72x768xf32, #tpu.memory_space<vmem>>, vector<1x16xf32>,
        %get3A_1068 = vector.shape_cast %get3A_1067 : vector<1x16xf32> to vector<16xf32>
        %get3A_1069 = arith.constant 37 : i32
        %get3A_1070 = arith.index_cast %get3A_1069 : i32 to index
        %get3A_1071 = arith.index_cast %mul3A_1063 : i32 to index
        %get3A_1072 = tpu.vector_load %arg8[%get3A_1070, %get3A_1071] {strides = array<i32>} : memref<72x768xf32, #tpu.memory_space<vmem>>, vector<1x16xf32>,
        %get3A_1073 = vector.shape_cast %get3A_1072 : vector<1x16xf32> to vector<16xf32>
        %add3A_1074 = arith.addf %get3A_1068, %get3A_1073 : vector<16xf32>
        %get3A_1075 = arith.constant 38 : i32
        %get3A_1076 = arith.index_cast %get3A_1075 : i32 to index
        %get3A_1077 = arith.index_cast %mul3A_1063 : i32 to index
        %get3A_1078 = tpu.vector_load %arg8[%get3A_1076, %get3A_1077] {strides = array<i32>} : memref<72x768xf32, #tpu.memory_space<vmem>>, vector<1x16xf32>,
        %get3A_1079 = vector.shape_cast %get3A_1078 : vector<1x16xf32> to vector<16xf32>
        %add3A_1080 = arith.addf %add3A_1074, %get3A_1079 : vector<16xf32>
        %mul3A_1081 = arith.constant 0.0360843912 : f32
        %mul3A_1082 = vector.broadcast %mul3A_1081 : f32 to vector<16xf32>
        %mul3A_1083 = arith.mulf %add3A_1080, %mul3A_1082 : vector<16xf32>
        %swap3A_1084 = arith.constant 12 : i32
        %swap3A_1085 = arith.index_cast %swap3A_1084 : i32 to index
        %swap3A_1086 = arith.index_cast %mul3A_1063 : i32 to index
        %swap3A_1087 = tpu.vector_load %arg9[%swap3A_1085, %swap3A_1086] {strides = array<i32>} : memref<24x768xf32, #tpu.memory_space<vmem>>, vector<1x16xf32>,
        %swap3A_1088 = vector.shape_cast %swap3A_1087 : vector<1x16xf32> to vector<16xf32>
        %swap3A_1089 = vector.shape_cast %mul3A_1083 : vector<16xf32> to vector<1x16xf32>
        tpu.vector_store %arg9[%swap3A_1085, %swap3A_1086], %swap3A_1089 {strides = array<i32>} : memref<24x768xf32, #tpu.memory_space<vmem>>, vector<1x16xf32>,
      }
      %scan3A_994 = arith.constant 48 : i32
      %scan3A_995 = arith.constant 0 : i32
      %scan3A_996 = arith.constant 0 : i32
      %scan3A_997 = arith.constant 48 : i32
      %scan3A_998 = arith.addi %scan3A_996, %scan3A_997 : i32
      %scan3A_999 = arith.constant 1 : i32
      scf.for %scan3A_1061 = %scan3A_996 to %scan3A_998 step %scan3A_999  : i32 {
        %mul3A_1062 = arith.constant 16 : i32
        %mul3A_1063 = arith.muli %scan3A_1061, %mul3A_1062 : i32
        %get3A_1064 = arith.constant 39 : i32
        %get3A_1065 = arith.index_cast %get3A_1064 : i32 to index
        %get3A_1066 = arith.index_cast %mul3A_1063 : i32 to index
        %get3A_1067 = tpu.vector_load %arg8[%get3A_1065, %get3A_1066] {strides = array<i32>} : memref<72x768xf32, #tpu.memory_space<vmem>>, vector<1x16xf32>,
        %get3A_1068 = vector.shape_cast %get3A_1067 : vector<1x16xf32> to vector<16xf32>
        %get3A_1069 = arith.constant 40 : i32
        %get3A_1070 = arith.index_cast %get3A_1069 : i32 to index
        %get3A_1071 = arith.index_cast %mul3A_1063 : i32 to index
        %get3A_1072 = tpu.vector_load %arg8[%get3A_1070, %get3A_1071] {strides = array<i32>} : memref<72x768xf32, #tpu.memory_space<vmem>>, vector<1x16xf32>,
        %get3A_1073 = vector.shape_cast %get3A_1072 : vector<1x16xf32> to vector<16xf32>
        %add3A_1074 = arith.addf %get3A_1068, %get3A_1073 : vector<16xf32>
        %get3A_1075 = arith.constant 41 : i32
        %get3A_1076 = arith.index_cast %get3A_1075 : i32 to index
        %get3A_1077 = arith.index_cast %mul3A_1063 : i32 to index
        %get3A_1078 = tpu.vector_load %arg8[%get3A_1076, %get3A_1077] {strides = array<i32>} : memref<72x768xf32, #tpu.memory_space<vmem>>, vector<1x16xf32>,
        %get3A_1079 = vector.shape_cast %get3A_1078 : vector<1x16xf32> to vector<16xf32>
        %add3A_1080 = arith.addf %add3A_1074, %get3A_1079 : vector<16xf32>
        %mul3A_1081 = arith.constant 0.0360843912 : f32
        %mul3A_1082 = vector.broadcast %mul3A_1081 : f32 to vector<16xf32>
        %mul3A_1083 = arith.mulf %add3A_1080, %mul3A_1082 : vector<16xf32>
        %swap3A_1084 = arith.constant 13 : i32
        %swap3A_1085 = arith.index_cast %swap3A_1084 : i32 to index
        %swap3A_1086 = arith.index_cast %mul3A_1063 : i32 to index
        %swap3A_1087 = tpu.vector_load %arg9[%swap3A_1085, %swap3A_1086] {strides = array<i32>} : memref<24x768xf32, #tpu.memory_space<vmem>>, vector<1x16xf32>,
        %swap3A_1088 = vector.shape_cast %swap3A_1087 : vector<1x16xf32> to vector<16xf32>
        %swap3A_1089 = vector.shape_cast %mul3A_1083 : vector<16xf32> to vector<1x16xf32>
        tpu.vector_store %arg9[%swap3A_1085, %swap3A_1086], %swap3A_1089 {strides = array<i32>} : memref<24x768xf32, #tpu.memory_space<vmem>>, vector<1x16xf32>,
      }
      %scan3A_1000 = arith.constant 48 : i32
      %scan3A_1001 = arith.constant 0 : i32
      %scan3A_1002 = arith.constant 0 : i32
      %scan3A_1003 = arith.constant 48 : i32
      %scan3A_1004 = arith.addi %scan3A_1002, %scan3A_1003 : i32
      %scan3A_1005 = arith.constant 1 : i32
      scf.for %scan3A_1061 = %scan3A_1002 to %scan3A_1004 step %scan3A_1005  : i32 {
        %mul3A_1062 = arith.constant 16 : i32
        %mul3A_1063 = arith.muli %scan3A_1061, %mul3A_1062 : i32
        %get3A_1064 = arith.constant 42 : i32
        %get3A_1065 = arith.index_cast %get3A_1064 : i32 to index
        %get3A_1066 = arith.index_cast %mul3A_1063 : i32 to index
        %get3A_1067 = tpu.vector_load %arg8[%get3A_1065, %get3A_1066] {strides = array<i32>} : memref<72x768xf32, #tpu.memory_space<vmem>>, vector<1x16xf32>,
        %get3A_1068 = vector.shape_cast %get3A_1067 : vector<1x16xf32> to vector<16xf32>
        %get3A_1069 = arith.constant 43 : i32
        %get3A_1070 = arith.index_cast %get3A_1069 : i32 to index
        %get3A_1071 = arith.index_cast %mul3A_1063 : i32 to index
        %get3A_1072 = tpu.vector_load %arg8[%get3A_1070, %get3A_1071] {strides = array<i32>} : memref<72x768xf32, #tpu.memory_space<vmem>>, vector<1x16xf32>,
        %get3A_1073 = vector.shape_cast %get3A_1072 : vector<1x16xf32> to vector<16xf32>
        %add3A_1074 = arith.addf %get3A_1068, %get3A_1073 : vector<16xf32>
        %get3A_1075 = arith.constant 44 : i32
        %get3A_1076 = arith.index_cast %get3A_1075 : i32 to index
        %get3A_1077 = arith.index_cast %mul3A_1063 : i32 to index
        %get3A_1078 = tpu.vector_load %arg8[%get3A_1076, %get3A_1077] {strides = array<i32>} : memref<72x768xf32, #tpu.memory_space<vmem>>, vector<1x16xf32>,
        %get3A_1079 = vector.shape_cast %get3A_1078 : vector<1x16xf32> to vector<16xf32>
        %add3A_1080 = arith.addf %add3A_1074, %get3A_1079 : vector<16xf32>
        %mul3A_1081 = arith.constant 0.0360843912 : f32
        %mul3A_1082 = vector.broadcast %mul3A_1081 : f32 to vector<16xf32>
        %mul3A_1083 = arith.mulf %add3A_1080, %mul3A_1082 : vector<16xf32>
        %swap3A_1084 = arith.constant 14 : i32
        %swap3A_1085 = arith.index_cast %swap3A_1084 : i32 to index
        %swap3A_1086 = arith.index_cast %mul3A_1063 : i32 to index
        %swap3A_1087 = tpu.vector_load %arg9[%swap3A_1085, %swap3A_1086] {strides = array<i32>} : memref<24x768xf32, #tpu.memory_space<vmem>>, vector<1x16xf32>,
        %swap3A_1088 = vector.shape_cast %swap3A_1087 : vector<1x16xf32> to vector<16xf32>
        %swap3A_1089 = vector.shape_cast %mul3A_1083 : vector<16xf32> to vector<1x16xf32>
        tpu.vector_store %arg9[%swap3A_1085, %swap3A_1086], %swap3A_1089 {strides = array<i32>} : memref<24x768xf32, #tpu.memory_space<vmem>>, vector<1x16xf32>,
      }
      %scan3A_1006 = arith.constant 48 : i32
      %scan3A_1007 = arith.constant 0 : i32
      %scan3A_1008 = arith.constant 0 : i32
      %scan3A_1009 = arith.constant 48 : i32
      %scan3A_1010 = arith.addi %scan3A_1008, %scan3A_1009 : i32
      %scan3A_1011 = arith.constant 1 : i32
      scf.for %scan3A_1061 = %scan3A_1008 to %scan3A_1010 step %scan3A_1011  : i32 {
        %mul3A_1062 = arith.constant 16 : i32
        %mul3A_1063 = arith.muli %scan3A_1061, %mul3A_1062 : i32
        %get3A_1064 = arith.constant 45 : i32
        %get3A_1065 = arith.index_cast %get3A_1064 : i32 to index
        %get3A_1066 = arith.index_cast %mul3A_1063 : i32 to index
        %get3A_1067 = tpu.vector_load %arg8[%get3A_1065, %get3A_1066] {strides = array<i32>} : memref<72x768xf32, #tpu.memory_space<vmem>>, vector<1x16xf32>,
        %get3A_1068 = vector.shape_cast %get3A_1067 : vector<1x16xf32> to vector<16xf32>
        %get3A_1069 = arith.constant 46 : i32
        %get3A_1070 = arith.index_cast %get3A_1069 : i32 to index
        %get3A_1071 = arith.index_cast %mul3A_1063 : i32 to index
        %get3A_1072 = tpu.vector_load %arg8[%get3A_1070, %get3A_1071] {strides = array<i32>} : memref<72x768xf32, #tpu.memory_space<vmem>>, vector<1x16xf32>,
        %get3A_1073 = vector.shape_cast %get3A_1072 : vector<1x16xf32> to vector<16xf32>
        %add3A_1074 = arith.addf %get3A_1068, %get3A_1073 : vector<16xf32>
        %get3A_1075 = arith.constant 47 : i32
        %get3A_1076 = arith.index_cast %get3A_1075 : i32 to index
        %get3A_1077 = arith.index_cast %mul3A_1063 : i32 to index
        %get3A_1078 = tpu.vector_load %arg8[%get3A_1076, %get3A_1077] {strides = array<i32>} : memref<72x768xf32, #tpu.memory_space<vmem>>, vector<1x16xf32>,
        %get3A_1079 = vector.shape_cast %get3A_1078 : vector<1x16xf32> to vector<16xf32>
        %add3A_1080 = arith.addf %add3A_1074, %get3A_1079 : vector<16xf32>
        %mul3A_1081 = arith.constant 0.0360843912 : f32
        %mul3A_1082 = vector.broadcast %mul3A_1081 : f32 to vector<16xf32>
        %mul3A_1083 = arith.mulf %add3A_1080, %mul3A_1082 : vector<16xf32>
        %swap3A_1084 = arith.constant 15 : i32
        %swap3A_1085 = arith.index_cast %swap3A_1084 : i32 to index
        %swap3A_1086 = arith.index_cast %mul3A_1063 : i32 to index
        %swap3A_1087 = tpu.vector_load %arg9[%swap3A_1085, %swap3A_1086] {strides = array<i32>} : memref<24x768xf32, #tpu.memory_space<vmem>>, vector<1x16xf32>,
        %swap3A_1088 = vector.shape_cast %swap3A_1087 : vector<1x16xf32> to vector<16xf32>
        %swap3A_1089 = vector.shape_cast %mul3A_1083 : vector<16xf32> to vector<1x16xf32>
        tpu.vector_store %arg9[%swap3A_1085, %swap3A_1086], %swap3A_1089 {strides = array<i32>} : memref<24x768xf32, #tpu.memory_space<vmem>>, vector<1x16xf32>,
      }
      %scan3A_1012 = arith.constant 48 : i32
      %scan3A_1013 = arith.constant 0 : i32
      %scan3A_1014 = arith.constant 0 : i32
      %scan3A_1015 = arith.constant 48 : i32
      %scan3A_1016 = arith.addi %scan3A_1014, %scan3A_1015 : i32
      %scan3A_1017 = arith.constant 1 : i32
      scf.for %scan3A_1061 = %scan3A_1014 to %scan3A_1016 step %scan3A_1017  : i32 {
        %mul3A_1062 = arith.constant 16 : i32
        %mul3A_1063 = arith.muli %scan3A_1061, %mul3A_1062 : i32
        %get3A_1064 = arith.constant 48 : i32
        %get3A_1065 = arith.index_cast %get3A_1064 : i32 to index
        %get3A_1066 = arith.index_cast %mul3A_1063 : i32 to index
        %get3A_1067 = tpu.vector_load %arg8[%get3A_1065, %get3A_1066] {strides = array<i32>} : memref<72x768xf32, #tpu.memory_space<vmem>>, vector<1x16xf32>,
        %get3A_1068 = vector.shape_cast %get3A_1067 : vector<1x16xf32> to vector<16xf32>
        %get3A_1069 = arith.constant 49 : i32
        %get3A_1070 = arith.index_cast %get3A_1069 : i32 to index
        %get3A_1071 = arith.index_cast %mul3A_1063 : i32 to index
        %get3A_1072 = tpu.vector_load %arg8[%get3A_1070, %get3A_1071] {strides = array<i32>} : memref<72x768xf32, #tpu.memory_space<vmem>>, vector<1x16xf32>,
        %get3A_1073 = vector.shape_cast %get3A_1072 : vector<1x16xf32> to vector<16xf32>
        %add3A_1074 = arith.addf %get3A_1068, %get3A_1073 : vector<16xf32>
        %get3A_1075 = arith.constant 50 : i32
        %get3A_1076 = arith.index_cast %get3A_1075 : i32 to index
        %get3A_1077 = arith.index_cast %mul3A_1063 : i32 to index
        %get3A_1078 = tpu.vector_load %arg8[%get3A_1076, %get3A_1077] {strides = array<i32>} : memref<72x768xf32, #tpu.memory_space<vmem>>, vector<1x16xf32>,
        %get3A_1079 = vector.shape_cast %get3A_1078 : vector<1x16xf32> to vector<16xf32>
        %add3A_1080 = arith.addf %add3A_1074, %get3A_1079 : vector<16xf32>
        %mul3A_1081 = arith.constant 0.0360843912 : f32
        %mul3A_1082 = vector.broadcast %mul3A_1081 : f32 to vector<16xf32>
        %mul3A_1083 = arith.mulf %add3A_1080, %mul3A_1082 : vector<16xf32>
        %swap3A_1084 = arith.constant 16 : i32
        %swap3A_1085 = arith.index_cast %swap3A_1084 : i32 to index
        %swap3A_1086 = arith.index_cast %mul3A_1063 : i32 to index
        %swap3A_1087 = tpu.vector_load %arg9[%swap3A_1085, %swap3A_1086] {strides = array<i32>} : memref<24x768xf32, #tpu.memory_space<vmem>>, vector<1x16xf32>,
        %swap3A_1088 = vector.shape_cast %swap3A_1087 : vector<1x16xf32> to vector<16xf32>
        %swap3A_1089 = vector.shape_cast %mul3A_1083 : vector<16xf32> to vector<1x16xf32>
        tpu.vector_store %arg9[%swap3A_1085, %swap3A_1086], %swap3A_1089 {strides = array<i32>} : memref<24x768xf32, #tpu.memory_space<vmem>>, vector<1x16xf32>,
      }
      %scan3A_1018 = arith.constant 48 : i32
      %scan3A_1019 = arith.constant 0 : i32
      %scan3A_1020 = arith.constant 0 : i32
      %scan3A_1021 = arith.constant 48 : i32
      %scan3A_1022 = arith.addi %scan3A_1020, %scan3A_1021 : i32
      %scan3A_1023 = arith.constant 1 : i32
      scf.for %scan3A_1061 = %scan3A_1020 to %scan3A_1022 step %scan3A_1023  : i32 {
        %mul3A_1062 = arith.constant 16 : i32
        %mul3A_1063 = arith.muli %scan3A_1061, %mul3A_1062 : i32
        %get3A_1064 = arith.constant 51 : i32
        %get3A_1065 = arith.index_cast %get3A_1064 : i32 to index
        %get3A_1066 = arith.index_cast %mul3A_1063 : i32 to index
        %get3A_1067 = tpu.vector_load %arg8[%get3A_1065, %get3A_1066] {strides = array<i32>} : memref<72x768xf32, #tpu.memory_space<vmem>>, vector<1x16xf32>,
        %get3A_1068 = vector.shape_cast %get3A_1067 : vector<1x16xf32> to vector<16xf32>
        %get3A_1069 = arith.constant 52 : i32
        %get3A_1070 = arith.index_cast %get3A_1069 : i32 to index
        %get3A_1071 = arith.index_cast %mul3A_1063 : i32 to index
        %get3A_1072 = tpu.vector_load %arg8[%get3A_1070, %get3A_1071] {strides = array<i32>} : memref<72x768xf32, #tpu.memory_space<vmem>>, vector<1x16xf32>,
        %get3A_1073 = vector.shape_cast %get3A_1072 : vector<1x16xf32> to vector<16xf32>
        %add3A_1074 = arith.addf %get3A_1068, %get3A_1073 : vector<16xf32>
        %get3A_1075 = arith.constant 53 : i32
        %get3A_1076 = arith.index_cast %get3A_1075 : i32 to index
        %get3A_1077 = arith.index_cast %mul3A_1063 : i32 to index
        %get3A_1078 = tpu.vector_load %arg8[%get3A_1076, %get3A_1077] {strides = array<i32>} : memref<72x768xf32, #tpu.memory_space<vmem>>, vector<1x16xf32>,
        %get3A_1079 = vector.shape_cast %get3A_1078 : vector<1x16xf32> to vector<16xf32>
        %add3A_1080 = arith.addf %add3A_1074, %get3A_1079 : vector<16xf32>
        %mul3A_1081 = arith.constant 0.0360843912 : f32
        %mul3A_1082 = vector.broadcast %mul3A_1081 : f32 to vector<16xf32>
        %mul3A_1083 = arith.mulf %add3A_1080, %mul3A_1082 : vector<16xf32>
        %swap3A_1084 = arith.constant 17 : i32
        %swap3A_1085 = arith.index_cast %swap3A_1084 : i32 to index
        %swap3A_1086 = arith.index_cast %mul3A_1063 : i32 to index
        %swap3A_1087 = tpu.vector_load %arg9[%swap3A_1085, %swap3A_1086] {strides = array<i32>} : memref<24x768xf32, #tpu.memory_space<vmem>>, vector<1x16xf32>,
        %swap3A_1088 = vector.shape_cast %swap3A_1087 : vector<1x16xf32> to vector<16xf32>
        %swap3A_1089 = vector.shape_cast %mul3A_1083 : vector<16xf32> to vector<1x16xf32>
        tpu.vector_store %arg9[%swap3A_1085, %swap3A_1086], %swap3A_1089 {strides = array<i32>} : memref<24x768xf32, #tpu.memory_space<vmem>>, vector<1x16xf32>,
      }
      %scan3A_1024 = arith.constant 48 : i32
      %scan3A_1025 = arith.constant 0 : i32
      %scan3A_1026 = arith.constant 0 : i32
      %scan3A_1027 = arith.constant 48 : i32
      %scan3A_1028 = arith.addi %scan3A_1026, %scan3A_1027 : i32
      %scan3A_1029 = arith.constant 1 : i32
      scf.for %scan3A_1061 = %scan3A_1026 to %scan3A_1028 step %scan3A_1029  : i32 {
        %mul3A_1062 = arith.constant 16 : i32
        %mul3A_1063 = arith.muli %scan3A_1061, %mul3A_1062 : i32
        %get3A_1064 = arith.constant 54 : i32
        %get3A_1065 = arith.index_cast %get3A_1064 : i32 to index
        %get3A_1066 = arith.index_cast %mul3A_1063 : i32 to index
        %get3A_1067 = tpu.vector_load %arg8[%get3A_1065, %get3A_1066] {strides = array<i32>} : memref<72x768xf32, #tpu.memory_space<vmem>>, vector<1x16xf32>,
        %get3A_1068 = vector.shape_cast %get3A_1067 : vector<1x16xf32> to vector<16xf32>
        %get3A_1069 = arith.constant 55 : i32
        %get3A_1070 = arith.index_cast %get3A_1069 : i32 to index
        %get3A_1071 = arith.index_cast %mul3A_1063 : i32 to index
        %get3A_1072 = tpu.vector_load %arg8[%get3A_1070, %get3A_1071] {strides = array<i32>} : memref<72x768xf32, #tpu.memory_space<vmem>>, vector<1x16xf32>,
        %get3A_1073 = vector.shape_cast %get3A_1072 : vector<1x16xf32> to vector<16xf32>
        %add3A_1074 = arith.addf %get3A_1068, %get3A_1073 : vector<16xf32>
        %get3A_1075 = arith.constant 56 : i32
        %get3A_1076 = arith.index_cast %get3A_1075 : i32 to index
        %get3A_1077 = arith.index_cast %mul3A_1063 : i32 to index
        %get3A_1078 = tpu.vector_load %arg8[%get3A_1076, %get3A_1077] {strides = array<i32>} : memref<72x768xf32, #tpu.memory_space<vmem>>, vector<1x16xf32>,
        %get3A_1079 = vector.shape_cast %get3A_1078 : vector<1x16xf32> to vector<16xf32>
        %add3A_1080 = arith.addf %add3A_1074, %get3A_1079 : vector<16xf32>
        %mul3A_1081 = arith.constant 0.0360843912 : f32
        %mul3A_1082 = vector.broadcast %mul3A_1081 : f32 to vector<16xf32>
        %mul3A_1083 = arith.mulf %add3A_1080, %mul3A_1082 : vector<16xf32>
        %swap3A_1084 = arith.constant 18 : i32
        %swap3A_1085 = arith.index_cast %swap3A_1084 : i32 to index
        %swap3A_1086 = arith.index_cast %mul3A_1063 : i32 to index
        %swap3A_1087 = tpu.vector_load %arg9[%swap3A_1085, %swap3A_1086] {strides = array<i32>} : memref<24x768xf32, #tpu.memory_space<vmem>>, vector<1x16xf32>,
        %swap3A_1088 = vector.shape_cast %swap3A_1087 : vector<1x16xf32> to vector<16xf32>
        %swap3A_1089 = vector.shape_cast %mul3A_1083 : vector<16xf32> to vector<1x16xf32>
        tpu.vector_store %arg9[%swap3A_1085, %swap3A_1086], %swap3A_1089 {strides = array<i32>} : memref<24x768xf32, #tpu.memory_space<vmem>>, vector<1x16xf32>,
      }
      %scan3A_1030 = arith.constant 48 : i32
      %scan3A_1031 = arith.constant 0 : i32
      %scan3A_1032 = arith.constant 0 : i32
      %scan3A_1033 = arith.constant 48 : i32
      %scan3A_1034 = arith.addi %scan3A_1032, %scan3A_1033 : i32
      %scan3A_1035 = arith.constant 1 : i32
      scf.for %scan3A_1061 = %scan3A_1032 to %scan3A_1034 step %scan3A_1035  : i32 {
        %mul3A_1062 = arith.constant 16 : i32
        %mul3A_1063 = arith.muli %scan3A_1061, %mul3A_1062 : i32
        %get3A_1064 = arith.constant 57 : i32
        %get3A_1065 = arith.index_cast %get3A_1064 : i32 to index
        %get3A_1066 = arith.index_cast %mul3A_1063 : i32 to index
        %get3A_1067 = tpu.vector_load %arg8[%get3A_1065, %get3A_1066] {strides = array<i32>} : memref<72x768xf32, #tpu.memory_space<vmem>>, vector<1x16xf32>,
        %get3A_1068 = vector.shape_cast %get3A_1067 : vector<1x16xf32> to vector<16xf32>
        %get3A_1069 = arith.constant 58 : i32
        %get3A_1070 = arith.index_cast %get3A_1069 : i32 to index
        %get3A_1071 = arith.index_cast %mul3A_1063 : i32 to index
        %get3A_1072 = tpu.vector_load %arg8[%get3A_1070, %get3A_1071] {strides = array<i32>} : memref<72x768xf32, #tpu.memory_space<vmem>>, vector<1x16xf32>,
        %get3A_1073 = vector.shape_cast %get3A_1072 : vector<1x16xf32> to vector<16xf32>
        %add3A_1074 = arith.addf %get3A_1068, %get3A_1073 : vector<16xf32>
        %get3A_1075 = arith.constant 59 : i32
        %get3A_1076 = arith.index_cast %get3A_1075 : i32 to index
        %get3A_1077 = arith.index_cast %mul3A_1063 : i32 to index
        %get3A_1078 = tpu.vector_load %arg8[%get3A_1076, %get3A_1077] {strides = array<i32>} : memref<72x768xf32, #tpu.memory_space<vmem>>, vector<1x16xf32>,
        %get3A_1079 = vector.shape_cast %get3A_1078 : vector<1x16xf32> to vector<16xf32>
        %add3A_1080 = arith.addf %add3A_1074, %get3A_1079 : vector<16xf32>
        %mul3A_1081 = arith.constant 0.0360843912 : f32
        %mul3A_1082 = vector.broadcast %mul3A_1081 : f32 to vector<16xf32>
        %mul3A_1083 = arith.mulf %add3A_1080, %mul3A_1082 : vector<16xf32>
        %swap3A_1084 = arith.constant 19 : i32
        %swap3A_1085 = arith.index_cast %swap3A_1084 : i32 to index
        %swap3A_1086 = arith.index_cast %mul3A_1063 : i32 to index
        %swap3A_1087 = tpu.vector_load %arg9[%swap3A_1085, %swap3A_1086] {strides = array<i32>} : memref<24x768xf32, #tpu.memory_space<vmem>>, vector<1x16xf32>,
        %swap3A_1088 = vector.shape_cast %swap3A_1087 : vector<1x16xf32> to vector<16xf32>
        %swap3A_1089 = vector.shape_cast %mul3A_1083 : vector<16xf32> to vector<1x16xf32>
        tpu.vector_store %arg9[%swap3A_1085, %swap3A_1086], %swap3A_1089 {strides = array<i32>} : memref<24x768xf32, #tpu.memory_space<vmem>>, vector<1x16xf32>,
      }
      %scan3A_1036 = arith.constant 48 : i32
      %scan3A_1037 = arith.constant 0 : i32
      %scan3A_1038 = arith.constant 0 : i32
      %scan3A_1039 = arith.constant 48 : i32
      %scan3A_1040 = arith.addi %scan3A_1038, %scan3A_1039 : i32
      %scan3A_1041 = arith.constant 1 : i32
      scf.for %scan3A_1061 = %scan3A_1038 to %scan3A_1040 step %scan3A_1041  : i32 {
        %mul3A_1062 = arith.constant 16 : i32
        %mul3A_1063 = arith.muli %scan3A_1061, %mul3A_1062 : i32
        %get3A_1064 = arith.constant 60 : i32
        %get3A_1065 = arith.index_cast %get3A_1064 : i32 to index
        %get3A_1066 = arith.index_cast %mul3A_1063 : i32 to index
        %get3A_1067 = tpu.vector_load %arg8[%get3A_1065, %get3A_1066] {strides = array<i32>} : memref<72x768xf32, #tpu.memory_space<vmem>>, vector<1x16xf32>,
        %get3A_1068 = vector.shape_cast %get3A_1067 : vector<1x16xf32> to vector<16xf32>
        %get3A_1069 = arith.constant 61 : i32
        %get3A_1070 = arith.index_cast %get3A_1069 : i32 to index
        %get3A_1071 = arith.index_cast %mul3A_1063 : i32 to index
        %get3A_1072 = tpu.vector_load %arg8[%get3A_1070, %get3A_1071] {strides = array<i32>} : memref<72x768xf32, #tpu.memory_space<vmem>>, vector<1x16xf32>,
        %get3A_1073 = vector.shape_cast %get3A_1072 : vector<1x16xf32> to vector<16xf32>
        %add3A_1074 = arith.addf %get3A_1068, %get3A_1073 : vector<16xf32>
        %get3A_1075 = arith.constant 62 : i32
        %get3A_1076 = arith.index_cast %get3A_1075 : i32 to index
        %get3A_1077 = arith.index_cast %mul3A_1063 : i32 to index
        %get3A_1078 = tpu.vector_load %arg8[%get3A_1076, %get3A_1077] {strides = array<i32>} : memref<72x768xf32, #tpu.memory_space<vmem>>, vector<1x16xf32>,
        %get3A_1079 = vector.shape_cast %get3A_1078 : vector<1x16xf32> to vector<16xf32>
        %add3A_1080 = arith.addf %add3A_1074, %get3A_1079 : vector<16xf32>
        %mul3A_1081 = arith.constant 0.0360843912 : f32
        %mul3A_1082 = vector.broadcast %mul3A_1081 : f32 to vector<16xf32>
        %mul3A_1083 = arith.mulf %add3A_1080, %mul3A_1082 : vector<16xf32>
        %swap3A_1084 = arith.constant 20 : i32
        %swap3A_1085 = arith.index_cast %swap3A_1084 : i32 to index
        %swap3A_1086 = arith.index_cast %mul3A_1063 : i32 to index
        %swap3A_1087 = tpu.vector_load %arg9[%swap3A_1085, %swap3A_1086] {strides = array<i32>} : memref<24x768xf32, #tpu.memory_space<vmem>>, vector<1x16xf32>,
        %swap3A_1088 = vector.shape_cast %swap3A_1087 : vector<1x16xf32> to vector<16xf32>
        %swap3A_1089 = vector.shape_cast %mul3A_1083 : vector<16xf32> to vector<1x16xf32>
        tpu.vector_store %arg9[%swap3A_1085, %swap3A_1086], %swap3A_1089 {strides = array<i32>} : memref<24x768xf32, #tpu.memory_space<vmem>>, vector<1x16xf32>,
      }
      %scan3A_1042 = arith.constant 48 : i32
      %scan3A_1043 = arith.constant 0 : i32
      %scan3A_1044 = arith.constant 0 : i32
      %scan3A_1045 = arith.constant 48 : i32
      %scan3A_1046 = arith.addi %scan3A_1044, %scan3A_1045 : i32
      %scan3A_1047 = arith.constant 1 : i32
      scf.for %scan3A_1061 = %scan3A_1044 to %scan3A_1046 step %scan3A_1047  : i32 {
        %mul3A_1062 = arith.constant 16 : i32
        %mul3A_1063 = arith.muli %scan3A_1061, %mul3A_1062 : i32
        %get3A_1064 = arith.constant 63 : i32
        %get3A_1065 = arith.index_cast %get3A_1064 : i32 to index
        %get3A_1066 = arith.index_cast %mul3A_1063 : i32 to index
        %get3A_1067 = tpu.vector_load %arg8[%get3A_1065, %get3A_1066] {strides = array<i32>} : memref<72x768xf32, #tpu.memory_space<vmem>>, vector<1x16xf32>,
        %get3A_1068 = vector.shape_cast %get3A_1067 : vector<1x16xf32> to vector<16xf32>
        %get3A_1069 = arith.constant 64 : i32
        %get3A_1070 = arith.index_cast %get3A_1069 : i32 to index
        %get3A_1071 = arith.index_cast %mul3A_1063 : i32 to index
        %get3A_1072 = tpu.vector_load %arg8[%get3A_1070, %get3A_1071] {strides = array<i32>} : memref<72x768xf32, #tpu.memory_space<vmem>>, vector<1x16xf32>,
        %get3A_1073 = vector.shape_cast %get3A_1072 : vector<1x16xf32> to vector<16xf32>
        %add3A_1074 = arith.addf %get3A_1068, %get3A_1073 : vector<16xf32>
        %get3A_1075 = arith.constant 65 : i32
        %get3A_1076 = arith.index_cast %get3A_1075 : i32 to index
        %get3A_1077 = arith.index_cast %mul3A_1063 : i32 to index
        %get3A_1078 = tpu.vector_load %arg8[%get3A_1076, %get3A_1077] {strides = array<i32>} : memref<72x768xf32, #tpu.memory_space<vmem>>, vector<1x16xf32>,
        %get3A_1079 = vector.shape_cast %get3A_1078 : vector<1x16xf32> to vector<16xf32>
        %add3A_1080 = arith.addf %add3A_1074, %get3A_1079 : vector<16xf32>
        %mul3A_1081 = arith.constant 0.0360843912 : f32
        %mul3A_1082 = vector.broadcast %mul3A_1081 : f32 to vector<16xf32>
        %mul3A_1083 = arith.mulf %add3A_1080, %mul3A_1082 : vector<16xf32>
        %swap3A_1084 = arith.constant 21 : i32
        %swap3A_1085 = arith.index_cast %swap3A_1084 : i32 to index
        %swap3A_1086 = arith.index_cast %mul3A_1063 : i32 to index
        %swap3A_1087 = tpu.vector_load %arg9[%swap3A_1085, %swap3A_1086] {strides = array<i32>} : memref<24x768xf32, #tpu.memory_space<vmem>>, vector<1x16xf32>,
        %swap3A_1088 = vector.shape_cast %swap3A_1087 : vector<1x16xf32> to vector<16xf32>
        %swap3A_1089 = vector.shape_cast %mul3A_1083 : vector<16xf32> to vector<1x16xf32>
        tpu.vector_store %arg9[%swap3A_1085, %swap3A_1086], %swap3A_1089 {strides = array<i32>} : memref<24x768xf32, #tpu.memory_space<vmem>>, vector<1x16xf32>,
      }
      %scan3A_1048 = arith.constant 48 : i32
      %scan3A_1049 = arith.constant 0 : i32
      %scan3A_1050 = arith.constant 0 : i32
      %scan3A_1051 = arith.constant 48 : i32
      %scan3A_1052 = arith.addi %scan3A_1050, %scan3A_1051 : i32
      %scan3A_1053 = arith.constant 1 : i32
      scf.for %scan3A_1061 = %scan3A_1050 to %scan3A_1052 step %scan3A_1053  : i32 {
        %mul3A_1062 = arith.constant 16 : i32
        %mul3A_1063 = arith.muli %scan3A_1061, %mul3A_1062 : i32
        %get3A_1064 = arith.constant 66 : i32
        %get3A_1065 = arith.index_cast %get3A_1064 : i32 to index
        %get3A_1066 = arith.index_cast %mul3A_1063 : i32 to index
        %get3A_1067 = tpu.vector_load %arg8[%get3A_1065, %get3A_1066] {strides = array<i32>} : memref<72x768xf32, #tpu.memory_space<vmem>>, vector<1x16xf32>,
        %get3A_1068 = vector.shape_cast %get3A_1067 : vector<1x16xf32> to vector<16xf32>
        %get3A_1069 = arith.constant 67 : i32
        %get3A_1070 = arith.index_cast %get3A_1069 : i32 to index
        %get3A_1071 = arith.index_cast %mul3A_1063 : i32 to index
        %get3A_1072 = tpu.vector_load %arg8[%get3A_1070, %get3A_1071] {strides = array<i32>} : memref<72x768xf32, #tpu.memory_space<vmem>>, vector<1x16xf32>,
        %get3A_1073 = vector.shape_cast %get3A_1072 : vector<1x16xf32> to vector<16xf32>
        %add3A_1074 = arith.addf %get3A_1068, %get3A_1073 : vector<16xf32>
        %get3A_1075 = arith.constant 68 : i32
        %get3A_1076 = arith.index_cast %get3A_1075 : i32 to index
        %get3A_1077 = arith.index_cast %mul3A_1063 : i32 to index
        %get3A_1078 = tpu.vector_load %arg8[%get3A_1076, %get3A_1077] {strides = array<i32>} : memref<72x768xf32, #tpu.memory_space<vmem>>, vector<1x16xf32>,
        %get3A_1079 = vector.shape_cast %get3A_1078 : vector<1x16xf32> to vector<16xf32>
        %add3A_1080 = arith.addf %add3A_1074, %get3A_1079 : vector<16xf32>
        %mul3A_1081 = arith.constant 0.0360843912 : f32
        %mul3A_1082 = vector.broadcast %mul3A_1081 : f32 to vector<16xf32>
        %mul3A_1083 = arith.mulf %add3A_1080, %mul3A_1082 : vector<16xf32>
        %swap3A_1084 = arith.constant 22 : i32
        %swap3A_1085 = arith.index_cast %swap3A_1084 : i32 to index
        %swap3A_1086 = arith.index_cast %mul3A_1063 : i32 to index
        %swap3A_1087 = tpu.vector_load %arg9[%swap3A_1085, %swap3A_1086] {strides = array<i32>} : memref<24x768xf32, #tpu.memory_space<vmem>>, vector<1x16xf32>,
        %swap3A_1088 = vector.shape_cast %swap3A_1087 : vector<1x16xf32> to vector<16xf32>
        %swap3A_1089 = vector.shape_cast %mul3A_1083 : vector<16xf32> to vector<1x16xf32>
        tpu.vector_store %arg9[%swap3A_1085, %swap3A_1086], %swap3A_1089 {strides = array<i32>} : memref<24x768xf32, #tpu.memory_space<vmem>>, vector<1x16xf32>,
      }
      %scan3A_1054 = arith.constant 48 : i32
      %scan3A_1055 = arith.constant 0 : i32
      %scan3A_1056 = arith.constant 0 : i32
      %scan3A_1057 = arith.constant 48 : i32
      %scan3A_1058 = arith.addi %scan3A_1056, %scan3A_1057 : i32
      %scan3A_1059 = arith.constant 1 : i32
      scf.for %scan3A_1061 = %scan3A_1056 to %scan3A_1058 step %scan3A_1059  : i32 {
        %mul3A_1062 = arith.constant 16 : i32
        %mul3A_1063 = arith.muli %scan3A_1061, %mul3A_1062 : i32
        %get3A_1064 = arith.constant 69 : i32
        %get3A_1065 = arith.index_cast %get3A_1064 : i32 to index
        %get3A_1066 = arith.index_cast %mul3A_1063 : i32 to index
        %get3A_1067 = tpu.vector_load %arg8[%get3A_1065, %get3A_1066] {strides = array<i32>} : memref<72x768xf32, #tpu.memory_space<vmem>>, vector<1x16xf32>,
        %get3A_1068 = vector.shape_cast %get3A_1067 : vector<1x16xf32> to vector<16xf32>
        %get3A_1069 = arith.constant 70 : i32
        %get3A_1070 = arith.index_cast %get3A_1069 : i32 to index
        %get3A_1071 = arith.index_cast %mul3A_1063 : i32 to index
        %get3A_1072 = tpu.vector_load %arg8[%get3A_1070, %get3A_1071] {strides = array<i32>} : memref<72x768xf32, #tpu.memory_space<vmem>>, vector<1x16xf32>,
        %get3A_1073 = vector.shape_cast %get3A_1072 : vector<1x16xf32> to vector<16xf32>
        %add3A_1074 = arith.addf %get3A_1068, %get3A_1073 : vector<16xf32>
        %get3A_1075 = arith.constant 71 : i32
        %get3A_1076 = arith.index_cast %get3A_1075 : i32 to index
        %get3A_1077 = arith.index_cast %mul3A_1063 : i32 to index
        %get3A_1078 = tpu.vector_load %arg8[%get3A_1076, %get3A_1077] {strides = array<i32>} : memref<72x768xf32, #tpu.memory_space<vmem>>, vector<1x16xf32>,
        %get3A_1079 = vector.shape_cast %get3A_1078 : vector<1x16xf32> to vector<16xf32>
        %add3A_1080 = arith.addf %add3A_1074, %get3A_1079 : vector<16xf32>
        %mul3A_1081 = arith.constant 0.0360843912 : f32
        %mul3A_1082 = vector.broadcast %mul3A_1081 : f32 to vector<16xf32>
        %mul3A_1083 = arith.mulf %add3A_1080, %mul3A_1082 : vector<16xf32>
        %swap3A_1084 = arith.constant 23 : i32
        %swap3A_1085 = arith.index_cast %swap3A_1084 : i32 to index
        %swap3A_1086 = arith.index_cast %mul3A_1063 : i32 to index
        %swap3A_1087 = tpu.vector_load %arg9[%swap3A_1085, %swap3A_1086] {strides = array<i32>} : memref<24x768xf32, #tpu.memory_space<vmem>>, vector<1x16xf32>,
        %swap3A_1088 = vector.shape_cast %swap3A_1087 : vector<1x16xf32> to vector<16xf32>
        %swap3A_1089 = vector.shape_cast %mul3A_1083 : vector<16xf32> to vector<1x16xf32>
        tpu.vector_store %arg9[%swap3A_1085, %swap3A_1086], %swap3A_1089 {strides = array<i32>} : memref<24x768xf32, #tpu.memory_space<vmem>>, vector<1x16xf32>,
      }
      %scan3A_1060 = arith.constant 48 : i32
      "tpu.region"() ({
        %run_scoped3A = tpu.sem_alloc : memref<!tpu.dma_semaphore, #tpu.memory_space<semaphore_mem>>
        %dma_start3A_1061 = arith.constant 0 : i32
        %dma_start3A_1062 = tpu.memref_slice %arg14[%add3A_914, %dma_start3A_1061] : memref<720x768xf32, #tpu.memory_space<vmem_shared>> -> memref<24x768xf32, #tpu.memory_space<vmem_shared>>
        %dma_start3A_1063 = arith.constant 0 : i32
        %dma_start3A_1064 = tpu.memref_slice %arg14[%add3A_914, %dma_start3A_1063] : memref<720x768xf32, #tpu.memory_space<vmem_shared>> -> memref<24x768xf32, #tpu.memory_space<vmem_shared>>
        tpu.enqueue_dma source(%arg9 : memref<24x768xf32, #tpu.memory_space<vmem>>) target(%dma_start3A_1064 : memref<24x768xf32, #tpu.memory_space<vmem_shared>>) target_semaphore(%run_scoped3A : memref<!tpu.dma_semaphore, #tpu.memory_space<semaphore_mem>>)
        %dma_wait3A_1065 = arith.constant 0 : i32
        %dma_wait3A_1066 = tpu.memref_slice %arg14[%add3A_914, %dma_wait3A_1065] : memref<720x768xf32, #tpu.memory_space<vmem_shared>> -> memref<24x768xf32, #tpu.memory_space<vmem_shared>>
        %dma_wait3A_1067 = arith.constant 0 : i32
        %dma_wait3A_1068 = tpu.memref_slice %arg14[%add3A_914, %dma_wait3A_1067] : memref<720x768xf32, #tpu.memory_space<vmem_shared>> -> memref<24x768xf32, #tpu.memory_space<vmem_shared>>
        tpu.wait_dma2 semaphore(%run_scoped3A : memref<!tpu.dma_semaphore, #tpu.memory_space<semaphore_mem>>) src(%arg9 : memref<24x768xf32, #tpu.memory_space<vmem>>) dst(%dma_wait3A_1068 : memref<24x768xf32, #tpu.memory_space<vmem_shared>>)
        tpu.yield
      }) : () -> ()
    } else {
    }
    %barrier3A = arith.constant 0 : index
    tpu.barrier barrier_id(%barrier3A)
    %scan3A = arith.constant 0 : i32
    %scan3A_5 = arith.constant 0 : i32
    %scan3A_6 = arith.constant 135 : i32
    %scan3A_7 = arith.addi %scan3A_5, %scan3A_6 : i32
    %scan3A_8 = arith.constant 1 : i32
    scf.for %scan3A_761 = %scan3A_5 to %scan3A_7 step %scan3A_8  : i32 {
      %jit3A_762 = arith.constant 15 : i32
      %div3A = arith.divsi %scan3A_761, %jit3A_762 : i32
      %sign3A = arith.constant 0 : i32
      %sign3A_763 = arith.cmpi sgt, %scan3A_761, %sign3A : i32
      %sign3A_764 = arith.extui %sign3A_763 : i1 to i32
      %sign3A_765 = arith.constant 0 : i32
      %sign3A_766 = arith.cmpi slt, %scan3A_761, %sign3A_765 : i32
      %sign3A_767 = arith.extui %sign3A_766 : i1 to i32
      %sign3A_768 = arith.subi %sign3A_764, %sign3A_767 : i32
      %sign3A_769 = arith.constant 0 : i32
      %sign3A_770 = arith.cmpi sgt, %jit3A_762, %sign3A_769 : i32
      %sign3A_771 = arith.extui %sign3A_770 : i1 to i32
      %sign3A_772 = arith.constant 0 : i32
      %sign3A_773 = arith.cmpi slt, %jit3A_762, %sign3A_772 : i32
      %sign3A_774 = arith.extui %sign3A_773 : i1 to i32
      %sign3A_775 = arith.subi %sign3A_771, %sign3A_774 : i32
      %ne3A_776 = arith.cmpi ne, %sign3A_768, %sign3A_775 : i32
      %rem3A = arith.remsi %scan3A_761, %jit3A_762 : i32
      %ne3A_777 = arith.constant 0 : i32
      %ne3A_778 = arith.cmpi ne, %rem3A, %ne3A_777 : i32
      %and3A = arith.andi %ne3A_776, %ne3A_778 : i1
      %sub3A = arith.constant 1 : i32
      %sub3A_779 = arith.subi %div3A, %sub3A : i32
      %select_n3A_780 = arith.select %and3A, %sub3A_779, %div3A : i32
      %mul3A_781 = arith.constant 144 : i32
      %mul3A_782 = arith.muli %mul3A_781, %scan3A_761 : i32
      %mul3A_783 = arith.constant 2159 : i32
      %mul3A_784 = arith.muli %mul3A_783, %select_n3A_780 : i32
      %sub3A_785 = arith.subi %mul3A_782, %mul3A_784 : i32
      %mul3A_786 = arith.constant 2160 : i32
      %mul3A_787 = arith.muli %add3A, %mul3A_786 : i32
      %add3A_788 = arith.addi %sub3A_785, %mul3A_787 : i32
      %iota3A = tpu.iota {dimensions = array<i32: 0>} : vector<16xi32>
      %mul3A_789 = arith.constant 9 : i32
      %mul3A_790 = vector.broadcast %mul3A_789 : i32 to vector<16xi32>
      %mul3A_791 = arith.muli %iota3A, %mul3A_790 : vector<16xi32>
      %add3A_792 = vector.broadcast %add3A_788 : i32 to vector<16xi32>
      %add3A_793 = arith.addi %mul3A_791, %add3A_792 : vector<16xi32>
      %mul3A_794 = arith.constant 16 : i32
      %mul3A_795 = arith.muli %mul3A_794, %scan3A_761 : i32
      %swap3A_796 = arith.index_cast %mul3A_795 : i32 to index
      %swap3A_797 = tpu.vector_load %arg12[%swap3A_796] {strides = array<i32>} : memref<2160xi32, #tpu.memory_space<vmem>>, vector<16xi32>,
      %swap3A_798 = vector.shape_cast %swap3A_797 : vector<16xi32> to vector<16xi32>
      %swap3A_799 = vector.shape_cast %add3A_793 : vector<16xi32> to vector<16xi32>
      tpu.vector_store %arg12[%swap3A_796], %swap3A_799 {strides = array<i32>} : memref<2160xi32, #tpu.memory_space<vmem>>, vector<16xi32>,
    }
    %scan3A_9 = arith.constant 135 : i32
    %dma_start3A = arith.constant 0 : i32
    %dma_start3A_10 = tpu.memref_slice %arg2[%dma_start3A] : memref<69120xi32, #tpu.memory_space<hbm>> -> memref<69120xi32, #tpu.memory_space<hbm>>
    tpu.enqueue_indirect_dma source(%dma_start3A_10 : memref<69120xi32, #tpu.memory_space<hbm>>) target(%arg13 : memref<2160xi32, #tpu.memory_space<vmem>>) offsets(%arg12 : memref<2160xi32, #tpu.memory_space<vmem>>) semaphore(%arg15 : memref<!tpu.dma_semaphore, #tpu.memory_space<semaphore_mem>>)
    %dma_wait3A = arith.constant 0 : i32
    %dma_wait3A_11 = tpu.memref_slice %arg2[%dma_wait3A] : memref<69120xi32, #tpu.memory_space<hbm>> -> memref<69120xi32, #tpu.memory_space<hbm>>
    tpu.wait_indirect_dma semaphore(%arg15 : memref<!tpu.dma_semaphore, #tpu.memory_space<semaphore_mem>>) src(%dma_wait3A_11 : memref<69120xi32, #tpu.memory_space<hbm>>) dst(%arg13 : memref<2160xi32, #tpu.memory_space<vmem>>)
    %get3A = arith.constant 0 : index
    %get3A_12 = tpu.vector_load %arg13[%get3A] {strides = array<i32>} : memref<2160xi32, #tpu.memory_space<vmem>>, vector<16xi32>,
    %get3A_13 = vector.shape_cast %get3A_12 : vector<16xi32> to vector<16xi32>
    %get3A_14 = arith.constant 240 : index
    %get3A_15 = tpu.vector_load %arg13[%get3A_14] {strides = array<i32>} : memref<2160xi32, #tpu.memory_space<vmem>>, vector<16xi32>,
    %get3A_16 = vector.shape_cast %get3A_15 : vector<16xi32> to vector<16xi32>
    %add3A_17 = arith.addi %get3A_13, %get3A_16 : vector<16xi32>
    %get3A_18 = arith.constant 480 : index
    %get3A_19 = tpu.vector_load %arg13[%get3A_18] {strides = array<i32>} : memref<2160xi32, #tpu.memory_space<vmem>>, vector<16xi32>,
    %get3A_20 = vector.shape_cast %get3A_19 : vector<16xi32> to vector<16xi32>
    %add3A_21 = arith.addi %add3A_17, %get3A_20 : vector<16xi32>
    %convert_element_type3A_22 = arith.sitofp %add3A_21 : vector<16xi32> to vector<16xf32>
    %get3A_23 = arith.constant 720 : index
    %get3A_24 = tpu.vector_load %arg13[%get3A_23] {strides = array<i32>} : memref<2160xi32, #tpu.memory_space<vmem>>, vector<16xi32>,
    %get3A_25 = vector.shape_cast %get3A_24 : vector<16xi32> to vector<16xi32>
    %get3A_26 = arith.constant 960 : index
    %get3A_27 = tpu.vector_load %arg13[%get3A_26] {strides = array<i32>} : memref<2160xi32, #tpu.memory_space<vmem>>, vector<16xi32>,
    %get3A_28 = vector.shape_cast %get3A_27 : vector<16xi32> to vector<16xi32>
    %add3A_29 = arith.addi %get3A_25, %get3A_28 : vector<16xi32>
    %get3A_30 = arith.constant 1200 : index
    %get3A_31 = tpu.vector_load %arg13[%get3A_30] {strides = array<i32>} : memref<2160xi32, #tpu.memory_space<vmem>>, vector<16xi32>,
    %get3A_32 = vector.shape_cast %get3A_31 : vector<16xi32> to vector<16xi32>
    %add3A_33 = arith.addi %add3A_29, %get3A_32 : vector<16xi32>
    %convert_element_type3A_34 = arith.sitofp %add3A_33 : vector<16xi32> to vector<16xf32>
    %max3A = arith.maximumf %convert_element_type3A_22, %convert_element_type3A_34 : vector<16xf32>
    %get3A_35 = arith.constant 1440 : index
    %get3A_36 = tpu.vector_load %arg13[%get3A_35] {strides = array<i32>} : memref<2160xi32, #tpu.memory_space<vmem>>, vector<16xi32>,
    %get3A_37 = vector.shape_cast %get3A_36 : vector<16xi32> to vector<16xi32>
    %get3A_38 = arith.constant 1680 : index
    %get3A_39 = tpu.vector_load %arg13[%get3A_38] {strides = array<i32>} : memref<2160xi32, #tpu.memory_space<vmem>>, vector<16xi32>,
    %get3A_40 = vector.shape_cast %get3A_39 : vector<16xi32> to vector<16xi32>
    %add3A_41 = arith.addi %get3A_37, %get3A_40 : vector<16xi32>
    %get3A_42 = arith.constant 1920 : index
    %get3A_43 = tpu.vector_load %arg13[%get3A_42] {strides = array<i32>} : memref<2160xi32, #tpu.memory_space<vmem>>, vector<16xi32>,
    %get3A_44 = vector.shape_cast %get3A_43 : vector<16xi32> to vector<16xi32>
    %add3A_45 = arith.addi %add3A_41, %get3A_44 : vector<16xi32>
    %convert_element_type3A_46 = arith.sitofp %add3A_45 : vector<16xi32> to vector<16xf32>
    %max3A_47 = arith.maximumf %max3A, %convert_element_type3A_46 : vector<16xf32>
    %ne3A = arith.constant 0.000000e+00 : f32
    %ne3A_48 = vector.broadcast %ne3A : f32 to vector<16xf32>
    %ne3A_49 = arith.cmpf one, %max3A_47, %ne3A_48 : vector<16xf32>
    %jit3A = arith.constant 1 : i32
    %jit3A_50 = arith.constant 0 : i32
    %broadcast_in_dim3A = vector.broadcast %jit3A : i32 to vector<16xi32>
    %broadcast_in_dim3A_51 = vector.broadcast %jit3A_50 : i32 to vector<16xi32>
    %select_n3A = arith.select %ne3A_49, %broadcast_in_dim3A, %broadcast_in_dim3A_51 : vector<16xi1>, vector<16xi32>
    %swap3A = arith.constant 0 : index
    %swap3A_52 = tpu.vector_load %arg11[%swap3A] {strides = array<i32>} : memref<240xi32, #tpu.memory_space<vmem>>, vector<16xi32>,
    %swap3A_53 = vector.shape_cast %swap3A_52 : vector<16xi32> to vector<16xi32>
    %swap3A_54 = vector.shape_cast %select_n3A : vector<16xi32> to vector<16xi32>
    tpu.vector_store %arg11[%swap3A], %swap3A_54 {strides = array<i32>} : memref<240xi32, #tpu.memory_space<vmem>>, vector<16xi32>,
    %get3A_55 = arith.constant 16 : index
    %get3A_56 = tpu.vector_load %arg13[%get3A_55] {strides = array<i32>} : memref<2160xi32, #tpu.memory_space<vmem>>, vector<16xi32>,
    %get3A_57 = vector.shape_cast %get3A_56 : vector<16xi32> to vector<16xi32>
    %get3A_58 = arith.constant 256 : index
    %get3A_59 = tpu.vector_load %arg13[%get3A_58] {strides = array<i32>} : memref<2160xi32, #tpu.memory_space<vmem>>, vector<16xi32>,
    %get3A_60 = vector.shape_cast %get3A_59 : vector<16xi32> to vector<16xi32>
    %add3A_61 = arith.addi %get3A_57, %get3A_60 : vector<16xi32>
    %get3A_62 = arith.constant 496 : index
    %get3A_63 = tpu.vector_load %arg13[%get3A_62] {strides = array<i32>} : memref<2160xi32, #tpu.memory_space<vmem>>, vector<16xi32>,
    %get3A_64 = vector.shape_cast %get3A_63 : vector<16xi32> to vector<16xi32>
    %add3A_65 = arith.addi %add3A_61, %get3A_64 : vector<16xi32>
    %convert_element_type3A_66 = arith.sitofp %add3A_65 : vector<16xi32> to vector<16xf32>
    %get3A_67 = arith.constant 736 : index
    %get3A_68 = tpu.vector_load %arg13[%get3A_67] {strides = array<i32>} : memref<2160xi32, #tpu.memory_space<vmem>>, vector<16xi32>,
    %get3A_69 = vector.shape_cast %get3A_68 : vector<16xi32> to vector<16xi32>
    %get3A_70 = arith.constant 976 : index
    %get3A_71 = tpu.vector_load %arg13[%get3A_70] {strides = array<i32>} : memref<2160xi32, #tpu.memory_space<vmem>>, vector<16xi32>,
    %get3A_72 = vector.shape_cast %get3A_71 : vector<16xi32> to vector<16xi32>
    %add3A_73 = arith.addi %get3A_69, %get3A_72 : vector<16xi32>
    %get3A_74 = arith.constant 1216 : index
    %get3A_75 = tpu.vector_load %arg13[%get3A_74] {strides = array<i32>} : memref<2160xi32, #tpu.memory_space<vmem>>, vector<16xi32>,
    %get3A_76 = vector.shape_cast %get3A_75 : vector<16xi32> to vector<16xi32>
    %add3A_77 = arith.addi %add3A_73, %get3A_76 : vector<16xi32>
    %convert_element_type3A_78 = arith.sitofp %add3A_77 : vector<16xi32> to vector<16xf32>
    %max3A_79 = arith.maximumf %convert_element_type3A_66, %convert_element_type3A_78 : vector<16xf32>
    %get3A_80 = arith.constant 1456 : index
    %get3A_81 = tpu.vector_load %arg13[%get3A_80] {strides = array<i32>} : memref<2160xi32, #tpu.memory_space<vmem>>, vector<16xi32>,
    %get3A_82 = vector.shape_cast %get3A_81 : vector<16xi32> to vector<16xi32>
    %get3A_83 = arith.constant 1696 : index
    %get3A_84 = tpu.vector_load %arg13[%get3A_83] {strides = array<i32>} : memref<2160xi32, #tpu.memory_space<vmem>>, vector<16xi32>,
    %get3A_85 = vector.shape_cast %get3A_84 : vector<16xi32> to vector<16xi32>
    %add3A_86 = arith.addi %get3A_82, %get3A_85 : vector<16xi32>
    %get3A_87 = arith.constant 1936 : index
    %get3A_88 = tpu.vector_load %arg13[%get3A_87] {strides = array<i32>} : memref<2160xi32, #tpu.memory_space<vmem>>, vector<16xi32>,
    %get3A_89 = vector.shape_cast %get3A_88 : vector<16xi32> to vector<16xi32>
    %add3A_90 = arith.addi %add3A_86, %get3A_89 : vector<16xi32>
    %convert_element_type3A_91 = arith.sitofp %add3A_90 : vector<16xi32> to vector<16xf32>
    %max3A_92 = arith.maximumf %max3A_79, %convert_element_type3A_91 : vector<16xf32>
    %ne3A_93 = arith.constant 0.000000e+00 : f32
    %ne3A_94 = vector.broadcast %ne3A_93 : f32 to vector<16xf32>
    %ne3A_95 = arith.cmpf one, %max3A_92, %ne3A_94 : vector<16xf32>
    %jit3A_96 = arith.constant 1 : i32
    %jit3A_97 = arith.constant 0 : i32
    %broadcast_in_dim3A_98 = vector.broadcast %jit3A_96 : i32 to vector<16xi32>
    %broadcast_in_dim3A_99 = vector.broadcast %jit3A_97 : i32 to vector<16xi32>
    %select_n3A_100 = arith.select %ne3A_95, %broadcast_in_dim3A_98, %broadcast_in_dim3A_99 : vector<16xi1>, vector<16xi32>
    %swap3A_101 = arith.constant 16 : index
    %swap3A_102 = tpu.vector_load %arg11[%swap3A_101] {strides = array<i32>} : memref<240xi32, #tpu.memory_space<vmem>>, vector<16xi32>,
    %swap3A_103 = vector.shape_cast %swap3A_102 : vector<16xi32> to vector<16xi32>
    %swap3A_104 = vector.shape_cast %select_n3A_100 : vector<16xi32> to vector<16xi32>
    tpu.vector_store %arg11[%swap3A_101], %swap3A_104 {strides = array<i32>} : memref<240xi32, #tpu.memory_space<vmem>>, vector<16xi32>,
    %get3A_105 = arith.constant 32 : index
    %get3A_106 = tpu.vector_load %arg13[%get3A_105] {strides = array<i32>} : memref<2160xi32, #tpu.memory_space<vmem>>, vector<16xi32>,
    %get3A_107 = vector.shape_cast %get3A_106 : vector<16xi32> to vector<16xi32>
    %get3A_108 = arith.constant 272 : index
    %get3A_109 = tpu.vector_load %arg13[%get3A_108] {strides = array<i32>} : memref<2160xi32, #tpu.memory_space<vmem>>, vector<16xi32>,
    %get3A_110 = vector.shape_cast %get3A_109 : vector<16xi32> to vector<16xi32>
    %add3A_111 = arith.addi %get3A_107, %get3A_110 : vector<16xi32>
    %get3A_112 = arith.constant 512 : index
    %get3A_113 = tpu.vector_load %arg13[%get3A_112] {strides = array<i32>} : memref<2160xi32, #tpu.memory_space<vmem>>, vector<16xi32>,
    %get3A_114 = vector.shape_cast %get3A_113 : vector<16xi32> to vector<16xi32>
    %add3A_115 = arith.addi %add3A_111, %get3A_114 : vector<16xi32>
    %convert_element_type3A_116 = arith.sitofp %add3A_115 : vector<16xi32> to vector<16xf32>
    %get3A_117 = arith.constant 752 : index
    %get3A_118 = tpu.vector_load %arg13[%get3A_117] {strides = array<i32>} : memref<2160xi32, #tpu.memory_space<vmem>>, vector<16xi32>,
    %get3A_119 = vector.shape_cast %get3A_118 : vector<16xi32> to vector<16xi32>
    %get3A_120 = arith.constant 992 : index
    %get3A_121 = tpu.vector_load %arg13[%get3A_120] {strides = array<i32>} : memref<2160xi32, #tpu.memory_space<vmem>>, vector<16xi32>,
    %get3A_122 = vector.shape_cast %get3A_121 : vector<16xi32> to vector<16xi32>
    %add3A_123 = arith.addi %get3A_119, %get3A_122 : vector<16xi32>
    %get3A_124 = arith.constant 1232 : index
    %get3A_125 = tpu.vector_load %arg13[%get3A_124] {strides = array<i32>} : memref<2160xi32, #tpu.memory_space<vmem>>, vector<16xi32>,
    %get3A_126 = vector.shape_cast %get3A_125 : vector<16xi32> to vector<16xi32>
    %add3A_127 = arith.addi %add3A_123, %get3A_126 : vector<16xi32>
    %convert_element_type3A_128 = arith.sitofp %add3A_127 : vector<16xi32> to vector<16xf32>
    %max3A_129 = arith.maximumf %convert_element_type3A_116, %convert_element_type3A_128 : vector<16xf32>
    %get3A_130 = arith.constant 1472 : index
    %get3A_131 = tpu.vector_load %arg13[%get3A_130] {strides = array<i32>} : memref<2160xi32, #tpu.memory_space<vmem>>, vector<16xi32>,
    %get3A_132 = vector.shape_cast %get3A_131 : vector<16xi32> to vector<16xi32>
    %get3A_133 = arith.constant 1712 : index
    %get3A_134 = tpu.vector_load %arg13[%get3A_133] {strides = array<i32>} : memref<2160xi32, #tpu.memory_space<vmem>>, vector<16xi32>,
    %get3A_135 = vector.shape_cast %get3A_134 : vector<16xi32> to vector<16xi32>
    %add3A_136 = arith.addi %get3A_132, %get3A_135 : vector<16xi32>
    %get3A_137 = arith.constant 1952 : index
    %get3A_138 = tpu.vector_load %arg13[%get3A_137] {strides = array<i32>} : memref<2160xi32, #tpu.memory_space<vmem>>, vector<16xi32>,
    %get3A_139 = vector.shape_cast %get3A_138 : vector<16xi32> to vector<16xi32>
    %add3A_140 = arith.addi %add3A_136, %get3A_139 : vector<16xi32>
    %convert_element_type3A_141 = arith.sitofp %add3A_140 : vector<16xi32> to vector<16xf32>
    %max3A_142 = arith.maximumf %max3A_129, %convert_element_type3A_141 : vector<16xf32>
    %ne3A_143 = arith.constant 0.000000e+00 : f32
    %ne3A_144 = vector.broadcast %ne3A_143 : f32 to vector<16xf32>
    %ne3A_145 = arith.cmpf one, %max3A_142, %ne3A_144 : vector<16xf32>
    %jit3A_146 = arith.constant 1 : i32
    %jit3A_147 = arith.constant 0 : i32
    %broadcast_in_dim3A_148 = vector.broadcast %jit3A_146 : i32 to vector<16xi32>
    %broadcast_in_dim3A_149 = vector.broadcast %jit3A_147 : i32 to vector<16xi32>
    %select_n3A_150 = arith.select %ne3A_145, %broadcast_in_dim3A_148, %broadcast_in_dim3A_149 : vector<16xi1>, vector<16xi32>
    %swap3A_151 = arith.constant 32 : index
    %swap3A_152 = tpu.vector_load %arg11[%swap3A_151] {strides = array<i32>} : memref<240xi32, #tpu.memory_space<vmem>>, vector<16xi32>,
    %swap3A_153 = vector.shape_cast %swap3A_152 : vector<16xi32> to vector<16xi32>
    %swap3A_154 = vector.shape_cast %select_n3A_150 : vector<16xi32> to vector<16xi32>
    tpu.vector_store %arg11[%swap3A_151], %swap3A_154 {strides = array<i32>} : memref<240xi32, #tpu.memory_space<vmem>>, vector<16xi32>,
    %get3A_155 = arith.constant 48 : index
    %get3A_156 = tpu.vector_load %arg13[%get3A_155] {strides = array<i32>} : memref<2160xi32, #tpu.memory_space<vmem>>, vector<16xi32>,
    %get3A_157 = vector.shape_cast %get3A_156 : vector<16xi32> to vector<16xi32>
    %get3A_158 = arith.constant 288 : index
    %get3A_159 = tpu.vector_load %arg13[%get3A_158] {strides = array<i32>} : memref<2160xi32, #tpu.memory_space<vmem>>, vector<16xi32>,
    %get3A_160 = vector.shape_cast %get3A_159 : vector<16xi32> to vector<16xi32>
    %add3A_161 = arith.addi %get3A_157, %get3A_160 : vector<16xi32>
    %get3A_162 = arith.constant 528 : index
    %get3A_163 = tpu.vector_load %arg13[%get3A_162] {strides = array<i32>} : memref<2160xi32, #tpu.memory_space<vmem>>, vector<16xi32>,
    %get3A_164 = vector.shape_cast %get3A_163 : vector<16xi32> to vector<16xi32>
    %add3A_165 = arith.addi %add3A_161, %get3A_164 : vector<16xi32>
    %convert_element_type3A_166 = arith.sitofp %add3A_165 : vector<16xi32> to vector<16xf32>
    %get3A_167 = arith.constant 768 : index
    %get3A_168 = tpu.vector_load %arg13[%get3A_167] {strides = array<i32>} : memref<2160xi32, #tpu.memory_space<vmem>>, vector<16xi32>,
    %get3A_169 = vector.shape_cast %get3A_168 : vector<16xi32> to vector<16xi32>
    %get3A_170 = arith.constant 1008 : index
    %get3A_171 = tpu.vector_load %arg13[%get3A_170] {strides = array<i32>} : memref<2160xi32, #tpu.memory_space<vmem>>, vector<16xi32>,
    %get3A_172 = vector.shape_cast %get3A_171 : vector<16xi32> to vector<16xi32>
    %add3A_173 = arith.addi %get3A_169, %get3A_172 : vector<16xi32>
    %get3A_174 = arith.constant 1248 : index
    %get3A_175 = tpu.vector_load %arg13[%get3A_174] {strides = array<i32>} : memref<2160xi32, #tpu.memory_space<vmem>>, vector<16xi32>,
    %get3A_176 = vector.shape_cast %get3A_175 : vector<16xi32> to vector<16xi32>
    %add3A_177 = arith.addi %add3A_173, %get3A_176 : vector<16xi32>
    %convert_element_type3A_178 = arith.sitofp %add3A_177 : vector<16xi32> to vector<16xf32>
    %max3A_179 = arith.maximumf %convert_element_type3A_166, %convert_element_type3A_178 : vector<16xf32>
    %get3A_180 = arith.constant 1488 : index
    %get3A_181 = tpu.vector_load %arg13[%get3A_180] {strides = array<i32>} : memref<2160xi32, #tpu.memory_space<vmem>>, vector<16xi32>,
    %get3A_182 = vector.shape_cast %get3A_181 : vector<16xi32> to vector<16xi32>
    %get3A_183 = arith.constant 1728 : index
    %get3A_184 = tpu.vector_load %arg13[%get3A_183] {strides = array<i32>} : memref<2160xi32, #tpu.memory_space<vmem>>, vector<16xi32>,
    %get3A_185 = vector.shape_cast %get3A_184 : vector<16xi32> to vector<16xi32>
    %add3A_186 = arith.addi %get3A_182, %get3A_185 : vector<16xi32>
    %get3A_187 = arith.constant 1968 : index
    %get3A_188 = tpu.vector_load %arg13[%get3A_187] {strides = array<i32>} : memref<2160xi32, #tpu.memory_space<vmem>>, vector<16xi32>,
    %get3A_189 = vector.shape_cast %get3A_188 : vector<16xi32> to vector<16xi32>
    %add3A_190 = arith.addi %add3A_186, %get3A_189 : vector<16xi32>
    %convert_element_type3A_191 = arith.sitofp %add3A_190 : vector<16xi32> to vector<16xf32>
    %max3A_192 = arith.maximumf %max3A_179, %convert_element_type3A_191 : vector<16xf32>
    %ne3A_193 = arith.constant 0.000000e+00 : f32
    %ne3A_194 = vector.broadcast %ne3A_193 : f32 to vector<16xf32>
    %ne3A_195 = arith.cmpf one, %max3A_192, %ne3A_194 : vector<16xf32>
    %jit3A_196 = arith.constant 1 : i32
    %jit3A_197 = arith.constant 0 : i32
    %broadcast_in_dim3A_198 = vector.broadcast %jit3A_196 : i32 to vector<16xi32>
    %broadcast_in_dim3A_199 = vector.broadcast %jit3A_197 : i32 to vector<16xi32>
    %select_n3A_200 = arith.select %ne3A_195, %broadcast_in_dim3A_198, %broadcast_in_dim3A_199 : vector<16xi1>, vector<16xi32>
    %swap3A_201 = arith.constant 48 : index
    %swap3A_202 = tpu.vector_load %arg11[%swap3A_201] {strides = array<i32>} : memref<240xi32, #tpu.memory_space<vmem>>, vector<16xi32>,
    %swap3A_203 = vector.shape_cast %swap3A_202 : vector<16xi32> to vector<16xi32>
    %swap3A_204 = vector.shape_cast %select_n3A_200 : vector<16xi32> to vector<16xi32>
    tpu.vector_store %arg11[%swap3A_201], %swap3A_204 {strides = array<i32>} : memref<240xi32, #tpu.memory_space<vmem>>, vector<16xi32>,
    %get3A_205 = arith.constant 64 : index
    %get3A_206 = tpu.vector_load %arg13[%get3A_205] {strides = array<i32>} : memref<2160xi32, #tpu.memory_space<vmem>>, vector<16xi32>,
    %get3A_207 = vector.shape_cast %get3A_206 : vector<16xi32> to vector<16xi32>
    %get3A_208 = arith.constant 304 : index
    %get3A_209 = tpu.vector_load %arg13[%get3A_208] {strides = array<i32>} : memref<2160xi32, #tpu.memory_space<vmem>>, vector<16xi32>,
    %get3A_210 = vector.shape_cast %get3A_209 : vector<16xi32> to vector<16xi32>
    %add3A_211 = arith.addi %get3A_207, %get3A_210 : vector<16xi32>
    %get3A_212 = arith.constant 544 : index
    %get3A_213 = tpu.vector_load %arg13[%get3A_212] {strides = array<i32>} : memref<2160xi32, #tpu.memory_space<vmem>>, vector<16xi32>,
    %get3A_214 = vector.shape_cast %get3A_213 : vector<16xi32> to vector<16xi32>
    %add3A_215 = arith.addi %add3A_211, %get3A_214 : vector<16xi32>
    %convert_element_type3A_216 = arith.sitofp %add3A_215 : vector<16xi32> to vector<16xf32>
    %get3A_217 = arith.constant 784 : index
    %get3A_218 = tpu.vector_load %arg13[%get3A_217] {strides = array<i32>} : memref<2160xi32, #tpu.memory_space<vmem>>, vector<16xi32>,
    %get3A_219 = vector.shape_cast %get3A_218 : vector<16xi32> to vector<16xi32>
    %get3A_220 = arith.constant 1024 : index
    %get3A_221 = tpu.vector_load %arg13[%get3A_220] {strides = array<i32>} : memref<2160xi32, #tpu.memory_space<vmem>>, vector<16xi32>,
    %get3A_222 = vector.shape_cast %get3A_221 : vector<16xi32> to vector<16xi32>
    %add3A_223 = arith.addi %get3A_219, %get3A_222 : vector<16xi32>
    %get3A_224 = arith.constant 1264 : index
    %get3A_225 = tpu.vector_load %arg13[%get3A_224] {strides = array<i32>} : memref<2160xi32, #tpu.memory_space<vmem>>, vector<16xi32>,
    %get3A_226 = vector.shape_cast %get3A_225 : vector<16xi32> to vector<16xi32>
    %add3A_227 = arith.addi %add3A_223, %get3A_226 : vector<16xi32>
    %convert_element_type3A_228 = arith.sitofp %add3A_227 : vector<16xi32> to vector<16xf32>
    %max3A_229 = arith.maximumf %convert_element_type3A_216, %convert_element_type3A_228 : vector<16xf32>
    %get3A_230 = arith.constant 1504 : index
    %get3A_231 = tpu.vector_load %arg13[%get3A_230] {strides = array<i32>} : memref<2160xi32, #tpu.memory_space<vmem>>, vector<16xi32>,
    %get3A_232 = vector.shape_cast %get3A_231 : vector<16xi32> to vector<16xi32>
    %get3A_233 = arith.constant 1744 : index
    %get3A_234 = tpu.vector_load %arg13[%get3A_233] {strides = array<i32>} : memref<2160xi32, #tpu.memory_space<vmem>>, vector<16xi32>,
    %get3A_235 = vector.shape_cast %get3A_234 : vector<16xi32> to vector<16xi32>
    %add3A_236 = arith.addi %get3A_232, %get3A_235 : vector<16xi32>
    %get3A_237 = arith.constant 1984 : index
    %get3A_238 = tpu.vector_load %arg13[%get3A_237] {strides = array<i32>} : memref<2160xi32, #tpu.memory_space<vmem>>, vector<16xi32>,
    %get3A_239 = vector.shape_cast %get3A_238 : vector<16xi32> to vector<16xi32>
    %add3A_240 = arith.addi %add3A_236, %get3A_239 : vector<16xi32>
    %convert_element_type3A_241 = arith.sitofp %add3A_240 : vector<16xi32> to vector<16xf32>
    %max3A_242 = arith.maximumf %max3A_229, %convert_element_type3A_241 : vector<16xf32>
    %ne3A_243 = arith.constant 0.000000e+00 : f32
    %ne3A_244 = vector.broadcast %ne3A_243 : f32 to vector<16xf32>
    %ne3A_245 = arith.cmpf one, %max3A_242, %ne3A_244 : vector<16xf32>
    %jit3A_246 = arith.constant 1 : i32
    %jit3A_247 = arith.constant 0 : i32
    %broadcast_in_dim3A_248 = vector.broadcast %jit3A_246 : i32 to vector<16xi32>
    %broadcast_in_dim3A_249 = vector.broadcast %jit3A_247 : i32 to vector<16xi32>
    %select_n3A_250 = arith.select %ne3A_245, %broadcast_in_dim3A_248, %broadcast_in_dim3A_249 : vector<16xi1>, vector<16xi32>
    %swap3A_251 = arith.constant 64 : index
    %swap3A_252 = tpu.vector_load %arg11[%swap3A_251] {strides = array<i32>} : memref<240xi32, #tpu.memory_space<vmem>>, vector<16xi32>,
    %swap3A_253 = vector.shape_cast %swap3A_252 : vector<16xi32> to vector<16xi32>
    %swap3A_254 = vector.shape_cast %select_n3A_250 : vector<16xi32> to vector<16xi32>
    tpu.vector_store %arg11[%swap3A_251], %swap3A_254 {strides = array<i32>} : memref<240xi32, #tpu.memory_space<vmem>>, vector<16xi32>,
    %get3A_255 = arith.constant 80 : index
    %get3A_256 = tpu.vector_load %arg13[%get3A_255] {strides = array<i32>} : memref<2160xi32, #tpu.memory_space<vmem>>, vector<16xi32>,
    %get3A_257 = vector.shape_cast %get3A_256 : vector<16xi32> to vector<16xi32>
    %get3A_258 = arith.constant 320 : index
    %get3A_259 = tpu.vector_load %arg13[%get3A_258] {strides = array<i32>} : memref<2160xi32, #tpu.memory_space<vmem>>, vector<16xi32>,
    %get3A_260 = vector.shape_cast %get3A_259 : vector<16xi32> to vector<16xi32>
    %add3A_261 = arith.addi %get3A_257, %get3A_260 : vector<16xi32>
    %get3A_262 = arith.constant 560 : index
    %get3A_263 = tpu.vector_load %arg13[%get3A_262] {strides = array<i32>} : memref<2160xi32, #tpu.memory_space<vmem>>, vector<16xi32>,
    %get3A_264 = vector.shape_cast %get3A_263 : vector<16xi32> to vector<16xi32>
    %add3A_265 = arith.addi %add3A_261, %get3A_264 : vector<16xi32>
    %convert_element_type3A_266 = arith.sitofp %add3A_265 : vector<16xi32> to vector<16xf32>
    %get3A_267 = arith.constant 800 : index
    %get3A_268 = tpu.vector_load %arg13[%get3A_267] {strides = array<i32>} : memref<2160xi32, #tpu.memory_space<vmem>>, vector<16xi32>,
    %get3A_269 = vector.shape_cast %get3A_268 : vector<16xi32> to vector<16xi32>
    %get3A_270 = arith.constant 1040 : index
    %get3A_271 = tpu.vector_load %arg13[%get3A_270] {strides = array<i32>} : memref<2160xi32, #tpu.memory_space<vmem>>, vector<16xi32>,
    %get3A_272 = vector.shape_cast %get3A_271 : vector<16xi32> to vector<16xi32>
    %add3A_273 = arith.addi %get3A_269, %get3A_272 : vector<16xi32>
    %get3A_274 = arith.constant 1280 : index
    %get3A_275 = tpu.vector_load %arg13[%get3A_274] {strides = array<i32>} : memref<2160xi32, #tpu.memory_space<vmem>>, vector<16xi32>,
    %get3A_276 = vector.shape_cast %get3A_275 : vector<16xi32> to vector<16xi32>
    %add3A_277 = arith.addi %add3A_273, %get3A_276 : vector<16xi32>
    %convert_element_type3A_278 = arith.sitofp %add3A_277 : vector<16xi32> to vector<16xf32>
    %max3A_279 = arith.maximumf %convert_element_type3A_266, %convert_element_type3A_278 : vector<16xf32>
    %get3A_280 = arith.constant 1520 : index
    %get3A_281 = tpu.vector_load %arg13[%get3A_280] {strides = array<i32>} : memref<2160xi32, #tpu.memory_space<vmem>>, vector<16xi32>,
    %get3A_282 = vector.shape_cast %get3A_281 : vector<16xi32> to vector<16xi32>
    %get3A_283 = arith.constant 1760 : index
    %get3A_284 = tpu.vector_load %arg13[%get3A_283] {strides = array<i32>} : memref<2160xi32, #tpu.memory_space<vmem>>, vector<16xi32>,
    %get3A_285 = vector.shape_cast %get3A_284 : vector<16xi32> to vector<16xi32>
    %add3A_286 = arith.addi %get3A_282, %get3A_285 : vector<16xi32>
    %get3A_287 = arith.constant 2000 : index
    %get3A_288 = tpu.vector_load %arg13[%get3A_287] {strides = array<i32>} : memref<2160xi32, #tpu.memory_space<vmem>>, vector<16xi32>,
    %get3A_289 = vector.shape_cast %get3A_288 : vector<16xi32> to vector<16xi32>
    %add3A_290 = arith.addi %add3A_286, %get3A_289 : vector<16xi32>
    %convert_element_type3A_291 = arith.sitofp %add3A_290 : vector<16xi32> to vector<16xf32>
    %max3A_292 = arith.maximumf %max3A_279, %convert_element_type3A_291 : vector<16xf32>
    %ne3A_293 = arith.constant 0.000000e+00 : f32
    %ne3A_294 = vector.broadcast %ne3A_293 : f32 to vector<16xf32>
    %ne3A_295 = arith.cmpf one, %max3A_292, %ne3A_294 : vector<16xf32>
    %jit3A_296 = arith.constant 1 : i32
    %jit3A_297 = arith.constant 0 : i32
    %broadcast_in_dim3A_298 = vector.broadcast %jit3A_296 : i32 to vector<16xi32>
    %broadcast_in_dim3A_299 = vector.broadcast %jit3A_297 : i32 to vector<16xi32>
    %select_n3A_300 = arith.select %ne3A_295, %broadcast_in_dim3A_298, %broadcast_in_dim3A_299 : vector<16xi1>, vector<16xi32>
    %swap3A_301 = arith.constant 80 : index
    %swap3A_302 = tpu.vector_load %arg11[%swap3A_301] {strides = array<i32>} : memref<240xi32, #tpu.memory_space<vmem>>, vector<16xi32>,
    %swap3A_303 = vector.shape_cast %swap3A_302 : vector<16xi32> to vector<16xi32>
    %swap3A_304 = vector.shape_cast %select_n3A_300 : vector<16xi32> to vector<16xi32>
    tpu.vector_store %arg11[%swap3A_301], %swap3A_304 {strides = array<i32>} : memref<240xi32, #tpu.memory_space<vmem>>, vector<16xi32>,
    %get3A_305 = arith.constant 96 : index
    %get3A_306 = tpu.vector_load %arg13[%get3A_305] {strides = array<i32>} : memref<2160xi32, #tpu.memory_space<vmem>>, vector<16xi32>,
    %get3A_307 = vector.shape_cast %get3A_306 : vector<16xi32> to vector<16xi32>
    %get3A_308 = arith.constant 336 : index
    %get3A_309 = tpu.vector_load %arg13[%get3A_308] {strides = array<i32>} : memref<2160xi32, #tpu.memory_space<vmem>>, vector<16xi32>,
    %get3A_310 = vector.shape_cast %get3A_309 : vector<16xi32> to vector<16xi32>
    %add3A_311 = arith.addi %get3A_307, %get3A_310 : vector<16xi32>
    %get3A_312 = arith.constant 576 : index
    %get3A_313 = tpu.vector_load %arg13[%get3A_312] {strides = array<i32>} : memref<2160xi32, #tpu.memory_space<vmem>>, vector<16xi32>,
    %get3A_314 = vector.shape_cast %get3A_313 : vector<16xi32> to vector<16xi32>
    %add3A_315 = arith.addi %add3A_311, %get3A_314 : vector<16xi32>
    %convert_element_type3A_316 = arith.sitofp %add3A_315 : vector<16xi32> to vector<16xf32>
    %get3A_317 = arith.constant 816 : index
    %get3A_318 = tpu.vector_load %arg13[%get3A_317] {strides = array<i32>} : memref<2160xi32, #tpu.memory_space<vmem>>, vector<16xi32>,
    %get3A_319 = vector.shape_cast %get3A_318 : vector<16xi32> to vector<16xi32>
    %get3A_320 = arith.constant 1056 : index
    %get3A_321 = tpu.vector_load %arg13[%get3A_320] {strides = array<i32>} : memref<2160xi32, #tpu.memory_space<vmem>>, vector<16xi32>,
    %get3A_322 = vector.shape_cast %get3A_321 : vector<16xi32> to vector<16xi32>
    %add3A_323 = arith.addi %get3A_319, %get3A_322 : vector<16xi32>
    %get3A_324 = arith.constant 1296 : index
    %get3A_325 = tpu.vector_load %arg13[%get3A_324] {strides = array<i32>} : memref<2160xi32, #tpu.memory_space<vmem>>, vector<16xi32>,
    %get3A_326 = vector.shape_cast %get3A_325 : vector<16xi32> to vector<16xi32>
    %add3A_327 = arith.addi %add3A_323, %get3A_326 : vector<16xi32>
    %convert_element_type3A_328 = arith.sitofp %add3A_327 : vector<16xi32> to vector<16xf32>
    %max3A_329 = arith.maximumf %convert_element_type3A_316, %convert_element_type3A_328 : vector<16xf32>
    %get3A_330 = arith.constant 1536 : index
    %get3A_331 = tpu.vector_load %arg13[%get3A_330] {strides = array<i32>} : memref<2160xi32, #tpu.memory_space<vmem>>, vector<16xi32>,
    %get3A_332 = vector.shape_cast %get3A_331 : vector<16xi32> to vector<16xi32>
    %get3A_333 = arith.constant 1776 : index
    %get3A_334 = tpu.vector_load %arg13[%get3A_333] {strides = array<i32>} : memref<2160xi32, #tpu.memory_space<vmem>>, vector<16xi32>,
    %get3A_335 = vector.shape_cast %get3A_334 : vector<16xi32> to vector<16xi32>
    %add3A_336 = arith.addi %get3A_332, %get3A_335 : vector<16xi32>
    %get3A_337 = arith.constant 2016 : index
    %get3A_338 = tpu.vector_load %arg13[%get3A_337] {strides = array<i32>} : memref<2160xi32, #tpu.memory_space<vmem>>, vector<16xi32>,
    %get3A_339 = vector.shape_cast %get3A_338 : vector<16xi32> to vector<16xi32>
    %add3A_340 = arith.addi %add3A_336, %get3A_339 : vector<16xi32>
    %convert_element_type3A_341 = arith.sitofp %add3A_340 : vector<16xi32> to vector<16xf32>
    %max3A_342 = arith.maximumf %max3A_329, %convert_element_type3A_341 : vector<16xf32>
    %ne3A_343 = arith.constant 0.000000e+00 : f32
    %ne3A_344 = vector.broadcast %ne3A_343 : f32 to vector<16xf32>
    %ne3A_345 = arith.cmpf one, %max3A_342, %ne3A_344 : vector<16xf32>
    %jit3A_346 = arith.constant 1 : i32
    %jit3A_347 = arith.constant 0 : i32
    %broadcast_in_dim3A_348 = vector.broadcast %jit3A_346 : i32 to vector<16xi32>
    %broadcast_in_dim3A_349 = vector.broadcast %jit3A_347 : i32 to vector<16xi32>
    %select_n3A_350 = arith.select %ne3A_345, %broadcast_in_dim3A_348, %broadcast_in_dim3A_349 : vector<16xi1>, vector<16xi32>
    %swap3A_351 = arith.constant 96 : index
    %swap3A_352 = tpu.vector_load %arg11[%swap3A_351] {strides = array<i32>} : memref<240xi32, #tpu.memory_space<vmem>>, vector<16xi32>,
    %swap3A_353 = vector.shape_cast %swap3A_352 : vector<16xi32> to vector<16xi32>
    %swap3A_354 = vector.shape_cast %select_n3A_350 : vector<16xi32> to vector<16xi32>
    tpu.vector_store %arg11[%swap3A_351], %swap3A_354 {strides = array<i32>} : memref<240xi32, #tpu.memory_space<vmem>>, vector<16xi32>,
    %get3A_355 = arith.constant 112 : index
    %get3A_356 = tpu.vector_load %arg13[%get3A_355] {strides = array<i32>} : memref<2160xi32, #tpu.memory_space<vmem>>, vector<16xi32>,
    %get3A_357 = vector.shape_cast %get3A_356 : vector<16xi32> to vector<16xi32>
    %get3A_358 = arith.constant 352 : index
    %get3A_359 = tpu.vector_load %arg13[%get3A_358] {strides = array<i32>} : memref<2160xi32, #tpu.memory_space<vmem>>, vector<16xi32>,
    %get3A_360 = vector.shape_cast %get3A_359 : vector<16xi32> to vector<16xi32>
    %add3A_361 = arith.addi %get3A_357, %get3A_360 : vector<16xi32>
    %get3A_362 = arith.constant 592 : index
    %get3A_363 = tpu.vector_load %arg13[%get3A_362] {strides = array<i32>} : memref<2160xi32, #tpu.memory_space<vmem>>, vector<16xi32>,
    %get3A_364 = vector.shape_cast %get3A_363 : vector<16xi32> to vector<16xi32>
    %add3A_365 = arith.addi %add3A_361, %get3A_364 : vector<16xi32>
    %convert_element_type3A_366 = arith.sitofp %add3A_365 : vector<16xi32> to vector<16xf32>
    %get3A_367 = arith.constant 832 : index
    %get3A_368 = tpu.vector_load %arg13[%get3A_367] {strides = array<i32>} : memref<2160xi32, #tpu.memory_space<vmem>>, vector<16xi32>,
    %get3A_369 = vector.shape_cast %get3A_368 : vector<16xi32> to vector<16xi32>
    %get3A_370 = arith.constant 1072 : index
    %get3A_371 = tpu.vector_load %arg13[%get3A_370] {strides = array<i32>} : memref<2160xi32, #tpu.memory_space<vmem>>, vector<16xi32>,
    %get3A_372 = vector.shape_cast %get3A_371 : vector<16xi32> to vector<16xi32>
    %add3A_373 = arith.addi %get3A_369, %get3A_372 : vector<16xi32>
    %get3A_374 = arith.constant 1312 : index
    %get3A_375 = tpu.vector_load %arg13[%get3A_374] {strides = array<i32>} : memref<2160xi32, #tpu.memory_space<vmem>>, vector<16xi32>,
    %get3A_376 = vector.shape_cast %get3A_375 : vector<16xi32> to vector<16xi32>
    %add3A_377 = arith.addi %add3A_373, %get3A_376 : vector<16xi32>
    %convert_element_type3A_378 = arith.sitofp %add3A_377 : vector<16xi32> to vector<16xf32>
    %max3A_379 = arith.maximumf %convert_element_type3A_366, %convert_element_type3A_378 : vector<16xf32>
    %get3A_380 = arith.constant 1552 : index
    %get3A_381 = tpu.vector_load %arg13[%get3A_380] {strides = array<i32>} : memref<2160xi32, #tpu.memory_space<vmem>>, vector<16xi32>,
    %get3A_382 = vector.shape_cast %get3A_381 : vector<16xi32> to vector<16xi32>
    %get3A_383 = arith.constant 1792 : index
    %get3A_384 = tpu.vector_load %arg13[%get3A_383] {strides = array<i32>} : memref<2160xi32, #tpu.memory_space<vmem>>, vector<16xi32>,
    %get3A_385 = vector.shape_cast %get3A_384 : vector<16xi32> to vector<16xi32>
    %add3A_386 = arith.addi %get3A_382, %get3A_385 : vector<16xi32>
    %get3A_387 = arith.constant 2032 : index
    %get3A_388 = tpu.vector_load %arg13[%get3A_387] {strides = array<i32>} : memref<2160xi32, #tpu.memory_space<vmem>>, vector<16xi32>,
    %get3A_389 = vector.shape_cast %get3A_388 : vector<16xi32> to vector<16xi32>
    %add3A_390 = arith.addi %add3A_386, %get3A_389 : vector<16xi32>
    %convert_element_type3A_391 = arith.sitofp %add3A_390 : vector<16xi32> to vector<16xf32>
    %max3A_392 = arith.maximumf %max3A_379, %convert_element_type3A_391 : vector<16xf32>
    %ne3A_393 = arith.constant 0.000000e+00 : f32
    %ne3A_394 = vector.broadcast %ne3A_393 : f32 to vector<16xf32>
    %ne3A_395 = arith.cmpf one, %max3A_392, %ne3A_394 : vector<16xf32>
    %jit3A_396 = arith.constant 1 : i32
    %jit3A_397 = arith.constant 0 : i32
    %broadcast_in_dim3A_398 = vector.broadcast %jit3A_396 : i32 to vector<16xi32>
    %broadcast_in_dim3A_399 = vector.broadcast %jit3A_397 : i32 to vector<16xi32>
    %select_n3A_400 = arith.select %ne3A_395, %broadcast_in_dim3A_398, %broadcast_in_dim3A_399 : vector<16xi1>, vector<16xi32>
    %swap3A_401 = arith.constant 112 : index
    %swap3A_402 = tpu.vector_load %arg11[%swap3A_401] {strides = array<i32>} : memref<240xi32, #tpu.memory_space<vmem>>, vector<16xi32>,
    %swap3A_403 = vector.shape_cast %swap3A_402 : vector<16xi32> to vector<16xi32>
    %swap3A_404 = vector.shape_cast %select_n3A_400 : vector<16xi32> to vector<16xi32>
    tpu.vector_store %arg11[%swap3A_401], %swap3A_404 {strides = array<i32>} : memref<240xi32, #tpu.memory_space<vmem>>, vector<16xi32>,
    %get3A_405 = arith.constant 128 : index
    %get3A_406 = tpu.vector_load %arg13[%get3A_405] {strides = array<i32>} : memref<2160xi32, #tpu.memory_space<vmem>>, vector<16xi32>,
    %get3A_407 = vector.shape_cast %get3A_406 : vector<16xi32> to vector<16xi32>
    %get3A_408 = arith.constant 368 : index
    %get3A_409 = tpu.vector_load %arg13[%get3A_408] {strides = array<i32>} : memref<2160xi32, #tpu.memory_space<vmem>>, vector<16xi32>,
    %get3A_410 = vector.shape_cast %get3A_409 : vector<16xi32> to vector<16xi32>
    %add3A_411 = arith.addi %get3A_407, %get3A_410 : vector<16xi32>
    %get3A_412 = arith.constant 608 : index
    %get3A_413 = tpu.vector_load %arg13[%get3A_412] {strides = array<i32>} : memref<2160xi32, #tpu.memory_space<vmem>>, vector<16xi32>,
    %get3A_414 = vector.shape_cast %get3A_413 : vector<16xi32> to vector<16xi32>
    %add3A_415 = arith.addi %add3A_411, %get3A_414 : vector<16xi32>
    %convert_element_type3A_416 = arith.sitofp %add3A_415 : vector<16xi32> to vector<16xf32>
    %get3A_417 = arith.constant 848 : index
    %get3A_418 = tpu.vector_load %arg13[%get3A_417] {strides = array<i32>} : memref<2160xi32, #tpu.memory_space<vmem>>, vector<16xi32>,
    %get3A_419 = vector.shape_cast %get3A_418 : vector<16xi32> to vector<16xi32>
    %get3A_420 = arith.constant 1088 : index
    %get3A_421 = tpu.vector_load %arg13[%get3A_420] {strides = array<i32>} : memref<2160xi32, #tpu.memory_space<vmem>>, vector<16xi32>,
    %get3A_422 = vector.shape_cast %get3A_421 : vector<16xi32> to vector<16xi32>
    %add3A_423 = arith.addi %get3A_419, %get3A_422 : vector<16xi32>
    %get3A_424 = arith.constant 1328 : index
    %get3A_425 = tpu.vector_load %arg13[%get3A_424] {strides = array<i32>} : memref<2160xi32, #tpu.memory_space<vmem>>, vector<16xi32>,
    %get3A_426 = vector.shape_cast %get3A_425 : vector<16xi32> to vector<16xi32>
    %add3A_427 = arith.addi %add3A_423, %get3A_426 : vector<16xi32>
    %convert_element_type3A_428 = arith.sitofp %add3A_427 : vector<16xi32> to vector<16xf32>
    %max3A_429 = arith.maximumf %convert_element_type3A_416, %convert_element_type3A_428 : vector<16xf32>
    %get3A_430 = arith.constant 1568 : index
    %get3A_431 = tpu.vector_load %arg13[%get3A_430] {strides = array<i32>} : memref<2160xi32, #tpu.memory_space<vmem>>, vector<16xi32>,
    %get3A_432 = vector.shape_cast %get3A_431 : vector<16xi32> to vector<16xi32>
    %get3A_433 = arith.constant 1808 : index
    %get3A_434 = tpu.vector_load %arg13[%get3A_433] {strides = array<i32>} : memref<2160xi32, #tpu.memory_space<vmem>>, vector<16xi32>,
    %get3A_435 = vector.shape_cast %get3A_434 : vector<16xi32> to vector<16xi32>
    %add3A_436 = arith.addi %get3A_432, %get3A_435 : vector<16xi32>
    %get3A_437 = arith.constant 2048 : index
    %get3A_438 = tpu.vector_load %arg13[%get3A_437] {strides = array<i32>} : memref<2160xi32, #tpu.memory_space<vmem>>, vector<16xi32>,
    %get3A_439 = vector.shape_cast %get3A_438 : vector<16xi32> to vector<16xi32>
    %add3A_440 = arith.addi %add3A_436, %get3A_439 : vector<16xi32>
    %convert_element_type3A_441 = arith.sitofp %add3A_440 : vector<16xi32> to vector<16xf32>
    %max3A_442 = arith.maximumf %max3A_429, %convert_element_type3A_441 : vector<16xf32>
    %ne3A_443 = arith.constant 0.000000e+00 : f32
    %ne3A_444 = vector.broadcast %ne3A_443 : f32 to vector<16xf32>
    %ne3A_445 = arith.cmpf one, %max3A_442, %ne3A_444 : vector<16xf32>
    %jit3A_446 = arith.constant 1 : i32
    %jit3A_447 = arith.constant 0 : i32
    %broadcast_in_dim3A_448 = vector.broadcast %jit3A_446 : i32 to vector<16xi32>
    %broadcast_in_dim3A_449 = vector.broadcast %jit3A_447 : i32 to vector<16xi32>
    %select_n3A_450 = arith.select %ne3A_445, %broadcast_in_dim3A_448, %broadcast_in_dim3A_449 : vector<16xi1>, vector<16xi32>
    %swap3A_451 = arith.constant 128 : index
    %swap3A_452 = tpu.vector_load %arg11[%swap3A_451] {strides = array<i32>} : memref<240xi32, #tpu.memory_space<vmem>>, vector<16xi32>,
    %swap3A_453 = vector.shape_cast %swap3A_452 : vector<16xi32> to vector<16xi32>
    %swap3A_454 = vector.shape_cast %select_n3A_450 : vector<16xi32> to vector<16xi32>
    tpu.vector_store %arg11[%swap3A_451], %swap3A_454 {strides = array<i32>} : memref<240xi32, #tpu.memory_space<vmem>>, vector<16xi32>,
    %get3A_455 = arith.constant 144 : index
    %get3A_456 = tpu.vector_load %arg13[%get3A_455] {strides = array<i32>} : memref<2160xi32, #tpu.memory_space<vmem>>, vector<16xi32>,
    %get3A_457 = vector.shape_cast %get3A_456 : vector<16xi32> to vector<16xi32>
    %get3A_458 = arith.constant 384 : index
    %get3A_459 = tpu.vector_load %arg13[%get3A_458] {strides = array<i32>} : memref<2160xi32, #tpu.memory_space<vmem>>, vector<16xi32>,
    %get3A_460 = vector.shape_cast %get3A_459 : vector<16xi32> to vector<16xi32>
    %add3A_461 = arith.addi %get3A_457, %get3A_460 : vector<16xi32>
    %get3A_462 = arith.constant 624 : index
    %get3A_463 = tpu.vector_load %arg13[%get3A_462] {strides = array<i32>} : memref<2160xi32, #tpu.memory_space<vmem>>, vector<16xi32>,
    %get3A_464 = vector.shape_cast %get3A_463 : vector<16xi32> to vector<16xi32>
    %add3A_465 = arith.addi %add3A_461, %get3A_464 : vector<16xi32>
    %convert_element_type3A_466 = arith.sitofp %add3A_465 : vector<16xi32> to vector<16xf32>
    %get3A_467 = arith.constant 864 : index
    %get3A_468 = tpu.vector_load %arg13[%get3A_467] {strides = array<i32>} : memref<2160xi32, #tpu.memory_space<vmem>>, vector<16xi32>,
    %get3A_469 = vector.shape_cast %get3A_468 : vector<16xi32> to vector<16xi32>
    %get3A_470 = arith.constant 1104 : index
    %get3A_471 = tpu.vector_load %arg13[%get3A_470] {strides = array<i32>} : memref<2160xi32, #tpu.memory_space<vmem>>, vector<16xi32>,
    %get3A_472 = vector.shape_cast %get3A_471 : vector<16xi32> to vector<16xi32>
    %add3A_473 = arith.addi %get3A_469, %get3A_472 : vector<16xi32>
    %get3A_474 = arith.constant 1344 : index
    %get3A_475 = tpu.vector_load %arg13[%get3A_474] {strides = array<i32>} : memref<2160xi32, #tpu.memory_space<vmem>>, vector<16xi32>,
    %get3A_476 = vector.shape_cast %get3A_475 : vector<16xi32> to vector<16xi32>
    %add3A_477 = arith.addi %add3A_473, %get3A_476 : vector<16xi32>
    %convert_element_type3A_478 = arith.sitofp %add3A_477 : vector<16xi32> to vector<16xf32>
    %max3A_479 = arith.maximumf %convert_element_type3A_466, %convert_element_type3A_478 : vector<16xf32>
    %get3A_480 = arith.constant 1584 : index
    %get3A_481 = tpu.vector_load %arg13[%get3A_480] {strides = array<i32>} : memref<2160xi32, #tpu.memory_space<vmem>>, vector<16xi32>,
    %get3A_482 = vector.shape_cast %get3A_481 : vector<16xi32> to vector<16xi32>
    %get3A_483 = arith.constant 1824 : index
    %get3A_484 = tpu.vector_load %arg13[%get3A_483] {strides = array<i32>} : memref<2160xi32, #tpu.memory_space<vmem>>, vector<16xi32>,
    %get3A_485 = vector.shape_cast %get3A_484 : vector<16xi32> to vector<16xi32>
    %add3A_486 = arith.addi %get3A_482, %get3A_485 : vector<16xi32>
    %get3A_487 = arith.constant 2064 : index
    %get3A_488 = tpu.vector_load %arg13[%get3A_487] {strides = array<i32>} : memref<2160xi32, #tpu.memory_space<vmem>>, vector<16xi32>,
    %get3A_489 = vector.shape_cast %get3A_488 : vector<16xi32> to vector<16xi32>
    %add3A_490 = arith.addi %add3A_486, %get3A_489 : vector<16xi32>
    %convert_element_type3A_491 = arith.sitofp %add3A_490 : vector<16xi32> to vector<16xf32>
    %max3A_492 = arith.maximumf %max3A_479, %convert_element_type3A_491 : vector<16xf32>
    %ne3A_493 = arith.constant 0.000000e+00 : f32
    %ne3A_494 = vector.broadcast %ne3A_493 : f32 to vector<16xf32>
    %ne3A_495 = arith.cmpf one, %max3A_492, %ne3A_494 : vector<16xf32>
    %jit3A_496 = arith.constant 1 : i32
    %jit3A_497 = arith.constant 0 : i32
    %broadcast_in_dim3A_498 = vector.broadcast %jit3A_496 : i32 to vector<16xi32>
    %broadcast_in_dim3A_499 = vector.broadcast %jit3A_497 : i32 to vector<16xi32>
    %select_n3A_500 = arith.select %ne3A_495, %broadcast_in_dim3A_498, %broadcast_in_dim3A_499 : vector<16xi1>, vector<16xi32>
    %swap3A_501 = arith.constant 144 : index
    %swap3A_502 = tpu.vector_load %arg11[%swap3A_501] {strides = array<i32>} : memref<240xi32, #tpu.memory_space<vmem>>, vector<16xi32>,
    %swap3A_503 = vector.shape_cast %swap3A_502 : vector<16xi32> to vector<16xi32>
    %swap3A_504 = vector.shape_cast %select_n3A_500 : vector<16xi32> to vector<16xi32>
    tpu.vector_store %arg11[%swap3A_501], %swap3A_504 {strides = array<i32>} : memref<240xi32, #tpu.memory_space<vmem>>, vector<16xi32>,
    %get3A_505 = arith.constant 160 : index
    %get3A_506 = tpu.vector_load %arg13[%get3A_505] {strides = array<i32>} : memref<2160xi32, #tpu.memory_space<vmem>>, vector<16xi32>,
    %get3A_507 = vector.shape_cast %get3A_506 : vector<16xi32> to vector<16xi32>
    %get3A_508 = arith.constant 400 : index
    %get3A_509 = tpu.vector_load %arg13[%get3A_508] {strides = array<i32>} : memref<2160xi32, #tpu.memory_space<vmem>>, vector<16xi32>,
    %get3A_510 = vector.shape_cast %get3A_509 : vector<16xi32> to vector<16xi32>
    %add3A_511 = arith.addi %get3A_507, %get3A_510 : vector<16xi32>
    %get3A_512 = arith.constant 640 : index
    %get3A_513 = tpu.vector_load %arg13[%get3A_512] {strides = array<i32>} : memref<2160xi32, #tpu.memory_space<vmem>>, vector<16xi32>,
    %get3A_514 = vector.shape_cast %get3A_513 : vector<16xi32> to vector<16xi32>
    %add3A_515 = arith.addi %add3A_511, %get3A_514 : vector<16xi32>
    %convert_element_type3A_516 = arith.sitofp %add3A_515 : vector<16xi32> to vector<16xf32>
    %get3A_517 = arith.constant 880 : index
    %get3A_518 = tpu.vector_load %arg13[%get3A_517] {strides = array<i32>} : memref<2160xi32, #tpu.memory_space<vmem>>, vector<16xi32>,
    %get3A_519 = vector.shape_cast %get3A_518 : vector<16xi32> to vector<16xi32>
    %get3A_520 = arith.constant 1120 : index
    %get3A_521 = tpu.vector_load %arg13[%get3A_520] {strides = array<i32>} : memref<2160xi32, #tpu.memory_space<vmem>>, vector<16xi32>,
    %get3A_522 = vector.shape_cast %get3A_521 : vector<16xi32> to vector<16xi32>
    %add3A_523 = arith.addi %get3A_519, %get3A_522 : vector<16xi32>
    %get3A_524 = arith.constant 1360 : index
    %get3A_525 = tpu.vector_load %arg13[%get3A_524] {strides = array<i32>} : memref<2160xi32, #tpu.memory_space<vmem>>, vector<16xi32>,
    %get3A_526 = vector.shape_cast %get3A_525 : vector<16xi32> to vector<16xi32>
    %add3A_527 = arith.addi %add3A_523, %get3A_526 : vector<16xi32>
    %convert_element_type3A_528 = arith.sitofp %add3A_527 : vector<16xi32> to vector<16xf32>
    %max3A_529 = arith.maximumf %convert_element_type3A_516, %convert_element_type3A_528 : vector<16xf32>
    %get3A_530 = arith.constant 1600 : index
    %get3A_531 = tpu.vector_load %arg13[%get3A_530] {strides = array<i32>} : memref<2160xi32, #tpu.memory_space<vmem>>, vector<16xi32>,
    %get3A_532 = vector.shape_cast %get3A_531 : vector<16xi32> to vector<16xi32>
    %get3A_533 = arith.constant 1840 : index
    %get3A_534 = tpu.vector_load %arg13[%get3A_533] {strides = array<i32>} : memref<2160xi32, #tpu.memory_space<vmem>>, vector<16xi32>,
    %get3A_535 = vector.shape_cast %get3A_534 : vector<16xi32> to vector<16xi32>
    %add3A_536 = arith.addi %get3A_532, %get3A_535 : vector<16xi32>
    %get3A_537 = arith.constant 2080 : index
    %get3A_538 = tpu.vector_load %arg13[%get3A_537] {strides = array<i32>} : memref<2160xi32, #tpu.memory_space<vmem>>, vector<16xi32>,
    %get3A_539 = vector.shape_cast %get3A_538 : vector<16xi32> to vector<16xi32>
    %add3A_540 = arith.addi %add3A_536, %get3A_539 : vector<16xi32>
    %convert_element_type3A_541 = arith.sitofp %add3A_540 : vector<16xi32> to vector<16xf32>
    %max3A_542 = arith.maximumf %max3A_529, %convert_element_type3A_541 : vector<16xf32>
    %ne3A_543 = arith.constant 0.000000e+00 : f32
    %ne3A_544 = vector.broadcast %ne3A_543 : f32 to vector<16xf32>
    %ne3A_545 = arith.cmpf one, %max3A_542, %ne3A_544 : vector<16xf32>
    %jit3A_546 = arith.constant 1 : i32
    %jit3A_547 = arith.constant 0 : i32
    %broadcast_in_dim3A_548 = vector.broadcast %jit3A_546 : i32 to vector<16xi32>
    %broadcast_in_dim3A_549 = vector.broadcast %jit3A_547 : i32 to vector<16xi32>
    %select_n3A_550 = arith.select %ne3A_545, %broadcast_in_dim3A_548, %broadcast_in_dim3A_549 : vector<16xi1>, vector<16xi32>
    %swap3A_551 = arith.constant 160 : index
    %swap3A_552 = tpu.vector_load %arg11[%swap3A_551] {strides = array<i32>} : memref<240xi32, #tpu.memory_space<vmem>>, vector<16xi32>,
    %swap3A_553 = vector.shape_cast %swap3A_552 : vector<16xi32> to vector<16xi32>
    %swap3A_554 = vector.shape_cast %select_n3A_550 : vector<16xi32> to vector<16xi32>
    tpu.vector_store %arg11[%swap3A_551], %swap3A_554 {strides = array<i32>} : memref<240xi32, #tpu.memory_space<vmem>>, vector<16xi32>,
    %get3A_555 = arith.constant 176 : index
    %get3A_556 = tpu.vector_load %arg13[%get3A_555] {strides = array<i32>} : memref<2160xi32, #tpu.memory_space<vmem>>, vector<16xi32>,
    %get3A_557 = vector.shape_cast %get3A_556 : vector<16xi32> to vector<16xi32>
    %get3A_558 = arith.constant 416 : index
    %get3A_559 = tpu.vector_load %arg13[%get3A_558] {strides = array<i32>} : memref<2160xi32, #tpu.memory_space<vmem>>, vector<16xi32>,
    %get3A_560 = vector.shape_cast %get3A_559 : vector<16xi32> to vector<16xi32>
    %add3A_561 = arith.addi %get3A_557, %get3A_560 : vector<16xi32>
    %get3A_562 = arith.constant 656 : index
    %get3A_563 = tpu.vector_load %arg13[%get3A_562] {strides = array<i32>} : memref<2160xi32, #tpu.memory_space<vmem>>, vector<16xi32>,
    %get3A_564 = vector.shape_cast %get3A_563 : vector<16xi32> to vector<16xi32>
    %add3A_565 = arith.addi %add3A_561, %get3A_564 : vector<16xi32>
    %convert_element_type3A_566 = arith.sitofp %add3A_565 : vector<16xi32> to vector<16xf32>
    %get3A_567 = arith.constant 896 : index
    %get3A_568 = tpu.vector_load %arg13[%get3A_567] {strides = array<i32>} : memref<2160xi32, #tpu.memory_space<vmem>>, vector<16xi32>,
    %get3A_569 = vector.shape_cast %get3A_568 : vector<16xi32> to vector<16xi32>
    %get3A_570 = arith.constant 1136 : index
    %get3A_571 = tpu.vector_load %arg13[%get3A_570] {strides = array<i32>} : memref<2160xi32, #tpu.memory_space<vmem>>, vector<16xi32>,
    %get3A_572 = vector.shape_cast %get3A_571 : vector<16xi32> to vector<16xi32>
    %add3A_573 = arith.addi %get3A_569, %get3A_572 : vector<16xi32>
    %get3A_574 = arith.constant 1376 : index
    %get3A_575 = tpu.vector_load %arg13[%get3A_574] {strides = array<i32>} : memref<2160xi32, #tpu.memory_space<vmem>>, vector<16xi32>,
    %get3A_576 = vector.shape_cast %get3A_575 : vector<16xi32> to vector<16xi32>
    %add3A_577 = arith.addi %add3A_573, %get3A_576 : vector<16xi32>
    %convert_element_type3A_578 = arith.sitofp %add3A_577 : vector<16xi32> to vector<16xf32>
    %max3A_579 = arith.maximumf %convert_element_type3A_566, %convert_element_type3A_578 : vector<16xf32>
    %get3A_580 = arith.constant 1616 : index
    %get3A_581 = tpu.vector_load %arg13[%get3A_580] {strides = array<i32>} : memref<2160xi32, #tpu.memory_space<vmem>>, vector<16xi32>,
    %get3A_582 = vector.shape_cast %get3A_581 : vector<16xi32> to vector<16xi32>
    %get3A_583 = arith.constant 1856 : index
    %get3A_584 = tpu.vector_load %arg13[%get3A_583] {strides = array<i32>} : memref<2160xi32, #tpu.memory_space<vmem>>, vector<16xi32>,
    %get3A_585 = vector.shape_cast %get3A_584 : vector<16xi32> to vector<16xi32>
    %add3A_586 = arith.addi %get3A_582, %get3A_585 : vector<16xi32>
    %get3A_587 = arith.constant 2096 : index
    %get3A_588 = tpu.vector_load %arg13[%get3A_587] {strides = array<i32>} : memref<2160xi32, #tpu.memory_space<vmem>>, vector<16xi32>,
    %get3A_589 = vector.shape_cast %get3A_588 : vector<16xi32> to vector<16xi32>
    %add3A_590 = arith.addi %add3A_586, %get3A_589 : vector<16xi32>
    %convert_element_type3A_591 = arith.sitofp %add3A_590 : vector<16xi32> to vector<16xf32>
    %max3A_592 = arith.maximumf %max3A_579, %convert_element_type3A_591 : vector<16xf32>
    %ne3A_593 = arith.constant 0.000000e+00 : f32
    %ne3A_594 = vector.broadcast %ne3A_593 : f32 to vector<16xf32>
    %ne3A_595 = arith.cmpf one, %max3A_592, %ne3A_594 : vector<16xf32>
    %jit3A_596 = arith.constant 1 : i32
    %jit3A_597 = arith.constant 0 : i32
    %broadcast_in_dim3A_598 = vector.broadcast %jit3A_596 : i32 to vector<16xi32>
    %broadcast_in_dim3A_599 = vector.broadcast %jit3A_597 : i32 to vector<16xi32>
    %select_n3A_600 = arith.select %ne3A_595, %broadcast_in_dim3A_598, %broadcast_in_dim3A_599 : vector<16xi1>, vector<16xi32>
    %swap3A_601 = arith.constant 176 : index
    %swap3A_602 = tpu.vector_load %arg11[%swap3A_601] {strides = array<i32>} : memref<240xi32, #tpu.memory_space<vmem>>, vector<16xi32>,
    %swap3A_603 = vector.shape_cast %swap3A_602 : vector<16xi32> to vector<16xi32>
    %swap3A_604 = vector.shape_cast %select_n3A_600 : vector<16xi32> to vector<16xi32>
    tpu.vector_store %arg11[%swap3A_601], %swap3A_604 {strides = array<i32>} : memref<240xi32, #tpu.memory_space<vmem>>, vector<16xi32>,
    %get3A_605 = arith.constant 192 : index
    %get3A_606 = tpu.vector_load %arg13[%get3A_605] {strides = array<i32>} : memref<2160xi32, #tpu.memory_space<vmem>>, vector<16xi32>,
    %get3A_607 = vector.shape_cast %get3A_606 : vector<16xi32> to vector<16xi32>
    %get3A_608 = arith.constant 432 : index
    %get3A_609 = tpu.vector_load %arg13[%get3A_608] {strides = array<i32>} : memref<2160xi32, #tpu.memory_space<vmem>>, vector<16xi32>,
    %get3A_610 = vector.shape_cast %get3A_609 : vector<16xi32> to vector<16xi32>
    %add3A_611 = arith.addi %get3A_607, %get3A_610 : vector<16xi32>
    %get3A_612 = arith.constant 672 : index
    %get3A_613 = tpu.vector_load %arg13[%get3A_612] {strides = array<i32>} : memref<2160xi32, #tpu.memory_space<vmem>>, vector<16xi32>,
    %get3A_614 = vector.shape_cast %get3A_613 : vector<16xi32> to vector<16xi32>
    %add3A_615 = arith.addi %add3A_611, %get3A_614 : vector<16xi32>
    %convert_element_type3A_616 = arith.sitofp %add3A_615 : vector<16xi32> to vector<16xf32>
    %get3A_617 = arith.constant 912 : index
    %get3A_618 = tpu.vector_load %arg13[%get3A_617] {strides = array<i32>} : memref<2160xi32, #tpu.memory_space<vmem>>, vector<16xi32>,
    %get3A_619 = vector.shape_cast %get3A_618 : vector<16xi32> to vector<16xi32>
    %get3A_620 = arith.constant 1152 : index
    %get3A_621 = tpu.vector_load %arg13[%get3A_620] {strides = array<i32>} : memref<2160xi32, #tpu.memory_space<vmem>>, vector<16xi32>,
    %get3A_622 = vector.shape_cast %get3A_621 : vector<16xi32> to vector<16xi32>
    %add3A_623 = arith.addi %get3A_619, %get3A_622 : vector<16xi32>
    %get3A_624 = arith.constant 1392 : index
    %get3A_625 = tpu.vector_load %arg13[%get3A_624] {strides = array<i32>} : memref<2160xi32, #tpu.memory_space<vmem>>, vector<16xi32>,
    %get3A_626 = vector.shape_cast %get3A_625 : vector<16xi32> to vector<16xi32>
    %add3A_627 = arith.addi %add3A_623, %get3A_626 : vector<16xi32>
    %convert_element_type3A_628 = arith.sitofp %add3A_627 : vector<16xi32> to vector<16xf32>
    %max3A_629 = arith.maximumf %convert_element_type3A_616, %convert_element_type3A_628 : vector<16xf32>
    %get3A_630 = arith.constant 1632 : index
    %get3A_631 = tpu.vector_load %arg13[%get3A_630] {strides = array<i32>} : memref<2160xi32, #tpu.memory_space<vmem>>, vector<16xi32>,
    %get3A_632 = vector.shape_cast %get3A_631 : vector<16xi32> to vector<16xi32>
    %get3A_633 = arith.constant 1872 : index
    %get3A_634 = tpu.vector_load %arg13[%get3A_633] {strides = array<i32>} : memref<2160xi32, #tpu.memory_space<vmem>>, vector<16xi32>,
    %get3A_635 = vector.shape_cast %get3A_634 : vector<16xi32> to vector<16xi32>
    %add3A_636 = arith.addi %get3A_632, %get3A_635 : vector<16xi32>
    %get3A_637 = arith.constant 2112 : index
    %get3A_638 = tpu.vector_load %arg13[%get3A_637] {strides = array<i32>} : memref<2160xi32, #tpu.memory_space<vmem>>, vector<16xi32>,
    %get3A_639 = vector.shape_cast %get3A_638 : vector<16xi32> to vector<16xi32>
    %add3A_640 = arith.addi %add3A_636, %get3A_639 : vector<16xi32>
    %convert_element_type3A_641 = arith.sitofp %add3A_640 : vector<16xi32> to vector<16xf32>
    %max3A_642 = arith.maximumf %max3A_629, %convert_element_type3A_641 : vector<16xf32>
    %ne3A_643 = arith.constant 0.000000e+00 : f32
    %ne3A_644 = vector.broadcast %ne3A_643 : f32 to vector<16xf32>
    %ne3A_645 = arith.cmpf one, %max3A_642, %ne3A_644 : vector<16xf32>
    %jit3A_646 = arith.constant 1 : i32
    %jit3A_647 = arith.constant 0 : i32
    %broadcast_in_dim3A_648 = vector.broadcast %jit3A_646 : i32 to vector<16xi32>
    %broadcast_in_dim3A_649 = vector.broadcast %jit3A_647 : i32 to vector<16xi32>
    %select_n3A_650 = arith.select %ne3A_645, %broadcast_in_dim3A_648, %broadcast_in_dim3A_649 : vector<16xi1>, vector<16xi32>
    %swap3A_651 = arith.constant 192 : index
    %swap3A_652 = tpu.vector_load %arg11[%swap3A_651] {strides = array<i32>} : memref<240xi32, #tpu.memory_space<vmem>>, vector<16xi32>,
    %swap3A_653 = vector.shape_cast %swap3A_652 : vector<16xi32> to vector<16xi32>
    %swap3A_654 = vector.shape_cast %select_n3A_650 : vector<16xi32> to vector<16xi32>
    tpu.vector_store %arg11[%swap3A_651], %swap3A_654 {strides = array<i32>} : memref<240xi32, #tpu.memory_space<vmem>>, vector<16xi32>,
    %get3A_655 = arith.constant 208 : index
    %get3A_656 = tpu.vector_load %arg13[%get3A_655] {strides = array<i32>} : memref<2160xi32, #tpu.memory_space<vmem>>, vector<16xi32>,
    %get3A_657 = vector.shape_cast %get3A_656 : vector<16xi32> to vector<16xi32>
    %get3A_658 = arith.constant 448 : index
    %get3A_659 = tpu.vector_load %arg13[%get3A_658] {strides = array<i32>} : memref<2160xi32, #tpu.memory_space<vmem>>, vector<16xi32>,
    %get3A_660 = vector.shape_cast %get3A_659 : vector<16xi32> to vector<16xi32>
    %add3A_661 = arith.addi %get3A_657, %get3A_660 : vector<16xi32>
    %get3A_662 = arith.constant 688 : index
    %get3A_663 = tpu.vector_load %arg13[%get3A_662] {strides = array<i32>} : memref<2160xi32, #tpu.memory_space<vmem>>, vector<16xi32>,
    %get3A_664 = vector.shape_cast %get3A_663 : vector<16xi32> to vector<16xi32>
    %add3A_665 = arith.addi %add3A_661, %get3A_664 : vector<16xi32>
    %convert_element_type3A_666 = arith.sitofp %add3A_665 : vector<16xi32> to vector<16xf32>
    %get3A_667 = arith.constant 928 : index
    %get3A_668 = tpu.vector_load %arg13[%get3A_667] {strides = array<i32>} : memref<2160xi32, #tpu.memory_space<vmem>>, vector<16xi32>,
    %get3A_669 = vector.shape_cast %get3A_668 : vector<16xi32> to vector<16xi32>
    %get3A_670 = arith.constant 1168 : index
    %get3A_671 = tpu.vector_load %arg13[%get3A_670] {strides = array<i32>} : memref<2160xi32, #tpu.memory_space<vmem>>, vector<16xi32>,
    %get3A_672 = vector.shape_cast %get3A_671 : vector<16xi32> to vector<16xi32>
    %add3A_673 = arith.addi %get3A_669, %get3A_672 : vector<16xi32>
    %get3A_674 = arith.constant 1408 : index
    %get3A_675 = tpu.vector_load %arg13[%get3A_674] {strides = array<i32>} : memref<2160xi32, #tpu.memory_space<vmem>>, vector<16xi32>,
    %get3A_676 = vector.shape_cast %get3A_675 : vector<16xi32> to vector<16xi32>
    %add3A_677 = arith.addi %add3A_673, %get3A_676 : vector<16xi32>
    %convert_element_type3A_678 = arith.sitofp %add3A_677 : vector<16xi32> to vector<16xf32>
    %max3A_679 = arith.maximumf %convert_element_type3A_666, %convert_element_type3A_678 : vector<16xf32>
    %get3A_680 = arith.constant 1648 : index
    %get3A_681 = tpu.vector_load %arg13[%get3A_680] {strides = array<i32>} : memref<2160xi32, #tpu.memory_space<vmem>>, vector<16xi32>,
    %get3A_682 = vector.shape_cast %get3A_681 : vector<16xi32> to vector<16xi32>
    %get3A_683 = arith.constant 1888 : index
    %get3A_684 = tpu.vector_load %arg13[%get3A_683] {strides = array<i32>} : memref<2160xi32, #tpu.memory_space<vmem>>, vector<16xi32>,
    %get3A_685 = vector.shape_cast %get3A_684 : vector<16xi32> to vector<16xi32>
    %add3A_686 = arith.addi %get3A_682, %get3A_685 : vector<16xi32>
    %get3A_687 = arith.constant 2128 : index
    %get3A_688 = tpu.vector_load %arg13[%get3A_687] {strides = array<i32>} : memref<2160xi32, #tpu.memory_space<vmem>>, vector<16xi32>,
    %get3A_689 = vector.shape_cast %get3A_688 : vector<16xi32> to vector<16xi32>
    %add3A_690 = arith.addi %add3A_686, %get3A_689 : vector<16xi32>
    %convert_element_type3A_691 = arith.sitofp %add3A_690 : vector<16xi32> to vector<16xf32>
    %max3A_692 = arith.maximumf %max3A_679, %convert_element_type3A_691 : vector<16xf32>
    %ne3A_693 = arith.constant 0.000000e+00 : f32
    %ne3A_694 = vector.broadcast %ne3A_693 : f32 to vector<16xf32>
    %ne3A_695 = arith.cmpf one, %max3A_692, %ne3A_694 : vector<16xf32>
    %jit3A_696 = arith.constant 1 : i32
    %jit3A_697 = arith.constant 0 : i32
    %broadcast_in_dim3A_698 = vector.broadcast %jit3A_696 : i32 to vector<16xi32>
    %broadcast_in_dim3A_699 = vector.broadcast %jit3A_697 : i32 to vector<16xi32>
    %select_n3A_700 = arith.select %ne3A_695, %broadcast_in_dim3A_698, %broadcast_in_dim3A_699 : vector<16xi1>, vector<16xi32>
    %swap3A_701 = arith.constant 208 : index
    %swap3A_702 = tpu.vector_load %arg11[%swap3A_701] {strides = array<i32>} : memref<240xi32, #tpu.memory_space<vmem>>, vector<16xi32>,
    %swap3A_703 = vector.shape_cast %swap3A_702 : vector<16xi32> to vector<16xi32>
    %swap3A_704 = vector.shape_cast %select_n3A_700 : vector<16xi32> to vector<16xi32>
    tpu.vector_store %arg11[%swap3A_701], %swap3A_704 {strides = array<i32>} : memref<240xi32, #tpu.memory_space<vmem>>, vector<16xi32>,
    %get3A_705 = arith.constant 224 : index
    %get3A_706 = tpu.vector_load %arg13[%get3A_705] {strides = array<i32>} : memref<2160xi32, #tpu.memory_space<vmem>>, vector<16xi32>,
    %get3A_707 = vector.shape_cast %get3A_706 : vector<16xi32> to vector<16xi32>
    %get3A_708 = arith.constant 464 : index
    %get3A_709 = tpu.vector_load %arg13[%get3A_708] {strides = array<i32>} : memref<2160xi32, #tpu.memory_space<vmem>>, vector<16xi32>,
    %get3A_710 = vector.shape_cast %get3A_709 : vector<16xi32> to vector<16xi32>
    %add3A_711 = arith.addi %get3A_707, %get3A_710 : vector<16xi32>
    %get3A_712 = arith.constant 704 : index
    %get3A_713 = tpu.vector_load %arg13[%get3A_712] {strides = array<i32>} : memref<2160xi32, #tpu.memory_space<vmem>>, vector<16xi32>,
    %get3A_714 = vector.shape_cast %get3A_713 : vector<16xi32> to vector<16xi32>
    %add3A_715 = arith.addi %add3A_711, %get3A_714 : vector<16xi32>
    %convert_element_type3A_716 = arith.sitofp %add3A_715 : vector<16xi32> to vector<16xf32>
    %get3A_717 = arith.constant 944 : index
    %get3A_718 = tpu.vector_load %arg13[%get3A_717] {strides = array<i32>} : memref<2160xi32, #tpu.memory_space<vmem>>, vector<16xi32>,
    %get3A_719 = vector.shape_cast %get3A_718 : vector<16xi32> to vector<16xi32>
    %get3A_720 = arith.constant 1184 : index
    %get3A_721 = tpu.vector_load %arg13[%get3A_720] {strides = array<i32>} : memref<2160xi32, #tpu.memory_space<vmem>>, vector<16xi32>,
    %get3A_722 = vector.shape_cast %get3A_721 : vector<16xi32> to vector<16xi32>
    %add3A_723 = arith.addi %get3A_719, %get3A_722 : vector<16xi32>
    %get3A_724 = arith.constant 1424 : index
    %get3A_725 = tpu.vector_load %arg13[%get3A_724] {strides = array<i32>} : memref<2160xi32, #tpu.memory_space<vmem>>, vector<16xi32>,
    %get3A_726 = vector.shape_cast %get3A_725 : vector<16xi32> to vector<16xi32>
    %add3A_727 = arith.addi %add3A_723, %get3A_726 : vector<16xi32>
    %convert_element_type3A_728 = arith.sitofp %add3A_727 : vector<16xi32> to vector<16xf32>
    %max3A_729 = arith.maximumf %convert_element_type3A_716, %convert_element_type3A_728 : vector<16xf32>
    %get3A_730 = arith.constant 1664 : index
    %get3A_731 = tpu.vector_load %arg13[%get3A_730] {strides = array<i32>} : memref<2160xi32, #tpu.memory_space<vmem>>, vector<16xi32>,
    %get3A_732 = vector.shape_cast %get3A_731 : vector<16xi32> to vector<16xi32>
    %get3A_733 = arith.constant 1904 : index
    %get3A_734 = tpu.vector_load %arg13[%get3A_733] {strides = array<i32>} : memref<2160xi32, #tpu.memory_space<vmem>>, vector<16xi32>,
    %get3A_735 = vector.shape_cast %get3A_734 : vector<16xi32> to vector<16xi32>
    %add3A_736 = arith.addi %get3A_732, %get3A_735 : vector<16xi32>
    %get3A_737 = arith.constant 2144 : index
    %get3A_738 = tpu.vector_load %arg13[%get3A_737] {strides = array<i32>} : memref<2160xi32, #tpu.memory_space<vmem>>, vector<16xi32>,
    %get3A_739 = vector.shape_cast %get3A_738 : vector<16xi32> to vector<16xi32>
    %add3A_740 = arith.addi %add3A_736, %get3A_739 : vector<16xi32>
    %convert_element_type3A_741 = arith.sitofp %add3A_740 : vector<16xi32> to vector<16xf32>
    %max3A_742 = arith.maximumf %max3A_729, %convert_element_type3A_741 : vector<16xf32>
    %ne3A_743 = arith.constant 0.000000e+00 : f32
    %ne3A_744 = vector.broadcast %ne3A_743 : f32 to vector<16xf32>
    %ne3A_745 = arith.cmpf one, %max3A_742, %ne3A_744 : vector<16xf32>
    %jit3A_746 = arith.constant 1 : i32
    %jit3A_747 = arith.constant 0 : i32
    %broadcast_in_dim3A_748 = vector.broadcast %jit3A_746 : i32 to vector<16xi32>
    %broadcast_in_dim3A_749 = vector.broadcast %jit3A_747 : i32 to vector<16xi32>
    %select_n3A_750 = arith.select %ne3A_745, %broadcast_in_dim3A_748, %broadcast_in_dim3A_749 : vector<16xi1>, vector<16xi32>
    %swap3A_751 = arith.constant 224 : index
    %swap3A_752 = tpu.vector_load %arg11[%swap3A_751] {strides = array<i32>} : memref<240xi32, #tpu.memory_space<vmem>>, vector<16xi32>,
    %swap3A_753 = vector.shape_cast %swap3A_752 : vector<16xi32> to vector<16xi32>
    %swap3A_754 = vector.shape_cast %select_n3A_750 : vector<16xi32> to vector<16xi32>
    tpu.vector_store %arg11[%swap3A_751], %swap3A_754 {strides = array<i32>} : memref<240xi32, #tpu.memory_space<vmem>>, vector<16xi32>,
    "tpu.region"() ({
      %run_scoped3A = tpu.sem_alloc : memref<!tpu.dma_semaphore, #tpu.memory_space<semaphore_mem>>
      %dma_start3A_761 = arith.constant 0 : i32
      %dma_start3A_762 = tpu.memref_slice %arg6[%add3A, %dma_start3A_761] : memref<32x240xi32, #tpu.memory_space<hbm>> -> memref<1x240xi32, #tpu.memory_space<hbm>>
      %dma_start3A_763 = tpu.memref_squeeze %dma_start3A_762 : memref<1x240xi32, #tpu.memory_space<hbm>> -> memref<240xi32, #tpu.memory_space<hbm>>
      %dma_start3A_764 = arith.constant 0 : i32
      %dma_start3A_765 = tpu.memref_slice %arg6[%add3A, %dma_start3A_764] : memref<32x240xi32, #tpu.memory_space<hbm>> -> memref<1x240xi32, #tpu.memory_space<hbm>>
      %dma_start3A_766 = tpu.memref_squeeze %dma_start3A_765 : memref<1x240xi32, #tpu.memory_space<hbm>> -> memref<240xi32, #tpu.memory_space<hbm>>
      tpu.enqueue_dma source(%arg11 : memref<240xi32, #tpu.memory_space<vmem>>) target(%dma_start3A_766 : memref<240xi32, #tpu.memory_space<hbm>>) target_semaphore(%run_scoped3A : memref<!tpu.dma_semaphore, #tpu.memory_space<semaphore_mem>>)
      %dma_wait3A_767 = arith.constant 0 : i32
      %dma_wait3A_768 = tpu.memref_slice %arg6[%add3A, %dma_wait3A_767] : memref<32x240xi32, #tpu.memory_space<hbm>> -> memref<1x240xi32, #tpu.memory_space<hbm>>
      %dma_wait3A_769 = tpu.memref_squeeze %dma_wait3A_768 : memref<1x240xi32, #tpu.memory_space<hbm>> -> memref<240xi32, #tpu.memory_space<hbm>>
      %dma_wait3A_770 = arith.constant 0 : i32
      %dma_wait3A_771 = tpu.memref_slice %arg6[%add3A, %dma_wait3A_770] : memref<32x240xi32, #tpu.memory_space<hbm>> -> memref<1x240xi32, #tpu.memory_space<hbm>>
      %dma_wait3A_772 = tpu.memref_squeeze %dma_wait3A_771 : memref<1x240xi32, #tpu.memory_space<hbm>> -> memref<240xi32, #tpu.memory_space<hbm>>
      tpu.wait_dma2 semaphore(%run_scoped3A : memref<!tpu.dma_semaphore, #tpu.memory_space<semaphore_mem>>) src(%arg11 : memref<240xi32, #tpu.memory_space<vmem>>) dst(%dma_wait3A_772 : memref<240xi32, #tpu.memory_space<hbm>>)
      tpu.yield
    }) : () -> ()
    %scan3A_755 = arith.constant 0 : i32
    %scan3A_756 = arith.constant 0 : i32
    %scan3A_757 = arith.constant 30 : i32
    %scan3A_758 = arith.addi %scan3A_756, %scan3A_757 : i32
    %scan3A_759 = arith.constant 1 : i32
    scf.for %scan3A_761 = %scan3A_756 to %scan3A_758 step %scan3A_759  : i32 {
      %mul3A_762 = arith.constant 72 : i32
      %mul3A_763 = arith.muli %mul3A_762, %scan3A_761 : i32
      %dma_start3A_764 = tpu.memref_slice %arg7[%mul3A_763] : memref<2160xi32, #tpu.memory_space<vmem>> -> memref<72xi32, #tpu.memory_space<vmem>>
      %dma_start3A_765 = arith.constant 0 : i32
      %dma_start3A_766 = arith.constant 0 : i32
      %dma_start3A_767 = tpu.memref_slice %arg3[%dma_start3A_765, %dma_start3A_766] : memref<100000x768xf32, #tpu.memory_space<hbm>> -> memref<100000x768xf32, #tpu.memory_space<hbm>>
      tpu.enqueue_indirect_dma source(%dma_start3A_767 : memref<100000x768xf32, #tpu.memory_space<hbm>>) target(%arg8 : memref<72x768xf32, #tpu.memory_space<vmem>>) offsets(%dma_start3A_764 : memref<72xi32, #tpu.memory_space<vmem>>) semaphore(%arg15 : memref<!tpu.dma_semaphore, #tpu.memory_space<semaphore_mem>>)
      %mul3A_768 = arith.constant 24 : i32
      %mul3A_769 = arith.muli %mul3A_768, %scan3A_761 : i32
      %dma_start3A_770 = arith.constant 0 : i32
      %dma_start3A_771 = tpu.memref_slice %arg14[%mul3A_769, %dma_start3A_770] : memref<720x768xf32, #tpu.memory_space<vmem_shared>> -> memref<24x768xf32, #tpu.memory_space<vmem_shared>>
      %dma_start3A_772 = arith.constant 0 : i32
      %dma_start3A_773 = tpu.memref_slice %arg14[%mul3A_769, %dma_start3A_772] : memref<720x768xf32, #tpu.memory_space<vmem_shared>> -> memref<24x768xf32, #tpu.memory_space<vmem_shared>>
      tpu.enqueue_dma source(%dma_start3A_773 : memref<24x768xf32, #tpu.memory_space<vmem_shared>>) target(%arg9 : memref<24x768xf32, #tpu.memory_space<vmem>>) target_semaphore(%arg16 : memref<!tpu.dma_semaphore, #tpu.memory_space<semaphore_mem>>)
      %dma_wait3A_774 = tpu.memref_slice %arg7[%mul3A_763] : memref<2160xi32, #tpu.memory_space<vmem>> -> memref<72xi32, #tpu.memory_space<vmem>>
      %dma_wait3A_775 = arith.constant 0 : i32
      %dma_wait3A_776 = arith.constant 0 : i32
      %dma_wait3A_777 = tpu.memref_slice %arg3[%dma_wait3A_775, %dma_wait3A_776] : memref<100000x768xf32, #tpu.memory_space<hbm>> -> memref<100000x768xf32, #tpu.memory_space<hbm>>
      tpu.wait_indirect_dma semaphore(%arg15 : memref<!tpu.dma_semaphore, #tpu.memory_space<semaphore_mem>>) src(%dma_wait3A_777 : memref<100000x768xf32, #tpu.memory_space<hbm>>) dst(%arg8 : memref<72x768xf32, #tpu.memory_space<vmem>>)
      %dma_wait3A_778 = arith.constant 0 : i32
      %dma_wait3A_779 = tpu.memref_slice %arg14[%mul3A_769, %dma_wait3A_778] : memref<720x768xf32, #tpu.memory_space<vmem_shared>> -> memref<24x768xf32, #tpu.memory_space<vmem_shared>>
      %dma_wait3A_780 = arith.constant 0 : i32
      %dma_wait3A_781 = tpu.memref_slice %arg14[%mul3A_769, %dma_wait3A_780] : memref<720x768xf32, #tpu.memory_space<vmem_shared>> -> memref<24x768xf32, #tpu.memory_space<vmem_shared>>
      tpu.wait_dma2 semaphore(%arg16 : memref<!tpu.dma_semaphore, #tpu.memory_space<semaphore_mem>>) src(%dma_wait3A_781 : memref<24x768xf32, #tpu.memory_space<vmem_shared>>) dst(%arg9 : memref<24x768xf32, #tpu.memory_space<vmem>>)
      %scan3A_782 = arith.constant 0 : i32
      %scan3A_783 = arith.constant 0 : i32
      %scan3A_784 = arith.constant 48 : i32
      %scan3A_785 = arith.addi %scan3A_783, %scan3A_784 : i32
      %scan3A_786 = arith.constant 1 : i32
      scf.for %scan3A_832 = %scan3A_783 to %scan3A_785 step %scan3A_786  : i32 {
        %mul3A_833 = arith.constant 16 : i32
        %mul3A_834 = arith.muli %scan3A_832, %mul3A_833 : i32
        %get3A_835 = arith.constant 0 : i32
        %get3A_836 = arith.index_cast %get3A_835 : i32 to index
        %get3A_837 = arith.index_cast %mul3A_834 : i32 to index
        %get3A_838 = tpu.vector_load %arg8[%get3A_836, %get3A_837] {strides = array<i32>} : memref<72x768xf32, #tpu.memory_space<vmem>>, vector<1x16xf32>,
        %get3A_839 = vector.shape_cast %get3A_838 : vector<1x16xf32> to vector<16xf32>
        %get3A_840 = arith.constant 1 : i32
        %get3A_841 = arith.index_cast %get3A_840 : i32 to index
        %get3A_842 = arith.index_cast %mul3A_834 : i32 to index
        %get3A_843 = tpu.vector_load %arg8[%get3A_841, %get3A_842] {strides = array<i32>} : memref<72x768xf32, #tpu.memory_space<vmem>>, vector<1x16xf32>,
        %get3A_844 = vector.shape_cast %get3A_843 : vector<1x16xf32> to vector<16xf32>
        %add3A_845 = arith.addf %get3A_839, %get3A_844 : vector<16xf32>
        %get3A_846 = arith.constant 2 : i32
        %get3A_847 = arith.index_cast %get3A_846 : i32 to index
        %get3A_848 = arith.index_cast %mul3A_834 : i32 to index
        %get3A_849 = tpu.vector_load %arg8[%get3A_847, %get3A_848] {strides = array<i32>} : memref<72x768xf32, #tpu.memory_space<vmem>>, vector<1x16xf32>,
        %get3A_850 = vector.shape_cast %get3A_849 : vector<1x16xf32> to vector<16xf32>
        %add3A_851 = arith.addf %add3A_845, %get3A_850 : vector<16xf32>
        %get3A_852 = arith.constant 0 : i32
        %get3A_853 = arith.index_cast %get3A_852 : i32 to index
        %get3A_854 = arith.index_cast %mul3A_834 : i32 to index
        %get3A_855 = tpu.vector_load %arg9[%get3A_853, %get3A_854] {strides = array<i32>} : memref<24x768xf32, #tpu.memory_space<vmem>>, vector<1x16xf32>,
        %get3A_856 = vector.shape_cast %get3A_855 : vector<1x16xf32> to vector<16xf32>
        %add3A_857 = arith.addf %add3A_851, %get3A_856 : vector<16xf32>
        %get3A_858 = arith.constant 3 : i32
        %get3A_859 = arith.index_cast %get3A_858 : i32 to index
        %get3A_860 = arith.index_cast %mul3A_834 : i32 to index
        %get3A_861 = tpu.vector_load %arg8[%get3A_859, %get3A_860] {strides = array<i32>} : memref<72x768xf32, #tpu.memory_space<vmem>>, vector<1x16xf32>,
        %get3A_862 = vector.shape_cast %get3A_861 : vector<1x16xf32> to vector<16xf32>
        %get3A_863 = arith.constant 4 : i32
        %get3A_864 = arith.index_cast %get3A_863 : i32 to index
        %get3A_865 = arith.index_cast %mul3A_834 : i32 to index
        %get3A_866 = tpu.vector_load %arg8[%get3A_864, %get3A_865] {strides = array<i32>} : memref<72x768xf32, #tpu.memory_space<vmem>>, vector<1x16xf32>,
        %get3A_867 = vector.shape_cast %get3A_866 : vector<1x16xf32> to vector<16xf32>
        %add3A_868 = arith.addf %get3A_862, %get3A_867 : vector<16xf32>
        %get3A_869 = arith.constant 5 : i32
        %get3A_870 = arith.index_cast %get3A_869 : i32 to index
        %get3A_871 = arith.index_cast %mul3A_834 : i32 to index
        %get3A_872 = tpu.vector_load %arg8[%get3A_870, %get3A_871] {strides = array<i32>} : memref<72x768xf32, #tpu.memory_space<vmem>>, vector<1x16xf32>,
        %get3A_873 = vector.shape_cast %get3A_872 : vector<1x16xf32> to vector<16xf32>
        %add3A_874 = arith.addf %add3A_868, %get3A_873 : vector<16xf32>
        %get3A_875 = arith.constant 1 : i32
        %get3A_876 = arith.index_cast %get3A_875 : i32 to index
        %get3A_877 = arith.index_cast %mul3A_834 : i32 to index
        %get3A_878 = tpu.vector_load %arg9[%get3A_876, %get3A_877] {strides = array<i32>} : memref<24x768xf32, #tpu.memory_space<vmem>>, vector<1x16xf32>,
        %get3A_879 = vector.shape_cast %get3A_878 : vector<1x16xf32> to vector<16xf32>
        %add3A_880 = arith.addf %add3A_874, %get3A_879 : vector<16xf32>
        %max3A_881 = arith.maximumf %add3A_857, %add3A_880 : vector<16xf32>
        %get3A_882 = arith.constant 6 : i32
        %get3A_883 = arith.index_cast %get3A_882 : i32 to index
        %get3A_884 = arith.index_cast %mul3A_834 : i32 to index
        %get3A_885 = tpu.vector_load %arg8[%get3A_883, %get3A_884] {strides = array<i32>} : memref<72x768xf32, #tpu.memory_space<vmem>>, vector<1x16xf32>,
        %get3A_886 = vector.shape_cast %get3A_885 : vector<1x16xf32> to vector<16xf32>
        %get3A_887 = arith.constant 7 : i32
        %get3A_888 = arith.index_cast %get3A_887 : i32 to index
        %get3A_889 = arith.index_cast %mul3A_834 : i32 to index
        %get3A_890 = tpu.vector_load %arg8[%get3A_888, %get3A_889] {strides = array<i32>} : memref<72x768xf32, #tpu.memory_space<vmem>>, vector<1x16xf32>,
        %get3A_891 = vector.shape_cast %get3A_890 : vector<1x16xf32> to vector<16xf32>
        %add3A_892 = arith.addf %get3A_886, %get3A_891 : vector<16xf32>
        %get3A_893 = arith.constant 8 : i32
        %get3A_894 = arith.index_cast %get3A_893 : i32 to index
        %get3A_895 = arith.index_cast %mul3A_834 : i32 to index
        %get3A_896 = tpu.vector_load %arg8[%get3A_894, %get3A_895] {strides = array<i32>} : memref<72x768xf32, #tpu.memory_space<vmem>>, vector<1x16xf32>,
        %get3A_897 = vector.shape_cast %get3A_896 : vector<1x16xf32> to vector<16xf32>
        %add3A_898 = arith.addf %add3A_892, %get3A_897 : vector<16xf32>
        %get3A_899 = arith.constant 2 : i32
        %get3A_900 = arith.index_cast %get3A_899 : i32 to index
        %get3A_901 = arith.index_cast %mul3A_834 : i32 to index
        %get3A_902 = tpu.vector_load %arg9[%get3A_900, %get3A_901] {strides = array<i32>} : memref<24x768xf32, #tpu.memory_space<vmem>>, vector<1x16xf32>,
        %get3A_903 = vector.shape_cast %get3A_902 : vector<1x16xf32> to vector<16xf32>
        %add3A_904 = arith.addf %add3A_898, %get3A_903 : vector<16xf32>
        %max3A_905 = arith.maximumf %max3A_881, %add3A_904 : vector<16xf32>
        %mul3A_906 = arith.constant 9.23760414 : f32
        %mul3A_907 = vector.broadcast %mul3A_906 : f32 to vector<16xf32>
        %mul3A_908 = arith.mulf %max3A_905, %mul3A_907 : vector<16xf32>
        %swap3A_909 = arith.constant 0 : i32
        %swap3A_910 = arith.index_cast %swap3A_909 : i32 to index
        %swap3A_911 = arith.index_cast %mul3A_834 : i32 to index
        %swap3A_912 = tpu.vector_load %arg10[%swap3A_910, %swap3A_911] {strides = array<i32>} : memref<8x768xf32, #tpu.memory_space<vmem>>, vector<1x16xf32>,
        %swap3A_913 = vector.shape_cast %swap3A_912 : vector<1x16xf32> to vector<16xf32>
        %swap3A_914 = vector.shape_cast %mul3A_908 : vector<16xf32> to vector<1x16xf32>
        tpu.vector_store %arg10[%swap3A_910, %swap3A_911], %swap3A_914 {strides = array<i32>} : memref<8x768xf32, #tpu.memory_space<vmem>>, vector<1x16xf32>,
      }
      %scan3A_787 = arith.constant 48 : i32
      %scan3A_788 = arith.constant 0 : i32
      %scan3A_789 = arith.constant 0 : i32
      %scan3A_790 = arith.constant 48 : i32
      %scan3A_791 = arith.addi %scan3A_789, %scan3A_790 : i32
      %scan3A_792 = arith.constant 1 : i32
      scf.for %scan3A_832 = %scan3A_789 to %scan3A_791 step %scan3A_792  : i32 {
        %mul3A_833 = arith.constant 16 : i32
        %mul3A_834 = arith.muli %scan3A_832, %mul3A_833 : i32
        %get3A_835 = arith.constant 9 : i32
        %get3A_836 = arith.index_cast %get3A_835 : i32 to index
        %get3A_837 = arith.index_cast %mul3A_834 : i32 to index
        %get3A_838 = tpu.vector_load %arg8[%get3A_836, %get3A_837] {strides = array<i32>} : memref<72x768xf32, #tpu.memory_space<vmem>>, vector<1x16xf32>,
        %get3A_839 = vector.shape_cast %get3A_838 : vector<1x16xf32> to vector<16xf32>
        %get3A_840 = arith.constant 10 : i32
        %get3A_841 = arith.index_cast %get3A_840 : i32 to index
        %get3A_842 = arith.index_cast %mul3A_834 : i32 to index
        %get3A_843 = tpu.vector_load %arg8[%get3A_841, %get3A_842] {strides = array<i32>} : memref<72x768xf32, #tpu.memory_space<vmem>>, vector<1x16xf32>,
        %get3A_844 = vector.shape_cast %get3A_843 : vector<1x16xf32> to vector<16xf32>
        %add3A_845 = arith.addf %get3A_839, %get3A_844 : vector<16xf32>
        %get3A_846 = arith.constant 11 : i32
        %get3A_847 = arith.index_cast %get3A_846 : i32 to index
        %get3A_848 = arith.index_cast %mul3A_834 : i32 to index
        %get3A_849 = tpu.vector_load %arg8[%get3A_847, %get3A_848] {strides = array<i32>} : memref<72x768xf32, #tpu.memory_space<vmem>>, vector<1x16xf32>,
        %get3A_850 = vector.shape_cast %get3A_849 : vector<1x16xf32> to vector<16xf32>
        %add3A_851 = arith.addf %add3A_845, %get3A_850 : vector<16xf32>
        %get3A_852 = arith.constant 3 : i32
        %get3A_853 = arith.index_cast %get3A_852 : i32 to index
        %get3A_854 = arith.index_cast %mul3A_834 : i32 to index
        %get3A_855 = tpu.vector_load %arg9[%get3A_853, %get3A_854] {strides = array<i32>} : memref<24x768xf32, #tpu.memory_space<vmem>>, vector<1x16xf32>,
        %get3A_856 = vector.shape_cast %get3A_855 : vector<1x16xf32> to vector<16xf32>
        %add3A_857 = arith.addf %add3A_851, %get3A_856 : vector<16xf32>
        %get3A_858 = arith.constant 12 : i32
        %get3A_859 = arith.index_cast %get3A_858 : i32 to index
        %get3A_860 = arith.index_cast %mul3A_834 : i32 to index
        %get3A_861 = tpu.vector_load %arg8[%get3A_859, %get3A_860] {strides = array<i32>} : memref<72x768xf32, #tpu.memory_space<vmem>>, vector<1x16xf32>,
        %get3A_862 = vector.shape_cast %get3A_861 : vector<1x16xf32> to vector<16xf32>
        %get3A_863 = arith.constant 13 : i32
        %get3A_864 = arith.index_cast %get3A_863 : i32 to index
        %get3A_865 = arith.index_cast %mul3A_834 : i32 to index
        %get3A_866 = tpu.vector_load %arg8[%get3A_864, %get3A_865] {strides = array<i32>} : memref<72x768xf32, #tpu.memory_space<vmem>>, vector<1x16xf32>,
        %get3A_867 = vector.shape_cast %get3A_866 : vector<1x16xf32> to vector<16xf32>
        %add3A_868 = arith.addf %get3A_862, %get3A_867 : vector<16xf32>
        %get3A_869 = arith.constant 14 : i32
        %get3A_870 = arith.index_cast %get3A_869 : i32 to index
        %get3A_871 = arith.index_cast %mul3A_834 : i32 to index
        %get3A_872 = tpu.vector_load %arg8[%get3A_870, %get3A_871] {strides = array<i32>} : memref<72x768xf32, #tpu.memory_space<vmem>>, vector<1x16xf32>,
        %get3A_873 = vector.shape_cast %get3A_872 : vector<1x16xf32> to vector<16xf32>
        %add3A_874 = arith.addf %add3A_868, %get3A_873 : vector<16xf32>
        %get3A_875 = arith.constant 4 : i32
        %get3A_876 = arith.index_cast %get3A_875 : i32 to index
        %get3A_877 = arith.index_cast %mul3A_834 : i32 to index
        %get3A_878 = tpu.vector_load %arg9[%get3A_876, %get3A_877] {strides = array<i32>} : memref<24x768xf32, #tpu.memory_space<vmem>>, vector<1x16xf32>,
        %get3A_879 = vector.shape_cast %get3A_878 : vector<1x16xf32> to vector<16xf32>
        %add3A_880 = arith.addf %add3A_874, %get3A_879 : vector<16xf32>
        %max3A_881 = arith.maximumf %add3A_857, %add3A_880 : vector<16xf32>
        %get3A_882 = arith.constant 15 : i32
        %get3A_883 = arith.index_cast %get3A_882 : i32 to index
        %get3A_884 = arith.index_cast %mul3A_834 : i32 to index
        %get3A_885 = tpu.vector_load %arg8[%get3A_883, %get3A_884] {strides = array<i32>} : memref<72x768xf32, #tpu.memory_space<vmem>>, vector<1x16xf32>,
        %get3A_886 = vector.shape_cast %get3A_885 : vector<1x16xf32> to vector<16xf32>
        %get3A_887 = arith.constant 16 : i32
        %get3A_888 = arith.index_cast %get3A_887 : i32 to index
        %get3A_889 = arith.index_cast %mul3A_834 : i32 to index
        %get3A_890 = tpu.vector_load %arg8[%get3A_888, %get3A_889] {strides = array<i32>} : memref<72x768xf32, #tpu.memory_space<vmem>>, vector<1x16xf32>,
        %get3A_891 = vector.shape_cast %get3A_890 : vector<1x16xf32> to vector<16xf32>
        %add3A_892 = arith.addf %get3A_886, %get3A_891 : vector<16xf32>
        %get3A_893 = arith.constant 17 : i32
        %get3A_894 = arith.index_cast %get3A_893 : i32 to index
        %get3A_895 = arith.index_cast %mul3A_834 : i32 to index
        %get3A_896 = tpu.vector_load %arg8[%get3A_894, %get3A_895] {strides = array<i32>} : memref<72x768xf32, #tpu.memory_space<vmem>>, vector<1x16xf32>,
        %get3A_897 = vector.shape_cast %get3A_896 : vector<1x16xf32> to vector<16xf32>
        %add3A_898 = arith.addf %add3A_892, %get3A_897 : vector<16xf32>
        %get3A_899 = arith.constant 5 : i32
        %get3A_900 = arith.index_cast %get3A_899 : i32 to index
        %get3A_901 = arith.index_cast %mul3A_834 : i32 to index
        %get3A_902 = tpu.vector_load %arg9[%get3A_900, %get3A_901] {strides = array<i32>} : memref<24x768xf32, #tpu.memory_space<vmem>>, vector<1x16xf32>,
        %get3A_903 = vector.shape_cast %get3A_902 : vector<1x16xf32> to vector<16xf32>
        %add3A_904 = arith.addf %add3A_898, %get3A_903 : vector<16xf32>
        %max3A_905 = arith.maximumf %max3A_881, %add3A_904 : vector<16xf32>
        %mul3A_906 = arith.constant 9.23760414 : f32
        %mul3A_907 = vector.broadcast %mul3A_906 : f32 to vector<16xf32>
        %mul3A_908 = arith.mulf %max3A_905, %mul3A_907 : vector<16xf32>
        %swap3A_909 = arith.constant 1 : i32
        %swap3A_910 = arith.index_cast %swap3A_909 : i32 to index
        %swap3A_911 = arith.index_cast %mul3A_834 : i32 to index
        %swap3A_912 = tpu.vector_load %arg10[%swap3A_910, %swap3A_911] {strides = array<i32>} : memref<8x768xf32, #tpu.memory_space<vmem>>, vector<1x16xf32>,
        %swap3A_913 = vector.shape_cast %swap3A_912 : vector<1x16xf32> to vector<16xf32>
        %swap3A_914 = vector.shape_cast %mul3A_908 : vector<16xf32> to vector<1x16xf32>
        tpu.vector_store %arg10[%swap3A_910, %swap3A_911], %swap3A_914 {strides = array<i32>} : memref<8x768xf32, #tpu.memory_space<vmem>>, vector<1x16xf32>,
      }
      %scan3A_793 = arith.constant 48 : i32
      %scan3A_794 = arith.constant 0 : i32
      %scan3A_795 = arith.constant 0 : i32
      %scan3A_796 = arith.constant 48 : i32
      %scan3A_797 = arith.addi %scan3A_795, %scan3A_796 : i32
      %scan3A_798 = arith.constant 1 : i32
      scf.for %scan3A_832 = %scan3A_795 to %scan3A_797 step %scan3A_798  : i32 {
        %mul3A_833 = arith.constant 16 : i32
        %mul3A_834 = arith.muli %scan3A_832, %mul3A_833 : i32
        %get3A_835 = arith.constant 18 : i32
        %get3A_836 = arith.index_cast %get3A_835 : i32 to index
        %get3A_837 = arith.index_cast %mul3A_834 : i32 to index
        %get3A_838 = tpu.vector_load %arg8[%get3A_836, %get3A_837] {strides = array<i32>} : memref<72x768xf32, #tpu.memory_space<vmem>>, vector<1x16xf32>,
        %get3A_839 = vector.shape_cast %get3A_838 : vector<1x16xf32> to vector<16xf32>
        %get3A_840 = arith.constant 19 : i32
        %get3A_841 = arith.index_cast %get3A_840 : i32 to index
        %get3A_842 = arith.index_cast %mul3A_834 : i32 to index
        %get3A_843 = tpu.vector_load %arg8[%get3A_841, %get3A_842] {strides = array<i32>} : memref<72x768xf32, #tpu.memory_space<vmem>>, vector<1x16xf32>,
        %get3A_844 = vector.shape_cast %get3A_843 : vector<1x16xf32> to vector<16xf32>
        %add3A_845 = arith.addf %get3A_839, %get3A_844 : vector<16xf32>
        %get3A_846 = arith.constant 20 : i32
        %get3A_847 = arith.index_cast %get3A_846 : i32 to index
        %get3A_848 = arith.index_cast %mul3A_834 : i32 to index
        %get3A_849 = tpu.vector_load %arg8[%get3A_847, %get3A_848] {strides = array<i32>} : memref<72x768xf32, #tpu.memory_space<vmem>>, vector<1x16xf32>,
        %get3A_850 = vector.shape_cast %get3A_849 : vector<1x16xf32> to vector<16xf32>
        %add3A_851 = arith.addf %add3A_845, %get3A_850 : vector<16xf32>
        %get3A_852 = arith.constant 6 : i32
        %get3A_853 = arith.index_cast %get3A_852 : i32 to index
        %get3A_854 = arith.index_cast %mul3A_834 : i32 to index
        %get3A_855 = tpu.vector_load %arg9[%get3A_853, %get3A_854] {strides = array<i32>} : memref<24x768xf32, #tpu.memory_space<vmem>>, vector<1x16xf32>,
        %get3A_856 = vector.shape_cast %get3A_855 : vector<1x16xf32> to vector<16xf32>
        %add3A_857 = arith.addf %add3A_851, %get3A_856 : vector<16xf32>
        %get3A_858 = arith.constant 21 : i32
        %get3A_859 = arith.index_cast %get3A_858 : i32 to index
        %get3A_860 = arith.index_cast %mul3A_834 : i32 to index
        %get3A_861 = tpu.vector_load %arg8[%get3A_859, %get3A_860] {strides = array<i32>} : memref<72x768xf32, #tpu.memory_space<vmem>>, vector<1x16xf32>,
        %get3A_862 = vector.shape_cast %get3A_861 : vector<1x16xf32> to vector<16xf32>
        %get3A_863 = arith.constant 22 : i32
        %get3A_864 = arith.index_cast %get3A_863 : i32 to index
        %get3A_865 = arith.index_cast %mul3A_834 : i32 to index
        %get3A_866 = tpu.vector_load %arg8[%get3A_864, %get3A_865] {strides = array<i32>} : memref<72x768xf32, #tpu.memory_space<vmem>>, vector<1x16xf32>,
        %get3A_867 = vector.shape_cast %get3A_866 : vector<1x16xf32> to vector<16xf32>
        %add3A_868 = arith.addf %get3A_862, %get3A_867 : vector<16xf32>
        %get3A_869 = arith.constant 23 : i32
        %get3A_870 = arith.index_cast %get3A_869 : i32 to index
        %get3A_871 = arith.index_cast %mul3A_834 : i32 to index
        %get3A_872 = tpu.vector_load %arg8[%get3A_870, %get3A_871] {strides = array<i32>} : memref<72x768xf32, #tpu.memory_space<vmem>>, vector<1x16xf32>,
        %get3A_873 = vector.shape_cast %get3A_872 : vector<1x16xf32> to vector<16xf32>
        %add3A_874 = arith.addf %add3A_868, %get3A_873 : vector<16xf32>
        %get3A_875 = arith.constant 7 : i32
        %get3A_876 = arith.index_cast %get3A_875 : i32 to index
        %get3A_877 = arith.index_cast %mul3A_834 : i32 to index
        %get3A_878 = tpu.vector_load %arg9[%get3A_876, %get3A_877] {strides = array<i32>} : memref<24x768xf32, #tpu.memory_space<vmem>>, vector<1x16xf32>,
        %get3A_879 = vector.shape_cast %get3A_878 : vector<1x16xf32> to vector<16xf32>
        %add3A_880 = arith.addf %add3A_874, %get3A_879 : vector<16xf32>
        %max3A_881 = arith.maximumf %add3A_857, %add3A_880 : vector<16xf32>
        %get3A_882 = arith.constant 24 : i32
        %get3A_883 = arith.index_cast %get3A_882 : i32 to index
        %get3A_884 = arith.index_cast %mul3A_834 : i32 to index
        %get3A_885 = tpu.vector_load %arg8[%get3A_883, %get3A_884] {strides = array<i32>} : memref<72x768xf32, #tpu.memory_space<vmem>>, vector<1x16xf32>,
        %get3A_886 = vector.shape_cast %get3A_885 : vector<1x16xf32> to vector<16xf32>
        %get3A_887 = arith.constant 25 : i32
        %get3A_888 = arith.index_cast %get3A_887 : i32 to index
        %get3A_889 = arith.index_cast %mul3A_834 : i32 to index
        %get3A_890 = tpu.vector_load %arg8[%get3A_888, %get3A_889] {strides = array<i32>} : memref<72x768xf32, #tpu.memory_space<vmem>>, vector<1x16xf32>,
        %get3A_891 = vector.shape_cast %get3A_890 : vector<1x16xf32> to vector<16xf32>
        %add3A_892 = arith.addf %get3A_886, %get3A_891 : vector<16xf32>
        %get3A_893 = arith.constant 26 : i32
        %get3A_894 = arith.index_cast %get3A_893 : i32 to index
        %get3A_895 = arith.index_cast %mul3A_834 : i32 to index
        %get3A_896 = tpu.vector_load %arg8[%get3A_894, %get3A_895] {strides = array<i32>} : memref<72x768xf32, #tpu.memory_space<vmem>>, vector<1x16xf32>,
        %get3A_897 = vector.shape_cast %get3A_896 : vector<1x16xf32> to vector<16xf32>
        %add3A_898 = arith.addf %add3A_892, %get3A_897 : vector<16xf32>
        %get3A_899 = arith.constant 8 : i32
        %get3A_900 = arith.index_cast %get3A_899 : i32 to index
        %get3A_901 = arith.index_cast %mul3A_834 : i32 to index
        %get3A_902 = tpu.vector_load %arg9[%get3A_900, %get3A_901] {strides = array<i32>} : memref<24x768xf32, #tpu.memory_space<vmem>>, vector<1x16xf32>,
        %get3A_903 = vector.shape_cast %get3A_902 : vector<1x16xf32> to vector<16xf32>
        %add3A_904 = arith.addf %add3A_898, %get3A_903 : vector<16xf32>
        %max3A_905 = arith.maximumf %max3A_881, %add3A_904 : vector<16xf32>
        %mul3A_906 = arith.constant 9.23760414 : f32
        %mul3A_907 = vector.broadcast %mul3A_906 : f32 to vector<16xf32>
        %mul3A_908 = arith.mulf %max3A_905, %mul3A_907 : vector<16xf32>
        %swap3A_909 = arith.constant 2 : i32
        %swap3A_910 = arith.index_cast %swap3A_909 : i32 to index
        %swap3A_911 = arith.index_cast %mul3A_834 : i32 to index
        %swap3A_912 = tpu.vector_load %arg10[%swap3A_910, %swap3A_911] {strides = array<i32>} : memref<8x768xf32, #tpu.memory_space<vmem>>, vector<1x16xf32>,
        %swap3A_913 = vector.shape_cast %swap3A_912 : vector<1x16xf32> to vector<16xf32>
        %swap3A_914 = vector.shape_cast %mul3A_908 : vector<16xf32> to vector<1x16xf32>
        tpu.vector_store %arg10[%swap3A_910, %swap3A_911], %swap3A_914 {strides = array<i32>} : memref<8x768xf32, #tpu.memory_space<vmem>>, vector<1x16xf32>,
      }
      %scan3A_799 = arith.constant 48 : i32
      %scan3A_800 = arith.constant 0 : i32
      %scan3A_801 = arith.constant 0 : i32
      %scan3A_802 = arith.constant 48 : i32
      %scan3A_803 = arith.addi %scan3A_801, %scan3A_802 : i32
      %scan3A_804 = arith.constant 1 : i32
      scf.for %scan3A_832 = %scan3A_801 to %scan3A_803 step %scan3A_804  : i32 {
        %mul3A_833 = arith.constant 16 : i32
        %mul3A_834 = arith.muli %scan3A_832, %mul3A_833 : i32
        %get3A_835 = arith.constant 27 : i32
        %get3A_836 = arith.index_cast %get3A_835 : i32 to index
        %get3A_837 = arith.index_cast %mul3A_834 : i32 to index
        %get3A_838 = tpu.vector_load %arg8[%get3A_836, %get3A_837] {strides = array<i32>} : memref<72x768xf32, #tpu.memory_space<vmem>>, vector<1x16xf32>,
        %get3A_839 = vector.shape_cast %get3A_838 : vector<1x16xf32> to vector<16xf32>
        %get3A_840 = arith.constant 28 : i32
        %get3A_841 = arith.index_cast %get3A_840 : i32 to index
        %get3A_842 = arith.index_cast %mul3A_834 : i32 to index
        %get3A_843 = tpu.vector_load %arg8[%get3A_841, %get3A_842] {strides = array<i32>} : memref<72x768xf32, #tpu.memory_space<vmem>>, vector<1x16xf32>,
        %get3A_844 = vector.shape_cast %get3A_843 : vector<1x16xf32> to vector<16xf32>
        %add3A_845 = arith.addf %get3A_839, %get3A_844 : vector<16xf32>
        %get3A_846 = arith.constant 29 : i32
        %get3A_847 = arith.index_cast %get3A_846 : i32 to index
        %get3A_848 = arith.index_cast %mul3A_834 : i32 to index
        %get3A_849 = tpu.vector_load %arg8[%get3A_847, %get3A_848] {strides = array<i32>} : memref<72x768xf32, #tpu.memory_space<vmem>>, vector<1x16xf32>,
        %get3A_850 = vector.shape_cast %get3A_849 : vector<1x16xf32> to vector<16xf32>
        %add3A_851 = arith.addf %add3A_845, %get3A_850 : vector<16xf32>
        %get3A_852 = arith.constant 9 : i32
        %get3A_853 = arith.index_cast %get3A_852 : i32 to index
        %get3A_854 = arith.index_cast %mul3A_834 : i32 to index
        %get3A_855 = tpu.vector_load %arg9[%get3A_853, %get3A_854] {strides = array<i32>} : memref<24x768xf32, #tpu.memory_space<vmem>>, vector<1x16xf32>,
        %get3A_856 = vector.shape_cast %get3A_855 : vector<1x16xf32> to vector<16xf32>
        %add3A_857 = arith.addf %add3A_851, %get3A_856 : vector<16xf32>
        %get3A_858 = arith.constant 30 : i32
        %get3A_859 = arith.index_cast %get3A_858 : i32 to index
        %get3A_860 = arith.index_cast %mul3A_834 : i32 to index
        %get3A_861 = tpu.vector_load %arg8[%get3A_859, %get3A_860] {strides = array<i32>} : memref<72x768xf32, #tpu.memory_space<vmem>>, vector<1x16xf32>,
        %get3A_862 = vector.shape_cast %get3A_861 : vector<1x16xf32> to vector<16xf32>
        %get3A_863 = arith.constant 31 : i32
        %get3A_864 = arith.index_cast %get3A_863 : i32 to index
        %get3A_865 = arith.index_cast %mul3A_834 : i32 to index
        %get3A_866 = tpu.vector_load %arg8[%get3A_864, %get3A_865] {strides = array<i32>} : memref<72x768xf32, #tpu.memory_space<vmem>>, vector<1x16xf32>,
        %get3A_867 = vector.shape_cast %get3A_866 : vector<1x16xf32> to vector<16xf32>
        %add3A_868 = arith.addf %get3A_862, %get3A_867 : vector<16xf32>
        %get3A_869 = arith.constant 32 : i32
        %get3A_870 = arith.index_cast %get3A_869 : i32 to index
        %get3A_871 = arith.index_cast %mul3A_834 : i32 to index
        %get3A_872 = tpu.vector_load %arg8[%get3A_870, %get3A_871] {strides = array<i32>} : memref<72x768xf32, #tpu.memory_space<vmem>>, vector<1x16xf32>,
        %get3A_873 = vector.shape_cast %get3A_872 : vector<1x16xf32> to vector<16xf32>
        %add3A_874 = arith.addf %add3A_868, %get3A_873 : vector<16xf32>
        %get3A_875 = arith.constant 10 : i32
        %get3A_876 = arith.index_cast %get3A_875 : i32 to index
        %get3A_877 = arith.index_cast %mul3A_834 : i32 to index
        %get3A_878 = tpu.vector_load %arg9[%get3A_876, %get3A_877] {strides = array<i32>} : memref<24x768xf32, #tpu.memory_space<vmem>>, vector<1x16xf32>,
        %get3A_879 = vector.shape_cast %get3A_878 : vector<1x16xf32> to vector<16xf32>
        %add3A_880 = arith.addf %add3A_874, %get3A_879 : vector<16xf32>
        %max3A_881 = arith.maximumf %add3A_857, %add3A_880 : vector<16xf32>
        %get3A_882 = arith.constant 33 : i32
        %get3A_883 = arith.index_cast %get3A_882 : i32 to index
        %get3A_884 = arith.index_cast %mul3A_834 : i32 to index
        %get3A_885 = tpu.vector_load %arg8[%get3A_883, %get3A_884] {strides = array<i32>} : memref<72x768xf32, #tpu.memory_space<vmem>>, vector<1x16xf32>,
        %get3A_886 = vector.shape_cast %get3A_885 : vector<1x16xf32> to vector<16xf32>
        %get3A_887 = arith.constant 34 : i32
        %get3A_888 = arith.index_cast %get3A_887 : i32 to index
        %get3A_889 = arith.index_cast %mul3A_834 : i32 to index
        %get3A_890 = tpu.vector_load %arg8[%get3A_888, %get3A_889] {strides = array<i32>} : memref<72x768xf32, #tpu.memory_space<vmem>>, vector<1x16xf32>,
        %get3A_891 = vector.shape_cast %get3A_890 : vector<1x16xf32> to vector<16xf32>
        %add3A_892 = arith.addf %get3A_886, %get3A_891 : vector<16xf32>
        %get3A_893 = arith.constant 35 : i32
        %get3A_894 = arith.index_cast %get3A_893 : i32 to index
        %get3A_895 = arith.index_cast %mul3A_834 : i32 to index
        %get3A_896 = tpu.vector_load %arg8[%get3A_894, %get3A_895] {strides = array<i32>} : memref<72x768xf32, #tpu.memory_space<vmem>>, vector<1x16xf32>,
        %get3A_897 = vector.shape_cast %get3A_896 : vector<1x16xf32> to vector<16xf32>
        %add3A_898 = arith.addf %add3A_892, %get3A_897 : vector<16xf32>
        %get3A_899 = arith.constant 11 : i32
        %get3A_900 = arith.index_cast %get3A_899 : i32 to index
        %get3A_901 = arith.index_cast %mul3A_834 : i32 to index
        %get3A_902 = tpu.vector_load %arg9[%get3A_900, %get3A_901] {strides = array<i32>} : memref<24x768xf32, #tpu.memory_space<vmem>>, vector<1x16xf32>,
        %get3A_903 = vector.shape_cast %get3A_902 : vector<1x16xf32> to vector<16xf32>
        %add3A_904 = arith.addf %add3A_898, %get3A_903 : vector<16xf32>
        %max3A_905 = arith.maximumf %max3A_881, %add3A_904 : vector<16xf32>
        %mul3A_906 = arith.constant 9.23760414 : f32
        %mul3A_907 = vector.broadcast %mul3A_906 : f32 to vector<16xf32>
        %mul3A_908 = arith.mulf %max3A_905, %mul3A_907 : vector<16xf32>
        %swap3A_909 = arith.constant 3 : i32
        %swap3A_910 = arith.index_cast %swap3A_909 : i32 to index
        %swap3A_911 = arith.index_cast %mul3A_834 : i32 to index
        %swap3A_912 = tpu.vector_load %arg10[%swap3A_910, %swap3A_911] {strides = array<i32>} : memref<8x768xf32, #tpu.memory_space<vmem>>, vector<1x16xf32>,
        %swap3A_913 = vector.shape_cast %swap3A_912 : vector<1x16xf32> to vector<16xf32>
        %swap3A_914 = vector.shape_cast %mul3A_908 : vector<16xf32> to vector<1x16xf32>
        tpu.vector_store %arg10[%swap3A_910, %swap3A_911], %swap3A_914 {strides = array<i32>} : memref<8x768xf32, #tpu.memory_space<vmem>>, vector<1x16xf32>,
      }
      %scan3A_805 = arith.constant 48 : i32
      %scan3A_806 = arith.constant 0 : i32
      %scan3A_807 = arith.constant 0 : i32
      %scan3A_808 = arith.constant 48 : i32
      %scan3A_809 = arith.addi %scan3A_807, %scan3A_808 : i32
      %scan3A_810 = arith.constant 1 : i32
      scf.for %scan3A_832 = %scan3A_807 to %scan3A_809 step %scan3A_810  : i32 {
        %mul3A_833 = arith.constant 16 : i32
        %mul3A_834 = arith.muli %scan3A_832, %mul3A_833 : i32
        %get3A_835 = arith.constant 36 : i32
        %get3A_836 = arith.index_cast %get3A_835 : i32 to index
        %get3A_837 = arith.index_cast %mul3A_834 : i32 to index
        %get3A_838 = tpu.vector_load %arg8[%get3A_836, %get3A_837] {strides = array<i32>} : memref<72x768xf32, #tpu.memory_space<vmem>>, vector<1x16xf32>,
        %get3A_839 = vector.shape_cast %get3A_838 : vector<1x16xf32> to vector<16xf32>
        %get3A_840 = arith.constant 37 : i32
        %get3A_841 = arith.index_cast %get3A_840 : i32 to index
        %get3A_842 = arith.index_cast %mul3A_834 : i32 to index
        %get3A_843 = tpu.vector_load %arg8[%get3A_841, %get3A_842] {strides = array<i32>} : memref<72x768xf32, #tpu.memory_space<vmem>>, vector<1x16xf32>,
        %get3A_844 = vector.shape_cast %get3A_843 : vector<1x16xf32> to vector<16xf32>
        %add3A_845 = arith.addf %get3A_839, %get3A_844 : vector<16xf32>
        %get3A_846 = arith.constant 38 : i32
        %get3A_847 = arith.index_cast %get3A_846 : i32 to index
        %get3A_848 = arith.index_cast %mul3A_834 : i32 to index
        %get3A_849 = tpu.vector_load %arg8[%get3A_847, %get3A_848] {strides = array<i32>} : memref<72x768xf32, #tpu.memory_space<vmem>>, vector<1x16xf32>,
        %get3A_850 = vector.shape_cast %get3A_849 : vector<1x16xf32> to vector<16xf32>
        %add3A_851 = arith.addf %add3A_845, %get3A_850 : vector<16xf32>
        %get3A_852 = arith.constant 12 : i32
        %get3A_853 = arith.index_cast %get3A_852 : i32 to index
        %get3A_854 = arith.index_cast %mul3A_834 : i32 to index
        %get3A_855 = tpu.vector_load %arg9[%get3A_853, %get3A_854] {strides = array<i32>} : memref<24x768xf32, #tpu.memory_space<vmem>>, vector<1x16xf32>,
        %get3A_856 = vector.shape_cast %get3A_855 : vector<1x16xf32> to vector<16xf32>
        %add3A_857 = arith.addf %add3A_851, %get3A_856 : vector<16xf32>
        %get3A_858 = arith.constant 39 : i32
        %get3A_859 = arith.index_cast %get3A_858 : i32 to index
        %get3A_860 = arith.index_cast %mul3A_834 : i32 to index
        %get3A_861 = tpu.vector_load %arg8[%get3A_859, %get3A_860] {strides = array<i32>} : memref<72x768xf32, #tpu.memory_space<vmem>>, vector<1x16xf32>,
        %get3A_862 = vector.shape_cast %get3A_861 : vector<1x16xf32> to vector<16xf32>
        %get3A_863 = arith.constant 40 : i32
        %get3A_864 = arith.index_cast %get3A_863 : i32 to index
        %get3A_865 = arith.index_cast %mul3A_834 : i32 to index
        %get3A_866 = tpu.vector_load %arg8[%get3A_864, %get3A_865] {strides = array<i32>} : memref<72x768xf32, #tpu.memory_space<vmem>>, vector<1x16xf32>,
        %get3A_867 = vector.shape_cast %get3A_866 : vector<1x16xf32> to vector<16xf32>
        %add3A_868 = arith.addf %get3A_862, %get3A_867 : vector<16xf32>
        %get3A_869 = arith.constant 41 : i32
        %get3A_870 = arith.index_cast %get3A_869 : i32 to index
        %get3A_871 = arith.index_cast %mul3A_834 : i32 to index
        %get3A_872 = tpu.vector_load %arg8[%get3A_870, %get3A_871] {strides = array<i32>} : memref<72x768xf32, #tpu.memory_space<vmem>>, vector<1x16xf32>,
        %get3A_873 = vector.shape_cast %get3A_872 : vector<1x16xf32> to vector<16xf32>
        %add3A_874 = arith.addf %add3A_868, %get3A_873 : vector<16xf32>
        %get3A_875 = arith.constant 13 : i32
        %get3A_876 = arith.index_cast %get3A_875 : i32 to index
        %get3A_877 = arith.index_cast %mul3A_834 : i32 to index
        %get3A_878 = tpu.vector_load %arg9[%get3A_876, %get3A_877] {strides = array<i32>} : memref<24x768xf32, #tpu.memory_space<vmem>>, vector<1x16xf32>,
        %get3A_879 = vector.shape_cast %get3A_878 : vector<1x16xf32> to vector<16xf32>
        %add3A_880 = arith.addf %add3A_874, %get3A_879 : vector<16xf32>
        %max3A_881 = arith.maximumf %add3A_857, %add3A_880 : vector<16xf32>
        %get3A_882 = arith.constant 42 : i32
        %get3A_883 = arith.index_cast %get3A_882 : i32 to index
        %get3A_884 = arith.index_cast %mul3A_834 : i32 to index
        %get3A_885 = tpu.vector_load %arg8[%get3A_883, %get3A_884] {strides = array<i32>} : memref<72x768xf32, #tpu.memory_space<vmem>>, vector<1x16xf32>,
        %get3A_886 = vector.shape_cast %get3A_885 : vector<1x16xf32> to vector<16xf32>
        %get3A_887 = arith.constant 43 : i32
        %get3A_888 = arith.index_cast %get3A_887 : i32 to index
        %get3A_889 = arith.index_cast %mul3A_834 : i32 to index
        %get3A_890 = tpu.vector_load %arg8[%get3A_888, %get3A_889] {strides = array<i32>} : memref<72x768xf32, #tpu.memory_space<vmem>>, vector<1x16xf32>,
        %get3A_891 = vector.shape_cast %get3A_890 : vector<1x16xf32> to vector<16xf32>
        %add3A_892 = arith.addf %get3A_886, %get3A_891 : vector<16xf32>
        %get3A_893 = arith.constant 44 : i32
        %get3A_894 = arith.index_cast %get3A_893 : i32 to index
        %get3A_895 = arith.index_cast %mul3A_834 : i32 to index
        %get3A_896 = tpu.vector_load %arg8[%get3A_894, %get3A_895] {strides = array<i32>} : memref<72x768xf32, #tpu.memory_space<vmem>>, vector<1x16xf32>,
        %get3A_897 = vector.shape_cast %get3A_896 : vector<1x16xf32> to vector<16xf32>
        %add3A_898 = arith.addf %add3A_892, %get3A_897 : vector<16xf32>
        %get3A_899 = arith.constant 14 : i32
        %get3A_900 = arith.index_cast %get3A_899 : i32 to index
        %get3A_901 = arith.index_cast %mul3A_834 : i32 to index
        %get3A_902 = tpu.vector_load %arg9[%get3A_900, %get3A_901] {strides = array<i32>} : memref<24x768xf32, #tpu.memory_space<vmem>>, vector<1x16xf32>,
        %get3A_903 = vector.shape_cast %get3A_902 : vector<1x16xf32> to vector<16xf32>
        %add3A_904 = arith.addf %add3A_898, %get3A_903 : vector<16xf32>
        %max3A_905 = arith.maximumf %max3A_881, %add3A_904 : vector<16xf32>
        %mul3A_906 = arith.constant 9.23760414 : f32
        %mul3A_907 = vector.broadcast %mul3A_906 : f32 to vector<16xf32>
        %mul3A_908 = arith.mulf %max3A_905, %mul3A_907 : vector<16xf32>
        %swap3A_909 = arith.constant 4 : i32
        %swap3A_910 = arith.index_cast %swap3A_909 : i32 to index
        %swap3A_911 = arith.index_cast %mul3A_834 : i32 to index
        %swap3A_912 = tpu.vector_load %arg10[%swap3A_910, %swap3A_911] {strides = array<i32>} : memref<8x768xf32, #tpu.memory_space<vmem>>, vector<1x16xf32>,
        %swap3A_913 = vector.shape_cast %swap3A_912 : vector<1x16xf32> to vector<16xf32>
        %swap3A_914 = vector.shape_cast %mul3A_908 : vector<16xf32> to vector<1x16xf32>
        tpu.vector_store %arg10[%swap3A_910, %swap3A_911], %swap3A_914 {strides = array<i32>} : memref<8x768xf32, #tpu.memory_space<vmem>>, vector<1x16xf32>,
      }
      %scan3A_811 = arith.constant 48 : i32
      %scan3A_812 = arith.constant 0 : i32
      %scan3A_813 = arith.constant 0 : i32
      %scan3A_814 = arith.constant 48 : i32
      %scan3A_815 = arith.addi %scan3A_813, %scan3A_814 : i32
      %scan3A_816 = arith.constant 1 : i32
      scf.for %scan3A_832 = %scan3A_813 to %scan3A_815 step %scan3A_816  : i32 {
        %mul3A_833 = arith.constant 16 : i32
        %mul3A_834 = arith.muli %scan3A_832, %mul3A_833 : i32
        %get3A_835 = arith.constant 45 : i32
        %get3A_836 = arith.index_cast %get3A_835 : i32 to index
        %get3A_837 = arith.index_cast %mul3A_834 : i32 to index
        %get3A_838 = tpu.vector_load %arg8[%get3A_836, %get3A_837] {strides = array<i32>} : memref<72x768xf32, #tpu.memory_space<vmem>>, vector<1x16xf32>,
        %get3A_839 = vector.shape_cast %get3A_838 : vector<1x16xf32> to vector<16xf32>
        %get3A_840 = arith.constant 46 : i32
        %get3A_841 = arith.index_cast %get3A_840 : i32 to index
        %get3A_842 = arith.index_cast %mul3A_834 : i32 to index
        %get3A_843 = tpu.vector_load %arg8[%get3A_841, %get3A_842] {strides = array<i32>} : memref<72x768xf32, #tpu.memory_space<vmem>>, vector<1x16xf32>,
        %get3A_844 = vector.shape_cast %get3A_843 : vector<1x16xf32> to vector<16xf32>
        %add3A_845 = arith.addf %get3A_839, %get3A_844 : vector<16xf32>
        %get3A_846 = arith.constant 47 : i32
        %get3A_847 = arith.index_cast %get3A_846 : i32 to index
        %get3A_848 = arith.index_cast %mul3A_834 : i32 to index
        %get3A_849 = tpu.vector_load %arg8[%get3A_847, %get3A_848] {strides = array<i32>} : memref<72x768xf32, #tpu.memory_space<vmem>>, vector<1x16xf32>,
        %get3A_850 = vector.shape_cast %get3A_849 : vector<1x16xf32> to vector<16xf32>
        %add3A_851 = arith.addf %add3A_845, %get3A_850 : vector<16xf32>
        %get3A_852 = arith.constant 15 : i32
        %get3A_853 = arith.index_cast %get3A_852 : i32 to index
        %get3A_854 = arith.index_cast %mul3A_834 : i32 to index
        %get3A_855 = tpu.vector_load %arg9[%get3A_853, %get3A_854] {strides = array<i32>} : memref<24x768xf32, #tpu.memory_space<vmem>>, vector<1x16xf32>,
        %get3A_856 = vector.shape_cast %get3A_855 : vector<1x16xf32> to vector<16xf32>
        %add3A_857 = arith.addf %add3A_851, %get3A_856 : vector<16xf32>
        %get3A_858 = arith.constant 48 : i32
        %get3A_859 = arith.index_cast %get3A_858 : i32 to index
        %get3A_860 = arith.index_cast %mul3A_834 : i32 to index
        %get3A_861 = tpu.vector_load %arg8[%get3A_859, %get3A_860] {strides = array<i32>} : memref<72x768xf32, #tpu.memory_space<vmem>>, vector<1x16xf32>,
        %get3A_862 = vector.shape_cast %get3A_861 : vector<1x16xf32> to vector<16xf32>
        %get3A_863 = arith.constant 49 : i32
        %get3A_864 = arith.index_cast %get3A_863 : i32 to index
        %get3A_865 = arith.index_cast %mul3A_834 : i32 to index
        %get3A_866 = tpu.vector_load %arg8[%get3A_864, %get3A_865] {strides = array<i32>} : memref<72x768xf32, #tpu.memory_space<vmem>>, vector<1x16xf32>,
        %get3A_867 = vector.shape_cast %get3A_866 : vector<1x16xf32> to vector<16xf32>
        %add3A_868 = arith.addf %get3A_862, %get3A_867 : vector<16xf32>
        %get3A_869 = arith.constant 50 : i32
        %get3A_870 = arith.index_cast %get3A_869 : i32 to index
        %get3A_871 = arith.index_cast %mul3A_834 : i32 to index
        %get3A_872 = tpu.vector_load %arg8[%get3A_870, %get3A_871] {strides = array<i32>} : memref<72x768xf32, #tpu.memory_space<vmem>>, vector<1x16xf32>,
        %get3A_873 = vector.shape_cast %get3A_872 : vector<1x16xf32> to vector<16xf32>
        %add3A_874 = arith.addf %add3A_868, %get3A_873 : vector<16xf32>
        %get3A_875 = arith.constant 16 : i32
        %get3A_876 = arith.index_cast %get3A_875 : i32 to index
        %get3A_877 = arith.index_cast %mul3A_834 : i32 to index
        %get3A_878 = tpu.vector_load %arg9[%get3A_876, %get3A_877] {strides = array<i32>} : memref<24x768xf32, #tpu.memory_space<vmem>>, vector<1x16xf32>,
        %get3A_879 = vector.shape_cast %get3A_878 : vector<1x16xf32> to vector<16xf32>
        %add3A_880 = arith.addf %add3A_874, %get3A_879 : vector<16xf32>
        %max3A_881 = arith.maximumf %add3A_857, %add3A_880 : vector<16xf32>
        %get3A_882 = arith.constant 51 : i32
        %get3A_883 = arith.index_cast %get3A_882 : i32 to index
        %get3A_884 = arith.index_cast %mul3A_834 : i32 to index
        %get3A_885 = tpu.vector_load %arg8[%get3A_883, %get3A_884] {strides = array<i32>} : memref<72x768xf32, #tpu.memory_space<vmem>>, vector<1x16xf32>,
        %get3A_886 = vector.shape_cast %get3A_885 : vector<1x16xf32> to vector<16xf32>
        %get3A_887 = arith.constant 52 : i32
        %get3A_888 = arith.index_cast %get3A_887 : i32 to index
        %get3A_889 = arith.index_cast %mul3A_834 : i32 to index
        %get3A_890 = tpu.vector_load %arg8[%get3A_888, %get3A_889] {strides = array<i32>} : memref<72x768xf32, #tpu.memory_space<vmem>>, vector<1x16xf32>,
        %get3A_891 = vector.shape_cast %get3A_890 : vector<1x16xf32> to vector<16xf32>
        %add3A_892 = arith.addf %get3A_886, %get3A_891 : vector<16xf32>
        %get3A_893 = arith.constant 53 : i32
        %get3A_894 = arith.index_cast %get3A_893 : i32 to index
        %get3A_895 = arith.index_cast %mul3A_834 : i32 to index
        %get3A_896 = tpu.vector_load %arg8[%get3A_894, %get3A_895] {strides = array<i32>} : memref<72x768xf32, #tpu.memory_space<vmem>>, vector<1x16xf32>,
        %get3A_897 = vector.shape_cast %get3A_896 : vector<1x16xf32> to vector<16xf32>
        %add3A_898 = arith.addf %add3A_892, %get3A_897 : vector<16xf32>
        %get3A_899 = arith.constant 17 : i32
        %get3A_900 = arith.index_cast %get3A_899 : i32 to index
        %get3A_901 = arith.index_cast %mul3A_834 : i32 to index
        %get3A_902 = tpu.vector_load %arg9[%get3A_900, %get3A_901] {strides = array<i32>} : memref<24x768xf32, #tpu.memory_space<vmem>>, vector<1x16xf32>,
        %get3A_903 = vector.shape_cast %get3A_902 : vector<1x16xf32> to vector<16xf32>
        %add3A_904 = arith.addf %add3A_898, %get3A_903 : vector<16xf32>
        %max3A_905 = arith.maximumf %max3A_881, %add3A_904 : vector<16xf32>
        %mul3A_906 = arith.constant 9.23760414 : f32
        %mul3A_907 = vector.broadcast %mul3A_906 : f32 to vector<16xf32>
        %mul3A_908 = arith.mulf %max3A_905, %mul3A_907 : vector<16xf32>
        %swap3A_909 = arith.constant 5 : i32
        %swap3A_910 = arith.index_cast %swap3A_909 : i32 to index
        %swap3A_911 = arith.index_cast %mul3A_834 : i32 to index
        %swap3A_912 = tpu.vector_load %arg10[%swap3A_910, %swap3A_911] {strides = array<i32>} : memref<8x768xf32, #tpu.memory_space<vmem>>, vector<1x16xf32>,
        %swap3A_913 = vector.shape_cast %swap3A_912 : vector<1x16xf32> to vector<16xf32>
        %swap3A_914 = vector.shape_cast %mul3A_908 : vector<16xf32> to vector<1x16xf32>
        tpu.vector_store %arg10[%swap3A_910, %swap3A_911], %swap3A_914 {strides = array<i32>} : memref<8x768xf32, #tpu.memory_space<vmem>>, vector<1x16xf32>,
      }
      %scan3A_817 = arith.constant 48 : i32
      %scan3A_818 = arith.constant 0 : i32
      %scan3A_819 = arith.constant 0 : i32
      %scan3A_820 = arith.constant 48 : i32
      %scan3A_821 = arith.addi %scan3A_819, %scan3A_820 : i32
      %scan3A_822 = arith.constant 1 : i32
      scf.for %scan3A_832 = %scan3A_819 to %scan3A_821 step %scan3A_822  : i32 {
        %mul3A_833 = arith.constant 16 : i32
        %mul3A_834 = arith.muli %scan3A_832, %mul3A_833 : i32
        %get3A_835 = arith.constant 54 : i32
        %get3A_836 = arith.index_cast %get3A_835 : i32 to index
        %get3A_837 = arith.index_cast %mul3A_834 : i32 to index
        %get3A_838 = tpu.vector_load %arg8[%get3A_836, %get3A_837] {strides = array<i32>} : memref<72x768xf32, #tpu.memory_space<vmem>>, vector<1x16xf32>,
        %get3A_839 = vector.shape_cast %get3A_838 : vector<1x16xf32> to vector<16xf32>
        %get3A_840 = arith.constant 55 : i32
        %get3A_841 = arith.index_cast %get3A_840 : i32 to index
        %get3A_842 = arith.index_cast %mul3A_834 : i32 to index
        %get3A_843 = tpu.vector_load %arg8[%get3A_841, %get3A_842] {strides = array<i32>} : memref<72x768xf32, #tpu.memory_space<vmem>>, vector<1x16xf32>,
        %get3A_844 = vector.shape_cast %get3A_843 : vector<1x16xf32> to vector<16xf32>
        %add3A_845 = arith.addf %get3A_839, %get3A_844 : vector<16xf32>
        %get3A_846 = arith.constant 56 : i32
        %get3A_847 = arith.index_cast %get3A_846 : i32 to index
        %get3A_848 = arith.index_cast %mul3A_834 : i32 to index
        %get3A_849 = tpu.vector_load %arg8[%get3A_847, %get3A_848] {strides = array<i32>} : memref<72x768xf32, #tpu.memory_space<vmem>>, vector<1x16xf32>,
        %get3A_850 = vector.shape_cast %get3A_849 : vector<1x16xf32> to vector<16xf32>
        %add3A_851 = arith.addf %add3A_845, %get3A_850 : vector<16xf32>
        %get3A_852 = arith.constant 18 : i32
        %get3A_853 = arith.index_cast %get3A_852 : i32 to index
        %get3A_854 = arith.index_cast %mul3A_834 : i32 to index
        %get3A_855 = tpu.vector_load %arg9[%get3A_853, %get3A_854] {strides = array<i32>} : memref<24x768xf32, #tpu.memory_space<vmem>>, vector<1x16xf32>,
        %get3A_856 = vector.shape_cast %get3A_855 : vector<1x16xf32> to vector<16xf32>
        %add3A_857 = arith.addf %add3A_851, %get3A_856 : vector<16xf32>
        %get3A_858 = arith.constant 57 : i32
        %get3A_859 = arith.index_cast %get3A_858 : i32 to index
        %get3A_860 = arith.index_cast %mul3A_834 : i32 to index
        %get3A_861 = tpu.vector_load %arg8[%get3A_859, %get3A_860] {strides = array<i32>} : memref<72x768xf32, #tpu.memory_space<vmem>>, vector<1x16xf32>,
        %get3A_862 = vector.shape_cast %get3A_861 : vector<1x16xf32> to vector<16xf32>
        %get3A_863 = arith.constant 58 : i32
        %get3A_864 = arith.index_cast %get3A_863 : i32 to index
        %get3A_865 = arith.index_cast %mul3A_834 : i32 to index
        %get3A_866 = tpu.vector_load %arg8[%get3A_864, %get3A_865] {strides = array<i32>} : memref<72x768xf32, #tpu.memory_space<vmem>>, vector<1x16xf32>,
        %get3A_867 = vector.shape_cast %get3A_866 : vector<1x16xf32> to vector<16xf32>
        %add3A_868 = arith.addf %get3A_862, %get3A_867 : vector<16xf32>
        %get3A_869 = arith.constant 59 : i32
        %get3A_870 = arith.index_cast %get3A_869 : i32 to index
        %get3A_871 = arith.index_cast %mul3A_834 : i32 to index
        %get3A_872 = tpu.vector_load %arg8[%get3A_870, %get3A_871] {strides = array<i32>} : memref<72x768xf32, #tpu.memory_space<vmem>>, vector<1x16xf32>,
        %get3A_873 = vector.shape_cast %get3A_872 : vector<1x16xf32> to vector<16xf32>
        %add3A_874 = arith.addf %add3A_868, %get3A_873 : vector<16xf32>
        %get3A_875 = arith.constant 19 : i32
        %get3A_876 = arith.index_cast %get3A_875 : i32 to index
        %get3A_877 = arith.index_cast %mul3A_834 : i32 to index
        %get3A_878 = tpu.vector_load %arg9[%get3A_876, %get3A_877] {strides = array<i32>} : memref<24x768xf32, #tpu.memory_space<vmem>>, vector<1x16xf32>,
        %get3A_879 = vector.shape_cast %get3A_878 : vector<1x16xf32> to vector<16xf32>
        %add3A_880 = arith.addf %add3A_874, %get3A_879 : vector<16xf32>
        %max3A_881 = arith.maximumf %add3A_857, %add3A_880 : vector<16xf32>
        %get3A_882 = arith.constant 60 : i32
        %get3A_883 = arith.index_cast %get3A_882 : i32 to index
        %get3A_884 = arith.index_cast %mul3A_834 : i32 to index
        %get3A_885 = tpu.vector_load %arg8[%get3A_883, %get3A_884] {strides = array<i32>} : memref<72x768xf32, #tpu.memory_space<vmem>>, vector<1x16xf32>,
        %get3A_886 = vector.shape_cast %get3A_885 : vector<1x16xf32> to vector<16xf32>
        %get3A_887 = arith.constant 61 : i32
        %get3A_888 = arith.index_cast %get3A_887 : i32 to index
        %get3A_889 = arith.index_cast %mul3A_834 : i32 to index
        %get3A_890 = tpu.vector_load %arg8[%get3A_888, %get3A_889] {strides = array<i32>} : memref<72x768xf32, #tpu.memory_space<vmem>>, vector<1x16xf32>,
        %get3A_891 = vector.shape_cast %get3A_890 : vector<1x16xf32> to vector<16xf32>
        %add3A_892 = arith.addf %get3A_886, %get3A_891 : vector<16xf32>
        %get3A_893 = arith.constant 62 : i32
        %get3A_894 = arith.index_cast %get3A_893 : i32 to index
        %get3A_895 = arith.index_cast %mul3A_834 : i32 to index
        %get3A_896 = tpu.vector_load %arg8[%get3A_894, %get3A_895] {strides = array<i32>} : memref<72x768xf32, #tpu.memory_space<vmem>>, vector<1x16xf32>,
        %get3A_897 = vector.shape_cast %get3A_896 : vector<1x16xf32> to vector<16xf32>
        %add3A_898 = arith.addf %add3A_892, %get3A_897 : vector<16xf32>
        %get3A_899 = arith.constant 20 : i32
        %get3A_900 = arith.index_cast %get3A_899 : i32 to index
        %get3A_901 = arith.index_cast %mul3A_834 : i32 to index
        %get3A_902 = tpu.vector_load %arg9[%get3A_900, %get3A_901] {strides = array<i32>} : memref<24x768xf32, #tpu.memory_space<vmem>>, vector<1x16xf32>,
        %get3A_903 = vector.shape_cast %get3A_902 : vector<1x16xf32> to vector<16xf32>
        %add3A_904 = arith.addf %add3A_898, %get3A_903 : vector<16xf32>
        %max3A_905 = arith.maximumf %max3A_881, %add3A_904 : vector<16xf32>
        %mul3A_906 = arith.constant 9.23760414 : f32
        %mul3A_907 = vector.broadcast %mul3A_906 : f32 to vector<16xf32>
        %mul3A_908 = arith.mulf %max3A_905, %mul3A_907 : vector<16xf32>
        %swap3A_909 = arith.constant 6 : i32
        %swap3A_910 = arith.index_cast %swap3A_909 : i32 to index
        %swap3A_911 = arith.index_cast %mul3A_834 : i32 to index
        %swap3A_912 = tpu.vector_load %arg10[%swap3A_910, %swap3A_911] {strides = array<i32>} : memref<8x768xf32, #tpu.memory_space<vmem>>, vector<1x16xf32>,
        %swap3A_913 = vector.shape_cast %swap3A_912 : vector<1x16xf32> to vector<16xf32>
        %swap3A_914 = vector.shape_cast %mul3A_908 : vector<16xf32> to vector<1x16xf32>
        tpu.vector_store %arg10[%swap3A_910, %swap3A_911], %swap3A_914 {strides = array<i32>} : memref<8x768xf32, #tpu.memory_space<vmem>>, vector<1x16xf32>,
      }
      %scan3A_823 = arith.constant 48 : i32
      %scan3A_824 = arith.constant 0 : i32
      %scan3A_825 = arith.constant 0 : i32
      %scan3A_826 = arith.constant 48 : i32
      %scan3A_827 = arith.addi %scan3A_825, %scan3A_826 : i32
      %scan3A_828 = arith.constant 1 : i32
      scf.for %scan3A_832 = %scan3A_825 to %scan3A_827 step %scan3A_828  : i32 {
        %mul3A_833 = arith.constant 16 : i32
        %mul3A_834 = arith.muli %scan3A_832, %mul3A_833 : i32
        %get3A_835 = arith.constant 63 : i32
        %get3A_836 = arith.index_cast %get3A_835 : i32 to index
        %get3A_837 = arith.index_cast %mul3A_834 : i32 to index
        %get3A_838 = tpu.vector_load %arg8[%get3A_836, %get3A_837] {strides = array<i32>} : memref<72x768xf32, #tpu.memory_space<vmem>>, vector<1x16xf32>,
        %get3A_839 = vector.shape_cast %get3A_838 : vector<1x16xf32> to vector<16xf32>
        %get3A_840 = arith.constant 64 : i32
        %get3A_841 = arith.index_cast %get3A_840 : i32 to index
        %get3A_842 = arith.index_cast %mul3A_834 : i32 to index
        %get3A_843 = tpu.vector_load %arg8[%get3A_841, %get3A_842] {strides = array<i32>} : memref<72x768xf32, #tpu.memory_space<vmem>>, vector<1x16xf32>,
        %get3A_844 = vector.shape_cast %get3A_843 : vector<1x16xf32> to vector<16xf32>
        %add3A_845 = arith.addf %get3A_839, %get3A_844 : vector<16xf32>
        %get3A_846 = arith.constant 65 : i32
        %get3A_847 = arith.index_cast %get3A_846 : i32 to index
        %get3A_848 = arith.index_cast %mul3A_834 : i32 to index
        %get3A_849 = tpu.vector_load %arg8[%get3A_847, %get3A_848] {strides = array<i32>} : memref<72x768xf32, #tpu.memory_space<vmem>>, vector<1x16xf32>,
        %get3A_850 = vector.shape_cast %get3A_849 : vector<1x16xf32> to vector<16xf32>
        %add3A_851 = arith.addf %add3A_845, %get3A_850 : vector<16xf32>
        %get3A_852 = arith.constant 21 : i32
        %get3A_853 = arith.index_cast %get3A_852 : i32 to index
        %get3A_854 = arith.index_cast %mul3A_834 : i32 to index
        %get3A_855 = tpu.vector_load %arg9[%get3A_853, %get3A_854] {strides = array<i32>} : memref<24x768xf32, #tpu.memory_space<vmem>>, vector<1x16xf32>,
        %get3A_856 = vector.shape_cast %get3A_855 : vector<1x16xf32> to vector<16xf32>
        %add3A_857 = arith.addf %add3A_851, %get3A_856 : vector<16xf32>
        %get3A_858 = arith.constant 66 : i32
        %get3A_859 = arith.index_cast %get3A_858 : i32 to index
        %get3A_860 = arith.index_cast %mul3A_834 : i32 to index
        %get3A_861 = tpu.vector_load %arg8[%get3A_859, %get3A_860] {strides = array<i32>} : memref<72x768xf32, #tpu.memory_space<vmem>>, vector<1x16xf32>,
        %get3A_862 = vector.shape_cast %get3A_861 : vector<1x16xf32> to vector<16xf32>
        %get3A_863 = arith.constant 67 : i32
        %get3A_864 = arith.index_cast %get3A_863 : i32 to index
        %get3A_865 = arith.index_cast %mul3A_834 : i32 to index
        %get3A_866 = tpu.vector_load %arg8[%get3A_864, %get3A_865] {strides = array<i32>} : memref<72x768xf32, #tpu.memory_space<vmem>>, vector<1x16xf32>,
        %get3A_867 = vector.shape_cast %get3A_866 : vector<1x16xf32> to vector<16xf32>
        %add3A_868 = arith.addf %get3A_862, %get3A_867 : vector<16xf32>
        %get3A_869 = arith.constant 68 : i32
        %get3A_870 = arith.index_cast %get3A_869 : i32 to index
        %get3A_871 = arith.index_cast %mul3A_834 : i32 to index
        %get3A_872 = tpu.vector_load %arg8[%get3A_870, %get3A_871] {strides = array<i32>} : memref<72x768xf32, #tpu.memory_space<vmem>>, vector<1x16xf32>,
        %get3A_873 = vector.shape_cast %get3A_872 : vector<1x16xf32> to vector<16xf32>
        %add3A_874 = arith.addf %add3A_868, %get3A_873 : vector<16xf32>
        %get3A_875 = arith.constant 22 : i32
        %get3A_876 = arith.index_cast %get3A_875 : i32 to index
        %get3A_877 = arith.index_cast %mul3A_834 : i32 to index
        %get3A_878 = tpu.vector_load %arg9[%get3A_876, %get3A_877] {strides = array<i32>} : memref<24x768xf32, #tpu.memory_space<vmem>>, vector<1x16xf32>,
        %get3A_879 = vector.shape_cast %get3A_878 : vector<1x16xf32> to vector<16xf32>
        %add3A_880 = arith.addf %add3A_874, %get3A_879 : vector<16xf32>
        %max3A_881 = arith.maximumf %add3A_857, %add3A_880 : vector<16xf32>
        %get3A_882 = arith.constant 69 : i32
        %get3A_883 = arith.index_cast %get3A_882 : i32 to index
        %get3A_884 = arith.index_cast %mul3A_834 : i32 to index
        %get3A_885 = tpu.vector_load %arg8[%get3A_883, %get3A_884] {strides = array<i32>} : memref<72x768xf32, #tpu.memory_space<vmem>>, vector<1x16xf32>,
        %get3A_886 = vector.shape_cast %get3A_885 : vector<1x16xf32> to vector<16xf32>
        %get3A_887 = arith.constant 70 : i32
        %get3A_888 = arith.index_cast %get3A_887 : i32 to index
        %get3A_889 = arith.index_cast %mul3A_834 : i32 to index
        %get3A_890 = tpu.vector_load %arg8[%get3A_888, %get3A_889] {strides = array<i32>} : memref<72x768xf32, #tpu.memory_space<vmem>>, vector<1x16xf32>,
        %get3A_891 = vector.shape_cast %get3A_890 : vector<1x16xf32> to vector<16xf32>
        %add3A_892 = arith.addf %get3A_886, %get3A_891 : vector<16xf32>
        %get3A_893 = arith.constant 71 : i32
        %get3A_894 = arith.index_cast %get3A_893 : i32 to index
        %get3A_895 = arith.index_cast %mul3A_834 : i32 to index
        %get3A_896 = tpu.vector_load %arg8[%get3A_894, %get3A_895] {strides = array<i32>} : memref<72x768xf32, #tpu.memory_space<vmem>>, vector<1x16xf32>,
        %get3A_897 = vector.shape_cast %get3A_896 : vector<1x16xf32> to vector<16xf32>
        %add3A_898 = arith.addf %add3A_892, %get3A_897 : vector<16xf32>
        %get3A_899 = arith.constant 23 : i32
        %get3A_900 = arith.index_cast %get3A_899 : i32 to index
        %get3A_901 = arith.index_cast %mul3A_834 : i32 to index
        %get3A_902 = tpu.vector_load %arg9[%get3A_900, %get3A_901] {strides = array<i32>} : memref<24x768xf32, #tpu.memory_space<vmem>>, vector<1x16xf32>,
        %get3A_903 = vector.shape_cast %get3A_902 : vector<1x16xf32> to vector<16xf32>
        %add3A_904 = arith.addf %add3A_898, %get3A_903 : vector<16xf32>
        %max3A_905 = arith.maximumf %max3A_881, %add3A_904 : vector<16xf32>
        %mul3A_906 = arith.constant 9.23760414 : f32
        %mul3A_907 = vector.broadcast %mul3A_906 : f32 to vector<16xf32>
        %mul3A_908 = arith.mulf %max3A_905, %mul3A_907 : vector<16xf32>
        %swap3A_909 = arith.constant 7 : i32
        %swap3A_910 = arith.index_cast %swap3A_909 : i32 to index
        %swap3A_911 = arith.index_cast %mul3A_834 : i32 to index
        %swap3A_912 = tpu.vector_load %arg10[%swap3A_910, %swap3A_911] {strides = array<i32>} : memref<8x768xf32, #tpu.memory_space<vmem>>, vector<1x16xf32>,
        %swap3A_913 = vector.shape_cast %swap3A_912 : vector<1x16xf32> to vector<16xf32>
        %swap3A_914 = vector.shape_cast %mul3A_908 : vector<16xf32> to vector<1x16xf32>
        tpu.vector_store %arg10[%swap3A_910, %swap3A_911], %swap3A_914 {strides = array<i32>} : memref<8x768xf32, #tpu.memory_space<vmem>>, vector<1x16xf32>,
      }
      %scan3A_829 = arith.constant 48 : i32
      %mul3A_830 = arith.constant 8 : i32
      %mul3A_831 = arith.muli %mul3A_830, %scan3A_761 : i32
      "tpu.region"() ({
        %run_scoped3A = tpu.sem_alloc : memref<!tpu.dma_semaphore, #tpu.memory_space<semaphore_mem>>
        %dma_start3A_832 = arith.constant 0 : i32
        %dma_start3A_833 = tpu.memref_slice %arg5[%add3A, %mul3A_831, %dma_start3A_832] : memref<32x240x768xf32, #tpu.memory_space<hbm>> -> memref<1x8x768xf32, #tpu.memory_space<hbm>>
        %dma_start3A_834 = tpu.memref_squeeze %dma_start3A_833 : memref<1x8x768xf32, #tpu.memory_space<hbm>> -> memref<8x768xf32, #tpu.memory_space<hbm>>
        %dma_start3A_835 = arith.constant 0 : i32
        %dma_start3A_836 = tpu.memref_slice %arg5[%add3A, %mul3A_831, %dma_start3A_835] : memref<32x240x768xf32, #tpu.memory_space<hbm>> -> memref<1x8x768xf32, #tpu.memory_space<hbm>>
        %dma_start3A_837 = tpu.memref_squeeze %dma_start3A_836 : memref<1x8x768xf32, #tpu.memory_space<hbm>> -> memref<8x768xf32, #tpu.memory_space<hbm>>
        tpu.enqueue_dma source(%arg10 : memref<8x768xf32, #tpu.memory_space<vmem>>) target(%dma_start3A_837 : memref<8x768xf32, #tpu.memory_space<hbm>>) target_semaphore(%run_scoped3A : memref<!tpu.dma_semaphore, #tpu.memory_space<semaphore_mem>>)
        %dma_wait3A_838 = arith.constant 0 : i32
        %dma_wait3A_839 = tpu.memref_slice %arg5[%add3A, %mul3A_831, %dma_wait3A_838] : memref<32x240x768xf32, #tpu.memory_space<hbm>> -> memref<1x8x768xf32, #tpu.memory_space<hbm>>
        %dma_wait3A_840 = tpu.memref_squeeze %dma_wait3A_839 : memref<1x8x768xf32, #tpu.memory_space<hbm>> -> memref<8x768xf32, #tpu.memory_space<hbm>>
        %dma_wait3A_841 = arith.constant 0 : i32
        %dma_wait3A_842 = tpu.memref_slice %arg5[%add3A, %mul3A_831, %dma_wait3A_841] : memref<32x240x768xf32, #tpu.memory_space<hbm>> -> memref<1x8x768xf32, #tpu.memory_space<hbm>>
        %dma_wait3A_843 = tpu.memref_squeeze %dma_wait3A_842 : memref<1x8x768xf32, #tpu.memory_space<hbm>> -> memref<8x768xf32, #tpu.memory_space<hbm>>
        tpu.wait_dma2 semaphore(%run_scoped3A : memref<!tpu.dma_semaphore, #tpu.memory_space<semaphore_mem>>) src(%arg10 : memref<8x768xf32, #tpu.memory_space<vmem>>) dst(%dma_wait3A_843 : memref<8x768xf32, #tpu.memory_space<hbm>>)
        tpu.yield
      }) : () -> ()
    }
    %scan3A_760 = arith.constant 30 : i32
    return
  }
}

</mosaic_0001>

<sc_bundles>
// kernel: kernel.3.cloned.1.call-start
scs
__scs_entry_jumppad:
0x0: {  	(pc) =	sbr.rel $0x88, $3  }
0x1: {  	(tag) =	ssettag $0x0;
	lr =	simm.s32 $0x1  }
0x2: {  	[smem:$0x3F9E] =	sst lr;
	_ =	strace $0xD0000000  }
0x3: {  	_ = 	snop  }
0x4: {  	_ = 	snop  }
0x5: {  	_ = 	snop  }
0x6: {  	_ = 	snop  }
0x7: {  	_ = 	snop  }
__scs_overlays_trampoline_lowered:
0x8: {  	[smem:$0x3FAD] =	sst s0  }
0x9: {  	[smem:$0x3FAE] =	sst s1  }
0xa: {  	[smem:$0x3FAF] =	sst s2  }
0xb: {  	[smem:$0x3FB0] =	sst s3  }
0xc: {  	[smem:$0x3FB1] =	sst s4  }
0xd: {  	[smem:$0x3FB2] =	sst s5  }
0xe: {  	[smem:$0x3FB3] =	sst s6  }
0xf: {  	[smem:$0x3FB4] =	sst s7  }
0x10: {  	[smem:$0x3FB5] =	sst s8  }
0x11: {  	[smem:$0x3FB6] =	sst s9;
	s0 =	simm.s32 @!p0 $0x0  }
0x12: {  	s1 =	sld [smem:$0x3F9C];
	s0 =	simm.s32 @p0 $0x1  }
0x13: {  	[smem:$0x3FB7] =	sst s0;
	s0 =	simm.s32 @!p1 $0x0  }
0x14: {  	s2 =	sld [smem:$0x3F9B];
	s0 =	simm.s32 @p1 $0x1  }
0x15: {  	[smem:$0x3FB8] =	sst s0;
	s0 =	simm.s32 @!p2 $0x0  }
0x16: {  	s3 =	sld [smem:$0x3FDB];
	s0 =	simm.s32 @p2 $0x1  }
0x17: {  	s4 =	simm.s32 $0x1BF5;
	[smem:$0x3FBA] =	sst s0  }
0x18: {  	s0 =	sld [smem:$0x3F9D];
	_ =	swait.ge [sflag:s4], $0x0  }
0x19: {  	s7 =	sld [smem:$0x3F9E]  }
0x1a: {  	s8 =	sadd.s32 $0xFFFFE003, lr  }
0x1b: {  	s9 =	sadd.s32 $0xFFFFFEF7, lr;
	s5 =	simm.s32 $0xFFFFFFFF;
	p2 =	slt.u32 s8, $0xFFFFF086  }
0x1c: {  	p1 =	slt.u32 s9, $0xF7A;
	s5 =	simm.s32 @!p2 $0x0  }
0x1d: {  	s5 =	simm.s32 @p1 $0x1;
	p0 =	seq.s32 s7, s2  }
0x1e: {  	s7 =	smul.u32 @!p0 $0xF7A, s2;
	p2 =	seq.s32 @!p0 s5, $0x0  }
0x1f: {  	s9 =	smul.u32 $0xF7A, s1;
	s8 =	simm.s32 @!p0 $0x1BF5;
	p2 =	por !p2, p0  }
0x20: {  	[sflag:s8] =	ssyncset.s32 @!p0 $0xFFFFF086;
	s6 =	sadd.s32 @!p0 s3, s7;
	s7 =	simm.s32 @!p0 $0x108  }
0x21: {  	s3 =	sadd.s32 s3, s9;
	s6 =	sadd.s32 @!p0 $0x88, s6;
	s7 =	simm.s32 @p2 $0x1082  }
0x22: {  	[simem:s7], [sflag:s8] =	dma.local @!p0 [hbm:s6], $0xF7A  }
0x23: {  	s9 =	sor.u32 $0xD0000000, s2;
	s6 =	simm.s32 $0x108;
	_ =	swait.ge @!p0 [sflag:s8], $0x0  }
0x24: {  	s3 =	sadd.s32 $0x88, s3;
	s6 =	simm.s32 @!p1 $0x1082;
	[sflag:s4] =	ssyncset.s32 $0xFFFFF086  }
0x25: {  	[simem:s6], [sflag:s4] =	dma.local [hbm:s3], $0xF7A  }
0x26: {  	[smem:$0x3F9E] =	sst s1;
	(tag) =	ssettag s2;
	_ =	strace s9  }
0x27: {  	s1 =	sld [smem:$0x3FAE]  }
0x28: {  	s2 =	sld [smem:$0x3FAF]  }
0x29: {  	s4 =	sld [smem:$0x3FB1]  }
0x2a: {  	p0 =	seq.s32 s5, $0x0;
	s5 =	sld [smem:$0x3FB2]  }
0x2b: {  	s6 =	sld [smem:$0x3FB3]  }
0x2c: {  	s7 =	sld [smem:$0x3FB4]  }
0x2d: {  	s3 =	simm.s32 $0x108;
	s8 =	sld [smem:$0x3FB5]  }
0x2e: {  	s3 =	simm.s32 @!p0 $0x1082;
	s9 =	sld [smem:$0x3FB6]  }
0x2f: {  	lr =	sadd.s32 s0, s3;
	s0 =	sld [smem:$0x3FAD]  }
0x30: {  	s3 =	sld [smem:$0x3FB0]  }
0x31: {  	[smem:$0x3FB9] =	sst s10  }
0x32: {  	s10 =	sld [smem:$0x3FB7];
	_ =	sdelay $0x3  }
0x33: {  	p0 =	seq.s32 s10, $0x1;
	s10 =	sld [smem:$0x3FB9];
	_ =	sdelay $0x3  }
0x34: {  	[smem:$0x3FB9] =	sst s10  }
0x35: {  	s10 =	sld [smem:$0x3FB8];
	_ =	sdelay $0x3  }
0x36: {  	p1 =	seq.s32 s10, $0x1;
	s10 =	sld [smem:$0x3FB9];
	_ =	sdelay $0x3  }
0x37: {  	[smem:$0x3FB9] =	sst s10  }
0x38: {  	s10 =	sld [smem:$0x3FBA]  }
0x39: {  	_ = 	snop;
	(pc) =	sbr.ind lr, $3  }
0x3a: {  	_ = 	snop  }
0x3b: {  	_ = 	snop  }
0x3c: {  	p2 =	seq.s32 s10, $0x1;
	s10 =	sld [smem:$0x3FB9]  }
0x3d: {  	_ =	shalt  }
0x3e: {  	_ =	shalt  }
0x3f: {  	_ =	shalt  }
0x40: {  	_ =	shalt  }
0x41: {  	_ =	shalt  }
0x42: {  	_ =	shalt  }
0x43: {  	_ =	shalt  }
0x44: {  	_ =	shalt  }
0x45: {  	_ =	shalt  }
0x46: {  	_ =	shalt  }
0x47: {  	_ =	shalt  }
0x48: {  	_ =	shalt  }
0x49: {  	_ =	shalt  }
0x4a: {  	_ =	shalt  }
0x4b: {  	_ =	shalt  }
0x4c: {  	_ =	shalt  }
0x4d: {  	_ =	shalt  }
0x4e: {  	_ =	shalt  }
0x4f: {  	_ =	shalt  }
0x50: {  	_ =	shalt  }
0x51: {  	_ =	shalt  }
0x52: {  	_ =	shalt  }
0x53: {  	_ =	shalt  }
0x54: {  	_ =	shalt  }
0x55: {  	_ =	shalt  }
0x56: {  	_ =	shalt  }
0x57: {  	_ =	shalt  }
0x58: {  	_ =	shalt  }
0x59: {  	_ =	shalt  }
0x5a: {  	_ =	shalt  }
0x5b: {  	_ =	shalt  }
0x5c: {  	_ =	shalt  }
0x5d: {  	_ =	shalt  }
0x5e: {  	_ =	shalt  }
0x5f: {  	_ =	shalt  }
0x60: {  	_ =	shalt  }
0x61: {  	_ =	shalt  }
0x62: {  	_ =	shalt  }
0x63: {  	_ =	shalt  }
0x64: {  	_ =	shalt  }
0x65: {  	_ =	shalt  }
0x66: {  	_ =	shalt  }
0x67: {  	_ =	shalt  }
0x68: {  	_ =	shalt  }
0x69: {  	_ =	shalt  }
0x6a: {  	_ =	shalt  }
0x6b: {  	_ =	shalt  }
0x6c: {  	_ =	shalt  }
0x6d: {  	_ =	shalt  }
0x6e: {  	_ =	shalt  }
0x6f: {  	_ =	shalt  }
0x70: {  	_ =	shalt  }
0x71: {  	_ =	shalt  }
0x72: {  	_ =	shalt  }
0x73: {  	_ =	shalt  }
0x74: {  	_ =	shalt  }
0x75: {  	_ =	shalt  }
0x76: {  	_ =	shalt  }
0x77: {  	_ =	shalt  }
0x78: {  	_ =	shalt  }
0x79: {  	_ =	shalt  }
0x7a: {  	_ =	shalt  }
0x7b: {  	_ =	shalt  }
0x7c: {  	_ =	shalt  }
0x7d: {  	_ =	shalt  }
0x7e: {  	_ =	shalt  }
0x7f: {  	_ =	shalt  }
0x80: {  	_ =	shalt  }
0x81: {  	_ =	shalt  }
0x82: {  	_ =	shalt  }
0x83: {  	_ =	shalt  }
0x84: {  	_ =	shalt  }
0x85: {  	_ =	shalt  }
0x86: {  	_ =	shalt  }
0x87: {  	_ =	shalt  }
.Lfunc_end0:
.L_simem_size_0:
called_computation_lowered:
.L_overlay_start_0:
0x88: {  	s2 =	sld [smem:$0x3FD9]  }
0x89: {  	s3 =	sld [smem:$0x3FFE];
	_ =	sdelay $0x1  }
0x8a: {  	s1 =	srdreg.scid  }
0x8b: {  	s0 =	sand.u32 $0x1, s1  }
0x8c: {  	s14 =	sshll.u32 s0, $0xA;
	s2 =	sadd.s32 s3, s2  }
0x8d: {  	s2 =	sadd.s32 s2, s14  }
0x8e: {  	[smem:$0x3FC5] =	sst s2  }
0x8f: {  	_ = 	snop  }
0x90: {  	s2 =	sld [smem:$0x3FD0];
	_ =	sdelay $0x1  }
0x91: {  	s15 =	sld [smem:$0x3FC8]  }
0x92: {  	s5 =	simm.s32 $0xA;
	s6 =	simm.s32 $0x10;
	s4 =	sld [smem:$0x3FC7]  }
0x93: {  	[smem:s6], [sflag:s5] =	dma.local [hbm:s2], $0x1  }
0x94: {  	_ =	swait.eq [sflag:s5], $0x1  }
0x95: {  	[sflag:s5] =	ssyncset.done $0x0  }
0x96: {  	[sflag:s5] =	ssyncadd.s32 $0xFFFFFFFF  }
0x97: {  	s16 =	sld [smem:$0x10];
	(tm) =	ssettm $0x1  }
0x98: {  	s17 =	sld [smem:$0x3FFB];
	_ =	sdelay $0x3  }
0x99: {  	_ =	strace s17  }
0x9a: {  	s5 =	sld [smem:$0x3FFC];
	_ =	sdelay $0x3  }
0x9b: {  	_ =	strace s5  }
0x9c: {  	s5 =	sld [smem:$0x3FFD];
	_ =	sdelay $0x3  }
0x9d: {  	_ =	strace s5  }
0x9e: {  	_ =	strace $0x8FFFFFFF  }
0x9f: {  	s18 =	sld [smem:$0x3FDB];
	_ =	sdelay $0x1  }
0xa0: {  	s19 =	simm.s32 $_scs_section_size  }
0xa1: {  	s7 =	simm.s32 $_size__tile_overlayer_lowered;
	s8 =	simm.s32 $_tile_overlayer_lowered  }
0xa2: {  	s22 =	simm.s32 $0x1BFF;
	s21 =	sshll.u32 s8, $0x1;
	s5 =	sadd.s32 s19, s18  }
0xa3: {  	s9 =	simm.s32 $0x0;
	s20 =	sshll.u32 s7, $0x1;
	s7 =	sadd.s32 s21, s5  }
0xa4: {  	[timem:s9], [sflag:s22] =	dma.local [hbm:s7], s20  }
0xa5: {  	_ =	swait.ge [sflag:s22], s20  }
0xa6: {  	s6 =	ssub.s32 $0x0, s20;
	[sflag:s22] =	ssyncset.done $0x0  }
0xa7: {  	[sflag:s22] =	ssyncadd.s32 s6;
	_ =	sdelay $0x1  }
0xa8: {  	s23 =	simm.s32 $0x1B8B  }
0xa9: {  	_ =	swait.ge [sflag:s23], $0x1  }
0xaa: {  	[sflag:s23] =	ssyncset.done $0x0  }
0xab: {  	s25 =	simm.s32 $0x1B8E;
	s24 =	sld [smem:$0x3FFE];
	[sflag:s23] =	ssyncadd.s32 $0xFFFFFFFF  }
0xac: {  	s26 =	simm.s32 $execute0_lowered;
	[smem:$0x3FD2] =	sst s25  }
0xad: {  	s7 =	sshll.u32 s26, $0x1;
	_ =	strace $0x80000046;
	[dreg:$0x1] =	wrdreg $0xFFFFFFFF  }
0xae: {  	s28 =	simm.s32 $_size_execute0_lowered;
	s5 =	sadd.s32 s5, s7;
	[dreg:$0x0] =	wrdreg $0x0  }
0xaf: {  	s7 =	sshll.u32 s28, $0x1;
	[dreg:$0x2] =	wrdreg s5  }
0xb0: {  	[dreg:$0x3] =	wrdreg s7  }
0xb1: {  	[dreg:$0x4] =	wrdreg $0xC0  }
0xb2: {  	_ =	task [dreg:s9], $0x5FFFF  }
0xb3: {  	[dreg:$0x1] =	wrdreg $0xFFFFFFFF  }
0xb4: {  	[dreg:$0x0] =	wrdreg $0x60  }
0xb5: {  	[dreg:$0x2] =	wrdreg s24  }
0xb6: {  	[dreg:$0x3] =	wrdreg s15  }
0xb7: {  	[dreg:$0x4] =	wrdreg s4  }
0xb8: {  	[dreg:$0x5] =	wrdreg s16  }
0xb9: {  	[dreg:$0x6] =	wrdreg $0x152800  }
0xba: {  	[dreg:$0x7] =	wrdreg $0x9  }
0xbb: {  	_ =	task.clear_ibuf [dreg:s9], $0x8FFFF;
	_ =	strace $0x90000046  }
0xbc: {  	s29 =	simm.s32 $0x9;
	_ =	strace $0x80000048  }
0xbd: {  	_ =	swait.ge [sflag:s29], $0x1  }
0xbe: {  	[sflag:s29] =	ssyncadd.s32 $0xFFFFFFFF  }
0xbf: {  	_ =	strace $0x90000048  }
0xc0: {  	_ =	sfence  }
0xc1: {  	s30 =	sld [smem:$0x0];
	_ =	sdelay $0x2  }
0xc2: {  	s31 =	sshll.u32 s1, $0xD;
	s1 =	sshrl.u32 s1, $0x2  }
0xc3: {  	s3 =	sand.u32 $0x4000, s31;
	s1 =	sadd.s32 s1, s30  }
0xc4: {  	s0 =	sor.u32 s3, s0;
	s1 =	sshll.u32 s1, $0x11  }
0xc5: {  	s0 =	sor.u32 s1, s0  }
0xc6: {  	s0 =	sadd.s32 $0x8F2B, s0  }
0xc7: {  	[sflag:s0] =	ssyncadd.remote.s32 $0x1  }
0xc8: {  	_ =	sfence.sel $0xFFFF  }
0xc9: {  	[dreg:$0x0] =	wrdreg $0xFFFFFFFF;
	(pc) =	sbr.abs _section_cstart, $3  }
0xca: {  	[dreg:$0x1] =	wrdreg $0xFFFFFFFF  }
0xcb: {  	_ =	task.clear_ibuf [dreg:s9], $0x2FFFF;
	_ =	strace $0x9FFFFFFF  }
0xcc: {  	(tm) =	ssettm $0x7FFFFFFF  }
0xcd: {  	_ =	shalt  }
tec
execute0_lowered:
.L_overlay_start_1:
0x0: {  	(tag) =	ssettag $0x1  }
0x1: {  	s0 =	rddreg [dreg:$0x0]  }
0x2: {  	s1 =	rddreg [dreg:$0x1]  }
0x3: {  	s2 =	rddreg [dreg:$0x2]  }
0x4: {  	s13 =	rddreg [dreg:$0x4];
	s5 =	simm.s32 $0x0;
	s16 =	stileid.u32  }
0x5: {  	s4 =	srdreg.scid;
	s28 =	simm.s32 $0xC880;
	s29 =	simm.s32 $0xD080  }
0x6: {  	s30 =	simm.s32 $0xD880;
	s31 =	simm.s32 $0xE080;
	[smem:$0x7FF] =	sst s5  }
0x7: {  	s12 =	sadd.s32 $0x800, s0;
	s3 =	sshll.u32 s16, $0x6;
	s7 =	smul.u32 $0x30, s16  }
0x8: {  	s4 =	sand.u32 $0x1, s4;
	s6 =	sshll.u32 s16, $0x1;
	s19 =	smul.u32 $0x3600, s16  }
0x9: {  	s25 =	smul.u32 $0x10E0, s16;
	s14 =	sadd.s32 $0x200, s1;
	p0 =	seq.s32 s16, $0xF  }
0xa: {  	s16 =	simm.s32 $0xA080;
	_ =	strace $0x80000047;
	s3 =	sand.u32 $0x300, s3  }
0xb: {  	s8 =	ssub.s32 $0x2, s4;
	s6 =	sor.u32 s4, s6;
	[dreg:$0x6] =	wrdreg s12  }
0xc: {  	s26 =	smul.u32 $0x870, s4;
	s4 =	simm.s32 $0x12880;
	s9 =	sshrl.u32 s8, $0x1  }
0xd: {  	s10 =	smul.u32 $0x870, s6;
	s11 =	sadd.s32 $0x18, s7;
	s0 =	sadd.s32 s3, s0  }
0xe: {  	s7 =	sshrl.u32 s7, $0x3;
	s20 =	sadd.s32 s2, s19;
	s15 =	smul.u32 $0x2D000, s6  }
0xf: {  	s22 =	sshll.u32 s6, $0x4;
	s6 =	simm.s32 $0xA880;
	s17 =	smul.u32 $0x3, s11  }
0x10: {  	s3 =	ssub.s32 s8, s9;
	s7 =	smul.u32 $0x6000, s7;
	[dreg:$0x8] =	wrdreg s20  }
0x11: {  	s21 =	sshrl.u32 s11, $0x3;
	s23 =	sand.u32 $0x70, s22;
	s22 =	simm.s32 $0x1  }
0x12: {  	s18 =	sshrl.u32 s10, $0x3;
	s0 =	sadd.s32 s23, s0;
	s3 =	smax.u32 s3, $0x1  }
0x13: {  	s9 =	sadd.s32 s12, s18;
	s8 =	sshrl.u32 s17, $0x3;
	s7 =	sshrl.u32 s7, $0x2  }
0x14: {  	s12 =	smov.u32 s13;
	s0 =	sadd.s32 $0x2A00, s0;
	[dreg:$0xd] =	wrdreg s3  }
0x15: {  	s18 =	simm.s32 $0x3;
	s17 =	simm.s32 $0xB080;
	[dreg:$0x7] =	wrdreg s9  }
0x16: {  	s8 =	smul.u32 $0x300, s8;
	s7 =	sadd.s32 s7, s13;
	[dreg:$0xc] =	wrdreg s0  }
0x17: {  	s9 =	smul.u32 $0x6000, s21;
	s0 =	sadd.s32 s26, s25;
	[dreg:$0x9] =	wrdreg s7  }
0x18: {  	s3 =	simm.s32 $0xC080;
	s26 =	simm.s32 $0x880;
	[dreg:$0xe] =	wrdreg s0  }
0x19: {  	v4 =	vlaneseq.u32;
	s0 =	simm.s32 $0x2;
	s2 =	sadd.s32 s2, s8;
	s24 =	sshrl.u32 s9, $0x2  }
0x1a: {  	vm0 =	vmmov $0xffff;
	v0 =	vmul.u32 $0x9, v4;
	v3 =	vshrl.u32 v4, $0x3;
	s8 =	simm.s32 $0x0;
	[dreg:$0xa] =	wrdreg s2;
	s7 =	sadd.s32 s24, s13  }
0x1b: {  	v2 =	vand.u32 $0x7, v4;
	v4 =	vor.u32 $0x8, v4;
	v3 =	vmul.u32 $0x8, v3;
	s13 =	sadd.s32 $0x100, s1;
	s2 =	simm.s32 $0xB880;
	[dreg:$0xb] =	wrdreg s7  }
.LBB2_1:
0x1c: {  	[dreg:$0xf] =	wrdreg s8  }
.Ltmp0:
0x1d: {  	s7 =	rddreg [dreg:$0x7];
	(pc) =	sbr.rel @p0 .LBB2_99-.Ltmp0, $4  }
0x1e: {  	[tilespmem:s5], [sflag:$0x3] =	stream.linear.gather [hbm4b:s7+s5], $0x870, $0x38;
	[tilespmem:$0x1D980] =	vst v63  }
0x1f: {  	_ =	swait.ge [sflag:s18], $0x870  }
0x20: {  	[sflag:s18] =	ssyncset.done $0x0  }
0x21: {  	[sflag:s18] =	ssyncadd.s32 $0xFFFFF790  }
0x22: {  	s8 =	simm.s32 $0x0;
	s7 =	rddreg [dreg:$0x8]  }
0x23: {  	[tilespmem:s26], [sflag:$0x3] =	stream.linear.gather [hbm4b:s7+s8], $0xD800, $0x38;
	[tilespmem:$0x1D980] =	vst v63  }
0x24: {  	_ =	swait.ge [sflag:s18], $0xD800  }
0x25: {  	s9 =	sand.u32 $0x70, s8;
	s8 =	sand.u32 $0x1C00, s8;
	[sflag:s18] =	ssyncset.done $0x0  }
0x26: {  	s19 =	sor.u32 s9, s8;
	[sflag:s18] =	ssyncadd.s32 $0xFFFF2800  }
0x27: {  	v6 =	vld [tilespmem:s19+$0x880]  }
0x28: {  	v7 =	vld [tilespmem:s19+$0x900];
	_ =	sdelay $0x1  }
0x29: {  	s24 =	simm.s32 $0x10;
	s25 =	simm.s32 $0x80;
	v8 =	vld [tilespmem:s19+$0x980]  }
0x2a: {  	s8 =	sand.u32 $0x70, s24;
	s9 =	sand.u32 $0x1C00, s25  }
0x2b: {  	s8 =	sor.u32 s8, s9  }
0x2c: {  	v5 =	vld [tilespmem:s8+$0x880];
	v6 =	vadd.f32 v7, v6  }
0x2d: {  	v7 =	vld [tilespmem:s8+$0x900]  }
0x2e: {  	s11 =	simm.s32 $0x20;
	v8 =	vadd.f32 v8, v6  }
0x2f: {  	s20 =	simm.s32 $0x100;
	s9 =	smov.u32 s19;
	s10 =	smov.u32 s8;
	v6 =	vld [tilespmem:s8+$0x980]  }
.LBB2_3:
0x30: {  	s21 =	sand.u32 $0x70, s11;
	s23 =	sand.u32 $0x1C00, s20;
	v8 =	vmul.f32 $3.608439120e-02, v8;
	p1 =	sne.s32 s11, $0x2F0  }
.Ltmp1:
0x31: {  	s11 =	sadd.s32 $0x10, s11;
	s21 =	sor.u32 s21, s23;
	(pc) =	sbr.rel @p1 .LBB2_3-.Ltmp1, $4  }
0x32: {  	v9 =	vadd.f32 v7, v5;
	v5 =	vld [tilespmem:s21+$0x880];
	[tilespmem:s9+$0xE080] =	vst v8;
	s9 =	smov.u32 s10;
	s10 =	smov.u32 s21  }
0x33: {  	v7 =	vld [tilespmem:s10+$0x900]  }
0x34: {  	v8 =	vadd.f32 v6, v9  }
0x35: {  	s20 =	sadd.s32 $0x80, s20;
	v6 =	vld [tilespmem:s10+$0x980]  }
0x36: {  	_ =	sdelay $0x1  }
0x37: {  	v5 =	vadd.f32 v7, v5;
	_ =	sdelay $0x1  }
0x38: {  	v5 =	vadd.f32 v6, v5  }
0x39: {  	v6 =	vmul.f32 $3.608439120e-02, v8  }
0x3a: {  	v5 =	vmul.f32 $3.608439120e-02, v5  }
0x3b: {  	[tilespmem:s9+$0xE080] =	vst v6  }
0x3c: {  	[tilespmem:s10+$0xE080] =	vst v5  }
0x3d: {  	v6 =	vld [tilespmem:s19+$0xA00]  }
0x3e: {  	v7 =	vld [tilespmem:s19+$0xA80];
	_ =	sdelay $0x1  }
0x3f: {  	v8 =	vld [tilespmem:s19+$0xB00];
	_ =	sdelay $0x2  }
0x40: {  	v5 =	vld [tilespmem:s8+$0xA00];
	v6 =	vadd.f32 v7, v6  }
0x41: {  	v7 =	vld [tilespmem:s8+$0xA80]  }
0x42: {  	v8 =	vadd.f32 v8, v6  }
0x43: {  	s9 =	simm.s32 $0x20;
	s10 =	simm.s32 $0x100;
	v6 =	vld [tilespmem:s8+$0xB00]  }
.LBB2_5:
0x44: {  	s11 =	sand.u32 $0x70, s9;
	s20 =	sand.u32 $0x1C00, s10;
	v8 =	vmul.f32 $3.608439120e-02, v8;
	p1 =	sne.s32 s9, $0x2F0  }
.Ltmp2:
0x45: {  	s9 =	sadd.s32 $0x10, s9;
	s11 =	sor.u32 s11, s20;
	(pc) =	sbr.rel @p1 .LBB2_5-.Ltmp2, $4  }
0x46: {  	v9 =	vadd.f32 v7, v5;
	v5 =	vld [tilespmem:s11+$0xA00];
	[tilespmem:s19+$0xE100] =	vst v8;
	s19 =	smov.u32 s8;
	s8 =	smov.u32 s11  }
0x47: {  	v7 =	vld [tilespmem:s8+$0xA80]  }
0x48: {  	v8 =	vadd.f32 v6, v9  }
0x49: {  	s10 =	sadd.s32 $0x80, s10;
	v6 =	vld [tilespmem:s8+$0xB00]  }
0x4a: {  	_ =	sdelay $0x1  }
0x4b: {  	v5 =	vadd.f32 v7, v5;
	_ =	sdelay $0x1  }
0x4c: {  	v5 =	vadd.f32 v6, v5  }
0x4d: {  	v6 =	vmul.f32 $3.608439120e-02, v8  }
0x4e: {  	s9 =	simm.s32 $0x0;
	v5 =	vmul.f32 $3.608439120e-02, v5  }
0x4f: {  	s10 =	sand.u32 $0x70, s9;
	s11 =	sand.u32 $0x1C00, s9;
	[tilespmem:s19+$0xE100] =	vst v6  }
0x50: {  	s23 =	sor.u32 s9, s9;
	s19 =	sor.u32 s10, s11;
	[tilespmem:s8+$0xE100] =	vst v5  }
0x51: {  	s8 =	sor.u32 $0x380, s23;
	v5 =	vld [tilespmem:s19+$0xB80]  }
0x52: {  	v6 =	vld [tilespmem:s8+$0x880];
	_ =	sdelay $0x1  }
0x53: {  	v7 =	vld [tilespmem:s19+$0x2080];
	_ =	sdelay $0x2  }
0x54: {  	v5 =	vadd.f32 v6, v5;
	_ =	sdelay $0x1  }
0x55: {  	v5 =	vadd.f32 v7, v5  }
0x56: {  	s24 =	simm.s32 $0x10;
	s9 =	simm.s32 $0x80  }
0x57: {  	s25 =	sand.u32 $0x1C00, s9;
	s21 =	sor.u32 s9, s24;
	s8 =	sand.u32 $0x70, s24;
	v5 =	vmul.f32 $3.608439120e-02, v5  }
0x58: {  	s11 =	simm.s32 $0x20;
	s10 =	smov.u32 s19;
	s20 =	sor.u32 s8, s25  }
.LBB2_7:
0x59: {  	p1 =	sne.s32 s11, $0x2F0;
	v6 =	vld [tilespmem:s20+$0xB80];
	s21 =	sor.u32 $0x380, s21;
	[tilespmem:s10+$0xE180] =	vst v5;
	s10 =	smov.u32 s20  }
0x5a: {  	v5 =	vld [tilespmem:s21+$0x880];
	_ =	sdelay $0x1  }
0x5b: {  	v7 =	vld [tilespmem:s10+$0x2080];
	_ =	sdelay $0x2  }
0x5c: {  	v5 =	vadd.f32 v5, v6  }
.Ltmp3:
0x5d: {  	(pc) =	sbr.rel @p1 .LBB2_7-.Ltmp3, $4  }
0x5e: {  	v5 =	vadd.f32 v7, v5  }
0x5f: {  	s9 =	sadd.s32 $0x80, s9  }
0x60: {  	s20 =	sand.u32 $0x70, s11;
	s21 =	sand.u32 $0x1C00, s9;
	v5 =	vmul.f32 $3.608439120e-02, v5  }
0x61: {  	s20 =	sor.u32 s20, s21;
	s21 =	sor.u32 s9, s11;
	s11 =	sadd.s32 $0x10, s11  }
0x62: {  	v6 =	vld [tilespmem:s20+$0xB80];
	s9 =	sor.u32 $0x380, s21;
	[tilespmem:s10+$0xE180] =	vst v5  }
0x63: {  	v5 =	vld [tilespmem:s9+$0x880];
	_ =	sdelay $0x1  }
0x64: {  	v7 =	vld [tilespmem:s20+$0x2080];
	_ =	sdelay $0x2  }
0x65: {  	v5 =	vadd.f32 v5, v6;
	_ =	sdelay $0x1  }
0x66: {  	v5 =	vadd.f32 v7, v5;
	_ =	sdelay $0x1  }
0x67: {  	v5 =	vmul.f32 $3.608439120e-02, v5;
	_ =	sdelay $0x1  }
0x68: {  	[tilespmem:s20+$0xE180] =	vst v5  }
0x69: {  	v6 =	vld [tilespmem:s19+$0x2100]  }
0x6a: {  	v7 =	vld [tilespmem:s19+$0x2180];
	_ =	sdelay $0x1  }
0x6b: {  	s25 =	simm.s32 $0x80;
	v8 =	vld [tilespmem:s19+$0x2200]  }
0x6c: {  	s9 =	sand.u32 $0x1C00, s25  }
0x6d: {  	s8 =	sor.u32 s8, s9  }
0x6e: {  	v5 =	vld [tilespmem:s8+$0x2100];
	v6 =	vadd.f32 v7, v6  }
0x6f: {  	v7 =	vld [tilespmem:s8+$0x2180]  }
0x70: {  	v8 =	vadd.f32 v8, v6  }
0x71: {  	s10 =	simm.s32 $0x100;
	s9 =	simm.s32 $0x20;
	v6 =	vld [tilespmem:s8+$0x2200]  }
.LBB2_9:
0x72: {  	s11 =	sand.u32 $0x70, s9;
	s20 =	sand.u32 $0x1C00, s10;
	v8 =	vmul.f32 $3.608439120e-02, v8;
	p1 =	sne.s32 s9, $0x2F0  }
.Ltmp4:
0x73: {  	s9 =	sadd.s32 $0x10, s9;
	s11 =	sor.u32 s11, s20;
	(pc) =	sbr.rel @p1 .LBB2_9-.Ltmp4, $4  }
0x74: {  	v9 =	vadd.f32 v7, v5;
	v5 =	vld [tilespmem:s11+$0x2100];
	[tilespmem:s19+$0xE200] =	vst v8;
	s19 =	smov.u32 s8;
	s8 =	smov.u32 s11  }
0x75: {  	v7 =	vld [tilespmem:s8+$0x2180]  }
0x76: {  	v8 =	vadd.f32 v6, v9  }
0x77: {  	s10 =	sadd.s32 $0x80, s10;
	v6 =	vld [tilespmem:s8+$0x2200]  }
0x78: {  	_ =	sdelay $0x1  }
0x79: {  	v5 =	vadd.f32 v7, v5;
	_ =	sdelay $0x1  }
0x7a: {  	v5 =	vadd.f32 v6, v5  }
0x7b: {  	v6 =	vmul.f32 $3.608439120e-02, v8  }
0x7c: {  	s9 =	simm.s32 $0x0;
	v5 =	vmul.f32 $3.608439120e-02, v5  }
0x7d: {  	s10 =	sand.u32 $0x70, s9;
	s9 =	sand.u32 $0x1C00, s9;
	[tilespmem:s19+$0xE200] =	vst v6  }
0x7e: {  	s20 =	sor.u32 s10, s9;
	[tilespmem:s8+$0xE200] =	vst v5  }
0x7f: {  	v6 =	vld [tilespmem:s20+$0x2280]  }
0x80: {  	v7 =	vld [tilespmem:s20+$0x2300];
	_ =	sdelay $0x1  }
0x81: {  	s24 =	simm.s32 $0x10;
	s25 =	simm.s32 $0x80;
	v8 =	vld [tilespmem:s20+$0x2380]  }
0x82: {  	s9 =	sand.u32 $0x1C00, s25;
	s8 =	sand.u32 $0x70, s24  }
0x83: {  	s8 =	sor.u32 s8, s9  }
0x84: {  	v5 =	vld [tilespmem:s8+$0x2280];
	v6 =	vadd.f32 v7, v6  }
0x85: {  	v7 =	vld [tilespmem:s8+$0x2300]  }
0x86: {  	s11 =	simm.s32 $0x20;
	v8 =	vadd.f32 v8, v6  }
0x87: {  	s19 =	simm.s32 $0x100;
	s9 =	smov.u32 s20;
	s10 =	smov.u32 s8;
	v6 =	vld [tilespmem:s8+$0x2380]  }
.LBB2_11:
0x88: {  	s21 =	sand.u32 $0x70, s11;
	s23 =	sand.u32 $0x1C00, s19;
	v8 =	vmul.f32 $3.608439120e-02, v8;
	p1 =	sne.s32 s11, $0x2F0  }
.Ltmp5:
0x89: {  	s11 =	sadd.s32 $0x10, s11;
	s21 =	sor.u32 s21, s23;
	(pc) =	sbr.rel @p1 .LBB2_11-.Ltmp5, $4  }
0x8a: {  	v9 =	vadd.f32 v7, v5;
	v5 =	vld [tilespmem:s21+$0x2280];
	[tilespmem:s9+$0xE280] =	vst v8;
	s9 =	smov.u32 s10;
	s10 =	smov.u32 s21  }
0x8b: {  	v7 =	vld [tilespmem:s10+$0x2300]  }
0x8c: {  	v8 =	vadd.f32 v6, v9  }
0x8d: {  	s19 =	sadd.s32 $0x80, s19;
	v6 =	vld [tilespmem:s10+$0x2380]  }
0x8e: {  	_ =	sdelay $0x1  }
0x8f: {  	v5 =	vadd.f32 v7, v5;
	_ =	sdelay $0x1  }
0x90: {  	v5 =	vadd.f32 v6, v5  }
0x91: {  	v6 =	vmul.f32 $3.608439120e-02, v8  }
0x92: {  	v5 =	vmul.f32 $3.608439120e-02, v5  }
0x93: {  	[tilespmem:s9+$0xE280] =	vst v6  }
0x94: {  	[tilespmem:s10+$0xE280] =	vst v5  }
0x95: {  	v6 =	vld [tilespmem:s20+$0x2400]  }
0x96: {  	v7 =	vld [tilespmem:s20+$0x3880];
	_ =	sdelay $0x1  }
0x97: {  	v8 =	vld [tilespmem:s20+$0x3900];
	_ =	sdelay $0x2  }
0x98: {  	v5 =	vld [tilespmem:s8+$0x2400];
	v6 =	vadd.f32 v7, v6  }
0x99: {  	v7 =	vld [tilespmem:s8+$0x3880]  }
0x9a: {  	v8 =	vadd.f32 v8, v6  }
0x9b: {  	s9 =	simm.s32 $0x20;
	s10 =	simm.s32 $0x100;
	v6 =	vld [tilespmem:s8+$0x3900]  }
.LBB2_13:
0x9c: {  	s11 =	sand.u32 $0x70, s9;
	s19 =	sand.u32 $0x1C00, s10;
	v8 =	vmul.f32 $3.608439120e-02, v8;
	p1 =	sne.s32 s9, $0x2F0  }
.Ltmp6:
0x9d: {  	s9 =	sadd.s32 $0x10, s9;
	s11 =	sor.u32 s11, s19;
	(pc) =	sbr.rel @p1 .LBB2_13-.Ltmp6, $4  }
0x9e: {  	v9 =	vadd.f32 v7, v5;
	v5 =	vld [tilespmem:s11+$0x2400];
	[tilespmem:s20+$0xE300] =	vst v8;
	s20 =	smov.u32 s8;
	s8 =	smov.u32 s11  }
0x9f: {  	v7 =	vld [tilespmem:s8+$0x3880]  }
0xa0: {  	v8 =	vadd.f32 v6, v9  }
0xa1: {  	s10 =	sadd.s32 $0x80, s10;
	v6 =	vld [tilespmem:s8+$0x3900]  }
0xa2: {  	_ =	sdelay $0x1  }
0xa3: {  	v5 =	vadd.f32 v7, v5;
	_ =	sdelay $0x1  }
0xa4: {  	v5 =	vadd.f32 v6, v5  }
0xa5: {  	v6 =	vmul.f32 $3.608439120e-02, v8  }
0xa6: {  	s19 =	simm.s32 $0x0;
	v5 =	vmul.f32 $3.608439120e-02, v5  }
0xa7: {  	s9 =	sand.u32 $0x70, s19;
	s10 =	sand.u32 $0x1C00, s19;
	[tilespmem:s20+$0xE300] =	vst v6  }
0xa8: {  	s9 =	sor.u32 s9, s10;
	[tilespmem:s8+$0xE300] =	vst v5  }
0xa9: {  	v6 =	vld [tilespmem:s9+$0x3980]  }
0xaa: {  	v7 =	vld [tilespmem:s9+$0x3A00];
	_ =	sdelay $0x1  }
0xab: {  	s25 =	simm.s32 $0x80;
	s8 =	simm.s32 $0x10;
	v8 =	vld [tilespmem:s9+$0x3A80]  }
0xac: {  	s10 =	sand.u32 $0x1C00, s25;
	s11 =	sand.u32 $0x70, s8  }
0xad: {  	s10 =	sor.u32 s11, s10  }
0xae: {  	v5 =	vld [tilespmem:s10+$0x3980];
	v6 =	vadd.f32 v7, v6  }
0xaf: {  	v7 =	vld [tilespmem:s10+$0x3A00]  }
0xb0: {  	v8 =	vadd.f32 v8, v6  }
0xb1: {  	s21 =	simm.s32 $0x100;
	s20 =	simm.s32 $0x20;
	s11 =	smov.u32 s9;
	v6 =	vld [tilespmem:s10+$0x3A80]  }
.LBB2_15:
0xb2: {  	s23 =	sand.u32 $0x70, s20;
	s24 =	sand.u32 $0x1C00, s21;
	v8 =	vmul.f32 $3.608439120e-02, v8;
	p1 =	sne.s32 s20, $0x2F0  }
.Ltmp7:
0xb3: {  	s20 =	sadd.s32 $0x10, s20;
	s23 =	sor.u32 s23, s24;
	(pc) =	sbr.rel @p1 .LBB2_15-.Ltmp7, $4  }
0xb4: {  	v9 =	vadd.f32 v7, v5;
	v5 =	vld [tilespmem:s23+$0x3980];
	[tilespmem:s11+$0xE380] =	vst v8;
	s11 =	smov.u32 s10;
	s10 =	smov.u32 s23  }
0xb5: {  	v7 =	vld [tilespmem:s10+$0x3A00]  }
0xb6: {  	v8 =	vadd.f32 v6, v9  }
0xb7: {  	s21 =	sadd.s32 $0x80, s21;
	v6 =	vld [tilespmem:s10+$0x3A80]  }
0xb8: {  	_ =	sdelay $0x1  }
0xb9: {  	v5 =	vadd.f32 v7, v5;
	_ =	sdelay $0x1  }
0xba: {  	v5 =	vadd.f32 v6, v5  }
0xbb: {  	v6 =	vmul.f32 $3.608439120e-02, v8  }
0xbc: {  	v5 =	vmul.f32 $3.608439120e-02, v5  }
0xbd: {  	[tilespmem:s11+$0xE380] =	vst v6  }
0xbe: {  	[tilespmem:s10+$0xE380] =	vst v5;
	s10 =	simm.s32 $0x0  }
.LBB2_17:
0xbf: {  	p1 =	sne.s32 s8, $0x2F0;
	v5 =	vld [tilespmem:s9+$0x3B80]  }
0xc0: {  	v6 =	vld [tilespmem:s9+$0x3B00];
	_ =	sdelay $0x1  }
0xc1: {  	v7 =	vld [tilespmem:s9+$0x3C00];
	_ =	sdelay $0x2  }
0xc2: {  	v5 =	vadd.f32 v5, v6;
	_ =	sdelay $0x1  }
.Ltmp8:
0xc3: {  	v5 =	vadd.f32 v7, v5;
	(pc) =	sbr.rel @p1 .LBB2_17-.Ltmp8, $4  }
0xc4: {  	_ = 	snop  }
0xc5: {  	s9 =	sor.u32 s10, s19;
	s10 =	sadd.s32 $0x80, s10;
	s19 =	smov.u32 s8;
	v5 =	vmul.f32 $3.608439120e-02, v5  }
0xc6: {  	s11 =	sand.u32 $0x70, s8;
	s20 =	sand.u32 $0x1C00, s10;
	s21 =	sor.u32 $0x380, s9  }
0xc7: {  	s8 =	sadd.s32 $0x10, s8;
	s9 =	sor.u32 s11, s20;
	[tilespmem:s21+$0xE080] =	vst v5  }
0xc8: {  	v5 =	vld [tilespmem:s9+$0x3B80]  }
0xc9: {  	v6 =	vld [tilespmem:s9+$0x3B00];
	_ =	sdelay $0x1  }
0xca: {  	v7 =	vld [tilespmem:s9+$0x3C00];
	_ =	sdelay $0x2  }
0xcb: {  	v5 =	vadd.f32 v5, v6;
	_ =	sdelay $0x1  }
0xcc: {  	v5 =	vadd.f32 v7, v5;
	_ =	sdelay $0x1  }
0xcd: {  	s8 =	sor.u32 s10, s19;
	s21 =	simm.s32 $0x0;
	v5 =	vmul.f32 $3.608439120e-02, v5  }
0xce: {  	s8 =	sor.u32 $0x380, s8;
	s23 =	sand.u32 $0x70, s21;
	s9 =	sand.u32 $0x1C00, s21  }
0xcf: {  	s19 =	sor.u32 s23, s9;
	[tilespmem:s8+$0xE080] =	vst v5  }
0xd0: {  	v6 =	vld [tilespmem:s19+$0x5080]  }
0xd1: {  	v7 =	vld [tilespmem:s19+$0x5100];
	_ =	sdelay $0x1  }
0xd2: {  	s24 =	simm.s32 $0x10;
	s25 =	simm.s32 $0x80;
	v8 =	vld [tilespmem:s19+$0x5180]  }
0xd3: {  	s9 =	sand.u32 $0x1C00, s25;
	s8 =	sand.u32 $0x70, s24  }
0xd4: {  	s8 =	sor.u32 s8, s9  }
0xd5: {  	v5 =	vld [tilespmem:s8+$0x5080];
	v6 =	vadd.f32 v7, v6  }
0xd6: {  	v7 =	vld [tilespmem:s8+$0x5100]  }
0xd7: {  	s11 =	simm.s32 $0x20;
	v8 =	vadd.f32 v8, v6  }
0xd8: {  	s20 =	simm.s32 $0x100;
	s9 =	smov.u32 s19;
	s10 =	smov.u32 s8;
	v6 =	vld [tilespmem:s8+$0x5180]  }
.LBB2_19:
0xd9: {  	s21 =	sand.u32 $0x70, s11;
	s23 =	sand.u32 $0x1C00, s20;
	v8 =	vmul.f32 $3.608439120e-02, v8;
	p1 =	sne.s32 s11, $0x2F0  }
.Ltmp9:
0xda: {  	s11 =	sadd.s32 $0x10, s11;
	s21 =	sor.u32 s21, s23;
	(pc) =	sbr.rel @p1 .LBB2_19-.Ltmp9, $4  }
0xdb: {  	v9 =	vadd.f32 v7, v5;
	v5 =	vld [tilespmem:s21+$0x5080];
	[tilespmem:s9+$0xF880] =	vst v8;
	s9 =	smov.u32 s10;
	s10 =	smov.u32 s21  }
0xdc: {  	v7 =	vld [tilespmem:s10+$0x5100]  }
0xdd: {  	v8 =	vadd.f32 v6, v9  }
0xde: {  	s20 =	sadd.s32 $0x80, s20;
	v6 =	vld [tilespmem:s10+$0x5180]  }
0xdf: {  	_ =	sdelay $0x1  }
0xe0: {  	v5 =	vadd.f32 v7, v5;
	_ =	sdelay $0x1  }
0xe1: {  	v5 =	vadd.f32 v6, v5  }
0xe2: {  	v6 =	vmul.f32 $3.608439120e-02, v8  }
0xe3: {  	v5 =	vmul.f32 $3.608439120e-02, v5  }
0xe4: {  	[tilespmem:s9+$0xF880] =	vst v6  }
0xe5: {  	[tilespmem:s10+$0xF880] =	vst v5  }
0xe6: {  	v6 =	vld [tilespmem:s19+$0x5200]  }
0xe7: {  	v7 =	vld [tilespmem:s19+$0x5280];
	_ =	sdelay $0x1  }
0xe8: {  	v8 =	vld [tilespmem:s19+$0x5300];
	_ =	sdelay $0x2  }
0xe9: {  	v5 =	vld [tilespmem:s8+$0x5200];
	v6 =	vadd.f32 v7, v6  }
0xea: {  	v7 =	vld [tilespmem:s8+$0x5280]  }
0xeb: {  	v8 =	vadd.f32 v8, v6  }
0xec: {  	s9 =	simm.s32 $0x20;
	s10 =	simm.s32 $0x100;
	v6 =	vld [tilespmem:s8+$0x5300]  }
.LBB2_21:
0xed: {  	s11 =	sand.u32 $0x70, s9;
	s20 =	sand.u32 $0x1C00, s10;
	v8 =	vmul.f32 $3.608439120e-02, v8;
	p1 =	sne.s32 s9, $0x2F0  }
.Ltmp10:
0xee: {  	s9 =	sadd.s32 $0x10, s9;
	s11 =	sor.u32 s11, s20;
	(pc) =	sbr.rel @p1 .LBB2_21-.Ltmp10, $4  }
0xef: {  	v9 =	vadd.f32 v7, v5;
	v5 =	vld [tilespmem:s11+$0x5200];
	[tilespmem:s19+$0xF900] =	vst v8;
	s19 =	smov.u32 s8;
	s8 =	smov.u32 s11  }
0xf0: {  	v7 =	vld [tilespmem:s8+$0x5280]  }
0xf1: {  	v8 =	vadd.f32 v6, v9  }
0xf2: {  	s10 =	sadd.s32 $0x80, s10;
	v6 =	vld [tilespmem:s8+$0x5300]  }
0xf3: {  	_ =	sdelay $0x1  }
0xf4: {  	v5 =	vadd.f32 v7, v5;
	_ =	sdelay $0x1  }
0xf5: {  	v5 =	vadd.f32 v6, v5  }
0xf6: {  	v6 =	vmul.f32 $3.608439120e-02, v8  }
0xf7: {  	s9 =	simm.s32 $0x0;
	v5 =	vmul.f32 $3.608439120e-02, v5  }
0xf8: {  	s10 =	sand.u32 $0x70, s9;
	s9 =	sand.u32 $0x1C00, s9;
	[tilespmem:s19+$0xF900] =	vst v6  }
0xf9: {  	s19 =	sor.u32 s10, s9;
	[tilespmem:s8+$0xF900] =	vst v5  }
0xfa: {  	v6 =	vld [tilespmem:s19+$0x5380]  }
0xfb: {  	v7 =	vld [tilespmem:s19+$0x5400];
	_ =	sdelay $0x1  }
0xfc: {  	s24 =	simm.s32 $0x10;
	s25 =	simm.s32 $0x80;
	v8 =	vld [tilespmem:s19+$0x6880]  }
0xfd: {  	s9 =	sand.u32 $0x1C00, s25;
	s8 =	sand.u32 $0x70, s24  }
0xfe: {  	s8 =	sor.u32 s8, s9  }
0xff: {  	v5 =	vld [tilespmem:s8+$0x5380];
	v6 =	vadd.f32 v7, v6  }
0x100: {  	v7 =	vld [tilespmem:s8+$0x5400]  }
0x101: {  	s11 =	simm.s32 $0x20;
	v8 =	vadd.f32 v8, v6  }
0x102: {  	s20 =	simm.s32 $0x100;
	s9 =	smov.u32 s19;
	s10 =	smov.u32 s8;
	v6 =	vld [tilespmem:s8+$0x6880]  }
.LBB2_23:
0x103: {  	s21 =	sand.u32 $0x70, s11;
	s23 =	sand.u32 $0x1C00, s20;
	v8 =	vmul.f32 $3.608439120e-02, v8;
	p1 =	sne.s32 s11, $0x2F0  }
.Ltmp11:
0x104: {  	s11 =	sadd.s32 $0x10, s11;
	s21 =	sor.u32 s21, s23;
	(pc) =	sbr.rel @p1 .LBB2_23-.Ltmp11, $4  }
0x105: {  	v9 =	vadd.f32 v7, v5;
	v5 =	vld [tilespmem:s21+$0x5380];
	[tilespmem:s9+$0xF980] =	vst v8;
	s9 =	smov.u32 s10;
	s10 =	smov.u32 s21  }
0x106: {  	v7 =	vld [tilespmem:s10+$0x5400]  }
0x107: {  	v8 =	vadd.f32 v6, v9  }
0x108: {  	s20 =	sadd.s32 $0x80, s20;
	v6 =	vld [tilespmem:s10+$0x6880]  }
0x109: {  	_ =	sdelay $0x1  }
0x10a: {  	v5 =	vadd.f32 v7, v5;
	_ =	sdelay $0x1  }
0x10b: {  	v5 =	vadd.f32 v6, v5  }
0x10c: {  	v6 =	vmul.f32 $3.608439120e-02, v8  }
0x10d: {  	v5 =	vmul.f32 $3.608439120e-02, v5  }
0x10e: {  	[tilespmem:s9+$0xF980] =	vst v6  }
0x10f: {  	[tilespmem:s10+$0xF980] =	vst v5  }
0x110: {  	v6 =	vld [tilespmem:s19+$0x6900]  }
0x111: {  	v7 =	vld [tilespmem:s19+$0x6980];
	_ =	sdelay $0x1  }
0x112: {  	v8 =	vld [tilespmem:s19+$0x6A00];
	_ =	sdelay $0x2  }
0x113: {  	v5 =	vld [tilespmem:s8+$0x6900];
	v6 =	vadd.f32 v7, v6  }
0x114: {  	v7 =	vld [tilespmem:s8+$0x6980]  }
0x115: {  	v8 =	vadd.f32 v8, v6  }
0x116: {  	s9 =	simm.s32 $0x20;
	s10 =	simm.s32 $0x100;
	v6 =	vld [tilespmem:s8+$0x6A00]  }
.LBB2_25:
0x117: {  	s11 =	sand.u32 $0x70, s9;
	s20 =	sand.u32 $0x1C00, s10;
	v8 =	vmul.f32 $3.608439120e-02, v8;
	p1 =	sne.s32 s9, $0x2F0  }
.Ltmp12:
0x118: {  	s9 =	sadd.s32 $0x10, s9;
	s11 =	sor.u32 s11, s20;
	(pc) =	sbr.rel @p1 .LBB2_25-.Ltmp12, $4  }
0x119: {  	v9 =	vadd.f32 v7, v5;
	v5 =	vld [tilespmem:s11+$0x6900];
	[tilespmem:s19+$0xFA00] =	vst v8;
	s19 =	smov.u32 s8;
	s8 =	smov.u32 s11  }
0x11a: {  	v7 =	vld [tilespmem:s8+$0x6980]  }
0x11b: {  	v8 =	vadd.f32 v6, v9  }
0x11c: {  	s10 =	sadd.s32 $0x80, s10;
	v6 =	vld [tilespmem:s8+$0x6A00]  }
0x11d: {  	_ =	sdelay $0x1  }
0x11e: {  	v5 =	vadd.f32 v7, v5;
	_ =	sdelay $0x1  }
0x11f: {  	v5 =	vadd.f32 v6, v5  }
0x120: {  	v6 =	vmul.f32 $3.608439120e-02, v8  }
0x121: {  	s9 =	simm.s32 $0x0;
	v5 =	vmul.f32 $3.608439120e-02, v5  }
0x122: {  	s10 =	sand.u32 $0x70, s9;
	s9 =	sand.u32 $0x1C00, s9;
	[tilespmem:s19+$0xFA00] =	vst v6  }
0x123: {  	s19 =	sor.u32 s10, s9;
	[tilespmem:s8+$0xFA00] =	vst v5  }
0x124: {  	v6 =	vld [tilespmem:s19+$0x6A80]  }
0x125: {  	v7 =	vld [tilespmem:s19+$0x6B00];
	_ =	sdelay $0x1  }
0x126: {  	s24 =	simm.s32 $0x10;
	s25 =	simm.s32 $0x80;
	v8 =	vld [tilespmem:s19+$0x6B80]  }
0x127: {  	s9 =	sand.u32 $0x1C00, s25;
	s8 =	sand.u32 $0x70, s24  }
0x128: {  	s8 =	sor.u32 s8, s9  }
0x129: {  	v5 =	vld [tilespmem:s8+$0x6A80];
	v6 =	vadd.f32 v7, v6  }
0x12a: {  	v7 =	vld [tilespmem:s8+$0x6B00]  }
0x12b: {  	s11 =	simm.s32 $0x20;
	v8 =	vadd.f32 v8, v6  }
0x12c: {  	s20 =	simm.s32 $0x100;
	s9 =	smov.u32 s19;
	s10 =	smov.u32 s8;
	v6 =	vld [tilespmem:s8+$0x6B80]  }
.LBB2_27:
0x12d: {  	s21 =	sand.u32 $0x70, s11;
	s23 =	sand.u32 $0x1C00, s20;
	v8 =	vmul.f32 $3.608439120e-02, v8;
	p1 =	sne.s32 s11, $0x2F0  }
.Ltmp13:
0x12e: {  	s11 =	sadd.s32 $0x10, s11;
	s21 =	sor.u32 s21, s23;
	(pc) =	sbr.rel @p1 .LBB2_27-.Ltmp13, $4  }
0x12f: {  	v9 =	vadd.f32 v7, v5;
	v5 =	vld [tilespmem:s21+$0x6A80];
	[tilespmem:s9+$0xFA80] =	vst v8;
	s9 =	smov.u32 s10;
	s10 =	smov.u32 s21  }
0x130: {  	v7 =	vld [tilespmem:s10+$0x6B00]  }
0x131: {  	v8 =	vadd.f32 v6, v9  }
0x132: {  	s20 =	sadd.s32 $0x80, s20;
	v6 =	vld [tilespmem:s10+$0x6B80]  }
0x133: {  	_ =	sdelay $0x1  }
0x134: {  	v5 =	vadd.f32 v7, v5;
	_ =	sdelay $0x1  }
0x135: {  	v5 =	vadd.f32 v6, v5  }
0x136: {  	v6 =	vmul.f32 $3.608439120e-02, v8  }
0x137: {  	v5 =	vmul.f32 $3.608439120e-02, v5  }
0x138: {  	[tilespmem:s9+$0xFA80] =	vst v6  }
0x139: {  	[tilespmem:s10+$0xFA80] =	vst v5  }
0x13a: {  	v6 =	vld [tilespmem:s19+$0x6C00]  }
0x13b: {  	v7 =	vld [tilespmem:s19+$0x8080];
	_ =	sdelay $0x1  }
0x13c: {  	v8 =	vld [tilespmem:s19+$0x8100];
	_ =	sdelay $0x2  }
0x13d: {  	v5 =	vld [tilespmem:s8+$0x6C00];
	v6 =	vadd.f32 v7, v6  }
0x13e: {  	v7 =	vld [tilespmem:s8+$0x8080]  }
0x13f: {  	v8 =	vadd.f32 v8, v6  }
0x140: {  	s9 =	simm.s32 $0x20;
	s10 =	simm.s32 $0x100;
	v6 =	vld [tilespmem:s8+$0x8100]  }
.LBB2_29:
0x141: {  	s11 =	sand.u32 $0x70, s9;
	s20 =	sand.u32 $0x1C00, s10;
	v8 =	vmul.f32 $3.608439120e-02, v8;
	p1 =	sne.s32 s9, $0x2F0  }
.Ltmp14:
0x142: {  	s9 =	sadd.s32 $0x10, s9;
	s11 =	sor.u32 s11, s20;
	(pc) =	sbr.rel @p1 .LBB2_29-.Ltmp14, $4  }
0x143: {  	v9 =	vadd.f32 v7, v5;
	v5 =	vld [tilespmem:s11+$0x6C00];
	[tilespmem:s19+$0xFB00] =	vst v8;
	s19 =	smov.u32 s8;
	s8 =	smov.u32 s11  }
0x144: {  	v7 =	vld [tilespmem:s8+$0x8080]  }
0x145: {  	v8 =	vadd.f32 v6, v9  }
0x146: {  	s10 =	sadd.s32 $0x80, s10;
	v6 =	vld [tilespmem:s8+$0x8100]  }
0x147: {  	_ =	sdelay $0x1  }
0x148: {  	v5 =	vadd.f32 v7, v5;
	_ =	sdelay $0x1  }
0x149: {  	v5 =	vadd.f32 v6, v5  }
0x14a: {  	v6 =	vmul.f32 $3.608439120e-02, v8  }
0x14b: {  	s9 =	simm.s32 $0x0;
	v5 =	vmul.f32 $3.608439120e-02, v5  }
0x14c: {  	s10 =	sand.u32 $0x70, s9;
	s9 =	sand.u32 $0x1C00, s9;
	[tilespmem:s19+$0xFB00] =	vst v6  }
0x14d: {  	s19 =	sor.u32 s10, s9;
	[tilespmem:s8+$0xFB00] =	vst v5  }
0x14e: {  	v6 =	vld [tilespmem:s19+$0x8180]  }
0x14f: {  	v7 =	vld [tilespmem:s19+$0x8200];
	_ =	sdelay $0x1  }
0x150: {  	s24 =	simm.s32 $0x10;
	s25 =	simm.s32 $0x80;
	v8 =	vld [tilespmem:s19+$0x8280]  }
0x151: {  	s9 =	sand.u32 $0x1C00, s25;
	s8 =	sand.u32 $0x70, s24  }
0x152: {  	s8 =	sor.u32 s8, s9  }
0x153: {  	v5 =	vld [tilespmem:s8+$0x8180];
	v6 =	vadd.f32 v7, v6  }
0x154: {  	v7 =	vld [tilespmem:s8+$0x8200]  }
0x155: {  	s11 =	simm.s32 $0x20;
	v8 =	vadd.f32 v8, v6  }
0x156: {  	s20 =	simm.s32 $0x100;
	s9 =	smov.u32 s19;
	s10 =	smov.u32 s8;
	v6 =	vld [tilespmem:s8+$0x8280]  }
.LBB2_31:
0x157: {  	s21 =	sand.u32 $0x70, s11;
	s23 =	sand.u32 $0x1C00, s20;
	v8 =	vmul.f32 $3.608439120e-02, v8;
	p1 =	sne.s32 s11, $0x2F0  }
.Ltmp15:
0x158: {  	s11 =	sadd.s32 $0x10, s11;
	s21 =	sor.u32 s21, s23;
	(pc) =	sbr.rel @p1 .LBB2_31-.Ltmp15, $4  }
0x159: {  	v9 =	vadd.f32 v7, v5;
	v5 =	vld [tilespmem:s21+$0x8180];
	[tilespmem:s9+$0xFB80] =	vst v8;
	s9 =	smov.u32 s10;
	s10 =	smov.u32 s21  }
0x15a: {  	v7 =	vld [tilespmem:s10+$0x8200]  }
0x15b: {  	v8 =	vadd.f32 v6, v9  }
0x15c: {  	s20 =	sadd.s32 $0x80, s20;
	v6 =	vld [tilespmem:s10+$0x8280]  }
0x15d: {  	_ =	sdelay $0x1  }
0x15e: {  	v5 =	vadd.f32 v7, v5;
	_ =	sdelay $0x1  }
0x15f: {  	v5 =	vadd.f32 v6, v5  }
0x160: {  	v6 =	vmul.f32 $3.608439120e-02, v8  }
0x161: {  	v5 =	vmul.f32 $3.608439120e-02, v5  }
0x162: {  	[tilespmem:s9+$0xFB80] =	vst v6  }
0x163: {  	[tilespmem:s10+$0xFB80] =	vst v5  }
0x164: {  	v6 =	vld [tilespmem:s19+$0x8300]  }
0x165: {  	v7 =	vld [tilespmem:s19+$0x8380];
	_ =	sdelay $0x1  }
0x166: {  	v8 =	vld [tilespmem:s19+$0x8400];
	_ =	sdelay $0x2  }
0x167: {  	v5 =	vld [tilespmem:s8+$0x8300];
	v6 =	vadd.f32 v7, v6  }
0x168: {  	v7 =	vld [tilespmem:s8+$0x8380]  }
0x169: {  	v8 =	vadd.f32 v8, v6  }
0x16a: {  	s9 =	simm.s32 $0x20;
	s10 =	simm.s32 $0x100;
	v6 =	vld [tilespmem:s8+$0x8400]  }
.LBB2_33:
0x16b: {  	s11 =	sand.u32 $0x70, s9;
	s20 =	sand.u32 $0x1C00, s10;
	v8 =	vmul.f32 $3.608439120e-02, v8;
	p1 =	sne.s32 s9, $0x2F0  }
.Ltmp16:
0x16c: {  	s9 =	sadd.s32 $0x10, s9;
	s11 =	sor.u32 s11, s20;
	(pc) =	sbr.rel @p1 .LBB2_33-.Ltmp16, $4  }
0x16d: {  	v9 =	vadd.f32 v7, v5;
	v5 =	vld [tilespmem:s11+$0x8300];
	[tilespmem:s19+$0xFC00] =	vst v8;
	s19 =	smov.u32 s8;
	s8 =	smov.u32 s11  }
0x16e: {  	v7 =	vld [tilespmem:s8+$0x8380]  }
0x16f: {  	v8 =	vadd.f32 v6, v9  }
0x170: {  	s10 =	sadd.s32 $0x80, s10;
	v6 =	vld [tilespmem:s8+$0x8400]  }
0x171: {  	_ =	sdelay $0x1  }
0x172: {  	v5 =	vadd.f32 v7, v5;
	_ =	sdelay $0x1  }
0x173: {  	v5 =	vadd.f32 v6, v5  }
0x174: {  	v6 =	vmul.f32 $3.608439120e-02, v8  }
0x175: {  	s9 =	simm.s32 $0x0;
	v5 =	vmul.f32 $3.608439120e-02, v5  }
0x176: {  	s10 =	sand.u32 $0x70, s9;
	s9 =	sand.u32 $0x1C00, s9;
	[tilespmem:s19+$0xFC00] =	vst v6  }
0x177: {  	s19 =	sor.u32 s10, s9;
	[tilespmem:s8+$0xFC00] =	vst v5  }
0x178: {  	v6 =	vld [tilespmem:s19+$0x9880]  }
0x179: {  	v7 =	vld [tilespmem:s19+$0x9900];
	_ =	sdelay $0x1  }
0x17a: {  	s24 =	simm.s32 $0x10;
	s25 =	simm.s32 $0x80;
	v8 =	vld [tilespmem:s19+$0x9980]  }
0x17b: {  	s9 =	sand.u32 $0x1C00, s25;
	s8 =	sand.u32 $0x70, s24  }
0x17c: {  	s8 =	sor.u32 s8, s9  }
0x17d: {  	v5 =	vld [tilespmem:s8+$0x9880];
	v6 =	vadd.f32 v7, v6  }
0x17e: {  	v7 =	vld [tilespmem:s8+$0x9900]  }
0x17f: {  	s11 =	simm.s32 $0x20;
	v8 =	vadd.f32 v8, v6  }
0x180: {  	s20 =	simm.s32 $0x100;
	s9 =	smov.u32 s19;
	s10 =	smov.u32 s8;
	v6 =	vld [tilespmem:s8+$0x9980]  }
.LBB2_35:
0x181: {  	s21 =	sand.u32 $0x70, s11;
	s23 =	sand.u32 $0x1C00, s20;
	v8 =	vmul.f32 $3.608439120e-02, v8;
	p1 =	sne.s32 s11, $0x2F0  }
.Ltmp17:
0x182: {  	s11 =	sadd.s32 $0x10, s11;
	s21 =	sor.u32 s21, s23;
	(pc) =	sbr.rel @p1 .LBB2_35-.Ltmp17, $4  }
0x183: {  	v9 =	vadd.f32 v7, v5;
	v5 =	vld [tilespmem:s21+$0x9880];
	[tilespmem:s9+$0x11080] =	vst v8;
	s9 =	smov.u32 s10;
	s10 =	smov.u32 s21  }
0x184: {  	v7 =	vld [tilespmem:s10+$0x9900]  }
0x185: {  	v8 =	vadd.f32 v6, v9  }
0x186: {  	s20 =	sadd.s32 $0x80, s20;
	v6 =	vld [tilespmem:s10+$0x9980]  }
0x187: {  	_ =	sdelay $0x1  }
0x188: {  	v5 =	vadd.f32 v7, v5;
	_ =	sdelay $0x1  }
0x189: {  	v5 =	vadd.f32 v6, v5  }
0x18a: {  	v6 =	vmul.f32 $3.608439120e-02, v8  }
0x18b: {  	v5 =	vmul.f32 $3.608439120e-02, v5  }
0x18c: {  	[tilespmem:s9+$0x11080] =	vst v6  }
0x18d: {  	[tilespmem:s10+$0x11080] =	vst v5  }
0x18e: {  	v6 =	vld [tilespmem:s19+$0x9A00]  }
0x18f: {  	v7 =	vld [tilespmem:s19+$0x9A80];
	_ =	sdelay $0x1  }
0x190: {  	v8 =	vld [tilespmem:s19+$0x9B00];
	_ =	sdelay $0x2  }
0x191: {  	v5 =	vld [tilespmem:s8+$0x9A00];
	v6 =	vadd.f32 v7, v6  }
0x192: {  	v7 =	vld [tilespmem:s8+$0x9A80]  }
0x193: {  	v8 =	vadd.f32 v8, v6  }
0x194: {  	s9 =	simm.s32 $0x20;
	s10 =	simm.s32 $0x100;
	v6 =	vld [tilespmem:s8+$0x9B00]  }
.LBB2_37:
0x195: {  	s11 =	sand.u32 $0x70, s9;
	s20 =	sand.u32 $0x1C00, s10;
	v8 =	vmul.f32 $3.608439120e-02, v8;
	p1 =	sne.s32 s9, $0x2F0  }
.Ltmp18:
0x196: {  	s9 =	sadd.s32 $0x10, s9;
	s11 =	sor.u32 s11, s20;
	(pc) =	sbr.rel @p1 .LBB2_37-.Ltmp18, $4  }
0x197: {  	v9 =	vadd.f32 v7, v5;
	v5 =	vld [tilespmem:s11+$0x9A00];
	[tilespmem:s19+$0x11100] =	vst v8;
	s19 =	smov.u32 s8;
	s8 =	smov.u32 s11  }
0x198: {  	v7 =	vld [tilespmem:s8+$0x9A80]  }
0x199: {  	v8 =	vadd.f32 v6, v9  }
0x19a: {  	s10 =	sadd.s32 $0x80, s10;
	v6 =	vld [tilespmem:s8+$0x9B00]  }
0x19b: {  	_ =	sdelay $0x1  }
0x19c: {  	v5 =	vadd.f32 v7, v5;
	_ =	sdelay $0x1  }
0x19d: {  	v5 =	vadd.f32 v6, v5  }
0x19e: {  	v6 =	vmul.f32 $3.608439120e-02, v8  }
0x19f: {  	s9 =	simm.s32 $0x0;
	v5 =	vmul.f32 $3.608439120e-02, v5  }
0x1a0: {  	s10 =	sand.u32 $0x70, s9;
	s9 =	sand.u32 $0x1C00, s9;
	[tilespmem:s19+$0x11100] =	vst v6  }
0x1a1: {  	s19 =	sor.u32 s10, s9;
	[tilespmem:s8+$0x11100] =	vst v5  }
0x1a2: {  	v6 =	vld [tilespmem:s19+$0x9B80]  }
0x1a3: {  	v7 =	vld [tilespmem:s19+$0x9C00];
	_ =	sdelay $0x1  }
0x1a4: {  	s24 =	simm.s32 $0x10;
	s25 =	simm.s32 $0x80;
	v8 =	vld [tilespmem:s19+$0xB080]  }
0x1a5: {  	s9 =	sand.u32 $0x1C00, s25;
	s8 =	sand.u32 $0x70, s24  }
0x1a6: {  	s8 =	sor.u32 s8, s9  }
0x1a7: {  	v5 =	vld [tilespmem:s8+$0x9B80];
	v6 =	vadd.f32 v7, v6  }
0x1a8: {  	v7 =	vld [tilespmem:s8+$0x9C00]  }
0x1a9: {  	s11 =	simm.s32 $0x20;
	v8 =	vadd.f32 v8, v6  }
0x1aa: {  	s20 =	simm.s32 $0x100;
	s9 =	smov.u32 s19;
	s10 =	smov.u32 s8;
	v6 =	vld [tilespmem:s8+$0xB080]  }
.LBB2_39:
0x1ab: {  	s21 =	sand.u32 $0x70, s11;
	s23 =	sand.u32 $0x1C00, s20;
	v8 =	vmul.f32 $3.608439120e-02, v8;
	p1 =	sne.s32 s11, $0x2F0  }
.Ltmp19:
0x1ac: {  	s11 =	sadd.s32 $0x10, s11;
	s21 =	sor.u32 s21, s23;
	(pc) =	sbr.rel @p1 .LBB2_39-.Ltmp19, $4  }
0x1ad: {  	v9 =	vadd.f32 v7, v5;
	v5 =	vld [tilespmem:s21+$0x9B80];
	[tilespmem:s9+$0x11180] =	vst v8;
	s9 =	smov.u32 s10;
	s10 =	smov.u32 s21  }
0x1ae: {  	v7 =	vld [tilespmem:s10+$0x9C00]  }
0x1af: {  	v8 =	vadd.f32 v6, v9  }
0x1b0: {  	s20 =	sadd.s32 $0x80, s20;
	v6 =	vld [tilespmem:s10+$0xB080]  }
0x1b1: {  	_ =	sdelay $0x1  }
0x1b2: {  	v5 =	vadd.f32 v7, v5;
	_ =	sdelay $0x1  }
0x1b3: {  	v5 =	vadd.f32 v6, v5  }
0x1b4: {  	v6 =	vmul.f32 $3.608439120e-02, v8  }
0x1b5: {  	v5 =	vmul.f32 $3.608439120e-02, v5  }
0x1b6: {  	[tilespmem:s9+$0x11180] =	vst v6  }
0x1b7: {  	[tilespmem:s10+$0x11180] =	vst v5  }
0x1b8: {  	v6 =	vld [tilespmem:s19+$0xB100]  }
0x1b9: {  	v7 =	vld [tilespmem:s19+$0xB180];
	_ =	sdelay $0x1  }
0x1ba: {  	v8 =	vld [tilespmem:s19+$0xB200];
	_ =	sdelay $0x2  }
0x1bb: {  	v5 =	vld [tilespmem:s8+$0xB100];
	v6 =	vadd.f32 v7, v6  }
0x1bc: {  	v7 =	vld [tilespmem:s8+$0xB180]  }
0x1bd: {  	v8 =	vadd.f32 v8, v6  }
0x1be: {  	s9 =	simm.s32 $0x20;
	s10 =	simm.s32 $0x100;
	v6 =	vld [tilespmem:s8+$0xB200]  }
.LBB2_41:
0x1bf: {  	s11 =	sand.u32 $0x70, s9;
	s20 =	sand.u32 $0x1C00, s10;
	v8 =	vmul.f32 $3.608439120e-02, v8;
	p1 =	sne.s32 s9, $0x2F0  }
.Ltmp20:
0x1c0: {  	s9 =	sadd.s32 $0x10, s9;
	s11 =	sor.u32 s11, s20;
	(pc) =	sbr.rel @p1 .LBB2_41-.Ltmp20, $4  }
0x1c1: {  	v9 =	vadd.f32 v7, v5;
	v5 =	vld [tilespmem:s11+$0xB100];
	[tilespmem:s19+$0x11200] =	vst v8;
	s19 =	smov.u32 s8;
	s8 =	smov.u32 s11  }
0x1c2: {  	v7 =	vld [tilespmem:s8+$0xB180]  }
0x1c3: {  	v8 =	vadd.f32 v6, v9  }
0x1c4: {  	s10 =	sadd.s32 $0x80, s10;
	v6 =	vld [tilespmem:s8+$0xB200]  }
0x1c5: {  	_ =	sdelay $0x1  }
0x1c6: {  	v5 =	vadd.f32 v7, v5;
	_ =	sdelay $0x1  }
0x1c7: {  	v5 =	vadd.f32 v6, v5  }
0x1c8: {  	v6 =	vmul.f32 $3.608439120e-02, v8  }
0x1c9: {  	s9 =	simm.s32 $0x0;
	v5 =	vmul.f32 $3.608439120e-02, v5  }
0x1ca: {  	s10 =	sand.u32 $0x70, s9;
	s9 =	sand.u32 $0x1C00, s9;
	[tilespmem:s19+$0x11200] =	vst v6  }
0x1cb: {  	s19 =	sor.u32 s10, s9;
	[tilespmem:s8+$0x11200] =	vst v5  }
0x1cc: {  	v6 =	vld [tilespmem:s19+$0xB280]  }
0x1cd: {  	v7 =	vld [tilespmem:s19+$0xB300];
	_ =	sdelay $0x1  }
0x1ce: {  	s24 =	simm.s32 $0x10;
	s25 =	simm.s32 $0x80;
	v8 =	vld [tilespmem:s19+$0xB380]  }
0x1cf: {  	s9 =	sand.u32 $0x1C00, s25;
	s8 =	sand.u32 $0x70, s24  }
0x1d0: {  	s8 =	sor.u32 s8, s9  }
0x1d1: {  	v5 =	vld [tilespmem:s8+$0xB280];
	v6 =	vadd.f32 v7, v6  }
0x1d2: {  	v7 =	vld [tilespmem:s8+$0xB300]  }
0x1d3: {  	s11 =	simm.s32 $0x20;
	v8 =	vadd.f32 v8, v6  }
0x1d4: {  	s20 =	simm.s32 $0x100;
	s9 =	smov.u32 s19;
	s10 =	smov.u32 s8;
	v6 =	vld [tilespmem:s8+$0xB380]  }
.LBB2_43:
0x1d5: {  	s21 =	sand.u32 $0x70, s11;
	s23 =	sand.u32 $0x1C00, s20;
	v8 =	vmul.f32 $3.608439120e-02, v8;
	p1 =	sne.s32 s11, $0x2F0  }
.Ltmp21:
0x1d6: {  	s11 =	sadd.s32 $0x10, s11;
	s21 =	sor.u32 s21, s23;
	(pc) =	sbr.rel @p1 .LBB2_43-.Ltmp21, $4  }
0x1d7: {  	v9 =	vadd.f32 v7, v5;
	v5 =	vld [tilespmem:s21+$0xB280];
	[tilespmem:s9+$0x11280] =	vst v8;
	s9 =	smov.u32 s10;
	s10 =	smov.u32 s21  }
0x1d8: {  	v7 =	vld [tilespmem:s10+$0xB300]  }
0x1d9: {  	v8 =	vadd.f32 v6, v9  }
0x1da: {  	s20 =	sadd.s32 $0x80, s20;
	v6 =	vld [tilespmem:s10+$0xB380]  }
0x1db: {  	_ =	sdelay $0x1  }
0x1dc: {  	v5 =	vadd.f32 v7, v5;
	_ =	sdelay $0x1  }
0x1dd: {  	v5 =	vadd.f32 v6, v5  }
0x1de: {  	v6 =	vmul.f32 $3.608439120e-02, v8  }
0x1df: {  	v5 =	vmul.f32 $3.608439120e-02, v5  }
0x1e0: {  	[tilespmem:s9+$0x11280] =	vst v6  }
0x1e1: {  	[tilespmem:s10+$0x11280] =	vst v5  }
0x1e2: {  	v6 =	vld [tilespmem:s19+$0xB400]  }
0x1e3: {  	v7 =	vld [tilespmem:s19+$0xC880];
	_ =	sdelay $0x1  }
0x1e4: {  	v8 =	vld [tilespmem:s19+$0xC900];
	_ =	sdelay $0x2  }
0x1e5: {  	v5 =	vld [tilespmem:s8+$0xB400];
	v6 =	vadd.f32 v7, v6  }
0x1e6: {  	v7 =	vld [tilespmem:s8+$0xC880]  }
0x1e7: {  	v8 =	vadd.f32 v8, v6  }
0x1e8: {  	s9 =	simm.s32 $0x20;
	s10 =	simm.s32 $0x100;
	v6 =	vld [tilespmem:s8+$0xC900]  }
.LBB2_45:
0x1e9: {  	s11 =	sand.u32 $0x70, s9;
	s20 =	sand.u32 $0x1C00, s10;
	v8 =	vmul.f32 $3.608439120e-02, v8;
	p1 =	sne.s32 s9, $0x2F0  }
.Ltmp22:
0x1ea: {  	s9 =	sadd.s32 $0x10, s9;
	s11 =	sor.u32 s11, s20;
	(pc) =	sbr.rel @p1 .LBB2_45-.Ltmp22, $4  }
0x1eb: {  	v9 =	vadd.f32 v7, v5;
	v5 =	vld [tilespmem:s11+$0xB400];
	[tilespmem:s19+$0x11300] =	vst v8;
	s19 =	smov.u32 s8;
	s8 =	smov.u32 s11  }
0x1ec: {  	v7 =	vld [tilespmem:s8+$0xC880]  }
0x1ed: {  	v8 =	vadd.f32 v6, v9  }
0x1ee: {  	s10 =	sadd.s32 $0x80, s10;
	v6 =	vld [tilespmem:s8+$0xC900]  }
0x1ef: {  	_ =	sdelay $0x1  }
0x1f0: {  	v5 =	vadd.f32 v7, v5;
	_ =	sdelay $0x1  }
0x1f1: {  	v5 =	vadd.f32 v6, v5  }
0x1f2: {  	v6 =	vmul.f32 $3.608439120e-02, v8  }
0x1f3: {  	s9 =	simm.s32 $0x0;
	v5 =	vmul.f32 $3.608439120e-02, v5  }
0x1f4: {  	s10 =	sand.u32 $0x70, s9;
	s9 =	sand.u32 $0x1C00, s9;
	[tilespmem:s19+$0x11300] =	vst v6  }
0x1f5: {  	s19 =	sor.u32 s10, s9;
	[tilespmem:s8+$0x11300] =	vst v5  }
0x1f6: {  	v6 =	vld [tilespmem:s19+$0xC980]  }
0x1f7: {  	v7 =	vld [tilespmem:s19+$0xCA00];
	_ =	sdelay $0x1  }
0x1f8: {  	s24 =	simm.s32 $0x10;
	s25 =	simm.s32 $0x80;
	v8 =	vld [tilespmem:s19+$0xCA80]  }
0x1f9: {  	s9 =	sand.u32 $0x1C00, s25;
	s8 =	sand.u32 $0x70, s24  }
0x1fa: {  	s8 =	sor.u32 s8, s9  }
0x1fb: {  	v5 =	vld [tilespmem:s8+$0xC980];
	v6 =	vadd.f32 v7, v6  }
0x1fc: {  	v7 =	vld [tilespmem:s8+$0xCA00]  }
0x1fd: {  	s11 =	simm.s32 $0x20;
	v8 =	vadd.f32 v8, v6  }
0x1fe: {  	s20 =	simm.s32 $0x100;
	s9 =	smov.u32 s19;
	s10 =	smov.u32 s8;
	v6 =	vld [tilespmem:s8+$0xCA80]  }
.LBB2_47:
0x1ff: {  	s21 =	sand.u32 $0x70, s11;
	s23 =	sand.u32 $0x1C00, s20;
	v8 =	vmul.f32 $3.608439120e-02, v8;
	p1 =	sne.s32 s11, $0x2F0  }
.Ltmp23:
0x200: {  	s11 =	sadd.s32 $0x10, s11;
	s21 =	sor.u32 s21, s23;
	(pc) =	sbr.rel @p1 .LBB2_47-.Ltmp23, $4  }
0x201: {  	v9 =	vadd.f32 v7, v5;
	v5 =	vld [tilespmem:s21+$0xC980];
	[tilespmem:s9+$0x11380] =	vst v8;
	s9 =	smov.u32 s10;
	s10 =	smov.u32 s21  }
0x202: {  	v7 =	vld [tilespmem:s10+$0xCA00]  }
0x203: {  	v8 =	vadd.f32 v6, v9  }
0x204: {  	s20 =	sadd.s32 $0x80, s20;
	v6 =	vld [tilespmem:s10+$0xCA80]  }
0x205: {  	_ =	sdelay $0x1  }
0x206: {  	v5 =	vadd.f32 v7, v5;
	_ =	sdelay $0x1  }
0x207: {  	v5 =	vadd.f32 v6, v5  }
0x208: {  	v6 =	vmul.f32 $3.608439120e-02, v8  }
0x209: {  	v5 =	vmul.f32 $3.608439120e-02, v5  }
0x20a: {  	[tilespmem:s9+$0x11380] =	vst v6  }
0x20b: {  	[tilespmem:s10+$0x11380] =	vst v5  }
0x20c: {  	v6 =	vld [tilespmem:s19+$0xCB00]  }
0x20d: {  	v7 =	vld [tilespmem:s19+$0xCB80];
	_ =	sdelay $0x1  }
0x20e: {  	v8 =	vld [tilespmem:s19+$0xCC00];
	_ =	sdelay $0x2  }
0x20f: {  	v5 =	vld [tilespmem:s8+$0xCB00];
	v6 =	vadd.f32 v7, v6  }
0x210: {  	v7 =	vld [tilespmem:s8+$0xCB80]  }
0x211: {  	v8 =	vadd.f32 v8, v6  }
0x212: {  	s9 =	simm.s32 $0x20;
	s10 =	simm.s32 $0x100;
	v6 =	vld [tilespmem:s8+$0xCC00]  }
.LBB2_49:
0x213: {  	s11 =	sand.u32 $0x70, s9;
	s20 =	sand.u32 $0x1C00, s10;
	v8 =	vmul.f32 $3.608439120e-02, v8;
	p1 =	sne.s32 s9, $0x2F0  }
.Ltmp24:
0x214: {  	s9 =	sadd.s32 $0x10, s9;
	s11 =	sor.u32 s11, s20;
	(pc) =	sbr.rel @p1 .LBB2_49-.Ltmp24, $4  }
0x215: {  	v9 =	vadd.f32 v7, v5;
	v5 =	vld [tilespmem:s11+$0xCB00];
	[tilespmem:s19+$0x11400] =	vst v8;
	s19 =	smov.u32 s8;
	s8 =	smov.u32 s11  }
0x216: {  	v7 =	vld [tilespmem:s8+$0xCB80]  }
0x217: {  	v8 =	vadd.f32 v6, v9  }
0x218: {  	s10 =	sadd.s32 $0x80, s10;
	v6 =	vld [tilespmem:s8+$0xCC00]  }
0x219: {  	_ =	sdelay $0x1  }
0x21a: {  	v5 =	vadd.f32 v7, v5;
	_ =	sdelay $0x1  }
0x21b: {  	v5 =	vadd.f32 v6, v5  }
0x21c: {  	v6 =	vmul.f32 $3.608439120e-02, v8  }
0x21d: {  	v5 =	vmul.f32 $3.608439120e-02, v5  }
0x21e: {  	[tilespmem:s19+$0x11400] =	vst v6  }
0x21f: {  	s7 =	rddreg [dreg:$0x9];
	[tilespmem:s8+$0x11400] =	vst v5  }
0x220: {  	[spmem:s7] =	stream.linear.scatter [tilespmem:s31], [sflag:$0x3], $0x4800, $0x38;
	[tilespmem:$0x1D980] =	vst v63  }
0x221: {  	_ =	swait.ge [sflag:s18], $0x4800  }
0x222: {  	[sflag:s18] =	ssyncset.done $0x0  }
0x223: {  	s21 =	simm.s32 $0x0;
	s23 =	rddreg [dreg:$0xa];
	[sflag:s18] =	ssyncadd.s32 $0xFFFFB800  }
0x224: {  	[tilespmem:s26], [sflag:$0x3] =	stream.linear.gather [hbm4b:s23+s21], $0xD800, $0x38;
	[tilespmem:$0x1D980] =	vst v63  }
0x225: {  	_ =	swait.ge [sflag:s18], $0xD800  }
0x226: {  	s9 =	sand.u32 $0x70, s21;
	s8 =	sand.u32 $0x1C00, s21;
	[sflag:s18] =	ssyncset.done $0x0  }
0x227: {  	s19 =	sor.u32 s9, s8;
	[sflag:s18] =	ssyncadd.s32 $0xFFFF2800  }
0x228: {  	v6 =	vld [tilespmem:s19+$0x880]  }
0x229: {  	v7 =	vld [tilespmem:s19+$0x900];
	_ =	sdelay $0x1  }
0x22a: {  	s24 =	simm.s32 $0x10;
	s25 =	simm.s32 $0x80;
	v8 =	vld [tilespmem:s19+$0x980]  }
0x22b: {  	s8 =	sand.u32 $0x70, s24;
	s9 =	sand.u32 $0x1C00, s25  }
0x22c: {  	s8 =	sor.u32 s8, s9  }
0x22d: {  	v5 =	vld [tilespmem:s8+$0x880];
	v6 =	vadd.f32 v7, v6  }
0x22e: {  	v7 =	vld [tilespmem:s8+$0x900]  }
0x22f: {  	s11 =	simm.s32 $0x20;
	v8 =	vadd.f32 v8, v6  }
0x230: {  	s20 =	simm.s32 $0x100;
	s9 =	smov.u32 s19;
	s10 =	smov.u32 s8;
	v6 =	vld [tilespmem:s8+$0x980]  }
.LBB2_51:
0x231: {  	s21 =	sand.u32 $0x70, s11;
	s23 =	sand.u32 $0x1C00, s20;
	v8 =	vmul.f32 $3.608439120e-02, v8;
	p1 =	sne.s32 s11, $0x2F0  }
.Ltmp25:
0x232: {  	s11 =	sadd.s32 $0x10, s11;
	s21 =	sor.u32 s21, s23;
	(pc) =	sbr.rel @p1 .LBB2_51-.Ltmp25, $4  }
0x233: {  	v9 =	vadd.f32 v7, v5;
	v5 =	vld [tilespmem:s21+$0x880];
	[tilespmem:s9+$0xE080] =	vst v8;
	s9 =	smov.u32 s10;
	s10 =	smov.u32 s21  }
0x234: {  	v7 =	vld [tilespmem:s10+$0x900]  }
0x235: {  	v8 =	vadd.f32 v6, v9  }
0x236: {  	s20 =	sadd.s32 $0x80, s20;
	v6 =	vld [tilespmem:s10+$0x980]  }
0x237: {  	_ =	sdelay $0x1  }
0x238: {  	v5 =	vadd.f32 v7, v5;
	_ =	sdelay $0x1  }
0x239: {  	v5 =	vadd.f32 v6, v5  }
0x23a: {  	v6 =	vmul.f32 $3.608439120e-02, v8  }
0x23b: {  	v5 =	vmul.f32 $3.608439120e-02, v5  }
0x23c: {  	[tilespmem:s9+$0xE080] =	vst v6  }
0x23d: {  	[tilespmem:s10+$0xE080] =	vst v5  }
0x23e: {  	v6 =	vld [tilespmem:s19+$0xA00]  }
0x23f: {  	v7 =	vld [tilespmem:s19+$0xA80];
	_ =	sdelay $0x1  }
0x240: {  	v8 =	vld [tilespmem:s19+$0xB00];
	_ =	sdelay $0x2  }
0x241: {  	v5 =	vld [tilespmem:s8+$0xA00];
	v6 =	vadd.f32 v7, v6  }
0x242: {  	v7 =	vld [tilespmem:s8+$0xA80]  }
0x243: {  	v8 =	vadd.f32 v8, v6  }
0x244: {  	s9 =	simm.s32 $0x20;
	s10 =	simm.s32 $0x100;
	v6 =	vld [tilespmem:s8+$0xB00]  }
.LBB2_53:
0x245: {  	s11 =	sand.u32 $0x70, s9;
	s20 =	sand.u32 $0x1C00, s10;
	v8 =	vmul.f32 $3.608439120e-02, v8;
	p1 =	sne.s32 s9, $0x2F0  }
.Ltmp26:
0x246: {  	s9 =	sadd.s32 $0x10, s9;
	s11 =	sor.u32 s11, s20;
	(pc) =	sbr.rel @p1 .LBB2_53-.Ltmp26, $4  }
0x247: {  	v9 =	vadd.f32 v7, v5;
	v5 =	vld [tilespmem:s11+$0xA00];
	[tilespmem:s19+$0xE100] =	vst v8;
	s19 =	smov.u32 s8;
	s8 =	smov.u32 s11  }
0x248: {  	v7 =	vld [tilespmem:s8+$0xA80]  }
0x249: {  	v8 =	vadd.f32 v6, v9  }
0x24a: {  	s10 =	sadd.s32 $0x80, s10;
	v6 =	vld [tilespmem:s8+$0xB00]  }
0x24b: {  	_ =	sdelay $0x1  }
0x24c: {  	v5 =	vadd.f32 v7, v5;
	_ =	sdelay $0x1  }
0x24d: {  	v5 =	vadd.f32 v6, v5  }
0x24e: {  	v6 =	vmul.f32 $3.608439120e-02, v8  }
0x24f: {  	s9 =	simm.s32 $0x0;
	v5 =	vmul.f32 $3.608439120e-02, v5  }
0x250: {  	s10 =	sand.u32 $0x70, s9;
	s11 =	sand.u32 $0x1C00, s9;
	[tilespmem:s19+$0xE100] =	vst v6  }
0x251: {  	s23 =	sor.u32 s9, s9;
	s19 =	sor.u32 s10, s11;
	[tilespmem:s8+$0xE100] =	vst v5  }
0x252: {  	s8 =	sor.u32 $0x380, s23;
	v5 =	vld [tilespmem:s19+$0xB80]  }
0x253: {  	v6 =	vld [tilespmem:s8+$0x880];
	_ =	sdelay $0x1  }
0x254: {  	v7 =	vld [tilespmem:s19+$0x2080];
	_ =	sdelay $0x2  }
0x255: {  	v5 =	vadd.f32 v6, v5;
	_ =	sdelay $0x1  }
0x256: {  	v5 =	vadd.f32 v7, v5  }
0x257: {  	s24 =	simm.s32 $0x10;
	s9 =	simm.s32 $0x80  }
0x258: {  	s25 =	sand.u32 $0x1C00, s9;
	s21 =	sor.u32 s9, s24;
	s8 =	sand.u32 $0x70, s24;
	v5 =	vmul.f32 $3.608439120e-02, v5  }
0x259: {  	s11 =	simm.s32 $0x20;
	s10 =	smov.u32 s19;
	s20 =	sor.u32 s8, s25  }
.LBB2_55:
0x25a: {  	p1 =	sne.s32 s11, $0x2F0;
	v6 =	vld [tilespmem:s20+$0xB80];
	s21 =	sor.u32 $0x380, s21;
	[tilespmem:s10+$0xE180] =	vst v5;
	s10 =	smov.u32 s20  }
0x25b: {  	v5 =	vld [tilespmem:s21+$0x880];
	_ =	sdelay $0x1  }
0x25c: {  	v7 =	vld [tilespmem:s10+$0x2080];
	_ =	sdelay $0x2  }
0x25d: {  	v5 =	vadd.f32 v5, v6  }
.Ltmp27:
0x25e: {  	(pc) =	sbr.rel @p1 .LBB2_55-.Ltmp27, $4  }
0x25f: {  	v5 =	vadd.f32 v7, v5  }
0x260: {  	s9 =	sadd.s32 $0x80, s9  }
0x261: {  	s20 =	sand.u32 $0x70, s11;
	s21 =	sand.u32 $0x1C00, s9;
	v5 =	vmul.f32 $3.608439120e-02, v5  }
0x262: {  	s20 =	sor.u32 s20, s21;
	s21 =	sor.u32 s9, s11;
	s11 =	sadd.s32 $0x10, s11  }
0x263: {  	v6 =	vld [tilespmem:s20+$0xB80];
	s9 =	sor.u32 $0x380, s21;
	[tilespmem:s10+$0xE180] =	vst v5  }
0x264: {  	v5 =	vld [tilespmem:s9+$0x880];
	_ =	sdelay $0x1  }
0x265: {  	v7 =	vld [tilespmem:s20+$0x2080];
	_ =	sdelay $0x2  }
0x266: {  	v5 =	vadd.f32 v5, v6;
	_ =	sdelay $0x1  }
0x267: {  	v5 =	vadd.f32 v7, v5;
	_ =	sdelay $0x1  }
0x268: {  	v5 =	vmul.f32 $3.608439120e-02, v5;
	_ =	sdelay $0x1  }
0x269: {  	[tilespmem:s20+$0xE180] =	vst v5  }
0x26a: {  	v6 =	vld [tilespmem:s19+$0x2100]  }
0x26b: {  	v7 =	vld [tilespmem:s19+$0x2180];
	_ =	sdelay $0x1  }
0x26c: {  	s25 =	simm.s32 $0x80;
	v8 =	vld [tilespmem:s19+$0x2200]  }
0x26d: {  	s9 =	sand.u32 $0x1C00, s25  }
0x26e: {  	s8 =	sor.u32 s8, s9  }
0x26f: {  	v5 =	vld [tilespmem:s8+$0x2100];
	v6 =	vadd.f32 v7, v6  }
0x270: {  	v7 =	vld [tilespmem:s8+$0x2180]  }
0x271: {  	v8 =	vadd.f32 v8, v6  }
0x272: {  	s10 =	simm.s32 $0x100;
	s9 =	simm.s32 $0x20;
	v6 =	vld [tilespmem:s8+$0x2200]  }
.LBB2_57:
0x273: {  	s11 =	sand.u32 $0x70, s9;
	s20 =	sand.u32 $0x1C00, s10;
	v8 =	vmul.f32 $3.608439120e-02, v8;
	p1 =	sne.s32 s9, $0x2F0  }
.Ltmp28:
0x274: {  	s9 =	sadd.s32 $0x10, s9;
	s11 =	sor.u32 s11, s20;
	(pc) =	sbr.rel @p1 .LBB2_57-.Ltmp28, $4  }
0x275: {  	v9 =	vadd.f32 v7, v5;
	v5 =	vld [tilespmem:s11+$0x2100];
	[tilespmem:s19+$0xE200] =	vst v8;
	s19 =	smov.u32 s8;
	s8 =	smov.u32 s11  }
0x276: {  	v7 =	vld [tilespmem:s8+$0x2180]  }
0x277: {  	v8 =	vadd.f32 v6, v9  }
0x278: {  	s10 =	sadd.s32 $0x80, s10;
	v6 =	vld [tilespmem:s8+$0x2200]  }
0x279: {  	_ =	sdelay $0x1  }
0x27a: {  	v5 =	vadd.f32 v7, v5;
	_ =	sdelay $0x1  }
0x27b: {  	v5 =	vadd.f32 v6, v5  }
0x27c: {  	v6 =	vmul.f32 $3.608439120e-02, v8  }
0x27d: {  	s9 =	simm.s32 $0x0;
	v5 =	vmul.f32 $3.608439120e-02, v5  }
0x27e: {  	s10 =	sand.u32 $0x70, s9;
	s9 =	sand.u32 $0x1C00, s9;
	[tilespmem:s19+$0xE200] =	vst v6  }
0x27f: {  	s20 =	sor.u32 s10, s9;
	[tilespmem:s8+$0xE200] =	vst v5  }
0x280: {  	v6 =	vld [tilespmem:s20+$0x2280]  }
0x281: {  	v7 =	vld [tilespmem:s20+$0x2300];
	_ =	sdelay $0x1  }
0x282: {  	s24 =	simm.s32 $0x10;
	s25 =	simm.s32 $0x80;
	v8 =	vld [tilespmem:s20+$0x2380]  }
0x283: {  	s9 =	sand.u32 $0x1C00, s25;
	s8 =	sand.u32 $0x70, s24  }
0x284: {  	s8 =	sor.u32 s8, s9  }
0x285: {  	v5 =	vld [tilespmem:s8+$0x2280];
	v6 =	vadd.f32 v7, v6  }
0x286: {  	v7 =	vld [tilespmem:s8+$0x2300]  }
0x287: {  	s11 =	simm.s32 $0x20;
	v8 =	vadd.f32 v8, v6  }
0x288: {  	s19 =	simm.s32 $0x100;
	s9 =	smov.u32 s20;
	s10 =	smov.u32 s8;
	v6 =	vld [tilespmem:s8+$0x2380]  }
.LBB2_59:
0x289: {  	s21 =	sand.u32 $0x70, s11;
	s23 =	sand.u32 $0x1C00, s19;
	v8 =	vmul.f32 $3.608439120e-02, v8;
	p1 =	sne.s32 s11, $0x2F0  }
.Ltmp29:
0x28a: {  	s11 =	sadd.s32 $0x10, s11;
	s21 =	sor.u32 s21, s23;
	(pc) =	sbr.rel @p1 .LBB2_59-.Ltmp29, $4  }
0x28b: {  	v9 =	vadd.f32 v7, v5;
	v5 =	vld [tilespmem:s21+$0x2280];
	[tilespmem:s9+$0xE280] =	vst v8;
	s9 =	smov.u32 s10;
	s10 =	smov.u32 s21  }
0x28c: {  	v7 =	vld [tilespmem:s10+$0x2300]  }
0x28d: {  	v8 =	vadd.f32 v6, v9  }
0x28e: {  	s19 =	sadd.s32 $0x80, s19;
	v6 =	vld [tilespmem:s10+$0x2380]  }
0x28f: {  	_ =	sdelay $0x1  }
0x290: {  	v5 =	vadd.f32 v7, v5;
	_ =	sdelay $0x1  }
0x291: {  	v5 =	vadd.f32 v6, v5  }
0x292: {  	v6 =	vmul.f32 $3.608439120e-02, v8  }
0x293: {  	v5 =	vmul.f32 $3.608439120e-02, v5  }
0x294: {  	[tilespmem:s9+$0xE280] =	vst v6  }
0x295: {  	[tilespmem:s10+$0xE280] =	vst v5  }
0x296: {  	v6 =	vld [tilespmem:s20+$0x2400]  }
0x297: {  	v7 =	vld [tilespmem:s20+$0x3880];
	_ =	sdelay $0x1  }
0x298: {  	v8 =	vld [tilespmem:s20+$0x3900];
	_ =	sdelay $0x2  }
0x299: {  	v5 =	vld [tilespmem:s8+$0x2400];
	v6 =	vadd.f32 v7, v6  }
0x29a: {  	v7 =	vld [tilespmem:s8+$0x3880]  }
0x29b: {  	v8 =	vadd.f32 v8, v6  }
0x29c: {  	s9 =	simm.s32 $0x20;
	s10 =	simm.s32 $0x100;
	v6 =	vld [tilespmem:s8+$0x3900]  }
.LBB2_61:
0x29d: {  	s11 =	sand.u32 $0x70, s9;
	s19 =	sand.u32 $0x1C00, s10;
	v8 =	vmul.f32 $3.608439120e-02, v8;
	p1 =	sne.s32 s9, $0x2F0  }
.Ltmp30:
0x29e: {  	s9 =	sadd.s32 $0x10, s9;
	s11 =	sor.u32 s11, s19;
	(pc) =	sbr.rel @p1 .LBB2_61-.Ltmp30, $4  }
0x29f: {  	v9 =	vadd.f32 v7, v5;
	v5 =	vld [tilespmem:s11+$0x2400];
	[tilespmem:s20+$0xE300] =	vst v8;
	s20 =	smov.u32 s8;
	s8 =	smov.u32 s11  }
0x2a0: {  	v7 =	vld [tilespmem:s8+$0x3880]  }
0x2a1: {  	v8 =	vadd.f32 v6, v9  }
0x2a2: {  	s10 =	sadd.s32 $0x80, s10;
	v6 =	vld [tilespmem:s8+$0x3900]  }
0x2a3: {  	_ =	sdelay $0x1  }
0x2a4: {  	v5 =	vadd.f32 v7, v5;
	_ =	sdelay $0x1  }
0x2a5: {  	v5 =	vadd.f32 v6, v5  }
0x2a6: {  	v6 =	vmul.f32 $3.608439120e-02, v8  }
0x2a7: {  	s19 =	simm.s32 $0x0;
	v5 =	vmul.f32 $3.608439120e-02, v5  }
0x2a8: {  	s9 =	sand.u32 $0x70, s19;
	s10 =	sand.u32 $0x1C00, s19;
	[tilespmem:s20+$0xE300] =	vst v6  }
0x2a9: {  	s9 =	sor.u32 s9, s10;
	[tilespmem:s8+$0xE300] =	vst v5  }
0x2aa: {  	v6 =	vld [tilespmem:s9+$0x3980]  }
0x2ab: {  	v7 =	vld [tilespmem:s9+$0x3A00];
	_ =	sdelay $0x1  }
0x2ac: {  	s25 =	simm.s32 $0x80;
	s8 =	simm.s32 $0x10;
	v8 =	vld [tilespmem:s9+$0x3A80]  }
0x2ad: {  	s10 =	sand.u32 $0x1C00, s25;
	s11 =	sand.u32 $0x70, s8  }
0x2ae: {  	s10 =	sor.u32 s11, s10  }
0x2af: {  	v5 =	vld [tilespmem:s10+$0x3980];
	v6 =	vadd.f32 v7, v6  }
0x2b0: {  	v7 =	vld [tilespmem:s10+$0x3A00]  }
0x2b1: {  	v8 =	vadd.f32 v8, v6  }
0x2b2: {  	s21 =	simm.s32 $0x100;
	s20 =	simm.s32 $0x20;
	s11 =	smov.u32 s9;
	v6 =	vld [tilespmem:s10+$0x3A80]  }
.LBB2_63:
0x2b3: {  	s23 =	sand.u32 $0x70, s20;
	s24 =	sand.u32 $0x1C00, s21;
	v8 =	vmul.f32 $3.608439120e-02, v8;
	p1 =	sne.s32 s20, $0x2F0  }
.Ltmp31:
0x2b4: {  	s20 =	sadd.s32 $0x10, s20;
	s23 =	sor.u32 s23, s24;
	(pc) =	sbr.rel @p1 .LBB2_63-.Ltmp31, $4  }
0x2b5: {  	v9 =	vadd.f32 v7, v5;
	v5 =	vld [tilespmem:s23+$0x3980];
	[tilespmem:s11+$0xE380] =	vst v8;
	s11 =	smov.u32 s10;
	s10 =	smov.u32 s23  }
0x2b6: {  	v7 =	vld [tilespmem:s10+$0x3A00]  }
0x2b7: {  	v8 =	vadd.f32 v6, v9  }
0x2b8: {  	s21 =	sadd.s32 $0x80, s21;
	v6 =	vld [tilespmem:s10+$0x3A80]  }
0x2b9: {  	_ =	sdelay $0x1  }
0x2ba: {  	v5 =	vadd.f32 v7, v5;
	_ =	sdelay $0x1  }
0x2bb: {  	v5 =	vadd.f32 v6, v5  }
0x2bc: {  	v6 =	vmul.f32 $3.608439120e-02, v8  }
0x2bd: {  	v5 =	vmul.f32 $3.608439120e-02, v5  }
0x2be: {  	[tilespmem:s11+$0xE380] =	vst v6  }
0x2bf: {  	[tilespmem:s10+$0xE380] =	vst v5;
	s10 =	simm.s32 $0x0  }
.LBB2_65:
0x2c0: {  	p1 =	sne.s32 s8, $0x2F0;
	v5 =	vld [tilespmem:s9+$0x3B80]  }
0x2c1: {  	v6 =	vld [tilespmem:s9+$0x3B00];
	_ =	sdelay $0x1  }
0x2c2: {  	v7 =	vld [tilespmem:s9+$0x3C00];
	_ =	sdelay $0x2  }
0x2c3: {  	v5 =	vadd.f32 v5, v6;
	_ =	sdelay $0x1  }
.Ltmp32:
0x2c4: {  	v5 =	vadd.f32 v7, v5;
	(pc) =	sbr.rel @p1 .LBB2_65-.Ltmp32, $4  }
0x2c5: {  	_ = 	snop  }
0x2c6: {  	s9 =	sor.u32 s10, s19;
	s10 =	sadd.s32 $0x80, s10;
	s19 =	smov.u32 s8;
	v5 =	vmul.f32 $3.608439120e-02, v5  }
0x2c7: {  	s11 =	sand.u32 $0x70, s8;
	s20 =	sand.u32 $0x1C00, s10;
	s21 =	sor.u32 $0x380, s9  }
0x2c8: {  	s8 =	sadd.s32 $0x10, s8;
	s9 =	sor.u32 s11, s20;
	[tilespmem:s21+$0xE080] =	vst v5  }
0x2c9: {  	v5 =	vld [tilespmem:s9+$0x3B80]  }
0x2ca: {  	v6 =	vld [tilespmem:s9+$0x3B00];
	_ =	sdelay $0x1  }
0x2cb: {  	v7 =	vld [tilespmem:s9+$0x3C00];
	_ =	sdelay $0x2  }
0x2cc: {  	v5 =	vadd.f32 v5, v6;
	_ =	sdelay $0x1  }
0x2cd: {  	v5 =	vadd.f32 v7, v5;
	_ =	sdelay $0x1  }
0x2ce: {  	s8 =	sor.u32 s10, s19;
	s21 =	simm.s32 $0x0;
	v5 =	vmul.f32 $3.608439120e-02, v5  }
0x2cf: {  	s8 =	sor.u32 $0x380, s8;
	s23 =	sand.u32 $0x70, s21;
	s9 =	sand.u32 $0x1C00, s21  }
0x2d0: {  	s19 =	sor.u32 s23, s9;
	[tilespmem:s8+$0xE080] =	vst v5  }
0x2d1: {  	v6 =	vld [tilespmem:s19+$0x5080]  }
0x2d2: {  	v7 =	vld [tilespmem:s19+$0x5100];
	_ =	sdelay $0x1  }
0x2d3: {  	s24 =	simm.s32 $0x10;
	s25 =	simm.s32 $0x80;
	v8 =	vld [tilespmem:s19+$0x5180]  }
0x2d4: {  	s9 =	sand.u32 $0x1C00, s25;
	s8 =	sand.u32 $0x70, s24  }
0x2d5: {  	s8 =	sor.u32 s8, s9  }
0x2d6: {  	v5 =	vld [tilespmem:s8+$0x5080];
	v6 =	vadd.f32 v7, v6  }
0x2d7: {  	v7 =	vld [tilespmem:s8+$0x5100]  }
0x2d8: {  	s11 =	simm.s32 $0x20;
	v8 =	vadd.f32 v8, v6  }
0x2d9: {  	s20 =	simm.s32 $0x100;
	s9 =	smov.u32 s19;
	s10 =	smov.u32 s8;
	v6 =	vld [tilespmem:s8+$0x5180]  }
.LBB2_67:
0x2da: {  	s21 =	sand.u32 $0x70, s11;
	s23 =	sand.u32 $0x1C00, s20;
	v8 =	vmul.f32 $3.608439120e-02, v8;
	p1 =	sne.s32 s11, $0x2F0  }
.Ltmp33:
0x2db: {  	s11 =	sadd.s32 $0x10, s11;
	s21 =	sor.u32 s21, s23;
	(pc) =	sbr.rel @p1 .LBB2_67-.Ltmp33, $4  }
0x2dc: {  	v9 =	vadd.f32 v7, v5;
	v5 =	vld [tilespmem:s21+$0x5080];
	[tilespmem:s9+$0xF880] =	vst v8;
	s9 =	smov.u32 s10;
	s10 =	smov.u32 s21  }
0x2dd: {  	v7 =	vld [tilespmem:s10+$0x5100]  }
0x2de: {  	v8 =	vadd.f32 v6, v9  }
0x2df: {  	s20 =	sadd.s32 $0x80, s20;
	v6 =	vld [tilespmem:s10+$0x5180]  }
0x2e0: {  	_ =	sdelay $0x1  }
0x2e1: {  	v5 =	vadd.f32 v7, v5;
	_ =	sdelay $0x1  }
0x2e2: {  	v5 =	vadd.f32 v6, v5  }
0x2e3: {  	v6 =	vmul.f32 $3.608439120e-02, v8  }
0x2e4: {  	v5 =	vmul.f32 $3.608439120e-02, v5  }
0x2e5: {  	[tilespmem:s9+$0xF880] =	vst v6  }
0x2e6: {  	[tilespmem:s10+$0xF880] =	vst v5  }
0x2e7: {  	v6 =	vld [tilespmem:s19+$0x5200]  }
0x2e8: {  	v7 =	vld [tilespmem:s19+$0x5280];
	_ =	sdelay $0x1  }
0x2e9: {  	v8 =	vld [tilespmem:s19+$0x5300];
	_ =	sdelay $0x2  }
0x2ea: {  	v5 =	vld [tilespmem:s8+$0x5200];
	v6 =	vadd.f32 v7, v6  }
0x2eb: {  	v7 =	vld [tilespmem:s8+$0x5280]  }
0x2ec: {  	v8 =	vadd.f32 v8, v6  }
0x2ed: {  	s9 =	simm.s32 $0x20;
	s10 =	simm.s32 $0x100;
	v6 =	vld [tilespmem:s8+$0x5300]  }
.LBB2_69:
0x2ee: {  	s11 =	sand.u32 $0x70, s9;
	s20 =	sand.u32 $0x1C00, s10;
	v8 =	vmul.f32 $3.608439120e-02, v8;
	p1 =	sne.s32 s9, $0x2F0  }
.Ltmp34:
0x2ef: {  	s9 =	sadd.s32 $0x10, s9;
	s11 =	sor.u32 s11, s20;
	(pc) =	sbr.rel @p1 .LBB2_69-.Ltmp34, $4  }
0x2f0: {  	v9 =	vadd.f32 v7, v5;
	v5 =	vld [tilespmem:s11+$0x5200];
	[tilespmem:s19+$0xF900] =	vst v8;
	s19 =	smov.u32 s8;
	s8 =	smov.u32 s11  }
0x2f1: {  	v7 =	vld [tilespmem:s8+$0x5280]  }
0x2f2: {  	v8 =	vadd.f32 v6, v9  }
0x2f3: {  	s10 =	sadd.s32 $0x80, s10;
	v6 =	vld [tilespmem:s8+$0x5300]  }
0x2f4: {  	_ =	sdelay $0x1  }
0x2f5: {  	v5 =	vadd.f32 v7, v5;
	_ =	sdelay $0x1  }
0x2f6: {  	v5 =	vadd.f32 v6, v5  }
0x2f7: {  	v6 =	vmul.f32 $3.608439120e-02, v8  }
0x2f8: {  	s9 =	simm.s32 $0x0;
	v5 =	vmul.f32 $3.608439120e-02, v5  }
0x2f9: {  	s10 =	sand.u32 $0x70, s9;
	s9 =	sand.u32 $0x1C00, s9;
	[tilespmem:s19+$0xF900] =	vst v6  }
0x2fa: {  	s19 =	sor.u32 s10, s9;
	[tilespmem:s8+$0xF900] =	vst v5  }
0x2fb: {  	v6 =	vld [tilespmem:s19+$0x5380]  }
0x2fc: {  	v7 =	vld [tilespmem:s19+$0x5400];
	_ =	sdelay $0x1  }
0x2fd: {  	s24 =	simm.s32 $0x10;
	s25 =	simm.s32 $0x80;
	v8 =	vld [tilespmem:s19+$0x6880]  }
0x2fe: {  	s9 =	sand.u32 $0x1C00, s25;
	s8 =	sand.u32 $0x70, s24  }
0x2ff: {  	s8 =	sor.u32 s8, s9  }
0x300: {  	v5 =	vld [tilespmem:s8+$0x5380];
	v6 =	vadd.f32 v7, v6  }
0x301: {  	v7 =	vld [tilespmem:s8+$0x5400]  }
0x302: {  	s11 =	simm.s32 $0x20;
	v8 =	vadd.f32 v8, v6  }
0x303: {  	s20 =	simm.s32 $0x100;
	s9 =	smov.u32 s19;
	s10 =	smov.u32 s8;
	v6 =	vld [tilespmem:s8+$0x6880]  }
.LBB2_71:
0x304: {  	s21 =	sand.u32 $0x70, s11;
	s23 =	sand.u32 $0x1C00, s20;
	v8 =	vmul.f32 $3.608439120e-02, v8;
	p1 =	sne.s32 s11, $0x2F0  }
.Ltmp35:
0x305: {  	s11 =	sadd.s32 $0x10, s11;
	s21 =	sor.u32 s21, s23;
	(pc) =	sbr.rel @p1 .LBB2_71-.Ltmp35, $4  }
0x306: {  	v9 =	vadd.f32 v7, v5;
	v5 =	vld [tilespmem:s21+$0x5380];
	[tilespmem:s9+$0xF980] =	vst v8;
	s9 =	smov.u32 s10;
	s10 =	smov.u32 s21  }
0x307: {  	v7 =	vld [tilespmem:s10+$0x5400]  }
0x308: {  	v8 =	vadd.f32 v6, v9  }
0x309: {  	s20 =	sadd.s32 $0x80, s20;
	v6 =	vld [tilespmem:s10+$0x6880]  }
0x30a: {  	_ =	sdelay $0x1  }
0x30b: {  	v5 =	vadd.f32 v7, v5;
	_ =	sdelay $0x1  }
0x30c: {  	v5 =	vadd.f32 v6, v5  }
0x30d: {  	v6 =	vmul.f32 $3.608439120e-02, v8  }
0x30e: {  	v5 =	vmul.f32 $3.608439120e-02, v5  }
0x30f: {  	[tilespmem:s9+$0xF980] =	vst v6  }
0x310: {  	[tilespmem:s10+$0xF980] =	vst v5  }
0x311: {  	v6 =	vld [tilespmem:s19+$0x6900]  }
0x312: {  	v7 =	vld [tilespmem:s19+$0x6980];
	_ =	sdelay $0x1  }
0x313: {  	v8 =	vld [tilespmem:s19+$0x6A00];
	_ =	sdelay $0x2  }
0x314: {  	v5 =	vld [tilespmem:s8+$0x6900];
	v6 =	vadd.f32 v7, v6  }
0x315: {  	v7 =	vld [tilespmem:s8+$0x6980]  }
0x316: {  	v8 =	vadd.f32 v8, v6  }
0x317: {  	s9 =	simm.s32 $0x20;
	s10 =	simm.s32 $0x100;
	v6 =	vld [tilespmem:s8+$0x6A00]  }
.LBB2_73:
0x318: {  	s11 =	sand.u32 $0x70, s9;
	s20 =	sand.u32 $0x1C00, s10;
	v8 =	vmul.f32 $3.608439120e-02, v8;
	p1 =	sne.s32 s9, $0x2F0  }
.Ltmp36:
0x319: {  	s9 =	sadd.s32 $0x10, s9;
	s11 =	sor.u32 s11, s20;
	(pc) =	sbr.rel @p1 .LBB2_73-.Ltmp36, $4  }
0x31a: {  	v9 =	vadd.f32 v7, v5;
	v5 =	vld [tilespmem:s11+$0x6900];
	[tilespmem:s19+$0xFA00] =	vst v8;
	s19 =	smov.u32 s8;
	s8 =	smov.u32 s11  }
0x31b: {  	v7 =	vld [tilespmem:s8+$0x6980]  }
0x31c: {  	v8 =	vadd.f32 v6, v9  }
0x31d: {  	s10 =	sadd.s32 $0x80, s10;
	v6 =	vld [tilespmem:s8+$0x6A00]  }
0x31e: {  	_ =	sdelay $0x1  }
0x31f: {  	v5 =	vadd.f32 v7, v5;
	_ =	sdelay $0x1  }
0x320: {  	v5 =	vadd.f32 v6, v5  }
0x321: {  	v6 =	vmul.f32 $3.608439120e-02, v8  }
0x322: {  	s9 =	simm.s32 $0x0;
	v5 =	vmul.f32 $3.608439120e-02, v5  }
0x323: {  	s10 =	sand.u32 $0x70, s9;
	s9 =	sand.u32 $0x1C00, s9;
	[tilespmem:s19+$0xFA00] =	vst v6  }
0x324: {  	s19 =	sor.u32 s10, s9;
	[tilespmem:s8+$0xFA00] =	vst v5  }
0x325: {  	v6 =	vld [tilespmem:s19+$0x6A80]  }
0x326: {  	v7 =	vld [tilespmem:s19+$0x6B00];
	_ =	sdelay $0x1  }
0x327: {  	s24 =	simm.s32 $0x10;
	s25 =	simm.s32 $0x80;
	v8 =	vld [tilespmem:s19+$0x6B80]  }
0x328: {  	s9 =	sand.u32 $0x1C00, s25;
	s8 =	sand.u32 $0x70, s24  }
0x329: {  	s8 =	sor.u32 s8, s9  }
0x32a: {  	v5 =	vld [tilespmem:s8+$0x6A80];
	v6 =	vadd.f32 v7, v6  }
0x32b: {  	v7 =	vld [tilespmem:s8+$0x6B00]  }
0x32c: {  	s11 =	simm.s32 $0x20;
	v8 =	vadd.f32 v8, v6  }
0x32d: {  	s20 =	simm.s32 $0x100;
	s9 =	smov.u32 s19;
	s10 =	smov.u32 s8;
	v6 =	vld [tilespmem:s8+$0x6B80]  }
.LBB2_75:
0x32e: {  	s21 =	sand.u32 $0x70, s11;
	s23 =	sand.u32 $0x1C00, s20;
	v8 =	vmul.f32 $3.608439120e-02, v8;
	p1 =	sne.s32 s11, $0x2F0  }
.Ltmp37:
0x32f: {  	s11 =	sadd.s32 $0x10, s11;
	s21 =	sor.u32 s21, s23;
	(pc) =	sbr.rel @p1 .LBB2_75-.Ltmp37, $4  }
0x330: {  	v9 =	vadd.f32 v7, v5;
	v5 =	vld [tilespmem:s21+$0x6A80];
	[tilespmem:s9+$0xFA80] =	vst v8;
	s9 =	smov.u32 s10;
	s10 =	smov.u32 s21  }
0x331: {  	v7 =	vld [tilespmem:s10+$0x6B00]  }
0x332: {  	v8 =	vadd.f32 v6, v9  }
0x333: {  	s20 =	sadd.s32 $0x80, s20;
	v6 =	vld [tilespmem:s10+$0x6B80]  }
0x334: {  	_ =	sdelay $0x1  }
0x335: {  	v5 =	vadd.f32 v7, v5;
	_ =	sdelay $0x1  }
0x336: {  	v5 =	vadd.f32 v6, v5  }
0x337: {  	v6 =	vmul.f32 $3.608439120e-02, v8  }
0x338: {  	v5 =	vmul.f32 $3.608439120e-02, v5  }
0x339: {  	[tilespmem:s9+$0xFA80] =	vst v6  }
0x33a: {  	[tilespmem:s10+$0xFA80] =	vst v5  }
0x33b: {  	v6 =	vld [tilespmem:s19+$0x6C00]  }
0x33c: {  	v7 =	vld [tilespmem:s19+$0x8080];
	_ =	sdelay $0x1  }
0x33d: {  	v8 =	vld [tilespmem:s19+$0x8100];
	_ =	sdelay $0x2  }
0x33e: {  	v5 =	vld [tilespmem:s8+$0x6C00];
	v6 =	vadd.f32 v7, v6  }
0x33f: {  	v7 =	vld [tilespmem:s8+$0x8080]  }
0x340: {  	v8 =	vadd.f32 v8, v6  }
0x341: {  	s9 =	simm.s32 $0x20;
	s10 =	simm.s32 $0x100;
	v6 =	vld [tilespmem:s8+$0x8100]  }
.LBB2_77:
0x342: {  	s11 =	sand.u32 $0x70, s9;
	s20 =	sand.u32 $0x1C00, s10;
	v8 =	vmul.f32 $3.608439120e-02, v8;
	p1 =	sne.s32 s9, $0x2F0  }
.Ltmp38:
0x343: {  	s9 =	sadd.s32 $0x10, s9;
	s11 =	sor.u32 s11, s20;
	(pc) =	sbr.rel @p1 .LBB2_77-.Ltmp38, $4  }
0x344: {  	v9 =	vadd.f32 v7, v5;
	v5 =	vld [tilespmem:s11+$0x6C00];
	[tilespmem:s19+$0xFB00] =	vst v8;
	s19 =	smov.u32 s8;
	s8 =	smov.u32 s11  }
0x345: {  	v7 =	vld [tilespmem:s8+$0x8080]  }
0x346: {  	v8 =	vadd.f32 v6, v9  }
0x347: {  	s10 =	sadd.s32 $0x80, s10;
	v6 =	vld [tilespmem:s8+$0x8100]  }
0x348: {  	_ =	sdelay $0x1  }
0x349: {  	v5 =	vadd.f32 v7, v5;
	_ =	sdelay $0x1  }
0x34a: {  	v5 =	vadd.f32 v6, v5  }
0x34b: {  	v6 =	vmul.f32 $3.608439120e-02, v8  }
0x34c: {  	s9 =	simm.s32 $0x0;
	v5 =	vmul.f32 $3.608439120e-02, v5  }
0x34d: {  	s10 =	sand.u32 $0x70, s9;
	s9 =	sand.u32 $0x1C00, s9;
	[tilespmem:s19+$0xFB00] =	vst v6  }
0x34e: {  	s19 =	sor.u32 s10, s9;
	[tilespmem:s8+$0xFB00] =	vst v5  }
0x34f: {  	v6 =	vld [tilespmem:s19+$0x8180]  }
0x350: {  	v7 =	vld [tilespmem:s19+$0x8200];
	_ =	sdelay $0x1  }
0x351: {  	s24 =	simm.s32 $0x10;
	s25 =	simm.s32 $0x80;
	v8 =	vld [tilespmem:s19+$0x8280]  }
0x352: {  	s9 =	sand.u32 $0x1C00, s25;
	s8 =	sand.u32 $0x70, s24  }
0x353: {  	s8 =	sor.u32 s8, s9  }
0x354: {  	v5 =	vld [tilespmem:s8+$0x8180];
	v6 =	vadd.f32 v7, v6  }
0x355: {  	v7 =	vld [tilespmem:s8+$0x8200]  }
0x356: {  	s11 =	simm.s32 $0x20;
	v8 =	vadd.f32 v8, v6  }
0x357: {  	s20 =	simm.s32 $0x100;
	s9 =	smov.u32 s19;
	s10 =	smov.u32 s8;
	v6 =	vld [tilespmem:s8+$0x8280]  }
.LBB2_79:
0x358: {  	s21 =	sand.u32 $0x70, s11;
	s23 =	sand.u32 $0x1C00, s20;
	v8 =	vmul.f32 $3.608439120e-02, v8;
	p1 =	sne.s32 s11, $0x2F0  }
.Ltmp39:
0x359: {  	s11 =	sadd.s32 $0x10, s11;
	s21 =	sor.u32 s21, s23;
	(pc) =	sbr.rel @p1 .LBB2_79-.Ltmp39, $4  }
0x35a: {  	v9 =	vadd.f32 v7, v5;
	v5 =	vld [tilespmem:s21+$0x8180];
	[tilespmem:s9+$0xFB80] =	vst v8;
	s9 =	smov.u32 s10;
	s10 =	smov.u32 s21  }
0x35b: {  	v7 =	vld [tilespmem:s10+$0x8200]  }
0x35c: {  	v8 =	vadd.f32 v6, v9  }
0x35d: {  	s20 =	sadd.s32 $0x80, s20;
	v6 =	vld [tilespmem:s10+$0x8280]  }
0x35e: {  	_ =	sdelay $0x1  }
0x35f: {  	v5 =	vadd.f32 v7, v5;
	_ =	sdelay $0x1  }
0x360: {  	v5 =	vadd.f32 v6, v5  }
0x361: {  	v6 =	vmul.f32 $3.608439120e-02, v8  }
0x362: {  	v5 =	vmul.f32 $3.608439120e-02, v5  }
0x363: {  	[tilespmem:s9+$0xFB80] =	vst v6  }
0x364: {  	[tilespmem:s10+$0xFB80] =	vst v5  }
0x365: {  	v6 =	vld [tilespmem:s19+$0x8300]  }
0x366: {  	v7 =	vld [tilespmem:s19+$0x8380];
	_ =	sdelay $0x1  }
0x367: {  	v8 =	vld [tilespmem:s19+$0x8400];
	_ =	sdelay $0x2  }
0x368: {  	v5 =	vld [tilespmem:s8+$0x8300];
	v6 =	vadd.f32 v7, v6  }
0x369: {  	v7 =	vld [tilespmem:s8+$0x8380]  }
0x36a: {  	v8 =	vadd.f32 v8, v6  }
0x36b: {  	s9 =	simm.s32 $0x20;
	s10 =	simm.s32 $0x100;
	v6 =	vld [tilespmem:s8+$0x8400]  }
.LBB2_81:
0x36c: {  	s11 =	sand.u32 $0x70, s9;
	s20 =	sand.u32 $0x1C00, s10;
	v8 =	vmul.f32 $3.608439120e-02, v8;
	p1 =	sne.s32 s9, $0x2F0  }
.Ltmp40:
0x36d: {  	s9 =	sadd.s32 $0x10, s9;
	s11 =	sor.u32 s11, s20;
	(pc) =	sbr.rel @p1 .LBB2_81-.Ltmp40, $4  }
0x36e: {  	v9 =	vadd.f32 v7, v5;
	v5 =	vld [tilespmem:s11+$0x8300];
	[tilespmem:s19+$0xFC00] =	vst v8;
	s19 =	smov.u32 s8;
	s8 =	smov.u32 s11  }
0x36f: {  	v7 =	vld [tilespmem:s8+$0x8380]  }
0x370: {  	v8 =	vadd.f32 v6, v9  }
0x371: {  	s10 =	sadd.s32 $0x80, s10;
	v6 =	vld [tilespmem:s8+$0x8400]  }
0x372: {  	_ =	sdelay $0x1  }
0x373: {  	v5 =	vadd.f32 v7, v5;
	_ =	sdelay $0x1  }
0x374: {  	v5 =	vadd.f32 v6, v5  }
0x375: {  	v6 =	vmul.f32 $3.608439120e-02, v8  }
0x376: {  	s9 =	simm.s32 $0x0;
	v5 =	vmul.f32 $3.608439120e-02, v5  }
0x377: {  	s10 =	sand.u32 $0x70, s9;
	s9 =	sand.u32 $0x1C00, s9;
	[tilespmem:s19+$0xFC00] =	vst v6  }
0x378: {  	s19 =	sor.u32 s10, s9;
	[tilespmem:s8+$0xFC00] =	vst v5  }
0x379: {  	v6 =	vld [tilespmem:s19+$0x9880]  }
0x37a: {  	v7 =	vld [tilespmem:s19+$0x9900];
	_ =	sdelay $0x1  }
0x37b: {  	s24 =	simm.s32 $0x10;
	s25 =	simm.s32 $0x80;
	v8 =	vld [tilespmem:s19+$0x9980]  }
0x37c: {  	s9 =	sand.u32 $0x1C00, s25;
	s8 =	sand.u32 $0x70, s24  }
0x37d: {  	s8 =	sor.u32 s8, s9  }
0x37e: {  	v5 =	vld [tilespmem:s8+$0x9880];
	v6 =	vadd.f32 v7, v6  }
0x37f: {  	v7 =	vld [tilespmem:s8+$0x9900]  }
0x380: {  	s11 =	simm.s32 $0x20;
	v8 =	vadd.f32 v8, v6  }
0x381: {  	s20 =	simm.s32 $0x100;
	s9 =	smov.u32 s19;
	s10 =	smov.u32 s8;
	v6 =	vld [tilespmem:s8+$0x9980]  }
.LBB2_83:
0x382: {  	s21 =	sand.u32 $0x70, s11;
	s23 =	sand.u32 $0x1C00, s20;
	v8 =	vmul.f32 $3.608439120e-02, v8;
	p1 =	sne.s32 s11, $0x2F0  }
.Ltmp41:
0x383: {  	s11 =	sadd.s32 $0x10, s11;
	s21 =	sor.u32 s21, s23;
	(pc) =	sbr.rel @p1 .LBB2_83-.Ltmp41, $4  }
0x384: {  	v9 =	vadd.f32 v7, v5;
	v5 =	vld [tilespmem:s21+$0x9880];
	[tilespmem:s9+$0x11080] =	vst v8;
	s9 =	smov.u32 s10;
	s10 =	smov.u32 s21  }
0x385: {  	v7 =	vld [tilespmem:s10+$0x9900]  }
0x386: {  	v8 =	vadd.f32 v6, v9  }
0x387: {  	s20 =	sadd.s32 $0x80, s20;
	v6 =	vld [tilespmem:s10+$0x9980]  }
0x388: {  	_ =	sdelay $0x1  }
0x389: {  	v5 =	vadd.f32 v7, v5;
	_ =	sdelay $0x1  }
0x38a: {  	v5 =	vadd.f32 v6, v5  }
0x38b: {  	v6 =	vmul.f32 $3.608439120e-02, v8  }
0x38c: {  	v5 =	vmul.f32 $3.608439120e-02, v5  }
0x38d: {  	[tilespmem:s9+$0x11080] =	vst v6  }
0x38e: {  	[tilespmem:s10+$0x11080] =	vst v5  }
0x38f: {  	v6 =	vld [tilespmem:s19+$0x9A00]  }
0x390: {  	v7 =	vld [tilespmem:s19+$0x9A80];
	_ =	sdelay $0x1  }
0x391: {  	v8 =	vld [tilespmem:s19+$0x9B00];
	_ =	sdelay $0x2  }
0x392: {  	v5 =	vld [tilespmem:s8+$0x9A00];
	v6 =	vadd.f32 v7, v6  }
0x393: {  	v7 =	vld [tilespmem:s8+$0x9A80]  }
0x394: {  	v8 =	vadd.f32 v8, v6  }
0x395: {  	s9 =	simm.s32 $0x20;
	s10 =	simm.s32 $0x100;
	v6 =	vld [tilespmem:s8+$0x9B00]  }
.LBB2_85:
0x396: {  	s11 =	sand.u32 $0x70, s9;
	s20 =	sand.u32 $0x1C00, s10;
	v8 =	vmul.f32 $3.608439120e-02, v8;
	p1 =	sne.s32 s9, $0x2F0  }
.Ltmp42:
0x397: {  	s9 =	sadd.s32 $0x10, s9;
	s11 =	sor.u32 s11, s20;
	(pc) =	sbr.rel @p1 .LBB2_85-.Ltmp42, $4  }
0x398: {  	v9 =	vadd.f32 v7, v5;
	v5 =	vld [tilespmem:s11+$0x9A00];
	[tilespmem:s19+$0x11100] =	vst v8;
	s19 =	smov.u32 s8;
	s8 =	smov.u32 s11  }
0x399: {  	v7 =	vld [tilespmem:s8+$0x9A80]  }
0x39a: {  	v8 =	vadd.f32 v6, v9  }
0x39b: {  	s10 =	sadd.s32 $0x80, s10;
	v6 =	vld [tilespmem:s8+$0x9B00]  }
0x39c: {  	_ =	sdelay $0x1  }
0x39d: {  	v5 =	vadd.f32 v7, v5;
	_ =	sdelay $0x1  }
0x39e: {  	v5 =	vadd.f32 v6, v5  }
0x39f: {  	v6 =	vmul.f32 $3.608439120e-02, v8  }
0x3a0: {  	s9 =	simm.s32 $0x0;
	v5 =	vmul.f32 $3.608439120e-02, v5  }
0x3a1: {  	s10 =	sand.u32 $0x70, s9;
	s9 =	sand.u32 $0x1C00, s9;
	[tilespmem:s19+$0x11100] =	vst v6  }
0x3a2: {  	s19 =	sor.u32 s10, s9;
	[tilespmem:s8+$0x11100] =	vst v5  }
0x3a3: {  	v6 =	vld [tilespmem:s19+$0x9B80]  }
0x3a4: {  	v7 =	vld [tilespmem:s19+$0x9C00];
	_ =	sdelay $0x1  }
0x3a5: {  	s24 =	simm.s32 $0x10;
	s25 =	simm.s32 $0x80;
	v8 =	vld [tilespmem:s19+$0xB080]  }
0x3a6: {  	s9 =	sand.u32 $0x1C00, s25;
	s8 =	sand.u32 $0x70, s24  }
0x3a7: {  	s8 =	sor.u32 s8, s9  }
0x3a8: {  	v5 =	vld [tilespmem:s8+$0x9B80];
	v6 =	vadd.f32 v7, v6  }
0x3a9: {  	v7 =	vld [tilespmem:s8+$0x9C00]  }
0x3aa: {  	s11 =	simm.s32 $0x20;
	v8 =	vadd.f32 v8, v6  }
0x3ab: {  	s20 =	simm.s32 $0x100;
	s9 =	smov.u32 s19;
	s10 =	smov.u32 s8;
	v6 =	vld [tilespmem:s8+$0xB080]  }
.LBB2_87:
0x3ac: {  	s21 =	sand.u32 $0x70, s11;
	s23 =	sand.u32 $0x1C00, s20;
	v8 =	vmul.f32 $3.608439120e-02, v8;
	p1 =	sne.s32 s11, $0x2F0  }
.Ltmp43:
0x3ad: {  	s11 =	sadd.s32 $0x10, s11;
	s21 =	sor.u32 s21, s23;
	(pc) =	sbr.rel @p1 .LBB2_87-.Ltmp43, $4  }
0x3ae: {  	v9 =	vadd.f32 v7, v5;
	v5 =	vld [tilespmem:s21+$0x9B80];
	[tilespmem:s9+$0x11180] =	vst v8;
	s9 =	smov.u32 s10;
	s10 =	smov.u32 s21  }
0x3af: {  	v7 =	vld [tilespmem:s10+$0x9C00]  }
0x3b0: {  	v8 =	vadd.f32 v6, v9  }
0x3b1: {  	s20 =	sadd.s32 $0x80, s20;
	v6 =	vld [tilespmem:s10+$0xB080]  }
0x3b2: {  	_ =	sdelay $0x1  }
0x3b3: {  	v5 =	vadd.f32 v7, v5;
	_ =	sdelay $0x1  }
0x3b4: {  	v5 =	vadd.f32 v6, v5  }
0x3b5: {  	v6 =	vmul.f32 $3.608439120e-02, v8  }
0x3b6: {  	v5 =	vmul.f32 $3.608439120e-02, v5  }
0x3b7: {  	[tilespmem:s9+$0x11180] =	vst v6  }
0x3b8: {  	[tilespmem:s10+$0x11180] =	vst v5  }
0x3b9: {  	v6 =	vld [tilespmem:s19+$0xB100]  }
0x3ba: {  	v7 =	vld [tilespmem:s19+$0xB180];
	_ =	sdelay $0x1  }
0x3bb: {  	v8 =	vld [tilespmem:s19+$0xB200];
	_ =	sdelay $0x2  }
0x3bc: {  	v5 =	vld [tilespmem:s8+$0xB100];
	v6 =	vadd.f32 v7, v6  }
0x3bd: {  	v7 =	vld [tilespmem:s8+$0xB180]  }
0x3be: {  	v8 =	vadd.f32 v8, v6  }
0x3bf: {  	s9 =	simm.s32 $0x20;
	s10 =	simm.s32 $0x100;
	v6 =	vld [tilespmem:s8+$0xB200]  }
.LBB2_89:
0x3c0: {  	s11 =	sand.u32 $0x70, s9;
	s20 =	sand.u32 $0x1C00, s10;
	v8 =	vmul.f32 $3.608439120e-02, v8;
	p1 =	sne.s32 s9, $0x2F0  }
.Ltmp44:
0x3c1: {  	s9 =	sadd.s32 $0x10, s9;
	s11 =	sor.u32 s11, s20;
	(pc) =	sbr.rel @p1 .LBB2_89-.Ltmp44, $4  }
0x3c2: {  	v9 =	vadd.f32 v7, v5;
	v5 =	vld [tilespmem:s11+$0xB100];
	[tilespmem:s19+$0x11200] =	vst v8;
	s19 =	smov.u32 s8;
	s8 =	smov.u32 s11  }
0x3c3: {  	v7 =	vld [tilespmem:s8+$0xB180]  }
0x3c4: {  	v8 =	vadd.f32 v6, v9  }
0x3c5: {  	s10 =	sadd.s32 $0x80, s10;
	v6 =	vld [tilespmem:s8+$0xB200]  }
0x3c6: {  	_ =	sdelay $0x1  }
0x3c7: {  	v5 =	vadd.f32 v7, v5;
	_ =	sdelay $0x1  }
0x3c8: {  	v5 =	vadd.f32 v6, v5  }
0x3c9: {  	v6 =	vmul.f32 $3.608439120e-02, v8  }
0x3ca: {  	s9 =	simm.s32 $0x0;
	v5 =	vmul.f32 $3.608439120e-02, v5  }
0x3cb: {  	s10 =	sand.u32 $0x70, s9;
	s9 =	sand.u32 $0x1C00, s9;
	[tilespmem:s19+$0x11200] =	vst v6  }
0x3cc: {  	s19 =	sor.u32 s10, s9;
	[tilespmem:s8+$0x11200] =	vst v5  }
0x3cd: {  	v6 =	vld [tilespmem:s19+$0xB280]  }
0x3ce: {  	v7 =	vld [tilespmem:s19+$0xB300];
	_ =	sdelay $0x1  }
0x3cf: {  	s24 =	simm.s32 $0x10;
	s25 =	simm.s32 $0x80;
	v8 =	vld [tilespmem:s19+$0xB380]  }
0x3d0: {  	s9 =	sand.u32 $0x1C00, s25;
	s8 =	sand.u32 $0x70, s24  }
0x3d1: {  	s8 =	sor.u32 s8, s9  }
0x3d2: {  	v5 =	vld [tilespmem:s8+$0xB280];
	v6 =	vadd.f32 v7, v6  }
0x3d3: {  	v7 =	vld [tilespmem:s8+$0xB300]  }
0x3d4: {  	s11 =	simm.s32 $0x20;
	v8 =	vadd.f32 v8, v6  }
0x3d5: {  	s20 =	simm.s32 $0x100;
	s9 =	smov.u32 s19;
	s10 =	smov.u32 s8;
	v6 =	vld [tilespmem:s8+$0xB380]  }
.LBB2_91:
0x3d6: {  	s21 =	sand.u32 $0x70, s11;
	s23 =	sand.u32 $0x1C00, s20;
	v8 =	vmul.f32 $3.608439120e-02, v8;
	p1 =	sne.s32 s11, $0x2F0  }
.Ltmp45:
0x3d7: {  	s11 =	sadd.s32 $0x10, s11;
	s21 =	sor.u32 s21, s23;
	(pc) =	sbr.rel @p1 .LBB2_91-.Ltmp45, $4  }
0x3d8: {  	v9 =	vadd.f32 v7, v5;
	v5 =	vld [tilespmem:s21+$0xB280];
	[tilespmem:s9+$0x11280] =	vst v8;
	s9 =	smov.u32 s10;
	s10 =	smov.u32 s21  }
0x3d9: {  	v7 =	vld [tilespmem:s10+$0xB300]  }
0x3da: {  	v8 =	vadd.f32 v6, v9  }
0x3db: {  	s20 =	sadd.s32 $0x80, s20;
	v6 =	vld [tilespmem:s10+$0xB380]  }
0x3dc: {  	_ =	sdelay $0x1  }
0x3dd: {  	v5 =	vadd.f32 v7, v5;
	_ =	sdelay $0x1  }
0x3de: {  	v5 =	vadd.f32 v6, v5  }
0x3df: {  	v6 =	vmul.f32 $3.608439120e-02, v8  }
0x3e0: {  	v5 =	vmul.f32 $3.608439120e-02, v5  }
0x3e1: {  	[tilespmem:s9+$0x11280] =	vst v6  }
0x3e2: {  	[tilespmem:s10+$0x11280] =	vst v5  }
0x3e3: {  	v6 =	vld [tilespmem:s19+$0xB400]  }
0x3e4: {  	v7 =	vld [tilespmem:s19+$0xC880];
	_ =	sdelay $0x1  }
0x3e5: {  	v8 =	vld [tilespmem:s19+$0xC900];
	_ =	sdelay $0x2  }
0x3e6: {  	v5 =	vld [tilespmem:s8+$0xB400];
	v6 =	vadd.f32 v7, v6  }
0x3e7: {  	v7 =	vld [tilespmem:s8+$0xC880]  }
0x3e8: {  	v8 =	vadd.f32 v8, v6  }
0x3e9: {  	s9 =	simm.s32 $0x20;
	s10 =	simm.s32 $0x100;
	v6 =	vld [tilespmem:s8+$0xC900]  }
.LBB2_93:
0x3ea: {  	s11 =	sand.u32 $0x70, s9;
	s20 =	sand.u32 $0x1C00, s10;
	v8 =	vmul.f32 $3.608439120e-02, v8;
	p1 =	sne.s32 s9, $0x2F0  }
.Ltmp46:
0x3eb: {  	s9 =	sadd.s32 $0x10, s9;
	s11 =	sor.u32 s11, s20;
	(pc) =	sbr.rel @p1 .LBB2_93-.Ltmp46, $4  }
0x3ec: {  	v9 =	vadd.f32 v7, v5;
	v5 =	vld [tilespmem:s11+$0xB400];
	[tilespmem:s19+$0x11300] =	vst v8;
	s19 =	smov.u32 s8;
	s8 =	smov.u32 s11  }
0x3ed: {  	v7 =	vld [tilespmem:s8+$0xC880]  }
0x3ee: {  	v8 =	vadd.f32 v6, v9  }
0x3ef: {  	s10 =	sadd.s32 $0x80, s10;
	v6 =	vld [tilespmem:s8+$0xC900]  }
0x3f0: {  	_ =	sdelay $0x1  }
0x3f1: {  	v5 =	vadd.f32 v7, v5;
	_ =	sdelay $0x1  }
0x3f2: {  	v5 =	vadd.f32 v6, v5  }
0x3f3: {  	v6 =	vmul.f32 $3.608439120e-02, v8  }
0x3f4: {  	s9 =	simm.s32 $0x0;
	v5 =	vmul.f32 $3.608439120e-02, v5  }
0x3f5: {  	s10 =	sand.u32 $0x70, s9;
	s9 =	sand.u32 $0x1C00, s9;
	[tilespmem:s19+$0x11300] =	vst v6  }
0x3f6: {  	s19 =	sor.u32 s10, s9;
	[tilespmem:s8+$0x11300] =	vst v5  }
0x3f7: {  	v6 =	vld [tilespmem:s19+$0xC980]  }
0x3f8: {  	v7 =	vld [tilespmem:s19+$0xCA00];
	_ =	sdelay $0x1  }
0x3f9: {  	s24 =	simm.s32 $0x10;
	s25 =	simm.s32 $0x80;
	v8 =	vld [tilespmem:s19+$0xCA80]  }
0x3fa: {  	s9 =	sand.u32 $0x1C00, s25;
	s8 =	sand.u32 $0x70, s24  }
0x3fb: {  	s8 =	sor.u32 s8, s9  }
0x3fc: {  	v5 =	vld [tilespmem:s8+$0xC980];
	v6 =	vadd.f32 v7, v6  }
0x3fd: {  	v7 =	vld [tilespmem:s8+$0xCA00]  }
0x3fe: {  	s11 =	simm.s32 $0x20;
	v8 =	vadd.f32 v8, v6  }
0x3ff: {  	s20 =	simm.s32 $0x100;
	s9 =	smov.u32 s19;
	s10 =	smov.u32 s8;
	v6 =	vld [tilespmem:s8+$0xCA80]  }
.LBB2_95:
0x400: {  	s21 =	sand.u32 $0x70, s11;
	s23 =	sand.u32 $0x1C00, s20;
	v8 =	vmul.f32 $3.608439120e-02, v8;
	p1 =	sne.s32 s11, $0x2F0  }
.Ltmp47:
0x401: {  	s11 =	sadd.s32 $0x10, s11;
	s21 =	sor.u32 s21, s23;
	(pc) =	sbr.rel @p1 .LBB2_95-.Ltmp47, $4  }
0x402: {  	v9 =	vadd.f32 v7, v5;
	v5 =	vld [tilespmem:s21+$0xC980];
	[tilespmem:s9+$0x11380] =	vst v8;
	s9 =	smov.u32 s10;
	s10 =	smov.u32 s21  }
0x403: {  	v7 =	vld [tilespmem:s10+$0xCA00]  }
0x404: {  	v8 =	vadd.f32 v6, v9  }
0x405: {  	s20 =	sadd.s32 $0x80, s20;
	v6 =	vld [tilespmem:s10+$0xCA80]  }
0x406: {  	_ =	sdelay $0x1  }
0x407: {  	v5 =	vadd.f32 v7, v5;
	_ =	sdelay $0x1  }
0x408: {  	v5 =	vadd.f32 v6, v5  }
0x409: {  	v6 =	vmul.f32 $3.608439120e-02, v8  }
0x40a: {  	v5 =	vmul.f32 $3.608439120e-02, v5  }
0x40b: {  	[tilespmem:s9+$0x11380] =	vst v6  }
0x40c: {  	[tilespmem:s10+$0x11380] =	vst v5  }
0x40d: {  	v6 =	vld [tilespmem:s19+$0xCB00]  }
0x40e: {  	v7 =	vld [tilespmem:s19+$0xCB80];
	_ =	sdelay $0x1  }
0x40f: {  	v8 =	vld [tilespmem:s19+$0xCC00];
	_ =	sdelay $0x2  }
0x410: {  	v5 =	vld [tilespmem:s8+$0xCB00];
	v6 =	vadd.f32 v7, v6  }
0x411: {  	v7 =	vld [tilespmem:s8+$0xCB80]  }
0x412: {  	v8 =	vadd.f32 v8, v6  }
0x413: {  	s9 =	simm.s32 $0x20;
	s10 =	simm.s32 $0x100;
	v6 =	vld [tilespmem:s8+$0xCC00]  }
.LBB2_97:
0x414: {  	s11 =	sand.u32 $0x70, s9;
	s20 =	sand.u32 $0x1C00, s10;
	v8 =	vmul.f32 $3.608439120e-02, v8;
	p1 =	sne.s32 s9, $0x2F0  }
.Ltmp48:
0x415: {  	s9 =	sadd.s32 $0x10, s9;
	s11 =	sor.u32 s11, s20;
	(pc) =	sbr.rel @p1 .LBB2_97-.Ltmp48, $4  }
0x416: {  	v9 =	vadd.f32 v7, v5;
	v5 =	vld [tilespmem:s11+$0xCB00];
	[tilespmem:s19+$0x11400] =	vst v8;
	s19 =	smov.u32 s8;
	s8 =	smov.u32 s11  }
0x417: {  	v7 =	vld [tilespmem:s8+$0xCB80]  }
0x418: {  	v8 =	vadd.f32 v6, v9  }
0x419: {  	s10 =	sadd.s32 $0x80, s10;
	v6 =	vld [tilespmem:s8+$0xCC00]  }
0x41a: {  	_ =	sdelay $0x1  }
0x41b: {  	v5 =	vadd.f32 v7, v5;
	_ =	sdelay $0x1  }
0x41c: {  	v5 =	vadd.f32 v6, v5  }
0x41d: {  	v6 =	vmul.f32 $3.608439120e-02, v8  }
0x41e: {  	v5 =	vmul.f32 $3.608439120e-02, v5  }
0x41f: {  	[tilespmem:s19+$0x11400] =	vst v6  }
0x420: {  	s7 =	rddreg [dreg:$0xb];
	[tilespmem:s8+$0x11400] =	vst v5  }
0x421: {  	[spmem:s7] =	stream.linear.scatter [tilespmem:s31], [sflag:$0x3], $0x4800, $0x38;
	[tilespmem:$0x1D980] =	vst v63  }
0x422: {  	_ =	swait.ge [sflag:s18], $0x4800  }
0x423: {  	[sflag:s18] =	ssyncset.done $0x0  }
0x424: {  	[sflag:s18] =	ssyncadd.s32 $0xFFFFB800  }
.LBB2_99:
0x425: {  	s8 =	simm.s32 $0x0  }
0x426: {  	s8 =	smulhi.u32 $0x88888889, s8;
	_ =	sdelay $0x1  }
0x427: {  	s8 =	sshrl.u32 s8, $0x3  }
0x428: {  	[bflag:$0x0] =	sbarrier.arrive $0xFFFF;
	s10 =	smul.u32 $0x86F, s8  }
0x429: {  	s9 =	simm.s32 $0x1;
	s7 =	rddreg [dreg:$0xe]  }
0x42a: {  	s8 =	simm.s32 $0x14180;
	s11 =	ssub.s32 s7, s10;
	s10 =	smov.u32 s7  }
.LBB2_100:
0x42b: {  	s19 =	smulhi.u32 $0x88888889, s9;
	p1 =	sne.s32 s9, $0x86;
	s9 =	sadd.s32 $0x1, s9;
	v5 =	vadd.s32 s11, v0  }
.Ltmp49:
0x42c: {  	[tilespmem:s8+$0x0] =	vst v5;
	(pc) =	sbr.rel @p1 .LBB2_100-.Ltmp49, $4  }
0x42d: {  	s11 =	sshrl.u32 s19, $0x3  }
0x42e: {  	s11 =	smul.u32 $0x86F, s11  }
0x42f: {  	s10 =	sadd.s32 $0x90, s10  }
0x430: {  	s8 =	sadd.s32 $0x10, s8;
	s11 =	ssub.s32 s10, s11  }
0x431: {  	v5 =	vadd.s32 s11, v0;
	s7 =	rddreg [dreg:$0x6]  }
0x432: {  	s20 =	simm.s32 $0x870;
	s9 =	simm.s32 $0x14180;
	s10 =	simm.s32 $0x14A00;
	[tilespmem:s8+$0x0] =	vst v5  }
0x433: {  	[tilespmem:s10], [sflag:$0x1] =	stream.indirect.gather [hbm4b:s7+s20], $0x1, s9, s20, $0xb8;
	[tilespmem:$0x1D980] =	vst v63  }
0x434: {  	_ =	swait.ge [sflag:s22], $0x870  }
0x435: {  	[sflag:s22] =	ssyncset.done $0x0  }
0x436: {  	[sflag:s22] =	ssyncadd.s32 $0xFFFFF790  }
0x437: {  	v5 =	vld [tilespmem:$0x14A00]  }
0x438: {  	v6 =	vld [tilespmem:$0x14AF0]  }
0x439: {  	v7 =	vld [tilespmem:$0x14BE0]  }
0x43a: {  	v8 =	vld [tilespmem:$0x14CD0]  }
0x43b: {  	v9 =	vld [tilespmem:$0x14DC0]  }
0x43c: {  	v10 =	vld [tilespmem:$0x14EB0]  }
0x43d: {  	v11 =	vld [tilespmem:$0x14FA0]  }
0x43e: {  	v12 =	vld [tilespmem:$0x15090]  }
0x43f: {  	v13 =	vld [tilespmem:$0x15180]  }
0x440: {  	v14 =	vld [tilespmem:$0x14A10]  }
0x441: {  	v15 =	vld [tilespmem:$0x14B00]  }
0x442: {  	v16 =	vld [tilespmem:$0x14BF0]  }
0x443: {  	v17 =	vld [tilespmem:$0x14CE0]  }
0x444: {  	v18 =	vld [tilespmem:$0x14DD0]  }
0x445: {  	v19 =	vld [tilespmem:$0x14EC0]  }
0x446: {  	v20 =	vld [tilespmem:$0x14FB0]  }
0x447: {  	v21 =	vld [tilespmem:$0x150A0]  }
0x448: {  	v22 =	vld [tilespmem:$0x15190]  }
0x449: {  	v23 =	vld [tilespmem:$0x14A20]  }
0x44a: {  	v24 =	vld [tilespmem:$0x14B10]  }
0x44b: {  	v25 =	vld [tilespmem:$0x14C00]  }
0x44c: {  	v26 =	vld [tilespmem:$0x14CF0]  }
0x44d: {  	v27 =	vld [tilespmem:$0x14DE0]  }
0x44e: {  	v28 =	vld [tilespmem:$0x14ED0]  }
0x44f: {  	v29 =	vld [tilespmem:$0x14FC0]  }
0x450: {  	v30 =	vld [tilespmem:$0x150B0]  }
0x451: {  	v31 =	vld [tilespmem:$0x151A0]  }
0x452: {  	v32 =	vld [tilespmem:$0x14A30]  }
0x453: {  	v33 =	vld [tilespmem:$0x14B20]  }
0x454: {  	v34 =	vld [tilespmem:$0x14C10]  }
0x455: {  	v35 =	vld [tilespmem:$0x14D00]  }
0x456: {  	v36 =	vld [tilespmem:$0x14DF0]  }
0x457: {  	v37 =	vld [tilespmem:$0x14EE0]  }
0x458: {  	v38 =	vld [tilespmem:$0x14FD0]  }
0x459: {  	v39 =	vld [tilespmem:$0x150C0]  }
0x45a: {  	v40 =	vld [tilespmem:$0x151B0]  }
0x45b: {  	v41 =	vld [tilespmem:$0x14A40]  }
0x45c: {  	v42 =	vld [tilespmem:$0x14B30]  }
0x45d: {  	v43 =	vld [tilespmem:$0x14C20]  }
0x45e: {  	v44 =	vld [tilespmem:$0x14D10]  }
0x45f: {  	v45 =	vld [tilespmem:$0x14E00]  }
0x460: {  	v46 =	vld [tilespmem:$0x14EF0]  }
0x461: {  	v1 =	vld [tilespmem:$0x14FE0]  }
0x462: {  	v58 =	vld [tilespmem:$0x150D0]  }
0x463: {  	v50 =	vld [tilespmem:$0x14A50]  }
0x464: {  	v51 =	vld [tilespmem:$0x14B40]  }
0x465: {  	v52 =	vld [tilespmem:$0x14C30]  }
0x466: {  	v53 =	vld [tilespmem:$0x14D20]  }
0x467: {  	v54 =	vld [tilespmem:$0x14E10]  }
0x468: {  	v55 =	vld [tilespmem:$0x14F00]  }
0x469: {  	v57 =	vld [tilespmem:$0x150E0]  }
0x46a: {  	v59 =	vld [tilespmem:$0x14A60]  }
0x46b: {  	v60 =	vld [tilespmem:$0x14B50]  }
0x46c: {  	v61 =	vld [tilespmem:$0x14C40]  }
0x46d: {  	v62 =	vld [tilespmem:$0x14D30]  }
0x46e: {  	v63 =	vld [tilespmem:$0x14E20]  }
0x46f: {  	v49 =	vld [tilespmem:$0x14C50]  }
0x470: {  	v56 =	vld [tilespmem:$0x15000]  }
0x471: {  	v48 =	vld [tilespmem:$0x150F0]  }
0x472: {  	v47 =	vld [tilespmem:$0x14A70]  }
0x473: {  	[tilespmem:$0x1FEF0] =	vst v1;
	v1 =	vld [tilespmem:$0x151C0]  }
0x474: {  	[tilespmem:$0x1FF50] =	vst v49;
	v49 =	vld [tilespmem:$0x14D40]  }
0x475: {  	v5 =	vadd.s32 v5, v6;
	v6 =	vadd.s32 v8, v9;
	v8 =	vld [tilespmem:$0x14F30]  }
0x476: {  	v9 =	vld [tilespmem:$0x15020]  }
0x477: {  	v18 =	vadd.s32 v17, v18;
	v17 =	vld [tilespmem:$0x14D60]  }
0x478: {  	v21 =	vadd.s32 v20, v21;
	v20 =	vld [tilespmem:$0x14E50]  }
0x479: {  	v24 =	vadd.s32 v23, v24;
	v23 =	vld [tilespmem:$0x15030]  }
0x47a: {  	v27 =	vadd.s32 v26, v27;
	v26 =	vld [tilespmem:$0x15210]  }
0x47b: {  	v30 =	vadd.s32 v29, v30;
	v29 =	vld [tilespmem:$0x14E60]  }
0x47c: {  	v33 =	vadd.s32 v32, v33;
	v32 =	vld [tilespmem:$0x15040]  }
0x47d: {  	v6 =	vadd.s32 v10, v6;
	v10 =	vld [tilespmem:$0x15110]  }
0x47e: {  	v5 =	vadd.s32 v7, v5;
	v7 =	vadd.s32 v11, v12;
	v11 =	vld [tilespmem:$0x15200]  }
0x47f: {  	v12 =	vld [tilespmem:$0x14B80]  }
0x480: {  	v7 =	vadd.s32 v13, v7;
	v13 =	vadd.s32 v19, v18;
	v18 =	vadd.s32 v28, v27;
	v27 =	vld [tilespmem:$0x14D70]  }
0x481: {  	v51 =	vadd.s32 v50, v51;
	v54 =	vadd.s32 v53, v54;
	v19 =	vadd.s32 v31, v30;
	v31 =	vld [tilespmem:$0x14F50]  }
0x482: {  	v5 =	vcvt.s32.f32 v5;
	v6 =	vcvt.s32.f32 v6;
	v30 =	vadd.s32 v55, v54;
	v55 =	vld [tilespmem:$0x1FEF0]  }
0x483: {  	v28 =	vadd.s32 v52, v51;
	v52 =	vld [tilespmem:$0x1FF50]  }
0x484: {  	v5 =	vmax.f32 v5, v6;
	v6 =	vld [tilespmem:$0x14A90]  }
0x485: {  	v7 =	vcvt.s32.f32 v7;
	[tilespmem:$0x1FF00] =	vst v1;
	v1 =	vld [tilespmem:$0x14FF0]  }
0x486: {  	[tilespmem:$0x1FF60] =	vst v49;
	v49 =	vld [tilespmem:$0x14E30]  }
0x487: {  	v5 =	vmax.f32 v5, v7;
	v7 =	vadd.s32 v14, v15;
	v15 =	vld [tilespmem:$0x14C70]  }
0x488: {  	v14 =	vadd.s32 v22, v21;
	v22 =	vld [tilespmem:$0x14F40]  }
0x489: {  	v21 =	vadd.s32 v34, v33;
	v34 =	vld [tilespmem:$0x15130]  }
0x48a: {  	v50 =	vadd.s32 v56, v48;
	v48 =	vadd.s32 v17, v20;
	v20 =	vld [tilespmem:$0x14D90]  }
0x48b: {  	v17 =	vld [tilespmem:$0x15060]  }
0x48c: {  	v7 =	vadd.s32 v16, v7;
	v16 =	vadd.s32 v25, v24;
	v25 =	vld [tilespmem:$0x15120]  }
0x48d: {  	v35 =	vadd.s32 v35, v36;
	v42 =	vadd.s32 v41, v42;
	v41 =	vld [tilespmem:$0x1FF00]  }
0x48e: {  	v24 =	vadd.s32 v37, v35;
	v35 =	vld [tilespmem:$0x14AB0]  }
0x48f: {  	v53 =	vld [tilespmem:$0x1FF60]  }
0x490: {  	v13 =	vcvt.s32.f32 v13;
	v36 =	vcvt.s32.f32 v21;
	v9 =	vadd.s32 v9, v10;
	v10 =	vld [tilespmem:$0x14BB0]  }
0x491: {  	v7 =	vcvt.s32.f32 v7;
	v37 =	vcvt.s32.f32 v24;
	[tilespmem:$0x1FF70] =	vst v49;
	v49 =	vld [tilespmem:$0x14F20]  }
0x492: {  	v24 =	vld [tilespmem:$0x14AA0]  }
0x493: {  	v7 =	vmax.f32 v7, v13;
	v13 =	vmax.f32 v36, v37;
	v37 =	vld [tilespmem:$0x14BA0]  }
0x494: {  	v6 =	vadd.s32 v6, v12;
	v12 =	vld [tilespmem:$0x14CA0]  }
0x495: {  	v14 =	vcvt.s32.f32 v14;
	[tilespmem:$0x1FF10] =	vst v1;
	v1 =	vld [tilespmem:$0x151D0]  }
0x496: {  	v18 =	vcvt.s32.f32 v18;
	v16 =	vcvt.s32.f32 v16;
	[tilespmem:$0x1FF80] =	vst v49;
	v49 =	vld [tilespmem:$0x15010]  }
0x497: {  	vm1 =	vne.f32 v5, $0.0e+00;
	v5 =	vmax.f32 v7, v14;
	v14 =	vld [tilespmem:$0x14B90]  }
0x498: {  	v39 =	vadd.s32 v38, v39;
	v7 =	vmax.f32 v16, v18;
	v18 =	vld [tilespmem:$0x14C80]  }
0x499: {  	v16 =	vadd.s32 v40, v39;
	v39 =	vld [tilespmem:$0x14C90]  }
0x49a: {  	v40 =	vld [tilespmem:$0x14D80]  }
0x49b: {  	[tilespmem:$0x1FF90] =	vst v49;
	v49 =	vld [tilespmem:$0x15100]  }
0x49c: {  	v19 =	vcvt.s32.f32 v19;
	v6 =	vadd.s32 v15, v6;
	v15 =	vld [tilespmem:$0x15240]  }
0x49d: {  	v9 =	vadd.s32 v11, v9;
	v11 =	vadd.s32 v22, v48;
	v48 =	vld [tilespmem:$0x14AE0]  }
0x49e: {  	v45 =	vadd.s32 v44, v45;
	v7 =	vmax.f32 v7, v19;
	v19 =	vadd.s32 v43, v42;
	v42 =	vld [tilespmem:$0x1FF10]  }
0x49f: {  	v21 =	vadd.s32 v46, v45;
	v54 =	vld [tilespmem:$0x1FF70];
	v6 =	vcvt.s32.f32 v6;
	v11 =	vcvt.s32.f32 v11  }
0x4a0: {  	v21 =	vcvt.s32.f32 v21;
	v19 =	vcvt.s32.f32 v19;
	[tilespmem:$0x1FFA0] =	vst v49;
	v49 =	vld [tilespmem:$0x151F0]  }
0x4a1: {  	v33 =	vadd.s32 v55, v58;
	v43 =	vadd.s32 v59, v60;
	v6 =	vmax.f32 v6, v11;
	v11 =	vld [tilespmem:$0x15150]  }
0x4a2: {  	v58 =	vmax.f32 v19, v21;
	v19 =	vadd.s32 v41, v33;
	v33 =	vadd.s32 v61, v43;
	v43 =	vld [tilespmem:$0x14F60]  }
0x4a3: {  	[tilespmem:$0x1FF20] =	vst v1;
	v1 =	vld [tilespmem:$0x14F10]  }
0x4a4: {  	v44 =	vld [tilespmem:$0x1FF20]  }
0x4a5: {  	v28 =	vcvt.s32.f32 v28;
	v30 =	vcvt.s32.f32 v30;
	[tilespmem:$0x1FFD0] =	vst v49;
	v49 =	vld [tilespmem:$0x14A80]  }
0x4a6: {  	v55 =	vld [tilespmem:$0x1FF80]  }
0x4a7: {  	v28 =	vmax.f32 v28, v30;
	v30 =	vadd.s32 v42, v57;
	v42 =	vld [tilespmem:$0x14E70]  }
0x4a8: {  	[tilespmem:$0x1FF30] =	vst v1;
	v1 =	vld [tilespmem:$0x151E0]  }
0x4a9: {  	v46 =	vld [tilespmem:$0x1FF30]  }
0x4aa: {  	v16 =	vcvt.s32.f32 v16;
	v41 =	vadd.s32 v53, v54;
	v30 =	vadd.s32 v44, v30;
	[tilespmem:$0x1FFB0] =	vst v49;
	v49 =	vld [tilespmem:$0x14B70]  }
0x4ab: {  	v19 =	vcvt.s32.f32 v19;
	v41 =	vadd.s32 v55, v41;
	v57 =	vld [tilespmem:$0x1FF90];
	v30 =	vcvt.s32.f32 v30  }
0x4ac: {  	v56 =	vcvt.s32.f32 v41;
	v41 =	vld [tilespmem:$0x15050]  }
0x4ad: {  	v13 =	vmax.f32 v13, v16;
	v16 =	vmax.f32 v58, v19;
	v19 =	vmax.f32 v28, v30;
	v30 =	vld [tilespmem:$0x15140]  }
0x4ae: {  	[tilespmem:$0x1FF40] =	vst v1;
	v1 =	vld [tilespmem:$0x14B60]  }
0x4af: {  	[tilespmem:$0x1FFC0] =	vst v49;
	v49 =	vld [tilespmem:$0x14C60]  }
0x4b0: {  	v51 =	vld [tilespmem:$0x1FF40]  }
0x4b1: {  	v45 =	vadd.s32 v62, v63;
	v58 =	vld [tilespmem:$0x1FFA0]  }
0x4b2: {  	v9 =	vcvt.s32.f32 v9;
	v36 =	vadd.s32 v46, v45;
	v45 =	vld [tilespmem:$0x14AC0]  }
0x4b3: {  	v33 =	vcvt.s32.f32 v33;
	v54 =	vadd.s32 v24, v14;
	v11 =	vadd.s32 v17, v11;
	v61 =	vld [tilespmem:$0x1FFD0]  }
0x4b4: {  	v11 =	vadd.s32 v15, v11;
	v55 =	vadd.s32 v27, v29;
	v1 =	vadd.s32 v47, v1;
	[tilespmem:$0x1FFE0] =	vst v49;
	v49 =	vld [tilespmem:$0x14D50]  }
0x4b5: {  	v11 =	vcvt.s32.f32 v11;
	v14 =	vadd.s32 v31, v55;
	v1 =	vadd.s32 v52, v1;
	v52 =	vld [tilespmem:$0x14E80]  }
0x4b6: {  	v14 =	vcvt.s32.f32 v14;
	v36 =	vcvt.s32.f32 v36;
	v38 =	vadd.s32 v51, v50;
	v59 =	vld [tilespmem:$0x1FFB0]  }
0x4b7: {  	v51 =	vadd.s32 v23, v25;
	v38 =	vcvt.s32.f32 v38;
	v1 =	vcvt.s32.f32 v1;
	v60 =	vld [tilespmem:$0x1FFC0]  }
0x4b8: {  	v33 =	vmax.f32 v33, v36;
	v10 =	vadd.s32 v45, v10;
	v22 =	vadd.s32 v26, v51;
	v62 =	vld [tilespmem:$0x1FFE0]  }
0x4b9: {  	v53 =	vcvt.s32.f32 v22;
	v28 =	vmax.f32 v33, v38;
	v1 =	vmax.f32 v1, v56;
	[tilespmem:$0x1FFF0] =	vst v49;
	v49 =	vld [tilespmem:$0x14E40]  }
0x4ba: {  	v33 =	vadd.s32 v57, v58;
	v57 =	vadd.s32 v35, v37;
	v35 =	vimm.s32 $0x0;
	v63 =	vld [tilespmem:$0x1FFF0]  }
0x4bb: {  	v21 =	vld [tilespmem:$0x15220];
	v56 =	vadd.s32 v32, v34;
	v6 =	vmax.f32 v6, v53;
	v58 =	vsel vm1, $0x1, v35  }
0x4bc: {  	v22 =	vadd.s32 v39, v57;
	v39 =	vld [tilespmem:$0x15070];
	v36 =	vadd.s32 v59, v60;
	v59 =	vadd.s32 v40, v42  }
0x4bd: {  	vm1 =	vne.f32 v5, $0.0e+00;
	v33 =	vadd.s32 v61, v33;
	v60 =	vadd.s32 v43, v59;
	v43 =	vld [tilespmem:$0x15160]  }
0x4be: {  	v38 =	vld [tilespmem:$0x15230];
	v61 =	vcvt.s32.f32 v22;
	v52 =	vadd.s32 v20, v52;
	v36 =	vadd.s32 v62, v36  }
0x4bf: {  	v24 =	vld [tilespmem:$0x14AD0];
	v42 =	vadd.s32 v41, v30;
	v50 =	vcvt.s32.f32 v36;
	v44 =	vadd.s32 v63, v49  }
0x4c0: {  	v29 =	vld [tilespmem:$0x14CB0];
	v49 =	vcvt.s32.f32 v33;
	v63 =	vsel vm1, $0x1, v35;
	vm1 =	vne.f32 v7, $0.0e+00  }
0x4c1: {  	v27 =	vld [tilespmem:$0x14DA0];
	v8 =	vadd.s32 v8, v44;
	v36 =	vsel vm1, $0x1, v35;
	vm1 =	vne.f32 v13, $0.0e+00  }
0x4c2: {  	v55 =	vld [tilespmem:$0x14DB0];
	[tilespmem:$0x14090] =	vst v63;
	v63 =	vadd.s32 v39, v43;
	v8 =	vcvt.s32.f32 v8;
	v1 =	vmax.f32 v1, v49  }
0x4c3: {  	v46 =	vld [tilespmem:$0x15250];
	v40 =	vsel vm1, $0x1, v35;
	vm1 =	vne.f32 v16, $0.0e+00;
	v16 =	vadd.s32 v38, v42  }
0x4c4: {  	v25 =	vld [tilespmem:$0x14F70];
	v44 =	vsel vm1, $0x1, v35;
	vm1 =	vne.f32 v19, $0.0e+00;
	v16 =	vcvt.s32.f32 v16  }
0x4c5: {  	v57 =	vld [tilespmem:$0x14EA0];
	v8 =	vmax.f32 v50, v8;
	v47 =	vsel vm1, $0x1, v35;
	vm1 =	vne.f32 v28, $0.0e+00  }
0x4c6: {  	v26 =	vld [tilespmem:$0x14BC0];
	v8 =	vmax.f32 v8, v9;
	v9 =	vadd.s32 v18, v54;
	v18 =	vadd.s32 v21, v56  }
0x4c7: {  	[tilespmem:$0x14080] =	vst v58;
	v58 =	vld [tilespmem:$0x14F90];
	v49 =	vsel vm1, $0x1, v35;
	vm1 =	vne.f32 v1, $0.0e+00;
	v9 =	vcvt.s32.f32 v9  }
0x4c8: {  	v62 =	vld [tilespmem:$0x14E90];
	v1 =	vadd.s32 v12, v10;
	v5 =	vcvt.s32.f32 v18;
	v18 =	vcvt.s32.f32 v60  }
0x4c9: {  	v7 =	vld [tilespmem:$0x14F80];
	v51 =	vsel vm1, $0x1, v35;
	vm1 =	vne.f32 v8, $0.0e+00;
	v1 =	vcvt.s32.f32 v1  }
0x4ca: {  	v50 =	vld [tilespmem:$0x14BD0];
	v8 =	vadd.s32 v55, v57;
	v54 =	vsel vm1, $0x1, v35;
	v9 =	vmax.f32 v9, v14  }
0x4cb: {  	v53 =	vld [tilespmem:$0x14CC0];
	vm1 =	vne.f32 v6, $0.0e+00;
	v37 =	vmax.f32 v61, v18;
	v5 =	vmax.f32 v9, v5  }
0x4cc: {  	v59 =	vld [tilespmem:$0x15080];
	v56 =	vsel vm1, $0x1, v35;
	vm1 =	vne.f32 v5, $0.0e+00;
	v5 =	vmax.f32 v37, v16  }
0x4cd: {  	[tilespmem:$0x140A0] =	vst v36;
	v6 =	vadd.s32 v25, v52;
	v60 =	vsel vm1, $0x1, v35;
	vm1 =	vne.f32 v5, $0.0e+00;
	v5 =	vld [tilespmem:$0x15170]  }
0x4ce: {  	[tilespmem:$0x140B0] =	vst v40;
	v8 =	vadd.s32 v58, v8;
	v6 =	vcvt.s32.f32 v6;
	v61 =	vadd.s32 v27, v62;
	v62 =	vld [tilespmem:$0x15260]  }
0x4cf: {  	[tilespmem:$0x140C0] =	vst v44;
	v8 =	vcvt.s32.f32 v8;
	v7 =	vadd.s32 v7, v61;
	v10 =	vadd.s32 v48, v50  }
0x4d0: {  	[tilespmem:$0x140D0] =	vst v47;
	v1 =	vmax.f32 v1, v6;
	v6 =	vadd.s32 v24, v26;
	v10 =	vadd.s32 v53, v10  }
0x4d1: {  	[tilespmem:$0x140E0] =	vst v49;
	v7 =	vcvt.s32.f32 v7;
	v1 =	vmax.f32 v1, v11;
	v6 =	vadd.s32 v29, v6  }
0x4d2: {  	[tilespmem:$0x140F0] =	vst v51;
	v11 =	vadd.s32 v46, v63;
	v6 =	vcvt.s32.f32 v6;
	v5 =	vadd.s32 v59, v5  }
0x4d3: {  	[tilespmem:$0x14100] =	vst v54;
	v10 =	vcvt.s32.f32 v10;
	v11 =	vcvt.s32.f32 v11;
	v5 =	vadd.s32 v62, v5  }
0x4d4: {  	[tilespmem:$0x14110] =	vst v56;
	v6 =	vmax.f32 v6, v7;
	v7 =	vsel vm1, $0x1, v35;
	v5 =	vcvt.s32.f32 v5  }
0x4d5: {  	[tilespmem:$0x14120] =	vst v60;
	vm1 =	vne.f32 v1, $0.0e+00;
	v1 =	vmax.f32 v6, v11;
	v6 =	vmax.f32 v10, v8  }
0x4d6: {  	[tilespmem:$0x14130] =	vst v7;
	v5 =	vmax.f32 v6, v5;
	v6 =	vsel vm1, $0x1, v35;
	vm1 =	vne.f32 v1, $0.0e+00  }
0x4d7: {  	[tilespmem:$0x14140] =	vst v6;
	v1 =	vsel vm1, $0x1, v35;
	vm1 =	vne.f32 v5, $0.0e+00  }
0x4d8: {  	s23 =	simm.s32 $0x80;
	[tilespmem:$0x14150] =	vst v1;
	v1 =	vsel vm1, $0x1, v35  }
0x4d9: {  	s24 =	simm.s32 $0x400;
	s25 =	simm.s32 $0x14080;
	s21 =	rddreg [dreg:$0xc];
	[tilespmem:$0x14160] =	vst v1  }
0x4da: {  	[hbm4b:s21+s23] =	stream.strided.scatter [tilespmem:s25], [sflag:$0x3], $0x100, s24, s23, $0x38;
	[tilespmem:$0x1D980] =	vst v63  }
0x4db: {  	_ =	swait.ge [sflag:s18], $0x100  }
0x4dc: {  	[sflag:s18] =	ssyncset.done $0x0  }
0x4dd: {  	s19 =	simm.s32 $0x0;
	s20 =	simm.s32 $0x0;
	[sflag:s18] =	ssyncadd.s32 $0xFFFFFF00  }
.LBB2_102:
0x4de: {  	s8 =	smul.u32 $0x120, s20;
	_ =	sdelay $0x1  }
0x4df: {  	s8 =	sshra.s32 s8, $0x2  }
0x4e0: {  	v1 =	vld [tilespmem:s8+$0x0];
	_ =	sdelay $0x4  }
0x4e1: {  	v5 =	vshrl.u32 v1, $0x3  }
0x4e2: {  	v5 =	vmul.u32 $0x30, v5  }
0x4e3: {  	v1 =	vand.u32 $0x7, v1  }
0x4e4: {  	v1 =	vor.u32 v1, v5  }
0x4e5: {  	v5 =	vperm.xlane v1, v2;
	_ =	sdelay $0x1  }
0x4e6: {  	v5 =	vadd.s32 v3, v5;
	_ =	sdelay $0x3  }
0x4e7: {  	v1 =	vperm.xlane v1, v4  }
0x4e8: {  	[tilespmem:s26], [sflag:$0x1] =	stream.indirect_vreg.gather [hbm4b:s1+s19], $0x80, v5, vm0, $0xb8;
	[tilespmem:$0x1D980] =	vst v63  }
0x4e9: {  	s7 =	simm.s32 $0x1080;
	v1 =	vadd.s32 v3, v1  }
0x4ea: {  	[tilespmem:s7], [sflag:$0x1] =	stream.indirect_vreg.gather [hbm4b:s13+s19], $0x80, v5, vm0, $0xb8;
	[tilespmem:$0x1D980] =	vst v63  }
0x4eb: {  	s9 =	simm.s32 $0x1880  }
0x4ec: {  	[tilespmem:s9], [sflag:$0x1] =	stream.indirect_vreg.gather [hbm4b:s14+s19], $0x80, v5, vm0, $0xb8;
	[tilespmem:$0x1D980] =	vst v63  }
0x4ed: {  	s10 =	simm.s32 $0x2080  }
0x4ee: {  	[tilespmem:s10], [sflag:$0x1] =	stream.indirect_vreg.gather [hbm4b:s1+s19], $0x80, v1, vm0, $0xb8;
	[tilespmem:$0x1D980] =	vst v63  }
0x4ef: {  	s11 =	simm.s32 $0x2880  }
0x4f0: {  	[tilespmem:s11], [sflag:$0x1] =	stream.indirect_vreg.gather [hbm4b:s13+s19], $0x80, v1, vm0, $0xb8;
	[tilespmem:$0x1D980] =	vst v63  }
0x4f1: {  	s21 =	simm.s32 $0x3080  }
0x4f2: {  	[tilespmem:s21], [sflag:$0x1] =	stream.indirect_vreg.gather [hbm4b:s14+s19], $0x80, v1, vm0, $0xb8;
	[tilespmem:$0x1D980] =	vst v63  }
0x4f3: {  	v1 =	vld [tilespmem:s8+$0x10];
	_ =	sdelay $0x4  }
0x4f4: {  	v5 =	vshrl.u32 v1, $0x3  }
0x4f5: {  	v5 =	vmul.u32 $0x30, v5  }
0x4f6: {  	v1 =	vand.u32 $0x7, v1  }
0x4f7: {  	v1 =	vor.u32 v1, v5  }
0x4f8: {  	v5 =	vperm.xlane v1, v2;
	_ =	sdelay $0x1  }
0x4f9: {  	v5 =	vadd.s32 v3, v5;
	_ =	sdelay $0x3  }
0x4fa: {  	s23 =	simm.s32 $0x3880;
	v1 =	vperm.xlane v1, v4  }
0x4fb: {  	[tilespmem:s23], [sflag:$0x1] =	stream.indirect_vreg.gather [hbm4b:s1+s19], $0x80, v5, vm0, $0xb8;
	[tilespmem:$0x1D980] =	vst v63  }
0x4fc: {  	s24 =	simm.s32 $0x4080;
	v1 =	vadd.s32 v3, v1  }
0x4fd: {  	[tilespmem:s24], [sflag:$0x1] =	stream.indirect_vreg.gather [hbm4b:s13+s19], $0x80, v5, vm0, $0xb8;
	[tilespmem:$0x1D980] =	vst v63  }
0x4fe: {  	s25 =	simm.s32 $0x4880  }
0x4ff: {  	[tilespmem:s25], [sflag:$0x1] =	stream.indirect_vreg.gather [hbm4b:s14+s19], $0x80, v5, vm0, $0xb8;
	[tilespmem:$0x1D980] =	vst v63  }
0x500: {  	s9 =	simm.s32 $0x5080  }
0x501: {  	[tilespmem:s9], [sflag:$0x1] =	stream.indirect_vreg.gather [hbm4b:s1+s19], $0x80, v1, vm0, $0xb8;
	[tilespmem:$0x1D980] =	vst v63  }
0x502: {  	s10 =	simm.s32 $0x5880  }
0x503: {  	[tilespmem:s10], [sflag:$0x1] =	stream.indirect_vreg.gather [hbm4b:s13+s19], $0x80, v1, vm0, $0xb8;
	[tilespmem:$0x1D980] =	vst v63  }
0x504: {  	s11 =	simm.s32 $0x6080  }
0x505: {  	[tilespmem:s11], [sflag:$0x1] =	stream.indirect_vreg.gather [hbm4b:s14+s19], $0x80, v1, vm0, $0xb8;
	[tilespmem:$0x1D980] =	vst v63  }
0x506: {  	v1 =	vld [tilespmem:s8+$0x20];
	_ =	sdelay $0x4  }
0x507: {  	v5 =	vshrl.u32 v1, $0x3  }
0x508: {  	v5 =	vmul.u32 $0x30, v5  }
0x509: {  	v1 =	vand.u32 $0x7, v1  }
0x50a: {  	v1 =	vor.u32 v1, v5  }
0x50b: {  	v5 =	vperm.xlane v1, v2;
	_ =	sdelay $0x1  }
0x50c: {  	v5 =	vadd.s32 v3, v5;
	_ =	sdelay $0x3  }
0x50d: {  	s21 =	simm.s32 $0x6880;
	v1 =	vperm.xlane v1, v4  }
0x50e: {  	[tilespmem:s21], [sflag:$0x1] =	stream.indirect_vreg.gather [hbm4b:s1+s19], $0x80, v5, vm0, $0xb8;
	[tilespmem:$0x1D980] =	vst v63  }
0x50f: {  	s23 =	simm.s32 $0x7080;
	v1 =	vadd.s32 v3, v1  }
0x510: {  	[tilespmem:s23], [sflag:$0x1] =	stream.indirect_vreg.gather [hbm4b:s13+s19], $0x80, v5, vm0, $0xb8;
	[tilespmem:$0x1D980] =	vst v63  }
0x511: {  	s24 =	simm.s32 $0x7880  }
0x512: {  	[tilespmem:s24], [sflag:$0x1] =	stream.indirect_vreg.gather [hbm4b:s14+s19], $0x80, v5, vm0, $0xb8;
	[tilespmem:$0x1D980] =	vst v63  }
0x513: {  	s25 =	simm.s32 $0x8080  }
0x514: {  	[tilespmem:s25], [sflag:$0x1] =	stream.indirect_vreg.gather [hbm4b:s1+s19], $0x80, v1, vm0, $0xb8;
	[tilespmem:$0x1D980] =	vst v63  }
0x515: {  	s9 =	simm.s32 $0x8880  }
0x516: {  	[tilespmem:s9], [sflag:$0x1] =	stream.indirect_vreg.gather [hbm4b:s13+s19], $0x80, v1, vm0, $0xb8;
	[tilespmem:$0x1D980] =	vst v63  }
0x517: {  	s10 =	simm.s32 $0x9080  }
0x518: {  	[tilespmem:s10], [sflag:$0x1] =	stream.indirect_vreg.gather [hbm4b:s14+s19], $0x80, v1, vm0, $0xb8;
	[tilespmem:$0x1D980] =	vst v63  }
0x519: {  	v1 =	vld [tilespmem:s8+$0x30];
	_ =	sdelay $0x4  }
0x51a: {  	v5 =	vshrl.u32 v1, $0x3  }
0x51b: {  	v5 =	vmul.u32 $0x30, v5  }
0x51c: {  	v1 =	vand.u32 $0x7, v1  }
0x51d: {  	v1 =	vor.u32 v1, v5  }
0x51e: {  	v5 =	vperm.xlane v1, v2;
	_ =	sdelay $0x1  }
0x51f: {  	v5 =	vadd.s32 v3, v5;
	_ =	sdelay $0x3  }
0x520: {  	s11 =	simm.s32 $0x9880;
	v1 =	vperm.xlane v1, v4  }
0x521: {  	[tilespmem:s11], [sflag:$0x1] =	stream.indirect_vreg.gather [hbm4b:s1+s19], $0x80, v5, vm0, $0xb8;
	[tilespmem:$0x1D980] =	vst v63  }
0x522: {  	v1 =	vadd.s32 v3, v1  }
0x523: {  	[tilespmem:s16], [sflag:$0x1] =	stream.indirect_vreg.gather [hbm4b:s13+s19], $0x80, v5, vm0, $0xb8;
	[tilespmem:$0x1D980] =	vst v63  }
0x524: {  	_ = 	snop  }
0x525: {  	[tilespmem:s6], [sflag:$0x1] =	stream.indirect_vreg.gather [hbm4b:s14+s19], $0x80, v5, vm0, $0xb8;
	[tilespmem:$0x1D980] =	vst v63  }
0x526: {  	_ = 	snop  }
0x527: {  	[tilespmem:s17], [sflag:$0x1] =	stream.indirect_vreg.gather [hbm4b:s1+s19], $0x80, v1, vm0, $0xb8;
	[tilespmem:$0x1D980] =	vst v63  }
0x528: {  	_ = 	snop  }
0x529: {  	[tilespmem:s2], [sflag:$0x1] =	stream.indirect_vreg.gather [hbm4b:s13+s19], $0x80, v1, vm0, $0xb8;
	[tilespmem:$0x1D980] =	vst v63  }
0x52a: {  	_ = 	snop  }
0x52b: {  	[tilespmem:s3], [sflag:$0x1] =	stream.indirect_vreg.gather [hbm4b:s14+s19], $0x80, v1, vm0, $0xb8;
	[tilespmem:$0x1D980] =	vst v63  }
0x52c: {  	v1 =	vld.msk [tilespmem:s8+$0x40], $0xff;
	_ =	sdelay $0x4  }
0x52d: {  	v5 =	vshrl.u32 v1, $0x3  }
0x52e: {  	v5 =	vmul.u32 $0x30, v5  }
0x52f: {  	v1 =	vand.u32 $0x7, v1  }
0x530: {  	v1 =	vor.u32 v1, v5  }
0x531: {  	v1 =	vperm.xlane v1, v2;
	_ =	sdelay $0x1  }
0x532: {  	v1 =	vadd.s32 v3, v1;
	_ =	sdelay $0x4  }
0x533: {  	[tilespmem:s28], [sflag:$0x1] =	stream.indirect_vreg.gather [hbm4b:s1+s19], $0x80, v1, vm0, $0xb8;
	[tilespmem:$0x1D980] =	vst v63  }
0x534: {  	s21 =	smul.u32 $0x12000, s20  }
0x535: {  	[tilespmem:s29], [sflag:$0x1] =	stream.indirect_vreg.gather [hbm4b:s13+s19], $0x80, v1, vm0, $0xb8;
	[tilespmem:$0x1D980] =	vst v63  }
0x536: {  	s8 =	sshra.s32 s21, $0x2  }
0x537: {  	[tilespmem:s30], [sflag:$0x1] =	stream.indirect_vreg.gather [hbm4b:s14+s19], $0x80, v1, vm0, $0xb8;
	[tilespmem:$0x1D980] =	vst v63  }
0x538: {  	s8 =	sadd.s32 s8, s12  }
0x539: {  	[tilespmem:s31], [sflag:$0x2] =	stream.linear.gather [spmem:s8], $0x4800, $0x38;
	[tilespmem:$0x1D980] =	vst v63  }
0x53a: {  	_ =	swait.ge [sflag:s22], $0xD800  }
0x53b: {  	[sflag:s22] =	ssyncset.done $0x0  }
0x53c: {  	[sflag:s22] =	ssyncadd.s32 $0xFFFF2800  }
0x53d: {  	_ =	swait.ge [sflag:s0], $0x4800  }
0x53e: {  	s23 =	sand.u32 $0x70, s19;
	s9 =	sand.u32 $0x1C00, s19;
	[sflag:s0] =	ssyncset.done $0x0  }
0x53f: {  	s21 =	sor.u32 s23, s9;
	[sflag:s0] =	ssyncadd.s32 $0xFFFFB800  }
0x540: {  	v1 =	vld [tilespmem:s21+$0xE080]  }
0x541: {  	v5 =	vld [tilespmem:s21+$0x980]  }
0x542: {  	v6 =	vld [tilespmem:s21+$0xB80]  }
0x543: {  	v7 =	vld [tilespmem:s21+$0x880]  }
0x544: {  	v8 =	vld [tilespmem:s21+$0x900]  }
0x545: {  	s24 =	sor.u32 s19, s19;
	v9 =	vld [tilespmem:s21+$0xA00]  }
0x546: {  	s8 =	sor.u32 $0x380, s24;
	v10 =	vld [tilespmem:s21+$0xA80]  }
0x547: {  	v11 =	vld [tilespmem:s8+$0x880]  }
0x548: {  	v12 =	vld [tilespmem:s21+$0xB00]  }
0x549: {  	v13 =	vld [tilespmem:s21+$0x2080]  }
0x54a: {  	v14 =	vld [tilespmem:s21+$0xE100]  }
0x54b: {  	v7 =	vadd.f32 v8, v7;
	v8 =	vadd.f32 v10, v9;
	v9 =	vld [tilespmem:s21+$0xE180]  }
0x54c: {  	s23 =	simm.s32 $0x80;
	s8 =	simm.s32 $0x10;
	v6 =	vadd.f32 v11, v6  }
0x54d: {  	s10 =	sand.u32 $0x1C00, s23;
	s25 =	sand.u32 $0x70, s8;
	v7 =	vadd.f32 v5, v7;
	v8 =	vadd.f32 v12, v8  }
0x54e: {  	s25 =	sor.u32 s25, s10;
	v10 =	vadd.f32 v13, v6  }
0x54f: {  	v5 =	vld [tilespmem:s25+$0xE080];
	v1 =	vadd.f32 v1, v7;
	v8 =	vadd.f32 v14, v8  }
0x550: {  	v6 =	vld [tilespmem:s25+$0x980];
	v9 =	vadd.f32 v9, v10  }
0x551: {  	v7 =	vld [tilespmem:s25+$0xB80];
	v1 =	vmax.f32 v1, v8  }
0x552: {  	v8 =	vld [tilespmem:s25+$0x880];
	v1 =	vmax.f32 v1, v9  }
0x553: {  	s9 =	simm.s32 $0x20;
	v9 =	vld [tilespmem:s25+$0x900];
	v10 =	vmul.f32 $9.237604140e+00, v1  }
.LBB2_103:
0x554: {  	p1 =	sne.s32 s9, $0x2F0;
	v1 =	vld [tilespmem:s25+$0xA00];
	s10 =	sor.u32 s23, s8;
	s8 =	smov.u32 s9  }
0x555: {  	v11 =	vld [tilespmem:s25+$0xA80];
	s10 =	sor.u32 $0x380, s10;
	[tilespmem:s21+$0x12880] =	vst v10;
	s21 =	smov.u32 s25  }
0x556: {  	v10 =	vld [tilespmem:s10+$0x880]  }
0x557: {  	v12 =	vld [tilespmem:s21+$0xB00]  }
0x558: {  	v13 =	vld [tilespmem:s21+$0x2080]  }
0x559: {  	v14 =	vld [tilespmem:s21+$0xE100]  }
0x55a: {  	v8 =	vadd.f32 v9, v8;
	v1 =	vadd.f32 v11, v1;
	v9 =	vld [tilespmem:s21+$0xE180]  }
0x55b: {  	s23 =	sadd.s32 $0x80, s23;
	v7 =	vadd.f32 v10, v7  }
0x55c: {  	s11 =	sand.u32 $0x1C00, s23;
	s10 =	sand.u32 $0x70, s9;
	v6 =	vadd.f32 v6, v8;
	v1 =	vadd.f32 v12, v1  }
0x55d: {  	s25 =	sor.u32 s10, s11;
	v7 =	vadd.f32 v13, v7  }
.Ltmp50:
0x55e: {  	v8 =	vadd.f32 v5, v6;
	v5 =	vld [tilespmem:s25+$0xE080];
	v1 =	vadd.f32 v14, v1;
	(pc) =	sbr.rel @p1 .LBB2_103-.Ltmp50, $4  }
0x55f: {  	v6 =	vld [tilespmem:s25+$0x980];
	v9 =	vadd.f32 v9, v7  }
0x560: {  	v7 =	vld [tilespmem:s25+$0xB80];
	v1 =	vmax.f32 v8, v1  }
0x561: {  	v8 =	vld [tilespmem:s25+$0x880];
	v1 =	vmax.f32 v1, v9  }
0x562: {  	s9 =	sadd.s32 $0x10, s9;
	v9 =	vld [tilespmem:s25+$0x900];
	v10 =	vmul.f32 $9.237604140e+00, v1  }
0x563: {  	v1 =	vld [tilespmem:s25+$0xA00];
	s8 =	sor.u32 s23, s8  }
0x564: {  	v11 =	vld [tilespmem:s25+$0xA80];
	s8 =	sor.u32 $0x380, s8;
	[tilespmem:s21+$0x12880] =	vst v10  }
0x565: {  	v10 =	vld [tilespmem:s8+$0x880]  }
0x566: {  	v12 =	vld [tilespmem:s25+$0xB00]  }
0x567: {  	v13 =	vld [tilespmem:s25+$0x2080]  }
0x568: {  	v14 =	vld [tilespmem:s25+$0xE100]  }
0x569: {  	v8 =	vadd.f32 v9, v8;
	v9 =	vld [tilespmem:s25+$0xE180];
	v1 =	vadd.f32 v11, v1  }
0x56a: {  	v7 =	vadd.f32 v10, v7  }
0x56b: {  	v6 =	vadd.f32 v6, v8;
	v1 =	vadd.f32 v12, v1  }
0x56c: {  	v7 =	vadd.f32 v13, v7  }
0x56d: {  	v5 =	vadd.f32 v5, v6;
	v1 =	vadd.f32 v14, v1  }
0x56e: {  	v6 =	vadd.f32 v9, v7  }
0x56f: {  	v1 =	vmax.f32 v5, v1  }
0x570: {  	v1 =	vmax.f32 v1, v6  }
0x571: {  	s24 =	simm.s32 $0x0;
	v1 =	vmul.f32 $9.237604140e+00, v1  }
0x572: {  	s11 =	sand.u32 $0x70, s24;
	s9 =	sand.u32 $0x1C00, s24  }
0x573: {  	s10 =	sor.u32 s11, s9;
	[tilespmem:s25+$0x12880] =	vst v1  }
0x574: {  	v1 =	vld [tilespmem:s10+$0xE200]  }
0x575: {  	v6 =	vld [tilespmem:s10+$0x2200]  }
0x576: {  	v5 =	vld [tilespmem:s10+$0x2400]  }
0x577: {  	v7 =	vld [tilespmem:s10+$0x2100]  }
0x578: {  	v8 =	vld [tilespmem:s10+$0x2180]  }
0x579: {  	v9 =	vld [tilespmem:s10+$0x2280]  }
0x57a: {  	v10 =	vld [tilespmem:s10+$0x2300]  }
0x57b: {  	v11 =	vld [tilespmem:s10+$0x3880]  }
0x57c: {  	v12 =	vld [tilespmem:s10+$0x2380]  }
0x57d: {  	s23 =	simm.s32 $0x10;
	s9 =	simm.s32 $0x80;
	v13 =	vld [tilespmem:s10+$0x3900]  }
0x57e: {  	s21 =	sand.u32 $0x1C00, s9;
	s25 =	sand.u32 $0x70, s23;
	v14 =	vld [tilespmem:s10+$0xE280]  }
0x57f: {  	s8 =	sor.u32 s25, s21;
	v15 =	vld [tilespmem:s10+$0xE300];
	v8 =	vadd.f32 v8, v7;
	v9 =	vadd.f32 v10, v9  }
0x580: {  	v7 =	vld [tilespmem:s8+$0xE200];
	v10 =	vadd.f32 v11, v5  }
0x581: {  	v5 =	vld [tilespmem:s8+$0x2200];
	v11 =	vadd.f32 v6, v8;
	v9 =	vadd.f32 v12, v9  }
0x582: {  	v6 =	vld [tilespmem:s8+$0x2400];
	v12 =	vadd.f32 v13, v10  }
0x583: {  	v8 =	vld [tilespmem:s8+$0x2100];
	v10 =	vadd.f32 v1, v11;
	v11 =	vadd.f32 v14, v9  }
0x584: {  	s11 =	simm.s32 $0x20;
	s21 =	smov.u32 s10;
	v9 =	vld [tilespmem:s8+$0x2180];
	v12 =	vadd.f32 v15, v12  }
.LBB2_105:
0x585: {  	p1 =	sne.s32 s11, $0x2F0;
	v1 =	vld [tilespmem:s8+$0x2280];
	v10 =	vmax.f32 v10, v11;
	v11 =	vmov v7  }
0x586: {  	v7 =	vld [tilespmem:s8+$0x2300];
	v10 =	vmax.f32 v10, v12  }
0x587: {  	v12 =	vld [tilespmem:s8+$0x3880];
	v10 =	vmul.f32 $9.237604140e+00, v10  }
0x588: {  	v13 =	vld [tilespmem:s8+$0x2380]  }
0x589: {  	s9 =	sadd.s32 $0x80, s9;
	v14 =	vld [tilespmem:s8+$0x3900];
	[tilespmem:s21+$0x12900] =	vst v10;
	s21 =	smov.u32 s8  }
0x58a: {  	s7 =	sand.u32 $0x1C00, s9;
	s8 =	sand.u32 $0x70, s11;
	v15 =	vld [tilespmem:s21+$0xE280]  }
0x58b: {  	v8 =	vadd.f32 v9, v8;
	s8 =	sor.u32 s8, s7;
	v1 =	vadd.f32 v7, v1;
	v16 =	vld [tilespmem:s21+$0xE300]  }
.Ltmp51:
0x58c: {  	v7 =	vld [tilespmem:s8+$0xE200];
	v9 =	vadd.f32 v12, v6;
	(pc) =	sbr.rel @p1 .LBB2_105-.Ltmp51, $4  }
0x58d: {  	v10 =	vadd.f32 v5, v8;
	v5 =	vld [tilespmem:s8+$0x2200];
	v1 =	vadd.f32 v13, v1  }
0x58e: {  	v6 =	vld [tilespmem:s8+$0x2400];
	v12 =	vadd.f32 v14, v9  }
0x58f: {  	v10 =	vadd.f32 v11, v10;
	v8 =	vld [tilespmem:s8+$0x2100];
	v11 =	vadd.f32 v15, v1  }
0x590: {  	s11 =	sadd.s32 $0x10, s11;
	v9 =	vld [tilespmem:s8+$0x2180];
	v12 =	vadd.f32 v16, v12  }
0x591: {  	v1 =	vld [tilespmem:s8+$0x2280];
	v10 =	vmax.f32 v10, v11  }
0x592: {  	v11 =	vld [tilespmem:s8+$0x2300];
	v10 =	vmax.f32 v10, v12  }
0x593: {  	v12 =	vld [tilespmem:s8+$0x3880];
	v10 =	vmul.f32 $9.237604140e+00, v10  }
0x594: {  	v13 =	vld [tilespmem:s8+$0x2380]  }
0x595: {  	v14 =	vld [tilespmem:s8+$0x3900];
	[tilespmem:s21+$0x12900] =	vst v10  }
0x596: {  	v10 =	vld [tilespmem:s8+$0xE280]  }
0x597: {  	v8 =	vadd.f32 v9, v8;
	v1 =	vadd.f32 v11, v1;
	v9 =	vld [tilespmem:s8+$0xE300]  }
0x598: {  	v6 =	vadd.f32 v12, v6  }
0x599: {  	v5 =	vadd.f32 v5, v8;
	v1 =	vadd.f32 v13, v1  }
0x59a: {  	v6 =	vadd.f32 v14, v6  }
0x59b: {  	v5 =	vadd.f32 v7, v5;
	v1 =	vadd.f32 v10, v1  }
0x59c: {  	v6 =	vadd.f32 v9, v6  }
0x59d: {  	v1 =	vmax.f32 v5, v1  }
0x59e: {  	v1 =	vmax.f32 v1, v6  }
0x59f: {  	v1 =	vmul.f32 $9.237604140e+00, v1;
	_ =	sdelay $0x1  }
0x5a0: {  	[tilespmem:s8+$0x12900] =	vst v1  }
0x5a1: {  	v1 =	vld [tilespmem:s10+$0xE380]  }
0x5a2: {  	v6 =	vld [tilespmem:s10+$0x3A80]  }
0x5a3: {  	v5 =	vld [tilespmem:s10+$0x5080]  }
0x5a4: {  	v7 =	vld [tilespmem:s10+$0x3980]  }
0x5a5: {  	v8 =	vld [tilespmem:s10+$0x3A00]  }
0x5a6: {  	v9 =	vld [tilespmem:s10+$0x3B00]  }
0x5a7: {  	v10 =	vld [tilespmem:s10+$0x3B80]  }
0x5a8: {  	v11 =	vld [tilespmem:s10+$0x5100]  }
0x5a9: {  	s7 =	sor.u32 s24, s24;
	v12 =	vld [tilespmem:s10+$0x3C00]  }
0x5aa: {  	s7 =	sor.u32 $0x380, s7;
	s8 =	simm.s32 $0x80;
	v13 =	vld [tilespmem:s10+$0x5180]  }
0x5ab: {  	s9 =	sand.u32 $0x1C00, s8;
	v14 =	vld [tilespmem:s7+$0xE080]  }
0x5ac: {  	v15 =	vld [tilespmem:s10+$0xF880];
	s24 =	sor.u32 s25, s9;
	v8 =	vadd.f32 v8, v7;
	v9 =	vadd.f32 v10, v9  }
0x5ad: {  	v7 =	vld [tilespmem:s24+$0xE380];
	v10 =	vadd.f32 v11, v5  }
0x5ae: {  	v5 =	vld [tilespmem:s24+$0x3A80];
	v11 =	vadd.f32 v6, v8;
	v9 =	vadd.f32 v12, v9  }
0x5af: {  	v6 =	vld [tilespmem:s24+$0x5080];
	v12 =	vadd.f32 v13, v10  }
0x5b0: {  	v8 =	vld [tilespmem:s24+$0x3980];
	v10 =	vadd.f32 v1, v11;
	v11 =	vadd.f32 v14, v9  }
0x5b1: {  	s9 =	simm.s32 $0x20;
	v9 =	vld [tilespmem:s24+$0x3A00];
	v12 =	vadd.f32 v15, v12  }
.LBB2_107:
0x5b2: {  	p1 =	sne.s32 s9, $0x2F0;
	v1 =	vld [tilespmem:s24+$0x3B00];
	v10 =	vmax.f32 v10, v11;
	v11 =	vmov v7  }
0x5b3: {  	v7 =	vld [tilespmem:s24+$0x3B80];
	v10 =	vmax.f32 v10, v12  }
0x5b4: {  	v12 =	vld [tilespmem:s24+$0x5100];
	v10 =	vmul.f32 $9.237604140e+00, v10  }
0x5b5: {  	s7 =	sor.u32 s8, s23;
	s23 =	smov.u32 s9;
	v13 =	vld [tilespmem:s24+$0x3C00]  }
0x5b6: {  	s8 =	sadd.s32 $0x80, s8;
	s7 =	sor.u32 $0x380, s7;
	v14 =	vld [tilespmem:s24+$0x5180];
	[tilespmem:s10+$0x12980] =	vst v10  }
0x5b7: {  	s11 =	sand.u32 $0x70, s9;
	s21 =	sand.u32 $0x1C00, s8;
	s10 =	smov.u32 s24;
	v15 =	vld [tilespmem:s7+$0xE080]  }
0x5b8: {  	s24 =	sor.u32 s11, s21;
	v8 =	vadd.f32 v9, v8;
	v1 =	vadd.f32 v7, v1;
	v16 =	vld [tilespmem:s10+$0xF880]  }
.Ltmp52:
0x5b9: {  	v7 =	vld [tilespmem:s24+$0xE380];
	v9 =	vadd.f32 v12, v6;
	(pc) =	sbr.rel @p1 .LBB2_107-.Ltmp52, $4  }
0x5ba: {  	v10 =	vadd.f32 v5, v8;
	v5 =	vld [tilespmem:s24+$0x3A80];
	v1 =	vadd.f32 v13, v1  }
0x5bb: {  	v6 =	vld [tilespmem:s24+$0x5080];
	v12 =	vadd.f32 v14, v9  }
0x5bc: {  	v10 =	vadd.f32 v11, v10;
	v8 =	vld [tilespmem:s24+$0x3980];
	v11 =	vadd.f32 v15, v1  }
0x5bd: {  	s9 =	sadd.s32 $0x10, s9;
	v9 =	vld [tilespmem:s24+$0x3A00];
	v12 =	vadd.f32 v16, v12  }
0x5be: {  	v1 =	vld [tilespmem:s24+$0x3B00];
	v10 =	vmax.f32 v10, v11  }
0x5bf: {  	v11 =	vld [tilespmem:s24+$0x3B80];
	v10 =	vmax.f32 v10, v12  }
0x5c0: {  	v12 =	vld [tilespmem:s24+$0x5100];
	v10 =	vmul.f32 $9.237604140e+00, v10  }
0x5c1: {  	v13 =	vld [tilespmem:s24+$0x3C00];
	s7 =	sor.u32 s8, s23  }
0x5c2: {  	v14 =	vld [tilespmem:s24+$0x5180];
	s7 =	sor.u32 $0x380, s7;
	[tilespmem:s10+$0x12980] =	vst v10  }
0x5c3: {  	v10 =	vld [tilespmem:s7+$0xE080]  }
0x5c4: {  	v8 =	vadd.f32 v9, v8;
	v1 =	vadd.f32 v11, v1;
	v9 =	vld [tilespmem:s24+$0xF880]  }
0x5c5: {  	v6 =	vadd.f32 v12, v6  }
0x5c6: {  	v5 =	vadd.f32 v5, v8;
	v1 =	vadd.f32 v13, v1  }
0x5c7: {  	v6 =	vadd.f32 v14, v6  }
0x5c8: {  	v5 =	vadd.f32 v7, v5;
	v1 =	vadd.f32 v10, v1  }
0x5c9: {  	v6 =	vadd.f32 v9, v6  }
0x5ca: {  	v1 =	vmax.f32 v5, v1  }
0x5cb: {  	v1 =	vmax.f32 v1, v6  }
0x5cc: {  	s21 =	simm.s32 $0x0;
	v1 =	vmul.f32 $9.237604140e+00, v1  }
0x5cd: {  	s23 =	sand.u32 $0x70, s21;
	s7 =	sand.u32 $0x1C00, s21  }
0x5ce: {  	s21 =	sor.u32 s23, s7;
	[tilespmem:s24+$0x12980] =	vst v1  }
0x5cf: {  	v1 =	vld [tilespmem:s21+$0xF900]  }
0x5d0: {  	v6 =	vld [tilespmem:s21+$0x5300]  }
0x5d1: {  	v5 =	vld [tilespmem:s21+$0x6900]  }
0x5d2: {  	v7 =	vld [tilespmem:s21+$0x5200]  }
0x5d3: {  	v8 =	vld [tilespmem:s21+$0x5280]  }
0x5d4: {  	v9 =	vld [tilespmem:s21+$0x5380]  }
0x5d5: {  	v10 =	vld [tilespmem:s21+$0x5400]  }
0x5d6: {  	v11 =	vld [tilespmem:s21+$0x6980]  }
0x5d7: {  	v12 =	vld [tilespmem:s21+$0x6880]  }
0x5d8: {  	s9 =	simm.s32 $0x80;
	s24 =	simm.s32 $0x10;
	v13 =	vld [tilespmem:s21+$0x6A00]  }
0x5d9: {  	s25 =	sand.u32 $0x1C00, s9;
	s23 =	sand.u32 $0x70, s24;
	v14 =	vld [tilespmem:s21+$0xF980]  }
0x5da: {  	v15 =	vld [tilespmem:s21+$0xFA00];
	s8 =	sor.u32 s23, s25;
	v8 =	vadd.f32 v8, v7;
	v9 =	vadd.f32 v10, v9  }
0x5db: {  	v7 =	vld [tilespmem:s8+$0xF900];
	v10 =	vadd.f32 v11, v5  }
0x5dc: {  	v5 =	vld [tilespmem:s8+$0x5300];
	v11 =	vadd.f32 v6, v8;
	v9 =	vadd.f32 v12, v9  }
0x5dd: {  	v6 =	vld [tilespmem:s8+$0x6900];
	v12 =	vadd.f32 v13, v10  }
0x5de: {  	v8 =	vld [tilespmem:s8+$0x5200];
	v10 =	vadd.f32 v1, v11;
	v11 =	vadd.f32 v14, v9  }
0x5df: {  	s11 =	simm.s32 $0x20;
	s10 =	smov.u32 s21;
	v9 =	vld [tilespmem:s8+$0x5280];
	v12 =	vadd.f32 v15, v12  }
.LBB2_109:
0x5e0: {  	p1 =	sne.s32 s11, $0x2F0;
	v1 =	vld [tilespmem:s8+$0x5380];
	v10 =	vmax.f32 v10, v11;
	v11 =	vmov v7  }
0x5e1: {  	v7 =	vld [tilespmem:s8+$0x5400];
	v10 =	vmax.f32 v10, v12  }
0x5e2: {  	v12 =	vld [tilespmem:s8+$0x6980];
	v10 =	vmul.f32 $9.237604140e+00, v10  }
0x5e3: {  	v13 =	vld [tilespmem:s8+$0x6880]  }
0x5e4: {  	s9 =	sadd.s32 $0x80, s9;
	v14 =	vld [tilespmem:s8+$0x6A00];
	[tilespmem:s10+$0x12A00] =	vst v10;
	s10 =	smov.u32 s8  }
0x5e5: {  	s7 =	sand.u32 $0x70, s11;
	s8 =	sand.u32 $0x1C00, s9;
	v15 =	vld [tilespmem:s10+$0xF980]  }
0x5e6: {  	v8 =	vadd.f32 v9, v8;
	s8 =	sor.u32 s7, s8;
	v1 =	vadd.f32 v7, v1;
	v16 =	vld [tilespmem:s10+$0xFA00]  }
.Ltmp53:
0x5e7: {  	v7 =	vld [tilespmem:s8+$0xF900];
	v9 =	vadd.f32 v12, v6;
	(pc) =	sbr.rel @p1 .LBB2_109-.Ltmp53, $4  }
0x5e8: {  	v10 =	vadd.f32 v5, v8;
	v5 =	vld [tilespmem:s8+$0x5300];
	v1 =	vadd.f32 v13, v1  }
0x5e9: {  	v6 =	vld [tilespmem:s8+$0x6900];
	v12 =	vadd.f32 v14, v9  }
0x5ea: {  	v10 =	vadd.f32 v11, v10;
	v8 =	vld [tilespmem:s8+$0x5200];
	v11 =	vadd.f32 v15, v1  }
0x5eb: {  	s11 =	sadd.s32 $0x10, s11;
	v9 =	vld [tilespmem:s8+$0x5280];
	v12 =	vadd.f32 v16, v12  }
0x5ec: {  	v1 =	vld [tilespmem:s8+$0x5380];
	v10 =	vmax.f32 v10, v11  }
0x5ed: {  	v11 =	vld [tilespmem:s8+$0x5400];
	v10 =	vmax.f32 v10, v12  }
0x5ee: {  	v12 =	vld [tilespmem:s8+$0x6980];
	v10 =	vmul.f32 $9.237604140e+00, v10  }
0x5ef: {  	v13 =	vld [tilespmem:s8+$0x6880]  }
0x5f0: {  	v14 =	vld [tilespmem:s8+$0x6A00];
	[tilespmem:s10+$0x12A00] =	vst v10  }
0x5f1: {  	v10 =	vld [tilespmem:s8+$0xF980]  }
0x5f2: {  	v8 =	vadd.f32 v9, v8;
	v1 =	vadd.f32 v11, v1;
	v9 =	vld [tilespmem:s8+$0xFA00]  }
0x5f3: {  	v6 =	vadd.f32 v12, v6  }
0x5f4: {  	v5 =	vadd.f32 v5, v8;
	v1 =	vadd.f32 v13, v1  }
0x5f5: {  	v6 =	vadd.f32 v14, v6  }
0x5f6: {  	v5 =	vadd.f32 v7, v5;
	v1 =	vadd.f32 v10, v1  }
0x5f7: {  	v6 =	vadd.f32 v9, v6  }
0x5f8: {  	v1 =	vmax.f32 v5, v1  }
0x5f9: {  	v1 =	vmax.f32 v1, v6  }
0x5fa: {  	v1 =	vmul.f32 $9.237604140e+00, v1;
	_ =	sdelay $0x1  }
0x5fb: {  	[tilespmem:s8+$0x12A00] =	vst v1  }
0x5fc: {  	v1 =	vld [tilespmem:s21+$0xFA80]  }
0x5fd: {  	v6 =	vld [tilespmem:s21+$0x6B80]  }
0x5fe: {  	v5 =	vld [tilespmem:s21+$0x8180]  }
0x5ff: {  	v7 =	vld [tilespmem:s21+$0x6A80]  }
0x600: {  	v8 =	vld [tilespmem:s21+$0x6B00]  }
0x601: {  	v9 =	vld [tilespmem:s21+$0x6C00]  }
0x602: {  	v10 =	vld [tilespmem:s21+$0x8080]  }
0x603: {  	v11 =	vld [tilespmem:s21+$0x8200]  }
0x604: {  	v12 =	vld [tilespmem:s21+$0x8100]  }
0x605: {  	s8 =	simm.s32 $0x80;
	v13 =	vld [tilespmem:s21+$0x8280]  }
0x606: {  	s7 =	sand.u32 $0x1C00, s8;
	v14 =	vld [tilespmem:s21+$0xFB00]  }
0x607: {  	v15 =	vld [tilespmem:s21+$0xFB80];
	s23 =	sor.u32 s23, s7;
	v8 =	vadd.f32 v8, v7;
	v9 =	vadd.f32 v10, v9  }
0x608: {  	v7 =	vld [tilespmem:s23+$0xFA80];
	v10 =	vadd.f32 v11, v5  }
0x609: {  	v5 =	vld [tilespmem:s23+$0x6B80];
	v11 =	vadd.f32 v6, v8;
	v9 =	vadd.f32 v12, v9  }
0x60a: {  	v6 =	vld [tilespmem:s23+$0x8180];
	v12 =	vadd.f32 v13, v10  }
0x60b: {  	v8 =	vld [tilespmem:s23+$0x6A80];
	v10 =	vadd.f32 v1, v11;
	v11 =	vadd.f32 v14, v9  }
0x60c: {  	s9 =	simm.s32 $0x20;
	v9 =	vld [tilespmem:s23+$0x6B00];
	v12 =	vadd.f32 v15, v12  }
.LBB2_111:
0x60d: {  	p1 =	sne.s32 s9, $0x2F0;
	v1 =	vld [tilespmem:s23+$0x6C00];
	v10 =	vmax.f32 v10, v11;
	v11 =	vmov v7  }
0x60e: {  	v7 =	vld [tilespmem:s23+$0x8080];
	v10 =	vmax.f32 v10, v12  }
0x60f: {  	v12 =	vld [tilespmem:s23+$0x8200];
	v10 =	vmul.f32 $9.237604140e+00, v10  }
0x610: {  	v13 =	vld [tilespmem:s23+$0x8100]  }
0x611: {  	s8 =	sadd.s32 $0x80, s8;
	v14 =	vld [tilespmem:s23+$0x8280];
	[tilespmem:s21+$0x12A80] =	vst v10;
	s21 =	smov.u32 s23  }
0x612: {  	s7 =	sand.u32 $0x70, s9;
	s10 =	sand.u32 $0x1C00, s8;
	v15 =	vld [tilespmem:s21+$0xFB00]  }
0x613: {  	s23 =	sor.u32 s7, s10;
	v8 =	vadd.f32 v9, v8;
	v1 =	vadd.f32 v7, v1;
	v16 =	vld [tilespmem:s21+$0xFB80]  }
.Ltmp54:
0x614: {  	v7 =	vld [tilespmem:s23+$0xFA80];
	v9 =	vadd.f32 v12, v6;
	(pc) =	sbr.rel @p1 .LBB2_111-.Ltmp54, $4  }
0x615: {  	v10 =	vadd.f32 v5, v8;
	v5 =	vld [tilespmem:s23+$0x6B80];
	v1 =	vadd.f32 v13, v1  }
0x616: {  	v6 =	vld [tilespmem:s23+$0x8180];
	v12 =	vadd.f32 v14, v9  }
0x617: {  	v10 =	vadd.f32 v11, v10;
	v8 =	vld [tilespmem:s23+$0x6A80];
	v11 =	vadd.f32 v15, v1  }
0x618: {  	s9 =	sadd.s32 $0x10, s9;
	v9 =	vld [tilespmem:s23+$0x6B00];
	v12 =	vadd.f32 v16, v12  }
0x619: {  	v1 =	vld [tilespmem:s23+$0x6C00];
	v10 =	vmax.f32 v10, v11  }
0x61a: {  	v11 =	vld [tilespmem:s23+$0x8080];
	v10 =	vmax.f32 v10, v12  }
0x61b: {  	v12 =	vld [tilespmem:s23+$0x8200];
	v10 =	vmul.f32 $9.237604140e+00, v10  }
0x61c: {  	v13 =	vld [tilespmem:s23+$0x8100]  }
0x61d: {  	v14 =	vld [tilespmem:s23+$0x8280];
	[tilespmem:s21+$0x12A80] =	vst v10  }
0x61e: {  	v10 =	vld [tilespmem:s23+$0xFB00]  }
0x61f: {  	v8 =	vadd.f32 v9, v8;
	v1 =	vadd.f32 v11, v1;
	v9 =	vld [tilespmem:s23+$0xFB80]  }
0x620: {  	v6 =	vadd.f32 v12, v6  }
0x621: {  	v5 =	vadd.f32 v5, v8;
	v1 =	vadd.f32 v13, v1  }
0x622: {  	v6 =	vadd.f32 v14, v6  }
0x623: {  	v5 =	vadd.f32 v7, v5;
	v1 =	vadd.f32 v10, v1  }
0x624: {  	v6 =	vadd.f32 v9, v6  }
0x625: {  	v1 =	vmax.f32 v5, v1  }
0x626: {  	v1 =	vmax.f32 v1, v6  }
0x627: {  	s7 =	simm.s32 $0x0;
	v1 =	vmul.f32 $9.237604140e+00, v1  }
0x628: {  	s8 =	sand.u32 $0x70, s7;
	s7 =	sand.u32 $0x1C00, s7  }
0x629: {  	s21 =	sor.u32 s8, s7;
	[tilespmem:s23+$0x12A80] =	vst v1  }
0x62a: {  	v1 =	vld [tilespmem:s21+$0xFC00]  }
0x62b: {  	v6 =	vld [tilespmem:s21+$0x8400]  }
0x62c: {  	v5 =	vld [tilespmem:s21+$0x9A00]  }
0x62d: {  	v7 =	vld [tilespmem:s21+$0x8300]  }
0x62e: {  	v8 =	vld [tilespmem:s21+$0x8380]  }
0x62f: {  	v9 =	vld [tilespmem:s21+$0x9880]  }
0x630: {  	v10 =	vld [tilespmem:s21+$0x9900]  }
0x631: {  	v11 =	vld [tilespmem:s21+$0x9A80]  }
0x632: {  	v12 =	vld [tilespmem:s21+$0x9980]  }
0x633: {  	s24 =	simm.s32 $0x10;
	s9 =	simm.s32 $0x80;
	v13 =	vld [tilespmem:s21+$0x9B00]  }
0x634: {  	s25 =	sand.u32 $0x1C00, s9;
	s23 =	sand.u32 $0x70, s24;
	v14 =	vld [tilespmem:s21+$0x11080]  }
0x635: {  	s8 =	sor.u32 s23, s25;
	v15 =	vld [tilespmem:s21+$0x11100];
	v8 =	vadd.f32 v8, v7;
	v9 =	vadd.f32 v10, v9  }
0x636: {  	v7 =	vld [tilespmem:s8+$0xFC00];
	v10 =	vadd.f32 v11, v5  }
0x637: {  	v5 =	vld [tilespmem:s8+$0x8400];
	v11 =	vadd.f32 v6, v8;
	v9 =	vadd.f32 v12, v9  }
0x638: {  	v6 =	vld [tilespmem:s8+$0x9A00];
	v12 =	vadd.f32 v13, v10  }
0x639: {  	v8 =	vld [tilespmem:s8+$0x8300];
	v10 =	vadd.f32 v1, v11;
	v11 =	vadd.f32 v14, v9  }
0x63a: {  	s11 =	simm.s32 $0x20;
	s10 =	smov.u32 s21;
	v9 =	vld [tilespmem:s8+$0x8380];
	v12 =	vadd.f32 v15, v12  }
.LBB2_113:
0x63b: {  	p1 =	sne.s32 s11, $0x2F0;
	v1 =	vld [tilespmem:s8+$0x9880];
	v10 =	vmax.f32 v10, v11;
	v11 =	vmov v7  }
0x63c: {  	v7 =	vld [tilespmem:s8+$0x9900];
	v10 =	vmax.f32 v10, v12  }
0x63d: {  	v12 =	vld [tilespmem:s8+$0x9A80];
	v10 =	vmul.f32 $9.237604140e+00, v10  }
0x63e: {  	v13 =	vld [tilespmem:s8+$0x9980]  }
0x63f: {  	s9 =	sadd.s32 $0x80, s9;
	v14 =	vld [tilespmem:s8+$0x9B00];
	[tilespmem:s10+$0x12B00] =	vst v10;
	s10 =	smov.u32 s8  }
0x640: {  	s7 =	sand.u32 $0x70, s11;
	s8 =	sand.u32 $0x1C00, s9;
	v15 =	vld [tilespmem:s10+$0x11080]  }
0x641: {  	v8 =	vadd.f32 v9, v8;
	s8 =	sor.u32 s7, s8;
	v1 =	vadd.f32 v7, v1;
	v16 =	vld [tilespmem:s10+$0x11100]  }
.Ltmp55:
0x642: {  	v7 =	vld [tilespmem:s8+$0xFC00];
	v9 =	vadd.f32 v12, v6;
	(pc) =	sbr.rel @p1 .LBB2_113-.Ltmp55, $4  }
0x643: {  	v10 =	vadd.f32 v5, v8;
	v5 =	vld [tilespmem:s8+$0x8400];
	v1 =	vadd.f32 v13, v1  }
0x644: {  	v6 =	vld [tilespmem:s8+$0x9A00];
	v12 =	vadd.f32 v14, v9  }
0x645: {  	v10 =	vadd.f32 v11, v10;
	v8 =	vld [tilespmem:s8+$0x8300];
	v11 =	vadd.f32 v15, v1  }
0x646: {  	s11 =	sadd.s32 $0x10, s11;
	v9 =	vld [tilespmem:s8+$0x8380];
	v12 =	vadd.f32 v16, v12  }
0x647: {  	v1 =	vld [tilespmem:s8+$0x9880];
	v10 =	vmax.f32 v10, v11  }
0x648: {  	v11 =	vld [tilespmem:s8+$0x9900];
	v10 =	vmax.f32 v10, v12  }
0x649: {  	v12 =	vld [tilespmem:s8+$0x9A80];
	v10 =	vmul.f32 $9.237604140e+00, v10  }
0x64a: {  	v13 =	vld [tilespmem:s8+$0x9980]  }
0x64b: {  	v14 =	vld [tilespmem:s8+$0x9B00];
	[tilespmem:s10+$0x12B00] =	vst v10  }
0x64c: {  	v10 =	vld [tilespmem:s8+$0x11080]  }
0x64d: {  	v8 =	vadd.f32 v9, v8;
	v1 =	vadd.f32 v11, v1;
	v9 =	vld [tilespmem:s8+$0x11100]  }
0x64e: {  	v6 =	vadd.f32 v12, v6  }
0x64f: {  	v5 =	vadd.f32 v5, v8;
	v1 =	vadd.f32 v13, v1  }
0x650: {  	v6 =	vadd.f32 v14, v6  }
0x651: {  	v5 =	vadd.f32 v7, v5;
	v1 =	vadd.f32 v10, v1  }
0x652: {  	v6 =	vadd.f32 v9, v6  }
0x653: {  	v1 =	vmax.f32 v5, v1  }
0x654: {  	v1 =	vmax.f32 v1, v6  }
0x655: {  	v1 =	vmul.f32 $9.237604140e+00, v1;
	_ =	sdelay $0x1  }
0x656: {  	[tilespmem:s8+$0x12B00] =	vst v1  }
0x657: {  	v1 =	vld [tilespmem:s21+$0x11180]  }
0x658: {  	v6 =	vld [tilespmem:s21+$0xB080]  }
0x659: {  	v5 =	vld [tilespmem:s21+$0xB280]  }
0x65a: {  	v7 =	vld [tilespmem:s21+$0x9B80]  }
0x65b: {  	v8 =	vld [tilespmem:s21+$0x9C00]  }
0x65c: {  	v9 =	vld [tilespmem:s21+$0xB100]  }
0x65d: {  	v10 =	vld [tilespmem:s21+$0xB180]  }
0x65e: {  	v11 =	vld [tilespmem:s21+$0xB300]  }
0x65f: {  	v12 =	vld [tilespmem:s21+$0xB200]  }
0x660: {  	s8 =	simm.s32 $0x80;
	v13 =	vld [tilespmem:s21+$0xB380]  }
0x661: {  	s7 =	sand.u32 $0x1C00, s8;
	v14 =	vld [tilespmem:s21+$0x11200]  }
0x662: {  	v15 =	vld [tilespmem:s21+$0x11280];
	s23 =	sor.u32 s23, s7;
	v8 =	vadd.f32 v8, v7;
	v9 =	vadd.f32 v10, v9  }
0x663: {  	v7 =	vld [tilespmem:s23+$0x11180];
	v10 =	vadd.f32 v11, v5  }
0x664: {  	v5 =	vld [tilespmem:s23+$0xB080];
	v11 =	vadd.f32 v6, v8;
	v9 =	vadd.f32 v12, v9  }
0x665: {  	v6 =	vld [tilespmem:s23+$0xB280];
	v12 =	vadd.f32 v13, v10  }
0x666: {  	v8 =	vld [tilespmem:s23+$0x9B80];
	v10 =	vadd.f32 v1, v11;
	v11 =	vadd.f32 v14, v9  }
0x667: {  	s9 =	simm.s32 $0x20;
	v9 =	vld [tilespmem:s23+$0x9C00];
	v12 =	vadd.f32 v15, v12  }
.LBB2_115:
0x668: {  	p1 =	sne.s32 s9, $0x2F0;
	v1 =	vld [tilespmem:s23+$0xB100];
	v10 =	vmax.f32 v10, v11;
	v11 =	vmov v7  }
0x669: {  	v7 =	vld [tilespmem:s23+$0xB180];
	v10 =	vmax.f32 v10, v12  }
0x66a: {  	v12 =	vld [tilespmem:s23+$0xB300];
	v10 =	vmul.f32 $9.237604140e+00, v10  }
0x66b: {  	v13 =	vld [tilespmem:s23+$0xB200]  }
0x66c: {  	s8 =	sadd.s32 $0x80, s8;
	v14 =	vld [tilespmem:s23+$0xB380];
	[tilespmem:s21+$0x12B80] =	vst v10;
	s21 =	smov.u32 s23  }
0x66d: {  	s7 =	sand.u32 $0x70, s9;
	s10 =	sand.u32 $0x1C00, s8;
	v15 =	vld [tilespmem:s21+$0x11200]  }
0x66e: {  	s23 =	sor.u32 s7, s10;
	v8 =	vadd.f32 v9, v8;
	v1 =	vadd.f32 v7, v1;
	v16 =	vld [tilespmem:s21+$0x11280]  }
.Ltmp56:
0x66f: {  	v7 =	vld [tilespmem:s23+$0x11180];
	v9 =	vadd.f32 v12, v6;
	(pc) =	sbr.rel @p1 .LBB2_115-.Ltmp56, $4  }
0x670: {  	v10 =	vadd.f32 v5, v8;
	v5 =	vld [tilespmem:s23+$0xB080];
	v1 =	vadd.f32 v13, v1  }
0x671: {  	v6 =	vld [tilespmem:s23+$0xB280];
	v12 =	vadd.f32 v14, v9  }
0x672: {  	v10 =	vadd.f32 v11, v10;
	v8 =	vld [tilespmem:s23+$0x9B80];
	v11 =	vadd.f32 v15, v1  }
0x673: {  	s9 =	sadd.s32 $0x10, s9;
	v9 =	vld [tilespmem:s23+$0x9C00];
	v12 =	vadd.f32 v16, v12  }
0x674: {  	v1 =	vld [tilespmem:s23+$0xB100];
	v10 =	vmax.f32 v10, v11  }
0x675: {  	v11 =	vld [tilespmem:s23+$0xB180];
	v10 =	vmax.f32 v10, v12  }
0x676: {  	v63 =	vld [tilespmem:s23+$0xB300];
	v10 =	vmul.f32 $9.237604140e+00, v10  }
0x677: {  	v13 =	vld [tilespmem:s23+$0xB200]  }
0x678: {  	v14 =	vld [tilespmem:s23+$0xB380];
	[tilespmem:s21+$0x12B80] =	vst v10  }
0x679: {  	v10 =	vld [tilespmem:s23+$0x11200]  }
0x67a: {  	v8 =	vadd.f32 v9, v8;
	v1 =	vadd.f32 v11, v1;
	v9 =	vld [tilespmem:s23+$0x11280]  }
0x67b: {  	v6 =	vadd.f32 v63, v6  }
0x67c: {  	v5 =	vadd.f32 v5, v8;
	v1 =	vadd.f32 v13, v1  }
0x67d: {  	v6 =	vadd.f32 v14, v6  }
0x67e: {  	v5 =	vadd.f32 v7, v5;
	v1 =	vadd.f32 v10, v1  }
0x67f: {  	v6 =	vadd.f32 v9, v6  }
0x680: {  	v1 =	vmax.f32 v5, v1  }
0x681: {  	v1 =	vmax.f32 v1, v6  }
0x682: {  	s21 =	simm.s32 $0x0;
	v1 =	vmul.f32 $9.237604140e+00, v1  }
0x683: {  	s7 =	sand.u32 $0x70, s21;
	s8 =	sand.u32 $0x1C00, s21  }
0x684: {  	s10 =	sor.u32 s7, s8;
	[tilespmem:s23+$0x12B80] =	vst v1  }
0x685: {  	v5 =	vld [tilespmem:s10+$0x11300]  }
0x686: {  	v6 =	vld [tilespmem:s10+$0xC900]  }
0x687: {  	v7 =	vld [tilespmem:s10+$0xCB00]  }
0x688: {  	v8 =	vld [tilespmem:s10+$0xC880]  }
0x689: {  	s9 =	simm.s32 $0x10;
	s8 =	simm.s32 $0x0;
	v9 =	vld [tilespmem:s10+$0xB400]  }
.LBB2_117:
0x68a: {  	p1 =	sne.s32 s9, $0x2F0;
	v1 =	vld [tilespmem:s10+$0xC980]  }
0x68b: {  	v10 =	vld [tilespmem:s10+$0xCA00]  }
0x68c: {  	v11 =	vld [tilespmem:s10+$0xCB80]  }
0x68d: {  	v12 =	vld [tilespmem:s10+$0xCA80]  }
0x68e: {  	v13 =	vld [tilespmem:s10+$0xCC00]  }
0x68f: {  	v14 =	vld [tilespmem:s10+$0x11380]  }
0x690: {  	v8 =	vadd.f32 v8, v9;
	v1 =	vadd.f32 v10, v1;
	v9 =	vld [tilespmem:s10+$0x11400]  }
0x691: {  	v7 =	vadd.f32 v11, v7  }
0x692: {  	v6 =	vadd.f32 v6, v8;
	v1 =	vadd.f32 v12, v1  }
0x693: {  	v7 =	vadd.f32 v13, v7  }
0x694: {  	v5 =	vadd.f32 v5, v6;
	v1 =	vadd.f32 v14, v1  }
0x695: {  	v6 =	vadd.f32 v9, v7  }
0x696: {  	v1 =	vmax.f32 v5, v1  }
0x697: {  	v1 =	vmax.f32 v1, v6  }
0x698: {  	s7 =	sor.u32 s8, s21;
	s8 =	sadd.s32 $0x80, s8;
	s21 =	smov.u32 s9;
	v1 =	vmul.f32 $9.237604140e+00, v1  }
0x699: {  	s11 =	sand.u32 $0x1C00, s8;
	s7 =	sor.u32 $0x380, s7;
	s10 =	sand.u32 $0x70, s9  }
0x69a: {  	s10 =	sor.u32 s10, s11;
	[tilespmem:s7+$0x12880] =	vst v1  }
.Ltmp57:
0x69b: {  	v5 =	vld [tilespmem:s10+$0x11300];
	(pc) =	sbr.rel @p1 .LBB2_117-.Ltmp57, $4  }
0x69c: {  	v6 =	vld [tilespmem:s10+$0xC900]  }
0x69d: {  	v7 =	vld [tilespmem:s10+$0xCB00]  }
0x69e: {  	v8 =	vld [tilespmem:s10+$0xC880]  }
0x69f: {  	s9 =	sadd.s32 $0x10, s9;
	v9 =	vld [tilespmem:s10+$0xB400]  }
0x6a0: {  	v1 =	vld [tilespmem:s10+$0xC980]  }
0x6a1: {  	v10 =	vld [tilespmem:s10+$0xCA00]  }
0x6a2: {  	v11 =	vld [tilespmem:s10+$0xCB80]  }
0x6a3: {  	v12 =	vld [tilespmem:s10+$0xCA80]  }
0x6a4: {  	v13 =	vld [tilespmem:s10+$0xCC00]  }
0x6a5: {  	v14 =	vld [tilespmem:s10+$0x11380]  }
0x6a6: {  	v63 =	vld [tilespmem:s10+$0x11400];
	v8 =	vadd.f32 v8, v9;
	v1 =	vadd.f32 v10, v1  }
0x6a7: {  	v7 =	vadd.f32 v11, v7  }
0x6a8: {  	v6 =	vadd.f32 v6, v8;
	v1 =	vadd.f32 v12, v1  }
0x6a9: {  	v7 =	vadd.f32 v13, v7  }
0x6aa: {  	v5 =	vadd.f32 v5, v6;
	v1 =	vadd.f32 v14, v1  }
0x6ab: {  	v6 =	vadd.f32 v63, v7  }
0x6ac: {  	s7 =	smul.u32 $0x1800, s20;
	v1 =	vmax.f32 v5, v1  }
0x6ad: {  	s8 =	sor.u32 s8, s21;
	v1 =	vmax.f32 v1, v6  }
0x6ae: {  	s25 =	rddreg [dreg:$0x3];
	s20 =	sadd.s32 $0x1, s20;
	s7 =	sadd.s32 s15, s7;
	v1 =	vmul.f32 $9.237604140e+00, v1  }
0x6af: {  	s8 =	sor.u32 $0x380, s8;
	p1 =	sne.s32 s20, $0x1E;
	s7 =	sshrl.u32 s7, $0x3  }
.Ltmp58:
0x6b0: {  	s7 =	sadd.s32 s25, s7;
	[tilespmem:s8+$0x12880] =	vst v1;
	(pc) =	sbr.rel @p1 .LBB2_102-.Ltmp58, $4  }
0x6b1: {  	[hbm4b:s7+s5] =	stream.linear.scatter [tilespmem:s4], [sflag:$0x3], $0x1800, $0x38;
	[tilespmem:$0x1D980] =	vst v63  }
0x6b2: {  	_ =	swait.ge [sflag:s18], $0x1800  }
0x6b3: {  	[sflag:s18] =	ssyncset.done $0x0  }
0x6b4: {  	[sflag:s18] =	ssyncadd.s32 $0xFFFFE800  }
0x6b5: {  	s8 =	rddreg [dreg:$0xf]  }
0x6b6: {  	s7 =	rddreg [dreg:$0xd];
	s8 =	sadd.s32 $0x1, s8  }
0x6b7: {  	p1 =	sne.s32 s8, s7  }
.Ltmp59:
0x6b8: {  	_ = 	snop;
	(pc) =	sbr.rel @p1 .LBB2_1-.Ltmp59, $1  }
0x6b9: {  	_ =	sdelay $0x3  }
0x6ba: {  	_ =	sfence.sel $0x180000  }
0x6bb: {  	[bflag:$0x0] =	sbarrier.arrive $0xFFFF  }
0x6bc: {  	_ =	strace $0x90000047  }
0x6bd: {  	s0 =	stileid.u32;
	[bflag:$0x2] =	sbarrier.arrive $0xFFFF  }
0x6be: {  	p0 =	sne.s32 s0, $0x0;
	s0 =	rddreg [dreg:$0x5]  }
0x6bf: {  	s0 =	sadd.s32 @!p0 $0x100000, s0  }
0x6c0: {  	[sflag:s0] =	ssyncadd.tile.s32 @!p0 $0x1;
	_ =	shalt  }
.Lfunc_end2:
_tile_overlayer_lowered:
.L_overlay_start_2:
0x6c1: {  	(tag) =	ssettag $0x2  }
0x6c2: {  	s0 =	rddreg [dreg:$0x0];
	s2 =	stileid.u32  }
0x6c3: {  	s1 =	rddreg [dreg:$0x1];
	p0 =	sne.s32 s2, $0x0  }
0x6c4: {  	s3 =	rddreg [dreg:$0x2];
	[bflag:$0x3] =	sbarrier.arrive $0xFFFF;
	s2 =	simm.s32 @!p0 $0x1C03  }
0x6c5: {  	[timem:s3], [sflag:s2] =	dma.local @!p0 [hbm:s0], s1  }
0x6c6: {  	s0 =	simm.s32 @!p0 $0x3  }
0x6c7: {  	_ =	swait.ge @!p0 [sflag:s0], s1  }
0x6c8: {  	s1 =	ssub.s32 @!p0 $0x0, s1;
	[sflag:s0] =	ssyncset.done @!p0 $0x0  }
0x6c9: {  	[sflag:s0] =	ssyncadd.s32 @!p0 s1  }
0x6ca: {  	[bflag:$0x3] =	sbarrier.arrive $0xFFFF  }
0x6cb: {  	_ =	shalt  }

</sc_bundles>
